<compile_context>
chip_gen: v7x
topology: tpu7x:2x2x1
jax: 0.10.2.dev20260603
libtpu: 0.0.44.dev20260713+nightly
codegen_flags: <defaults>
</compile_context>

<pallas_src>
import functools

import numpy as np
import jax
import jax.numpy as jnp
from jax import lax
from jax.experimental import pallas as pl
from jax.experimental.pallas import tpu as pltpu
from jax.experimental.pallas import tpu_sc as plsc

N = 50000
E = 800000
B = 500
F = 5
HID = 64
LAT = 64
MAXN = 150
CUT = 10.0
NI = 3
NG_D, NG_T, NG_P = 50, 6, 12

_NC = 2
_NS = 16
_NW = _NC * _NS

_RACC_E = 50048
_ZSL_E = _RACC_E // _NS
_RACC_B = 512
_ZSL_B = _RACC_B // _NS
_NPAD = 50176


def _sc_gather(table, idx, chunk):
    M = idx.shape[0]
    D = table.shape[1]
    m = M // _NW
    steps = m // chunk
    mesh = plsc.VectorSubcoreMesh(core_axis_name="c", subcore_axis_name="s")

    @functools.partial(
        pl.kernel,
        mesh=mesh,
        out_type=jax.ShapeDtypeStruct((M, D), jnp.float32),
        compiler_params=pltpu.CompilerParams(use_tc_tiling_on_sc=False),
        scratch_types=[
            pltpu.VMEM((2, chunk), jnp.int32),
            pltpu.VMEM((2, chunk, D), jnp.float32),
            pltpu.SemaphoreType.DMA((2,)),
            pltpu.SemaphoreType.DMA((2,)),
        ],
    )
    def k(table_h, idx_h, out_h, idx_v, rows_v, isem, gsem):
        wid = lax.axis_index("s") * _NC + lax.axis_index("c")
        base = wid * m

        def issue_idx(t):
            slot = lax.rem(t, 2)
            pltpu.make_async_copy(
                idx_h.at[pl.ds(base + t * chunk, chunk)], idx_v.at[slot], isem.at[slot]
            ).start()

        def start_gather(t):
            slot = lax.rem(t, 2)
            pltpu.make_async_copy(
                idx_h.at[pl.ds(base + t * chunk, chunk)], idx_v.at[slot], isem.at[slot]
            ).wait()
            pltpu.make_async_copy(
                table_h.at[idx_v.at[slot]], rows_v.at[slot], gsem.at[slot]
            ).start()

        issue_idx(0)
        start_gather(0)

        @pl.when(steps > 1)
        def _():
            issue_idx(1)

        def body(t, carry):
            slot = lax.rem(t, 2)
            pltpu.make_async_copy(
                table_h.at[idx_v.at[slot]], rows_v.at[slot], gsem.at[slot]
            ).wait()

            @pl.when(t + 1 < steps)
            def _():
                start_gather(t + 1)

            @pl.when(t + 2 < steps)
            def _():
                issue_idx(t + 2)

            pltpu.sync_copy(rows_v.at[slot], out_h.at[pl.ds(base + t * chunk, chunk)])
            return carry

        lax.fori_loop(0, steps, body, 0)

    return k(table, idx)


_GEO_CHUNK = 1000
_GEO_PAD = 1008


def _sc_geo(pos16, ei):
    chunk = _GEO_CHUNK
    m = E // _NW
    steps = m // chunk
    ngr = _GEO_PAD // 16
    mesh = plsc.VectorSubcoreMesh(core_axis_name="c", subcore_axis_name="s")

    @functools.partial(
        pl.kernel,
        mesh=mesh,
        out_type=jax.ShapeDtypeStruct((E // chunk, 8, _GEO_PAD), jnp.float32),
        compiler_params=pltpu.CompilerParams(
            use_tc_tiling_on_sc=False, needs_layout_passes=False
        ),
        scratch_types=[
            pltpu.VMEM((4, chunk), jnp.int32),
            pltpu.VMEM((4, chunk, 16), jnp.float32),
            pltpu.VMEM((8, _GEO_PAD), jnp.float32),
            pltpu.SemaphoreType.DMA((4,)),
        ],
    )
    def k(pos_h, ei_h, out_h, idx_v, pts_v, out_v, sems):
        wid = lax.axis_index("s") * _NC + lax.axis_index("c")

        def body(t, carry):
            off = wid * m + t * chunk
            for q in range(4):
                pltpu.sync_copy(ei_h.at[q, pl.ds(off, chunk)], idx_v.at[q])
            for q in range(4):
                pltpu.make_async_copy(
                    pos_h.at[idx_v.at[q]], pts_v.at[q], sems.at[q]
                ).start()
            for q in range(4):
                pltpu.make_async_copy(
                    pos_h.at[idx_v.at[q]], pts_v.at[q], sems.at[q]
                ).wait()

            def group(g, carry2):
                e0 = g * 16
                lane = lax.iota(jnp.int32, 16)
                ids = jnp.minimum(e0 + lane, chunk - 1)
                coords = []
                for q in range(4):
                    qv = jnp.full((16,), q, jnp.int32)
                    coords.append([
                        plsc.load_gather(
                            pts_v, [qv, ids, jnp.full((16,), cc, jnp.int32)]
                        )
                        for cc in range(3)
                    ])
                b1 = [coords[1][d] - coords[0][d] for d in range(3)]
                b2 = [coords[2][d] - coords[1][d] for d in range(3)]
                b3 = [coords[3][d] - coords[2][d] for d in range(3)]

                def dot(a, b):
                    return a[0] * b[0] + a[1] * b[1] + a[2] * b[2]

                d3 = (b1[0] * (b2[1] * b3[2] - b2[2] * b3[1])
                      + b1[1] * (b2[2] * b3[0] - b2[0] * b3[2])
                      + b1[2] * (b2[0] * b3[1] - b2[1] * b3[0]))
                vals = [dot(b1, b1), dot(b1, b2), dot(b2, b2),
                        dot(b2, b3), dot(b1, b3), d3]
                for r, v in enumerate(vals):
                    out_v[r, pl.ds(e0, 16)] = v
                return carry2

            lax.fori_loop(0, ngr, group, 0)
            pltpu.sync_copy(out_v, out_h.at[wid * steps + t])
            return carry

        lax.fori_loop(0, steps, body, 0)

    return k(pos16, ei)


def _sc_scatter(rows, idx, zeros, racc, chunk):
    M = rows.shape[0]
    m = M // _NS
    steps = m // chunk
    zsl = racc // _NS
    mesh = plsc.VectorSubcoreMesh(core_axis_name="c", subcore_axis_name="s")

    @functools.partial(
        pl.kernel,
        mesh=mesh,
        out_type=jax.ShapeDtypeStruct((_NC, racc, 32), jnp.float32),
        compiler_params=pltpu.CompilerParams(use_tc_tiling_on_sc=False),
        scratch_types=[
            pltpu.VMEM((2, chunk), jnp.int32),
            pltpu.VMEM((2, chunk, 32), jnp.float32),
            pltpu.VMEM_SHARED((racc, 32), jnp.float32),
            pltpu.SemaphoreType.DMA((2,)),
            pltpu.SemaphoreType.DMA((2,)),
        ],
    )
    def k(rows_h, idx_h, z_h, out_h, idx_v, rows_v, acc_s, rsem, isem):
        c = lax.axis_index("c")
        s = lax.axis_index("s")
        pltpu.sync_copy(z_h, acc_s.at[pl.ds(s * zsl, zsl)])
        plsc.subcore_barrier()

        def issue(t):
            slot = lax.rem(t, 2)
            off = s * m + t * chunk
            pltpu.make_async_copy(
                rows_h.at[pl.ds(off, chunk), pl.ds(c * 32, 32)],
                rows_v.at[slot], rsem.at[slot]
            ).start()
            pltpu.make_async_copy(
                idx_h.at[pl.ds(off, chunk)], idx_v.at[slot], isem.at[slot]
            ).start()

        issue(0)

        def body(t, carry):
            slot = lax.rem(t, 2)

            @pl.when(t + 1 < steps)
            def _():
                issue(t + 1)

            off = s * m + t * chunk
            pltpu.make_async_copy(
                rows_h.at[pl.ds(off, chunk), pl.ds(c * 32, 32)],
                rows_v.at[slot], rsem.at[slot]
            ).wait()
            pltpu.make_async_copy(
                idx_h.at[pl.ds(off, chunk)], idx_v.at[slot], isem.at[slot]
            ).wait()
            pltpu.sync_copy(rows_v.at[slot], acc_s.at[idx_v.at[slot]], add=True)
            return carry

        lax.fori_loop(0, steps, body, 0)
        plsc.subcore_barrier()
        pltpu.sync_copy(acc_s.at[pl.ds(s * zsl, zsl)], out_h.at[c, pl.ds(s * zsl, zsl)])

    return k(rows, idx, zeros)


def _emb(x, W, b2):
    bm = 5000

    def body(x_ref, w_ref, b_ref, o_ref):
        o_ref[...] = (
            jnp.dot(x_ref[...], w_ref[...], preferred_element_type=jnp.float32)
            + b_ref[...]
        )

    return pl.pallas_call(
        body,
        grid=(N // bm,),
        in_specs=[
            pl.BlockSpec((bm, F), lambda i: (i, 0)),
            pl.BlockSpec((F, HID), lambda i: (0, 0)),
            pl.BlockSpec((1, HID), lambda i: (0, 0)),
        ],
        out_specs=pl.BlockSpec((bm, HID), lambda i: (i, 0)),
        out_shape=jax.ShapeDtypeStruct((N, HID), jnp.float32),
    )(x, W, b2)


def _geom_filt(geo, Wt50s, Wt6s, Wt12s, bfs, offd_c, offt_c, offp_c):
    bE = _GEO_CHUNK
    nb = E // bE

    def body(g_ref, w50_ref, w6_ref, w12_ref, b_ref,
             od_ref, ot_ref, op_ref, o0_ref, o1_ref, o2_ref):
        eps = 1e-8
        g = g_ref[0]
        s11 = g[0:1, :bE]
        s12 = g[1:2, :bE]
        s22 = g[2:3, :bE]
        s23 = g[3:4, :bE]
        s13 = g[4:5, :bE]
        d3 = g[5:6, :bE]
        dist = jnp.sqrt(s11 + eps)
        nu = jnp.sqrt(s11)
        nv = jnp.sqrt(s22)
        cos_t = -s12 / (nu * nv + eps)
        cos_t = jnp.clip(cos_t, -1.0 + 1e-7, 1.0 - 1e-7)
        theta = jnp.arctan2(jnp.sqrt(1.0 - cos_t * cos_t), cos_t)
        tx = (s12 * s23 - s13 * s22) + eps
        ty = -(d3 * s22) / (nv + eps)
        phi = jnp.arctan2(ty, tx)
        C = 0.5 * (jnp.cos(dist * (np.pi / CUT)) + 1.0) * (dist < CUT).astype(jnp.float32)
        rbf = jnp.exp(_CD * (dist - od_ref[...]) ** 2)
        tbf = jnp.exp(_CT * (theta - ot_ref[...]) ** 2)
        pbf = jnp.exp(_CP * (phi - op_ref[...]) ** 2)
        outs = (o0_ref, o1_ref, o2_ref)
        for t in range(NI):
            acc = (
                jnp.dot(w50_ref[t], rbf, preferred_element_type=jnp.float32)
                + jnp.dot(w6_ref[t], tbf, preferred_element_type=jnp.float32)
                + jnp.dot(w12_ref[t], pbf, preferred_element_type=jnp.float32)
                + b_ref[t]
            )
            outs[t][...] = jnp.transpose(jnp.maximum(acc, 0.0) * C)

    out = pl.pallas_call(
        body,
        grid=(nb,),
        in_specs=[
            pl.BlockSpec((1, 8, _GEO_PAD), lambda i: (i, 0, 0)),
            pl.BlockSpec((NI, HID, NG_D), lambda i: (0, 0, 0)),
            pl.BlockSpec((NI, HID, NG_T), lambda i: (0, 0, 0)),
            pl.BlockSpec((NI, HID, NG_P), lambda i: (0, 0, 0)),
            pl.BlockSpec((NI, HID, 1), lambda i: (0, 0, 0)),
            pl.BlockSpec((NG_D, 1), lambda i: (0, 0)),
            pl.BlockSpec((NG_T, 1), lambda i: (0, 0)),
            pl.BlockSpec((NG_P, 1), lambda i: (0, 0)),
        ],
        out_specs=[pl.BlockSpec((bE, HID), lambda i: (i, 0)) for _ in range(NI)],
        out_shape=[jax.ShapeDtypeStruct((E, HID), jnp.float32) for _ in range(NI)],
    )(geo, Wt50s, Wt6s, Wt12s, bfs, offd_c, offt_c, offp_c)
    return out


def _mul(hg, filt):
    bE = 8000
    nb = E // bE

    def body(a_ref, b_ref, o_ref):
        o_ref[...] = a_ref[...] * b_ref[...]

    return pl.pallas_call(
        body,
        grid=(nb,),
        in_specs=[
            pl.BlockSpec((bE, HID), lambda i: (i, 0)),
            pl.BlockSpec((bE, HID), lambda i: (i, 0)),
        ],
        out_specs=pl.BlockSpec((bE, HID), lambda i: (i, 0)),
        out_shape=jax.ShapeDtypeStruct((E, HID), jnp.float32),
    )(hg, filt)


_CD = float(-0.5 / (CUT / (NG_D - 1)) ** 2)
_CT = float(-0.5 / (np.pi / (NG_T - 1)) ** 2)
_CP = float(-0.5 / (2.0 * np.pi / (NG_P - 1)) ** 2)


def _upd(h, acc2, Wu, bu):
    bm = 5000
    nb = N // bm

    def body(h_ref, a0_ref, a1_ref, w_ref, b_ref, o_ref):
        a = jnp.concatenate([a0_ref[0], a1_ref[0]], axis=1)
        o_ref[...] = h_ref[...] + jnp.maximum(
            jnp.dot(a, w_ref[...], preferred_element_type=jnp.float32) + b_ref[...],
            0.0,
        )

    return pl.pallas_call(
        body,
        grid=(nb,),
        in_specs=[
            pl.BlockSpec((bm, HID), lambda i: (i, 0)),
            pl.BlockSpec((1, bm, 32), lambda i: (0, i, 0)),
            pl.BlockSpec((1, bm, 32), lambda i: (1, i, 0)),
            pl.BlockSpec((HID, HID), lambda i: (0, 0)),
            pl.BlockSpec((1, HID), lambda i: (0, 0)),
        ],
        out_specs=pl.BlockSpec((bm, HID), lambda i: (i, 0)),
        out_shape=jax.ShapeDtypeStruct((N, HID), jnp.float32),
    )(h, acc2, acc2, Wu, bu)


def _dec(pool2, Wl, bl, W1, b1, W2, b2, W3, b3, Wn1, bn1, Wn2, bn2):
    def body(p_ref, wl_ref, bl_ref, w1_ref, b1_ref, w2_ref, b2_ref, w3_ref, b3_ref,
             wn1_ref, bn1_ref, wn2_ref, bn2_ref, z_ref, nf_ref, pn_ref):
        pooled = jnp.concatenate([p_ref[0, :B], p_ref[1, :B]], axis=1)
        z = jnp.dot(pooled, wl_ref[...], preferred_element_type=jnp.float32) + bl_ref[...]
        d1 = jnp.maximum(jnp.dot(z, w1_ref[...], preferred_element_type=jnp.float32) + b1_ref[...], 0.0)
        d2 = jnp.maximum(jnp.dot(d1, w2_ref[...], preferred_element_type=jnp.float32) + b2_ref[...], 0.0)
        nf = jnp.dot(d2, w3_ref[...], preferred_element_type=jnp.float32) + b3_ref[...]
        n1 = jnp.maximum(jnp.dot(z, wn1_ref[...], preferred_element_type=jnp.float32) + bn1_ref[...], 0.0)
        pn = jnp.maximum(jnp.dot(n1, wn2_ref[...], preferred_element_type=jnp.float32) + bn2_ref[...], 0.0)
        z_ref[...] = z
        nf_ref[...] = nf
        pn_ref[...] = pn

    return pl.pallas_call(
        body,
        out_shape=(
            jax.ShapeDtypeStruct((B, LAT), jnp.float32),
            jax.ShapeDtypeStruct((B, MAXN * F), jnp.float32),
            jax.ShapeDtypeStruct((B, 1), jnp.float32),
        ),
    )(pool2, Wl, bl, W1, b1, W2, b2, W3, b3, Wn1, bn1, Wn2, bn2)


def kernel(x, pos, batch, edge_index_3rd, W_emb, b_emb, W_filt, b_filt, W_upd, b_upd,
           W_lin1, b_lin1, Wd1, bd1, Wd2, bd2, Wd3, bd3, Wn1, bn1, Wn2, bn2):
    f32 = jnp.float32
    ei = edge_index_3rd.astype(jnp.int32)
    dst = ei[0]
    src = ei[1]

    pos16 = jnp.pad(pos, ((0, 0), (0, 13)))
    geo = _sc_geo(pos16, ei)

    offd_c = jnp.asarray(np.linspace(0.0, CUT, NG_D), f32).reshape(NG_D, 1)
    offt_c = jnp.asarray(np.linspace(0.0, np.pi, NG_T), f32).reshape(NG_T, 1)
    offp_c = jnp.asarray(np.linspace(-np.pi, np.pi, NG_P), f32).reshape(NG_P, 1)
    Wt50s = jnp.transpose(W_filt[:, :NG_D, :], (0, 2, 1))
    Wt6s = jnp.transpose(W_filt[:, NG_D:NG_D + NG_T, :], (0, 2, 1))
    Wt12s = jnp.transpose(W_filt[:, NG_D + NG_T:, :], (0, 2, 1))
    bfs = b_filt.reshape(NI, HID, 1)
    filts = _geom_filt(geo, Wt50s, Wt6s, Wt12s, bfs, offd_c, offt_c, offp_c)

    h = _emb(x, W_emb, b_emb.reshape(1, HID))

    zeros_e = jnp.zeros((_ZSL_E, 32), f32)

    for t in range(NI):
        hg = _sc_gather(h, src, chunk=200)
        msg = _mul(hg, filts[t])
        acc2 = _sc_scatter(msg, dst, zeros_e, racc=_RACC_E, chunk=400)
        h = _upd(h, acc2, W_upd[t], b_upd[t].reshape(1, HID))

    bat = batch.astype(jnp.int32)
    pad = _NPAD - N
    idx_b = jnp.pad(bat, (0, pad))
    hp = jnp.pad(h, ((0, pad), (0, 0)))
    pool2 = _sc_scatter(hp, idx_b, jnp.zeros((_ZSL_B, 32), f32),
                        racc=_RACC_B, chunk=392)

    z, nf, pn = _dec(pool2, W_lin1, b_lin1.reshape(1, LAT),
                     Wd1, bd1.reshape(1, HID * 2), Wd2, bd2.reshape(1, HID * 4),
                     Wd3, bd3.reshape(1, MAXN * F), Wn1, bn1.reshape(1, HID),
                     Wn2, bn2.reshape(1, 1))
    return nf.reshape(B, MAXN, F), z, pn

# --- scband reference (transcript-rebuilt; emitter-appended) ---
"""Pipeline reference for scband-graph-autoencoder-33509334843751 (READ-ONLY COPY).

The authoritative reference and input builder live on the scoring server;
editing this copy changes nothing except your own understanding.
"""

import jax, jax.numpy as jnp
import numpy as np

N = 50000
E = 800000
B = 500
F = 5
HID = 64
LAT = 64
MAXN = 150
CUT = 10.0
NI = 3
NG_D, NG_T, NG_P = 50, 6, 12
EDGE_FEAT = NG_D + NG_T + NG_P


def gaussian_smearing(d, start, stop, num):
    offsets = jnp.linspace(start, stop, num)
    coeff = -0.5 / (offsets[1] - offsets[0]) ** 2
    return jnp.exp(coeff * (d[:, None] - offsets[None, :]) ** 2)


def setup_inputs(seed: int = 0):
    key = jax.random.key(seed)
    ks = jax.random.split(key, 16)

    def lin(k, fi, fo):
        return (jax.random.normal(k, (fi, fo), jnp.float32) / np.sqrt(fi)).astype(jnp.float32)

    inp = {}
    inp['x'] = jax.random.normal(ks[0], (N, F), jnp.float32)
    inp['pos'] = jax.random.normal(ks[1], (N, 3), jnp.float32)
    inp['batch'] = jnp.sort(jax.random.randint(ks[2], (N,), 0, B))
    inp['edge_index_3rd'] = jax.random.randint(ks[3], (4, E), 0, N)
    inp['W_emb'] = lin(ks[4], F, HID)
    inp['b_emb'] = jnp.zeros((HID,), jnp.float32)
    inp['W_filt'] = (jax.random.normal(ks[5], (NI, EDGE_FEAT, HID), jnp.float32) / np.sqrt(EDGE_FEAT)).astype(jnp.float32)
    inp['b_filt'] = jnp.zeros((NI, HID), jnp.float32)
    inp['W_upd'] = (jax.random.normal(ks[6], (NI, HID, HID), jnp.float32) / np.sqrt(HID)).astype(jnp.float32)
    inp['b_upd'] = jnp.zeros((NI, HID), jnp.float32)
    inp['W_lin1'] = lin(ks[7], HID, LAT)
    inp['b_lin1'] = jnp.zeros((LAT,), jnp.float32)
    inp['Wd1'] = lin(ks[8], LAT, HID * 2)
    inp['bd1'] = jnp.zeros((HID * 2,), jnp.float32)
    inp['Wd2'] = lin(ks[9], HID * 2, HID * 4)
    inp['bd2'] = jnp.zeros((HID * 4,), jnp.float32)
    inp['Wd3'] = lin(ks[10], HID * 4, MAXN * F)
    inp['bd3'] = jnp.zeros((MAXN * F,), jnp.float32)
    inp['Wn1'] = lin(ks[11], LAT, HID)
    inp['bn1'] = jnp.zeros((HID,), jnp.float32)
    inp['Wn2'] = lin(ks[12], HID, 1)
    inp['bn2'] = jnp.zeros((1,), jnp.float32)
    return inp


def _forward(x, pos, batch, edge_index_3rd, W_emb, b_emb, W_filt, b_filt, W_upd, b_upd,
             W_lin1, b_lin1, Wd1, bd1, Wd2, bd2, Wd3, bd3, Wn1, bn1, Wn2, bn2):
    eps = 1e-8
    i = edge_index_3rd[0]
    j = edge_index_3rd[1]
    k = edge_index_3rd[2]
    l = edge_index_3rd[3]
    pi_ = pos[i]
    pj = pos[j]
    pk = pos[k]
    pl = pos[l]
    # distance (1st order geometry)
    dvec = pj - pi_
    dist = jnp.sqrt(jnp.sum(dvec ** 2, axis=-1) + eps)
    # angle (2nd order geometry)
    u = pi_ - pj
    v = pk - pj
    cos_t = jnp.sum(u * v, axis=-1) / (jnp.linalg.norm(u, axis=-1) * jnp.linalg.norm(v, axis=-1) + eps)
    theta = jnp.arccos(jnp.clip(cos_t, -1.0 + 1e-7, 1.0 - 1e-7))
    # torsion (3rd order geometry)
    b1 = pj - pi_
    b2 = pk - pj
    b3 = pl - pk
    n1 = jnp.cross(b1, b2)
    n2 = jnp.cross(b2, b3)
    b2n = b2 / (jnp.linalg.norm(b2, axis=-1, keepdims=True) + eps)
    m1 = jnp.cross(n1, b2n)
    phi = jnp.arctan2(jnp.sum(m1 * n2, axis=-1), jnp.sum(n1 * n2, axis=-1) + eps)
    # gaussian expansions per num_gaussians=(50, 6, 12)
    rbf = gaussian_smearing(dist, 0.0, CUT, NG_D)
    tbf = gaussian_smearing(theta, 0.0, float(np.pi), NG_T)
    pbf = gaussian_smearing(phi, -float(np.pi), float(np.pi), NG_P)
    ef = jnp.concatenate([rbf, tbf, pbf], axis=-1)
    # cosine cutoff envelope
    C = 0.5 * (jnp.cos(dist * np.pi / CUT) + 1.0) * (dist < CUT).astype(jnp.float32)
    # node embedding
    h = x @ W_emb + b_emb
    # interaction blocks: gather -> edge filter -> scatter-add
    for t in range(NI):
        filt = jax.nn.relu(ef @ W_filt[t] + b_filt[t]) * C[:, None]
        msg = h[j] * filt
        agg = jax.ops.segment_sum(msg, i, num_segments=N)
        h = h + jax.nn.relu(agg @ W_upd[t] + b_upd[t])
    # readout='add' over graphs, then lin1 (lin2 = Identity)
    pooled = jax.ops.segment_sum(h, batch, num_segments=B)
    z = pooled @ W_lin1 + b_lin1
    # decoder
    d1 = jax.nn.relu(z @ Wd1 + bd1)
    d2 = jax.nn.relu(d1 @ Wd2 + bd2)
    node_features = (d2 @ Wd3 + bd3).reshape(B, MAXN, F)
    # node count predictor
    pred_node_count = jax.nn.relu(jax.nn.relu(z @ Wn1 + bn1) @ Wn2 + bn2)
    return node_features, z, pred_node_count


def reference(x, pos, batch, edge_index_3rd, W_emb, b_emb, W_filt, b_filt, W_upd, b_upd,
              W_lin1, b_lin1, Wd1, bd1, Wd2, bd2, Wd3, bd3, Wn1, bn1, Wn2, bn2):
    return _forward(x, pos, batch, edge_index_3rd, W_emb, b_emb, W_filt, b_filt, W_upd, b_upd,
                    W_lin1, b_lin1, Wd1, bd1, Wd2, bd2, Wd3, bd3, Wn1, bn1, Wn2, bn2)

if __name__ == "__main__":
    import jax
    _d = setup_inputs()
    print(jax.jit(kernel)(*tuple(_d.values())))

</pallas_src>

<mosaic_0001>
#map = affine_map<(d0, d1) -> (0, 0)>
#map1 = affine_map<(d0, d1) -> (0)>
module attributes {stable_mosaic.version = 14 : i64} {
  func.func @k(%arg0: i32, %arg1: i32, %arg2: memref<50000x64xf32, #tpu.memory_space<hbm>>, %arg3: memref<800000xi32, #tpu.memory_space<hbm>>, %arg4: memref<800000x64xf32, #tpu.memory_space<hbm>>, %arg5: memref<2x200xi32, #tpu.memory_space<vmem>>, %arg6: memref<2x200x64xf32, #tpu.memory_space<vmem>>, %arg7: memref<2x!tpu.dma_semaphore, #tpu.memory_space<semaphore_mem>>, %arg8: memref<2x!tpu.dma_semaphore, #tpu.memory_space<semaphore_mem>>) attributes {dimension_semantics = [#tpu.dimension_semantics<core_parallel>, #tpu.dimension_semantics<subcore_parallel>], iteration_bounds = array<i64: 2, 16>, scalar_prefetch = 0 : i64, scratch_operands = 4 : i64, tpu.core_type = #tpu.core_type<sc_vector_subcore>, window_params = [{transform_indices = #map}, {transform_indices = #map1}, {transform_indices = #map}]} {
    %mul3A = arith.constant 2 : i32
    %mul3A_0 = arith.muli %arg1, %mul3A : i32
    %add3A = arith.addi %mul3A_0, %arg0 : i32
    %mul3A_1 = arith.constant 25000 : i32
    %mul3A_2 = arith.muli %add3A, %mul3A_1 : i32
    %rem3A = arith.constant 0 : i32
    %rem3A_3 = arith.constant 2 : i32
    %rem3A_4 = arith.remsi %rem3A, %rem3A_3 : i32
    %add3A_5 = arith.constant 0 : i32
    %add3A_6 = arith.addi %mul3A_2, %add3A_5 : i32
    %dma_start3A = arith.constant 0 : i32
    %dma_start3A_7 = tpu.memref_slice %arg5[%rem3A_4, %dma_start3A] : memref<2x200xi32, #tpu.memory_space<vmem>> -> memref<1x200xi32, #tpu.memory_space<vmem>>
    %dma_start3A_8 = tpu.memref_squeeze %dma_start3A_7 : memref<1x200xi32, #tpu.memory_space<vmem>> -> memref<200xi32, #tpu.memory_space<vmem>>
    %dma_start3A_9 = tpu.memref_slice %arg3[%add3A_6] : memref<800000xi32, #tpu.memory_space<hbm>> -> memref<200xi32, #tpu.memory_space<hbm>>
    %dma_start3A_10 = tpu.memref_slice %arg7[%rem3A_4] : memref<2x!tpu.dma_semaphore, #tpu.memory_space<semaphore_mem>> -> memref<1x!tpu.dma_semaphore, #tpu.memory_space<semaphore_mem>>
    %dma_start3A_11 = tpu.memref_squeeze %dma_start3A_10 : memref<1x!tpu.dma_semaphore, #tpu.memory_space<semaphore_mem>> -> memref<!tpu.dma_semaphore, #tpu.memory_space<semaphore_mem>>
    %dma_start3A_12 = arith.constant 0 : i32
    %dma_start3A_13 = tpu.memref_slice %arg5[%rem3A_4, %dma_start3A_12] : memref<2x200xi32, #tpu.memory_space<vmem>> -> memref<1x200xi32, #tpu.memory_space<vmem>>
    %dma_start3A_14 = tpu.memref_squeeze %dma_start3A_13 : memref<1x200xi32, #tpu.memory_space<vmem>> -> memref<200xi32, #tpu.memory_space<vmem>>
    %dma_start3A_15 = tpu.memref_slice %arg3[%add3A_6] : memref<800000xi32, #tpu.memory_space<hbm>> -> memref<200xi32, #tpu.memory_space<hbm>>
    tpu.enqueue_dma source(%dma_start3A_15 : memref<200xi32, #tpu.memory_space<hbm>>) target(%dma_start3A_14 : memref<200xi32, #tpu.memory_space<vmem>>) target_semaphore(%dma_start3A_11 : memref<!tpu.dma_semaphore, #tpu.memory_space<semaphore_mem>>)
    %rem3A_16 = arith.constant 0 : i32
    %rem3A_17 = arith.constant 2 : i32
    %rem3A_18 = arith.remsi %rem3A_16, %rem3A_17 : i32
    %add3A_19 = arith.constant 0 : i32
    %add3A_20 = arith.addi %mul3A_2, %add3A_19 : i32
    %dma_wait3A = arith.constant 0 : i32
    %dma_wait3A_21 = tpu.memref_slice %arg5[%rem3A_18, %dma_wait3A] : memref<2x200xi32, #tpu.memory_space<vmem>> -> memref<1x200xi32, #tpu.memory_space<vmem>>
    %dma_wait3A_22 = tpu.memref_squeeze %dma_wait3A_21 : memref<1x200xi32, #tpu.memory_space<vmem>> -> memref<200xi32, #tpu.memory_space<vmem>>
    %dma_wait3A_23 = tpu.memref_slice %arg3[%add3A_20] : memref<800000xi32, #tpu.memory_space<hbm>> -> memref<200xi32, #tpu.memory_space<hbm>>
    %dma_wait3A_24 = tpu.memref_slice %arg7[%rem3A_18] : memref<2x!tpu.dma_semaphore, #tpu.memory_space<semaphore_mem>> -> memref<1x!tpu.dma_semaphore, #tpu.memory_space<semaphore_mem>>
    %dma_wait3A_25 = tpu.memref_squeeze %dma_wait3A_24 : memref<1x!tpu.dma_semaphore, #tpu.memory_space<semaphore_mem>> -> memref<!tpu.dma_semaphore, #tpu.memory_space<semaphore_mem>>
    %dma_wait3A_26 = arith.constant 0 : i32
    %dma_wait3A_27 = tpu.memref_slice %arg5[%rem3A_18, %dma_wait3A_26] : memref<2x200xi32, #tpu.memory_space<vmem>> -> memref<1x200xi32, #tpu.memory_space<vmem>>
    %dma_wait3A_28 = tpu.memref_squeeze %dma_wait3A_27 : memref<1x200xi32, #tpu.memory_space<vmem>> -> memref<200xi32, #tpu.memory_space<vmem>>
    %dma_wait3A_29 = tpu.memref_slice %arg3[%add3A_20] : memref<800000xi32, #tpu.memory_space<hbm>> -> memref<200xi32, #tpu.memory_space<hbm>>
    tpu.wait_dma2 semaphore(%dma_wait3A_25 : memref<!tpu.dma_semaphore, #tpu.memory_space<semaphore_mem>>) src(%dma_wait3A_29 : memref<200xi32, #tpu.memory_space<hbm>>) dst(%dma_wait3A_28 : memref<200xi32, #tpu.memory_space<vmem>>)
    %dma_start3A_30 = arith.constant 0 : i32
    %dma_start3A_31 = arith.constant 0 : i32
    %dma_start3A_32 = tpu.memref_slice %arg6[%rem3A_18, %dma_start3A_30, %dma_start3A_31] : memref<2x200x64xf32, #tpu.memory_space<vmem>> -> memref<1x200x64xf32, #tpu.memory_space<vmem>>
    %dma_start3A_33 = tpu.memref_squeeze %dma_start3A_32 : memref<1x200x64xf32, #tpu.memory_space<vmem>> -> memref<200x64xf32, #tpu.memory_space<vmem>>
    %dma_start3A_34 = arith.constant 0 : i32
    %dma_start3A_35 = tpu.memref_slice %arg5[%rem3A_18, %dma_start3A_34] : memref<2x200xi32, #tpu.memory_space<vmem>> -> memref<1x200xi32, #tpu.memory_space<vmem>>
    %dma_start3A_36 = tpu.memref_squeeze %dma_start3A_35 : memref<1x200xi32, #tpu.memory_space<vmem>> -> memref<200xi32, #tpu.memory_space<vmem>>
    %dma_start3A_37 = arith.constant 0 : i32
    %dma_start3A_38 = arith.constant 0 : i32
    %dma_start3A_39 = tpu.memref_slice %arg2[%dma_start3A_37, %dma_start3A_38] : memref<50000x64xf32, #tpu.memory_space<hbm>> -> memref<50000x64xf32, #tpu.memory_space<hbm>>
    %dma_start3A_40 = tpu.memref_slice %arg8[%rem3A_18] : memref<2x!tpu.dma_semaphore, #tpu.memory_space<semaphore_mem>> -> memref<1x!tpu.dma_semaphore, #tpu.memory_space<semaphore_mem>>
    %dma_start3A_41 = tpu.memref_squeeze %dma_start3A_40 : memref<1x!tpu.dma_semaphore, #tpu.memory_space<semaphore_mem>> -> memref<!tpu.dma_semaphore, #tpu.memory_space<semaphore_mem>>
    tpu.enqueue_indirect_dma source(%dma_start3A_39 : memref<50000x64xf32, #tpu.memory_space<hbm>>) target(%dma_start3A_33 : memref<200x64xf32, #tpu.memory_space<vmem>>) offsets(%dma_start3A_36 : memref<200xi32, #tpu.memory_space<vmem>>) semaphore(%dma_start3A_41 : memref<!tpu.dma_semaphore, #tpu.memory_space<semaphore_mem>>)
    %rem3A_42 = arith.constant 1 : i32
    %rem3A_43 = arith.constant 2 : i32
    %rem3A_44 = arith.remsi %rem3A_42, %rem3A_43 : i32
    %add3A_45 = arith.constant 200 : i32
    %add3A_46 = arith.addi %mul3A_2, %add3A_45 : i32
    %dma_start3A_47 = arith.constant 0 : i32
    %dma_start3A_48 = tpu.memref_slice %arg5[%rem3A_44, %dma_start3A_47] : memref<2x200xi32, #tpu.memory_space<vmem>> -> memref<1x200xi32, #tpu.memory_space<vmem>>
    %dma_start3A_49 = tpu.memref_squeeze %dma_start3A_48 : memref<1x200xi32, #tpu.memory_space<vmem>> -> memref<200xi32, #tpu.memory_space<vmem>>
    %dma_start3A_50 = tpu.memref_slice %arg3[%add3A_46] : memref<800000xi32, #tpu.memory_space<hbm>> -> memref<200xi32, #tpu.memory_space<hbm>>
    %dma_start3A_51 = tpu.memref_slice %arg7[%rem3A_44] : memref<2x!tpu.dma_semaphore, #tpu.memory_space<semaphore_mem>> -> memref<1x!tpu.dma_semaphore, #tpu.memory_space<semaphore_mem>>
    %dma_start3A_52 = tpu.memref_squeeze %dma_start3A_51 : memref<1x!tpu.dma_semaphore, #tpu.memory_space<semaphore_mem>> -> memref<!tpu.dma_semaphore, #tpu.memory_space<semaphore_mem>>
    %dma_start3A_53 = arith.constant 0 : i32
    %dma_start3A_54 = tpu.memref_slice %arg5[%rem3A_44, %dma_start3A_53] : memref<2x200xi32, #tpu.memory_space<vmem>> -> memref<1x200xi32, #tpu.memory_space<vmem>>
    %dma_start3A_55 = tpu.memref_squeeze %dma_start3A_54 : memref<1x200xi32, #tpu.memory_space<vmem>> -> memref<200xi32, #tpu.memory_space<vmem>>
    %dma_start3A_56 = tpu.memref_slice %arg3[%add3A_46] : memref<800000xi32, #tpu.memory_space<hbm>> -> memref<200xi32, #tpu.memory_space<hbm>>
    tpu.enqueue_dma source(%dma_start3A_56 : memref<200xi32, #tpu.memory_space<hbm>>) target(%dma_start3A_55 : memref<200xi32, #tpu.memory_space<vmem>>) target_semaphore(%dma_start3A_52 : memref<!tpu.dma_semaphore, #tpu.memory_space<semaphore_mem>>)
    %scan3A = arith.constant 0 : i32
    %scan3A_57 = arith.constant 0 : i32
    %scan3A_58 = arith.constant 125 : i32
    %scan3A_59 = arith.addi %scan3A_57, %scan3A_58 : i32
    %scan3A_60 = arith.constant 1 : i32
    scf.for %scan3A_62 = %scan3A_57 to %scan3A_59 step %scan3A_60  : i32 {
      %rem3A_63 = arith.constant 2 : i32
      %rem3A_64 = arith.remsi %scan3A_62, %rem3A_63 : i32
      %dma_wait3A_65 = arith.constant 0 : i32
      %dma_wait3A_66 = arith.constant 0 : i32
      %dma_wait3A_67 = tpu.memref_slice %arg6[%rem3A_64, %dma_wait3A_65, %dma_wait3A_66] : memref<2x200x64xf32, #tpu.memory_space<vmem>> -> memref<1x200x64xf32, #tpu.memory_space<vmem>>
      %dma_wait3A_68 = tpu.memref_squeeze %dma_wait3A_67 : memref<1x200x64xf32, #tpu.memory_space<vmem>> -> memref<200x64xf32, #tpu.memory_space<vmem>>
      %dma_wait3A_69 = arith.constant 0 : i32
      %dma_wait3A_70 = tpu.memref_slice %arg5[%rem3A_64, %dma_wait3A_69] : memref<2x200xi32, #tpu.memory_space<vmem>> -> memref<1x200xi32, #tpu.memory_space<vmem>>
      %dma_wait3A_71 = tpu.memref_squeeze %dma_wait3A_70 : memref<1x200xi32, #tpu.memory_space<vmem>> -> memref<200xi32, #tpu.memory_space<vmem>>
      %dma_wait3A_72 = arith.constant 0 : i32
      %dma_wait3A_73 = arith.constant 0 : i32
      %dma_wait3A_74 = tpu.memref_slice %arg2[%dma_wait3A_72, %dma_wait3A_73] : memref<50000x64xf32, #tpu.memory_space<hbm>> -> memref<50000x64xf32, #tpu.memory_space<hbm>>
      %dma_wait3A_75 = tpu.memref_slice %arg8[%rem3A_64] : memref<2x!tpu.dma_semaphore, #tpu.memory_space<semaphore_mem>> -> memref<1x!tpu.dma_semaphore, #tpu.memory_space<semaphore_mem>>
      %dma_wait3A_76 = tpu.memref_squeeze %dma_wait3A_75 : memref<1x!tpu.dma_semaphore, #tpu.memory_space<semaphore_mem>> -> memref<!tpu.dma_semaphore, #tpu.memory_space<semaphore_mem>>
      tpu.wait_indirect_dma semaphore(%dma_wait3A_76 : memref<!tpu.dma_semaphore, #tpu.memory_space<semaphore_mem>>) src(%dma_wait3A_74 : memref<50000x64xf32, #tpu.memory_space<hbm>>) dst(%dma_wait3A_68 : memref<200x64xf32, #tpu.memory_space<vmem>>)
      %add3A_77 = arith.constant 1 : i32
      %add3A_78 = arith.addi %scan3A_62, %add3A_77 : i32
      %lt3A = arith.constant 125 : i32
      %lt3A_79 = arith.cmpi slt, %add3A_78, %lt3A : i32
      %convert_element_type3A = arith.extui %lt3A_79 : i1 to i32
      %cond3A = arith.constant 0 : i32
      %cond3A_80 = arith.cmpi ne, %convert_element_type3A, %cond3A : i32
      scf.if %cond3A_80 {
        %add3A_91 = arith.constant 1 : i32
        %add3A_92 = arith.addi %scan3A_62, %add3A_91 : i32
        %rem3A_93 = arith.constant 2 : i32
        %rem3A_94 = arith.remsi %add3A_92, %rem3A_93 : i32
        %mul3A_95 = arith.constant 200 : i32
        %mul3A_96 = arith.muli %add3A_92, %mul3A_95 : i32
        %add3A_97 = arith.addi %mul3A_2, %mul3A_96 : i32
        %dma_wait3A_98 = arith.constant 0 : i32
        %dma_wait3A_99 = tpu.memref_slice %arg5[%rem3A_94, %dma_wait3A_98] : memref<2x200xi32, #tpu.memory_space<vmem>> -> memref<1x200xi32, #tpu.memory_space<vmem>>
        %dma_wait3A_100 = tpu.memref_squeeze %dma_wait3A_99 : memref<1x200xi32, #tpu.memory_space<vmem>> -> memref<200xi32, #tpu.memory_space<vmem>>
        %dma_wait3A_101 = tpu.memref_slice %arg3[%add3A_97] : memref<800000xi32, #tpu.memory_space<hbm>> -> memref<200xi32, #tpu.memory_space<hbm>>
        %dma_wait3A_102 = tpu.memref_slice %arg7[%rem3A_94] : memref<2x!tpu.dma_semaphore, #tpu.memory_space<semaphore_mem>> -> memref<1x!tpu.dma_semaphore, #tpu.memory_space<semaphore_mem>>
        %dma_wait3A_103 = tpu.memref_squeeze %dma_wait3A_102 : memref<1x!tpu.dma_semaphore, #tpu.memory_space<semaphore_mem>> -> memref<!tpu.dma_semaphore, #tpu.memory_space<semaphore_mem>>
        %dma_wait3A_104 = arith.constant 0 : i32
        %dma_wait3A_105 = tpu.memref_slice %arg5[%rem3A_94, %dma_wait3A_104] : memref<2x200xi32, #tpu.memory_space<vmem>> -> memref<1x200xi32, #tpu.memory_space<vmem>>
        %dma_wait3A_106 = tpu.memref_squeeze %dma_wait3A_105 : memref<1x200xi32, #tpu.memory_space<vmem>> -> memref<200xi32, #tpu.memory_space<vmem>>
        %dma_wait3A_107 = tpu.memref_slice %arg3[%add3A_97] : memref<800000xi32, #tpu.memory_space<hbm>> -> memref<200xi32, #tpu.memory_space<hbm>>
        tpu.wait_dma2 semaphore(%dma_wait3A_103 : memref<!tpu.dma_semaphore, #tpu.memory_space<semaphore_mem>>) src(%dma_wait3A_107 : memref<200xi32, #tpu.memory_space<hbm>>) dst(%dma_wait3A_106 : memref<200xi32, #tpu.memory_space<vmem>>)
        %dma_start3A_108 = arith.constant 0 : i32
        %dma_start3A_109 = arith.constant 0 : i32
        %dma_start3A_110 = tpu.memref_slice %arg6[%rem3A_94, %dma_start3A_108, %dma_start3A_109] : memref<2x200x64xf32, #tpu.memory_space<vmem>> -> memref<1x200x64xf32, #tpu.memory_space<vmem>>
        %dma_start3A_111 = tpu.memref_squeeze %dma_start3A_110 : memref<1x200x64xf32, #tpu.memory_space<vmem>> -> memref<200x64xf32, #tpu.memory_space<vmem>>
        %dma_start3A_112 = arith.constant 0 : i32
        %dma_start3A_113 = tpu.memref_slice %arg5[%rem3A_94, %dma_start3A_112] : memref<2x200xi32, #tpu.memory_space<vmem>> -> memref<1x200xi32, #tpu.memory_space<vmem>>
        %dma_start3A_114 = tpu.memref_squeeze %dma_start3A_113 : memref<1x200xi32, #tpu.memory_space<vmem>> -> memref<200xi32, #tpu.memory_space<vmem>>
        %dma_start3A_115 = arith.constant 0 : i32
        %dma_start3A_116 = arith.constant 0 : i32
        %dma_start3A_117 = tpu.memref_slice %arg2[%dma_start3A_115, %dma_start3A_116] : memref<50000x64xf32, #tpu.memory_space<hbm>> -> memref<50000x64xf32, #tpu.memory_space<hbm>>
        %dma_start3A_118 = tpu.memref_slice %arg8[%rem3A_94] : memref<2x!tpu.dma_semaphore, #tpu.memory_space<semaphore_mem>> -> memref<1x!tpu.dma_semaphore, #tpu.memory_space<semaphore_mem>>
        %dma_start3A_119 = tpu.memref_squeeze %dma_start3A_118 : memref<1x!tpu.dma_semaphore, #tpu.memory_space<semaphore_mem>> -> memref<!tpu.dma_semaphore, #tpu.memory_space<semaphore_mem>>
        tpu.enqueue_indirect_dma source(%dma_start3A_117 : memref<50000x64xf32, #tpu.memory_space<hbm>>) target(%dma_start3A_111 : memref<200x64xf32, #tpu.memory_space<vmem>>) offsets(%dma_start3A_114 : memref<200xi32, #tpu.memory_space<vmem>>) semaphore(%dma_start3A_119 : memref<!tpu.dma_semaphore, #tpu.memory_space<semaphore_mem>>)
      } else {
      }
      %add3A_81 = arith.constant 2 : i32
      %add3A_82 = arith.addi %scan3A_62, %add3A_81 : i32
      %lt3A_83 = arith.constant 125 : i32
      %lt3A_84 = arith.cmpi slt, %add3A_82, %lt3A_83 : i32
      %convert_element_type3A_85 = arith.extui %lt3A_84 : i1 to i32
      %cond3A_86 = arith.constant 0 : i32
      %cond3A_87 = arith.cmpi ne, %convert_element_type3A_85, %cond3A_86 : i32
      scf.if %cond3A_87 {
        %add3A_91 = arith.constant 2 : i32
        %add3A_92 = arith.addi %scan3A_62, %add3A_91 : i32
        %rem3A_93 = arith.constant 2 : i32
        %rem3A_94 = arith.remsi %add3A_92, %rem3A_93 : i32
        %mul3A_95 = arith.constant 200 : i32
        %mul3A_96 = arith.muli %add3A_92, %mul3A_95 : i32
        %add3A_97 = arith.addi %mul3A_2, %mul3A_96 : i32
        %dma_start3A_98 = arith.constant 0 : i32
        %dma_start3A_99 = tpu.memref_slice %arg5[%rem3A_94, %dma_start3A_98] : memref<2x200xi32, #tpu.memory_space<vmem>> -> memref<1x200xi32, #tpu.memory_space<vmem>>
        %dma_start3A_100 = tpu.memref_squeeze %dma_start3A_99 : memref<1x200xi32, #tpu.memory_space<vmem>> -> memref<200xi32, #tpu.memory_space<vmem>>
        %dma_start3A_101 = tpu.memref_slice %arg3[%add3A_97] : memref<800000xi32, #tpu.memory_space<hbm>> -> memref<200xi32, #tpu.memory_space<hbm>>
        %dma_start3A_102 = tpu.memref_slice %arg7[%rem3A_94] : memref<2x!tpu.dma_semaphore, #tpu.memory_space<semaphore_mem>> -> memref<1x!tpu.dma_semaphore, #tpu.memory_space<semaphore_mem>>
        %dma_start3A_103 = tpu.memref_squeeze %dma_start3A_102 : memref<1x!tpu.dma_semaphore, #tpu.memory_space<semaphore_mem>> -> memref<!tpu.dma_semaphore, #tpu.memory_space<semaphore_mem>>
        %dma_start3A_104 = arith.constant 0 : i32
        %dma_start3A_105 = tpu.memref_slice %arg5[%rem3A_94, %dma_start3A_104] : memref<2x200xi32, #tpu.memory_space<vmem>> -> memref<1x200xi32, #tpu.memory_space<vmem>>
        %dma_start3A_106 = tpu.memref_squeeze %dma_start3A_105 : memref<1x200xi32, #tpu.memory_space<vmem>> -> memref<200xi32, #tpu.memory_space<vmem>>
        %dma_start3A_107 = tpu.memref_slice %arg3[%add3A_97] : memref<800000xi32, #tpu.memory_space<hbm>> -> memref<200xi32, #tpu.memory_space<hbm>>
        tpu.enqueue_dma source(%dma_start3A_107 : memref<200xi32, #tpu.memory_space<hbm>>) target(%dma_start3A_106 : memref<200xi32, #tpu.memory_space<vmem>>) target_semaphore(%dma_start3A_103 : memref<!tpu.dma_semaphore, #tpu.memory_space<semaphore_mem>>)
      } else {
      }
      %mul3A_88 = arith.constant 200 : i32
      %mul3A_89 = arith.muli %scan3A_62, %mul3A_88 : i32
      %add3A_90 = arith.addi %mul3A_2, %mul3A_89 : i32
      "tpu.region"() ({
        %run_scoped3A = tpu.sem_alloc : memref<!tpu.dma_semaphore, #tpu.memory_space<semaphore_mem>>
        %dma_start3A_91 = arith.constant 0 : i32
        %dma_start3A_92 = arith.constant 0 : i32
        %dma_start3A_93 = tpu.memref_slice %arg6[%rem3A_64, %dma_start3A_91, %dma_start3A_92] : memref<2x200x64xf32, #tpu.memory_space<vmem>> -> memref<1x200x64xf32, #tpu.memory_space<vmem>>
        %dma_start3A_94 = tpu.memref_squeeze %dma_start3A_93 : memref<1x200x64xf32, #tpu.memory_space<vmem>> -> memref<200x64xf32, #tpu.memory_space<vmem>>
        %dma_start3A_95 = arith.constant 0 : i32
        %dma_start3A_96 = tpu.memref_slice %arg4[%add3A_90, %dma_start3A_95] : memref<800000x64xf32, #tpu.memory_space<hbm>> -> memref<200x64xf32, #tpu.memory_space<hbm>>
        %dma_start3A_97 = arith.constant 0 : i32
        %dma_start3A_98 = tpu.memref_slice %arg4[%add3A_90, %dma_start3A_97] : memref<800000x64xf32, #tpu.memory_space<hbm>> -> memref<200x64xf32, #tpu.memory_space<hbm>>
        %dma_start3A_99 = arith.constant 0 : i32
        %dma_start3A_100 = arith.constant 0 : i32
        %dma_start3A_101 = tpu.memref_slice %arg6[%rem3A_64, %dma_start3A_99, %dma_start3A_100] : memref<2x200x64xf32, #tpu.memory_space<vmem>> -> memref<1x200x64xf32, #tpu.memory_space<vmem>>
        %dma_start3A_102 = tpu.memref_squeeze %dma_start3A_101 : memref<1x200x64xf32, #tpu.memory_space<vmem>> -> memref<200x64xf32, #tpu.memory_space<vmem>>
        tpu.enqueue_dma source(%dma_start3A_102 : memref<200x64xf32, #tpu.memory_space<vmem>>) target(%dma_start3A_98 : memref<200x64xf32, #tpu.memory_space<hbm>>) target_semaphore(%run_scoped3A : memref<!tpu.dma_semaphore, #tpu.memory_space<semaphore_mem>>)
        %dma_wait3A_103 = arith.constant 0 : i32
        %dma_wait3A_104 = arith.constant 0 : i32
        %dma_wait3A_105 = tpu.memref_slice %arg6[%rem3A_64, %dma_wait3A_103, %dma_wait3A_104] : memref<2x200x64xf32, #tpu.memory_space<vmem>> -> memref<1x200x64xf32, #tpu.memory_space<vmem>>
        %dma_wait3A_106 = tpu.memref_squeeze %dma_wait3A_105 : memref<1x200x64xf32, #tpu.memory_space<vmem>> -> memref<200x64xf32, #tpu.memory_space<vmem>>
        %dma_wait3A_107 = arith.constant 0 : i32
        %dma_wait3A_108 = tpu.memref_slice %arg4[%add3A_90, %dma_wait3A_107] : memref<800000x64xf32, #tpu.memory_space<hbm>> -> memref<200x64xf32, #tpu.memory_space<hbm>>
        %dma_wait3A_109 = arith.constant 0 : i32
        %dma_wait3A_110 = tpu.memref_slice %arg4[%add3A_90, %dma_wait3A_109] : memref<800000x64xf32, #tpu.memory_space<hbm>> -> memref<200x64xf32, #tpu.memory_space<hbm>>
        %dma_wait3A_111 = arith.constant 0 : i32
        %dma_wait3A_112 = arith.constant 0 : i32
        %dma_wait3A_113 = tpu.memref_slice %arg6[%rem3A_64, %dma_wait3A_111, %dma_wait3A_112] : memref<2x200x64xf32, #tpu.memory_space<vmem>> -> memref<1x200x64xf32, #tpu.memory_space<vmem>>
        %dma_wait3A_114 = tpu.memref_squeeze %dma_wait3A_113 : memref<1x200x64xf32, #tpu.memory_space<vmem>> -> memref<200x64xf32, #tpu.memory_space<vmem>>
        tpu.wait_dma2 semaphore(%run_scoped3A : memref<!tpu.dma_semaphore, #tpu.memory_space<semaphore_mem>>) src(%dma_wait3A_114 : memref<200x64xf32, #tpu.memory_space<vmem>>) dst(%dma_wait3A_110 : memref<200x64xf32, #tpu.memory_space<hbm>>)
        tpu.yield
      }) : () -> ()
    }
    %scan3A_61 = arith.constant 125 : i32
    return
  }
}

#map = affine_map<(d0, d1) -> (0, 0)>
#map1 = affine_map<(d0, d1) -> (0)>
module attributes {stable_mosaic.version = 14 : i64} {
  func.func @k(%arg0: i32, %arg1: i32, %arg2: memref<50000x64xf32, #tpu.memory_space<hbm>>, %arg3: memref<800000xi32, #tpu.memory_space<hbm>>, %arg4: memref<800000x64xf32, #tpu.memory_space<hbm>>, %arg5: memref<2x200xi32, #tpu.memory_space<vmem>>, %arg6: memref<2x200x64xf32, #tpu.memory_space<vmem>>, %arg7: memref<2x!tpu.dma_semaphore, #tpu.memory_space<semaphore_mem>>, %arg8: memref<2x!tpu.dma_semaphore, #tpu.memory_space<semaphore_mem>>) attributes {dimension_semantics = [#tpu.dimension_semantics<core_parallel>, #tpu.dimension_semantics<subcore_parallel>], iteration_bounds = array<i64: 2, 16>, scalar_prefetch = 0 : i64, scratch_operands = 4 : i64, tpu.core_type = #tpu.core_type<sc_vector_subcore>, window_params = [{transform_indices = #map}, {transform_indices = #map1}, {transform_indices = #map}]} {
    %mul3A = arith.constant 2 : i32
    %mul3A_0 = arith.muli %arg1, %mul3A : i32
    %add3A = arith.addi %mul3A_0, %arg0 : i32
    %mul3A_1 = arith.constant 25000 : i32
    %mul3A_2 = arith.muli %add3A, %mul3A_1 : i32
    %rem3A = arith.constant 0 : i32
    %rem3A_3 = arith.constant 2 : i32
    %rem3A_4 = arith.remsi %rem3A, %rem3A_3 : i32
    %add3A_5 = arith.constant 0 : i32
    %add3A_6 = arith.addi %mul3A_2, %add3A_5 : i32
    %dma_start3A = arith.constant 0 : i32
    %dma_start3A_7 = tpu.memref_slice %arg5[%rem3A_4, %dma_start3A] : memref<2x200xi32, #tpu.memory_space<vmem>> -> memref<1x200xi32, #tpu.memory_space<vmem>>
    %dma_start3A_8 = tpu.memref_squeeze %dma_start3A_7 : memref<1x200xi32, #tpu.memory_space<vmem>> -> memref<200xi32, #tpu.memory_space<vmem>>
    %dma_start3A_9 = tpu.memref_slice %arg3[%add3A_6] : memref<800000xi32, #tpu.memory_space<hbm>> -> memref<200xi32, #tpu.memory_space<hbm>>
    %dma_start3A_10 = tpu.memref_slice %arg7[%rem3A_4] : memref<2x!tpu.dma_semaphore, #tpu.memory_space<semaphore_mem>> -> memref<1x!tpu.dma_semaphore, #tpu.memory_space<semaphore_mem>>
    %dma_start3A_11 = tpu.memref_squeeze %dma_start3A_10 : memref<1x!tpu.dma_semaphore, #tpu.memory_space<semaphore_mem>> -> memref<!tpu.dma_semaphore, #tpu.memory_space<semaphore_mem>>
    %dma_start3A_12 = arith.constant 0 : i32
    %dma_start3A_13 = tpu.memref_slice %arg5[%rem3A_4, %dma_start3A_12] : memref<2x200xi32, #tpu.memory_space<vmem>> -> memref<1x200xi32, #tpu.memory_space<vmem>>
    %dma_start3A_14 = tpu.memref_squeeze %dma_start3A_13 : memref<1x200xi32, #tpu.memory_space<vmem>> -> memref<200xi32, #tpu.memory_space<vmem>>
    %dma_start3A_15 = tpu.memref_slice %arg3[%add3A_6] : memref<800000xi32, #tpu.memory_space<hbm>> -> memref<200xi32, #tpu.memory_space<hbm>>
    tpu.enqueue_dma source(%dma_start3A_15 : memref<200xi32, #tpu.memory_space<hbm>>) target(%dma_start3A_14 : memref<200xi32, #tpu.memory_space<vmem>>) target_semaphore(%dma_start3A_11 : memref<!tpu.dma_semaphore, #tpu.memory_space<semaphore_mem>>)
    %rem3A_16 = arith.constant 0 : i32
    %rem3A_17 = arith.constant 2 : i32
    %rem3A_18 = arith.remsi %rem3A_16, %rem3A_17 : i32
    %add3A_19 = arith.constant 0 : i32
    %add3A_20 = arith.addi %mul3A_2, %add3A_19 : i32
    %dma_wait3A = arith.constant 0 : i32
    %dma_wait3A_21 = tpu.memref_slice %arg5[%rem3A_18, %dma_wait3A] : memref<2x200xi32, #tpu.memory_space<vmem>> -> memref<1x200xi32, #tpu.memory_space<vmem>>
    %dma_wait3A_22 = tpu.memref_squeeze %dma_wait3A_21 : memref<1x200xi32, #tpu.memory_space<vmem>> -> memref<200xi32, #tpu.memory_space<vmem>>
    %dma_wait3A_23 = tpu.memref_slice %arg3[%add3A_20] : memref<800000xi32, #tpu.memory_space<hbm>> -> memref<200xi32, #tpu.memory_space<hbm>>
    %dma_wait3A_24 = tpu.memref_slice %arg7[%rem3A_18] : memref<2x!tpu.dma_semaphore, #tpu.memory_space<semaphore_mem>> -> memref<1x!tpu.dma_semaphore, #tpu.memory_space<semaphore_mem>>
    %dma_wait3A_25 = tpu.memref_squeeze %dma_wait3A_24 : memref<1x!tpu.dma_semaphore, #tpu.memory_space<semaphore_mem>> -> memref<!tpu.dma_semaphore, #tpu.memory_space<semaphore_mem>>
    %dma_wait3A_26 = arith.constant 0 : i32
    %dma_wait3A_27 = tpu.memref_slice %arg5[%rem3A_18, %dma_wait3A_26] : memref<2x200xi32, #tpu.memory_space<vmem>> -> memref<1x200xi32, #tpu.memory_space<vmem>>
    %dma_wait3A_28 = tpu.memref_squeeze %dma_wait3A_27 : memref<1x200xi32, #tpu.memory_space<vmem>> -> memref<200xi32, #tpu.memory_space<vmem>>
    %dma_wait3A_29 = tpu.memref_slice %arg3[%add3A_20] : memref<800000xi32, #tpu.memory_space<hbm>> -> memref<200xi32, #tpu.memory_space<hbm>>
    tpu.wait_dma2 semaphore(%dma_wait3A_25 : memref<!tpu.dma_semaphore, #tpu.memory_space<semaphore_mem>>) src(%dma_wait3A_29 : memref<200xi32, #tpu.memory_space<hbm>>) dst(%dma_wait3A_28 : memref<200xi32, #tpu.memory_space<vmem>>)
    %dma_start3A_30 = arith.constant 0 : i32
    %dma_start3A_31 = arith.constant 0 : i32
    %dma_start3A_32 = tpu.memref_slice %arg6[%rem3A_18, %dma_start3A_30, %dma_start3A_31] : memref<2x200x64xf32, #tpu.memory_space<vmem>> -> memref<1x200x64xf32, #tpu.memory_space<vmem>>
    %dma_start3A_33 = tpu.memref_squeeze %dma_start3A_32 : memref<1x200x64xf32, #tpu.memory_space<vmem>> -> memref<200x64xf32, #tpu.memory_space<vmem>>
    %dma_start3A_34 = arith.constant 0 : i32
    %dma_start3A_35 = tpu.memref_slice %arg5[%rem3A_18, %dma_start3A_34] : memref<2x200xi32, #tpu.memory_space<vmem>> -> memref<1x200xi32, #tpu.memory_space<vmem>>
    %dma_start3A_36 = tpu.memref_squeeze %dma_start3A_35 : memref<1x200xi32, #tpu.memory_space<vmem>> -> memref<200xi32, #tpu.memory_space<vmem>>
    %dma_start3A_37 = arith.constant 0 : i32
    %dma_start3A_38 = arith.constant 0 : i32
    %dma_start3A_39 = tpu.memref_slice %arg2[%dma_start3A_37, %dma_start3A_38] : memref<50000x64xf32, #tpu.memory_space<hbm>> -> memref<50000x64xf32, #tpu.memory_space<hbm>>
    %dma_start3A_40 = tpu.memref_slice %arg8[%rem3A_18] : memref<2x!tpu.dma_semaphore, #tpu.memory_space<semaphore_mem>> -> memref<1x!tpu.dma_semaphore, #tpu.memory_space<semaphore_mem>>
    %dma_start3A_41 = tpu.memref_squeeze %dma_start3A_40 : memref<1x!tpu.dma_semaphore, #tpu.memory_space<semaphore_mem>> -> memref<!tpu.dma_semaphore, #tpu.memory_space<semaphore_mem>>
    tpu.enqueue_indirect_dma source(%dma_start3A_39 : memref<50000x64xf32, #tpu.memory_space<hbm>>) target(%dma_start3A_33 : memref<200x64xf32, #tpu.memory_space<vmem>>) offsets(%dma_start3A_36 : memref<200xi32, #tpu.memory_space<vmem>>) semaphore(%dma_start3A_41 : memref<!tpu.dma_semaphore, #tpu.memory_space<semaphore_mem>>)
    %rem3A_42 = arith.constant 1 : i32
    %rem3A_43 = arith.constant 2 : i32
    %rem3A_44 = arith.remsi %rem3A_42, %rem3A_43 : i32
    %add3A_45 = arith.constant 200 : i32
    %add3A_46 = arith.addi %mul3A_2, %add3A_45 : i32
    %dma_start3A_47 = arith.constant 0 : i32
    %dma_start3A_48 = tpu.memref_slice %arg5[%rem3A_44, %dma_start3A_47] : memref<2x200xi32, #tpu.memory_space<vmem>> -> memref<1x200xi32, #tpu.memory_space<vmem>>
    %dma_start3A_49 = tpu.memref_squeeze %dma_start3A_48 : memref<1x200xi32, #tpu.memory_space<vmem>> -> memref<200xi32, #tpu.memory_space<vmem>>
    %dma_start3A_50 = tpu.memref_slice %arg3[%add3A_46] : memref<800000xi32, #tpu.memory_space<hbm>> -> memref<200xi32, #tpu.memory_space<hbm>>
    %dma_start3A_51 = tpu.memref_slice %arg7[%rem3A_44] : memref<2x!tpu.dma_semaphore, #tpu.memory_space<semaphore_mem>> -> memref<1x!tpu.dma_semaphore, #tpu.memory_space<semaphore_mem>>
    %dma_start3A_52 = tpu.memref_squeeze %dma_start3A_51 : memref<1x!tpu.dma_semaphore, #tpu.memory_space<semaphore_mem>> -> memref<!tpu.dma_semaphore, #tpu.memory_space<semaphore_mem>>
    %dma_start3A_53 = arith.constant 0 : i32
    %dma_start3A_54 = tpu.memref_slice %arg5[%rem3A_44, %dma_start3A_53] : memref<2x200xi32, #tpu.memory_space<vmem>> -> memref<1x200xi32, #tpu.memory_space<vmem>>
    %dma_start3A_55 = tpu.memref_squeeze %dma_start3A_54 : memref<1x200xi32, #tpu.memory_space<vmem>> -> memref<200xi32, #tpu.memory_space<vmem>>
    %dma_start3A_56 = tpu.memref_slice %arg3[%add3A_46] : memref<800000xi32, #tpu.memory_space<hbm>> -> memref<200xi32, #tpu.memory_space<hbm>>
    tpu.enqueue_dma source(%dma_start3A_56 : memref<200xi32, #tpu.memory_space<hbm>>) target(%dma_start3A_55 : memref<200xi32, #tpu.memory_space<vmem>>) target_semaphore(%dma_start3A_52 : memref<!tpu.dma_semaphore, #tpu.memory_space<semaphore_mem>>)
    %scan3A = arith.constant 0 : i32
    %scan3A_57 = arith.constant 0 : i32
    %scan3A_58 = arith.constant 125 : i32
    %scan3A_59 = arith.addi %scan3A_57, %scan3A_58 : i32
    %scan3A_60 = arith.constant 1 : i32
    scf.for %scan3A_62 = %scan3A_57 to %scan3A_59 step %scan3A_60  : i32 {
      %rem3A_63 = arith.constant 2 : i32
      %rem3A_64 = arith.remsi %scan3A_62, %rem3A_63 : i32
      %dma_wait3A_65 = arith.constant 0 : i32
      %dma_wait3A_66 = arith.constant 0 : i32
      %dma_wait3A_67 = tpu.memref_slice %arg6[%rem3A_64, %dma_wait3A_65, %dma_wait3A_66] : memref<2x200x64xf32, #tpu.memory_space<vmem>> -> memref<1x200x64xf32, #tpu.memory_space<vmem>>
      %dma_wait3A_68 = tpu.memref_squeeze %dma_wait3A_67 : memref<1x200x64xf32, #tpu.memory_space<vmem>> -> memref<200x64xf32, #tpu.memory_space<vmem>>
      %dma_wait3A_69 = arith.constant 0 : i32
      %dma_wait3A_70 = tpu.memref_slice %arg5[%rem3A_64, %dma_wait3A_69] : memref<2x200xi32, #tpu.memory_space<vmem>> -> memref<1x200xi32, #tpu.memory_space<vmem>>
      %dma_wait3A_71 = tpu.memref_squeeze %dma_wait3A_70 : memref<1x200xi32, #tpu.memory_space<vmem>> -> memref<200xi32, #tpu.memory_space<vmem>>
      %dma_wait3A_72 = arith.constant 0 : i32
      %dma_wait3A_73 = arith.constant 0 : i32
      %dma_wait3A_74 = tpu.memref_slice %arg2[%dma_wait3A_72, %dma_wait3A_73] : memref<50000x64xf32, #tpu.memory_space<hbm>> -> memref<50000x64xf32, #tpu.memory_space<hbm>>
      %dma_wait3A_75 = tpu.memref_slice %arg8[%rem3A_64] : memref<2x!tpu.dma_semaphore, #tpu.memory_space<semaphore_mem>> -> memref<1x!tpu.dma_semaphore, #tpu.memory_space<semaphore_mem>>
      %dma_wait3A_76 = tpu.memref_squeeze %dma_wait3A_75 : memref<1x!tpu.dma_semaphore, #tpu.memory_space<semaphore_mem>> -> memref<!tpu.dma_semaphore, #tpu.memory_space<semaphore_mem>>
      tpu.wait_indirect_dma semaphore(%dma_wait3A_76 : memref<!tpu.dma_semaphore, #tpu.memory_space<semaphore_mem>>) src(%dma_wait3A_74 : memref<50000x64xf32, #tpu.memory_space<hbm>>) dst(%dma_wait3A_68 : memref<200x64xf32, #tpu.memory_space<vmem>>)
      %add3A_77 = arith.constant 1 : i32
      %add3A_78 = arith.addi %scan3A_62, %add3A_77 : i32
      %lt3A = arith.constant 125 : i32
      %lt3A_79 = arith.cmpi slt, %add3A_78, %lt3A : i32
      %convert_element_type3A = arith.extui %lt3A_79 : i1 to i32
      %cond3A = arith.constant 0 : i32
      %cond3A_80 = arith.cmpi ne, %convert_element_type3A, %cond3A : i32
      scf.if %cond3A_80 {
        %add3A_91 = arith.constant 1 : i32
        %add3A_92 = arith.addi %scan3A_62, %add3A_91 : i32
        %rem3A_93 = arith.constant 2 : i32
        %rem3A_94 = arith.remsi %add3A_92, %rem3A_93 : i32
        %mul3A_95 = arith.constant 200 : i32
        %mul3A_96 = arith.muli %add3A_92, %mul3A_95 : i32
        %add3A_97 = arith.addi %mul3A_2, %mul3A_96 : i32
        %dma_wait3A_98 = arith.constant 0 : i32
        %dma_wait3A_99 = tpu.memref_slice %arg5[%rem3A_94, %dma_wait3A_98] : memref<2x200xi32, #tpu.memory_space<vmem>> -> memref<1x200xi32, #tpu.memory_space<vmem>>
        %dma_wait3A_100 = tpu.memref_squeeze %dma_wait3A_99 : memref<1x200xi32, #tpu.memory_space<vmem>> -> memref<200xi32, #tpu.memory_space<vmem>>
        %dma_wait3A_101 = tpu.memref_slice %arg3[%add3A_97] : memref<800000xi32, #tpu.memory_space<hbm>> -> memref<200xi32, #tpu.memory_space<hbm>>
        %dma_wait3A_102 = tpu.memref_slice %arg7[%rem3A_94] : memref<2x!tpu.dma_semaphore, #tpu.memory_space<semaphore_mem>> -> memref<1x!tpu.dma_semaphore, #tpu.memory_space<semaphore_mem>>
        %dma_wait3A_103 = tpu.memref_squeeze %dma_wait3A_102 : memref<1x!tpu.dma_semaphore, #tpu.memory_space<semaphore_mem>> -> memref<!tpu.dma_semaphore, #tpu.memory_space<semaphore_mem>>
        %dma_wait3A_104 = arith.constant 0 : i32
        %dma_wait3A_105 = tpu.memref_slice %arg5[%rem3A_94, %dma_wait3A_104] : memref<2x200xi32, #tpu.memory_space<vmem>> -> memref<1x200xi32, #tpu.memory_space<vmem>>
        %dma_wait3A_106 = tpu.memref_squeeze %dma_wait3A_105 : memref<1x200xi32, #tpu.memory_space<vmem>> -> memref<200xi32, #tpu.memory_space<vmem>>
        %dma_wait3A_107 = tpu.memref_slice %arg3[%add3A_97] : memref<800000xi32, #tpu.memory_space<hbm>> -> memref<200xi32, #tpu.memory_space<hbm>>
        tpu.wait_dma2 semaphore(%dma_wait3A_103 : memref<!tpu.dma_semaphore, #tpu.memory_space<semaphore_mem>>) src(%dma_wait3A_107 : memref<200xi32, #tpu.memory_space<hbm>>) dst(%dma_wait3A_106 : memref<200xi32, #tpu.memory_space<vmem>>)
        %dma_start3A_108 = arith.constant 0 : i32
        %dma_start3A_109 = arith.constant 0 : i32
        %dma_start3A_110 = tpu.memref_slice %arg6[%rem3A_94, %dma_start3A_108, %dma_start3A_109] : memref<2x200x64xf32, #tpu.memory_space<vmem>> -> memref<1x200x64xf32, #tpu.memory_space<vmem>>
        %dma_start3A_111 = tpu.memref_squeeze %dma_start3A_110 : memref<1x200x64xf32, #tpu.memory_space<vmem>> -> memref<200x64xf32, #tpu.memory_space<vmem>>
        %dma_start3A_112 = arith.constant 0 : i32
        %dma_start3A_113 = tpu.memref_slice %arg5[%rem3A_94, %dma_start3A_112] : memref<2x200xi32, #tpu.memory_space<vmem>> -> memref<1x200xi32, #tpu.memory_space<vmem>>
        %dma_start3A_114 = tpu.memref_squeeze %dma_start3A_113 : memref<1x200xi32, #tpu.memory_space<vmem>> -> memref<200xi32, #tpu.memory_space<vmem>>
        %dma_start3A_115 = arith.constant 0 : i32
        %dma_start3A_116 = arith.constant 0 : i32
        %dma_start3A_117 = tpu.memref_slice %arg2[%dma_start3A_115, %dma_start3A_116] : memref<50000x64xf32, #tpu.memory_space<hbm>> -> memref<50000x64xf32, #tpu.memory_space<hbm>>
        %dma_start3A_118 = tpu.memref_slice %arg8[%rem3A_94] : memref<2x!tpu.dma_semaphore, #tpu.memory_space<semaphore_mem>> -> memref<1x!tpu.dma_semaphore, #tpu.memory_space<semaphore_mem>>
        %dma_start3A_119 = tpu.memref_squeeze %dma_start3A_118 : memref<1x!tpu.dma_semaphore, #tpu.memory_space<semaphore_mem>> -> memref<!tpu.dma_semaphore, #tpu.memory_space<semaphore_mem>>
        tpu.enqueue_indirect_dma source(%dma_start3A_117 : memref<50000x64xf32, #tpu.memory_space<hbm>>) target(%dma_start3A_111 : memref<200x64xf32, #tpu.memory_space<vmem>>) offsets(%dma_start3A_114 : memref<200xi32, #tpu.memory_space<vmem>>) semaphore(%dma_start3A_119 : memref<!tpu.dma_semaphore, #tpu.memory_space<semaphore_mem>>)
      } else {
      }
      %add3A_81 = arith.constant 2 : i32
      %add3A_82 = arith.addi %scan3A_62, %add3A_81 : i32
      %lt3A_83 = arith.constant 125 : i32
      %lt3A_84 = arith.cmpi slt, %add3A_82, %lt3A_83 : i32
      %convert_element_type3A_85 = arith.extui %lt3A_84 : i1 to i32
      %cond3A_86 = arith.constant 0 : i32
      %cond3A_87 = arith.cmpi ne, %convert_element_type3A_85, %cond3A_86 : i32
      scf.if %cond3A_87 {
        %add3A_91 = arith.constant 2 : i32
        %add3A_92 = arith.addi %scan3A_62, %add3A_91 : i32
        %rem3A_93 = arith.constant 2 : i32
        %rem3A_94 = arith.remsi %add3A_92, %rem3A_93 : i32
        %mul3A_95 = arith.constant 200 : i32
        %mul3A_96 = arith.muli %add3A_92, %mul3A_95 : i32
        %add3A_97 = arith.addi %mul3A_2, %mul3A_96 : i32
        %dma_start3A_98 = arith.constant 0 : i32
        %dma_start3A_99 = tpu.memref_slice %arg5[%rem3A_94, %dma_start3A_98] : memref<2x200xi32, #tpu.memory_space<vmem>> -> memref<1x200xi32, #tpu.memory_space<vmem>>
        %dma_start3A_100 = tpu.memref_squeeze %dma_start3A_99 : memref<1x200xi32, #tpu.memory_space<vmem>> -> memref<200xi32, #tpu.memory_space<vmem>>
        %dma_start3A_101 = tpu.memref_slice %arg3[%add3A_97] : memref<800000xi32, #tpu.memory_space<hbm>> -> memref<200xi32, #tpu.memory_space<hbm>>
        %dma_start3A_102 = tpu.memref_slice %arg7[%rem3A_94] : memref<2x!tpu.dma_semaphore, #tpu.memory_space<semaphore_mem>> -> memref<1x!tpu.dma_semaphore, #tpu.memory_space<semaphore_mem>>
        %dma_start3A_103 = tpu.memref_squeeze %dma_start3A_102 : memref<1x!tpu.dma_semaphore, #tpu.memory_space<semaphore_mem>> -> memref<!tpu.dma_semaphore, #tpu.memory_space<semaphore_mem>>
        %dma_start3A_104 = arith.constant 0 : i32
        %dma_start3A_105 = tpu.memref_slice %arg5[%rem3A_94, %dma_start3A_104] : memref<2x200xi32, #tpu.memory_space<vmem>> -> memref<1x200xi32, #tpu.memory_space<vmem>>
        %dma_start3A_106 = tpu.memref_squeeze %dma_start3A_105 : memref<1x200xi32, #tpu.memory_space<vmem>> -> memref<200xi32, #tpu.memory_space<vmem>>
        %dma_start3A_107 = tpu.memref_slice %arg3[%add3A_97] : memref<800000xi32, #tpu.memory_space<hbm>> -> memref<200xi32, #tpu.memory_space<hbm>>
        tpu.enqueue_dma source(%dma_start3A_107 : memref<200xi32, #tpu.memory_space<hbm>>) target(%dma_start3A_106 : memref<200xi32, #tpu.memory_space<vmem>>) target_semaphore(%dma_start3A_103 : memref<!tpu.dma_semaphore, #tpu.memory_space<semaphore_mem>>)
      } else {
      }
      %mul3A_88 = arith.constant 200 : i32
      %mul3A_89 = arith.muli %scan3A_62, %mul3A_88 : i32
      %add3A_90 = arith.addi %mul3A_2, %mul3A_89 : i32
      "tpu.region"() ({
        %run_scoped3A = tpu.sem_alloc : memref<!tpu.dma_semaphore, #tpu.memory_space<semaphore_mem>>
        %dma_start3A_91 = arith.constant 0 : i32
        %dma_start3A_92 = arith.constant 0 : i32
        %dma_start3A_93 = tpu.memref_slice %arg6[%rem3A_64, %dma_start3A_91, %dma_start3A_92] : memref<2x200x64xf32, #tpu.memory_space<vmem>> -> memref<1x200x64xf32, #tpu.memory_space<vmem>>
        %dma_start3A_94 = tpu.memref_squeeze %dma_start3A_93 : memref<1x200x64xf32, #tpu.memory_space<vmem>> -> memref<200x64xf32, #tpu.memory_space<vmem>>
        %dma_start3A_95 = arith.constant 0 : i32
        %dma_start3A_96 = tpu.memref_slice %arg4[%add3A_90, %dma_start3A_95] : memref<800000x64xf32, #tpu.memory_space<hbm>> -> memref<200x64xf32, #tpu.memory_space<hbm>>
        %dma_start3A_97 = arith.constant 0 : i32
        %dma_start3A_98 = tpu.memref_slice %arg4[%add3A_90, %dma_start3A_97] : memref<800000x64xf32, #tpu.memory_space<hbm>> -> memref<200x64xf32, #tpu.memory_space<hbm>>
        %dma_start3A_99 = arith.constant 0 : i32
        %dma_start3A_100 = arith.constant 0 : i32
        %dma_start3A_101 = tpu.memref_slice %arg6[%rem3A_64, %dma_start3A_99, %dma_start3A_100] : memref<2x200x64xf32, #tpu.memory_space<vmem>> -> memref<1x200x64xf32, #tpu.memory_space<vmem>>
        %dma_start3A_102 = tpu.memref_squeeze %dma_start3A_101 : memref<1x200x64xf32, #tpu.memory_space<vmem>> -> memref<200x64xf32, #tpu.memory_space<vmem>>
        tpu.enqueue_dma source(%dma_start3A_102 : memref<200x64xf32, #tpu.memory_space<vmem>>) target(%dma_start3A_98 : memref<200x64xf32, #tpu.memory_space<hbm>>) target_semaphore(%run_scoped3A : memref<!tpu.dma_semaphore, #tpu.memory_space<semaphore_mem>>)
        %dma_wait3A_103 = arith.constant 0 : i32
        %dma_wait3A_104 = arith.constant 0 : i32
        %dma_wait3A_105 = tpu.memref_slice %arg6[%rem3A_64, %dma_wait3A_103, %dma_wait3A_104] : memref<2x200x64xf32, #tpu.memory_space<vmem>> -> memref<1x200x64xf32, #tpu.memory_space<vmem>>
        %dma_wait3A_106 = tpu.memref_squeeze %dma_wait3A_105 : memref<1x200x64xf32, #tpu.memory_space<vmem>> -> memref<200x64xf32, #tpu.memory_space<vmem>>
        %dma_wait3A_107 = arith.constant 0 : i32
        %dma_wait3A_108 = tpu.memref_slice %arg4[%add3A_90, %dma_wait3A_107] : memref<800000x64xf32, #tpu.memory_space<hbm>> -> memref<200x64xf32, #tpu.memory_space<hbm>>
        %dma_wait3A_109 = arith.constant 0 : i32
        %dma_wait3A_110 = tpu.memref_slice %arg4[%add3A_90, %dma_wait3A_109] : memref<800000x64xf32, #tpu.memory_space<hbm>> -> memref<200x64xf32, #tpu.memory_space<hbm>>
        %dma_wait3A_111 = arith.constant 0 : i32
        %dma_wait3A_112 = arith.constant 0 : i32
        %dma_wait3A_113 = tpu.memref_slice %arg6[%rem3A_64, %dma_wait3A_111, %dma_wait3A_112] : memref<2x200x64xf32, #tpu.memory_space<vmem>> -> memref<1x200x64xf32, #tpu.memory_space<vmem>>
        %dma_wait3A_114 = tpu.memref_squeeze %dma_wait3A_113 : memref<1x200x64xf32, #tpu.memory_space<vmem>> -> memref<200x64xf32, #tpu.memory_space<vmem>>
        tpu.wait_dma2 semaphore(%run_scoped3A : memref<!tpu.dma_semaphore, #tpu.memory_space<semaphore_mem>>) src(%dma_wait3A_114 : memref<200x64xf32, #tpu.memory_space<vmem>>) dst(%dma_wait3A_110 : memref<200x64xf32, #tpu.memory_space<hbm>>)
        tpu.yield
      }) : () -> ()
    }
    %scan3A_61 = arith.constant 125 : i32
    return
  }
}

#map = affine_map<(d0, d1) -> (0, 0)>
#map1 = affine_map<(d0, d1) -> (0)>
#map2 = affine_map<(d0, d1) -> (0, 0, 0)>
module attributes {stable_mosaic.version = 14 : i64} {
  func.func @k(%arg0: i32, %arg1: i32, %arg2: memref<800000x64xf32, #tpu.memory_space<hbm>>, %arg3: memref<800000xi32, #tpu.memory_space<hbm>>, %arg4: memref<3128x32xf32, #tpu.memory_space<hbm>>, %arg5: memref<2x50048x32xf32, #tpu.memory_space<hbm>>, %arg6: memref<2x400xi32, #tpu.memory_space<vmem>>, %arg7: memref<2x400x32xf32, #tpu.memory_space<vmem>>, %arg8: memref<50048x32xf32, #tpu.memory_space<vmem_shared>>, %arg9: memref<2x!tpu.dma_semaphore, #tpu.memory_space<semaphore_mem>>, %arg10: memref<2x!tpu.dma_semaphore, #tpu.memory_space<semaphore_mem>>) attributes {dimension_semantics = [#tpu.dimension_semantics<core_parallel>, #tpu.dimension_semantics<subcore_parallel>], iteration_bounds = array<i64: 2, 16>, scalar_prefetch = 0 : i64, scratch_operands = 5 : i64, tpu.core_type = #tpu.core_type<sc_vector_subcore>, window_params = [{transform_indices = #map}, {transform_indices = #map1}, {transform_indices = #map}, {transform_indices = #map2}]} {
    %mul3A = arith.constant 3128 : i32
    %mul3A_0 = arith.muli %arg1, %mul3A : i32
    "tpu.region"() ({
      %run_scoped3A = tpu.sem_alloc : memref<!tpu.dma_semaphore, #tpu.memory_space<semaphore_mem>>
      %dma_start3A_39 = arith.constant 0 : i32
      %dma_start3A_40 = tpu.memref_slice %arg8[%mul3A_0, %dma_start3A_39] : memref<50048x32xf32, #tpu.memory_space<vmem_shared>> -> memref<3128x32xf32, #tpu.memory_space<vmem_shared>>
      tpu.enqueue_dma source(%arg4 : memref<3128x32xf32, #tpu.memory_space<hbm>>) target(%dma_start3A_40 : memref<3128x32xf32, #tpu.memory_space<vmem_shared>>) target_semaphore(%run_scoped3A : memref<!tpu.dma_semaphore, #tpu.memory_space<semaphore_mem>>)
      %dma_wait3A = arith.constant 0 : i32
      %dma_wait3A_41 = tpu.memref_slice %arg8[%mul3A_0, %dma_wait3A] : memref<50048x32xf32, #tpu.memory_space<vmem_shared>> -> memref<3128x32xf32, #tpu.memory_space<vmem_shared>>
      tpu.wait_dma2 semaphore(%run_scoped3A : memref<!tpu.dma_semaphore, #tpu.memory_space<semaphore_mem>>) src(%arg4 : memref<3128x32xf32, #tpu.memory_space<hbm>>) dst(%dma_wait3A_41 : memref<3128x32xf32, #tpu.memory_space<vmem_shared>>)
      tpu.yield
    }) : () -> ()
    %barrier3A = arith.constant 0 : index
    tpu.barrier barrier_id(%barrier3A)
    %rem3A = arith.constant 0 : i32
    %rem3A_1 = arith.constant 2 : i32
    %rem3A_2 = arith.remsi %rem3A, %rem3A_1 : i32
    %mul3A_3 = arith.constant 50000 : i32
    %mul3A_4 = arith.muli %arg1, %mul3A_3 : i32
    %add3A = arith.constant 0 : i32
    %add3A_5 = arith.addi %mul3A_4, %add3A : i32
    %mul3A_6 = arith.constant 32 : i32
    %mul3A_7 = arith.muli %arg0, %mul3A_6 : i32
    %dma_start3A = arith.constant 0 : i32
    %dma_start3A_8 = arith.constant 0 : i32
    %dma_start3A_9 = tpu.memref_slice %arg7[%rem3A_2, %dma_start3A, %dma_start3A_8] : memref<2x400x32xf32, #tpu.memory_space<vmem>> -> memref<1x400x32xf32, #tpu.memory_space<vmem>>
    %dma_start3A_10 = tpu.memref_squeeze %dma_start3A_9 : memref<1x400x32xf32, #tpu.memory_space<vmem>> -> memref<400x32xf32, #tpu.memory_space<vmem>>
    %dma_start3A_11 = tpu.memref_slice %arg2[%add3A_5, %mul3A_7] : memref<800000x64xf32, #tpu.memory_space<hbm>> -> memref<400x32xf32, #tpu.memory_space<hbm>>
    %dma_start3A_12 = tpu.memref_slice %arg9[%rem3A_2] : memref<2x!tpu.dma_semaphore, #tpu.memory_space<semaphore_mem>> -> memref<1x!tpu.dma_semaphore, #tpu.memory_space<semaphore_mem>>
    %dma_start3A_13 = tpu.memref_squeeze %dma_start3A_12 : memref<1x!tpu.dma_semaphore, #tpu.memory_space<semaphore_mem>> -> memref<!tpu.dma_semaphore, #tpu.memory_space<semaphore_mem>>
    %dma_start3A_14 = arith.constant 0 : i32
    %dma_start3A_15 = arith.constant 0 : i32
    %dma_start3A_16 = tpu.memref_slice %arg7[%rem3A_2, %dma_start3A_14, %dma_start3A_15] : memref<2x400x32xf32, #tpu.memory_space<vmem>> -> memref<1x400x32xf32, #tpu.memory_space<vmem>>
    %dma_start3A_17 = tpu.memref_squeeze %dma_start3A_16 : memref<1x400x32xf32, #tpu.memory_space<vmem>> -> memref<400x32xf32, #tpu.memory_space<vmem>>
    %dma_start3A_18 = tpu.memref_slice %arg2[%add3A_5, %mul3A_7] : memref<800000x64xf32, #tpu.memory_space<hbm>> -> memref<400x32xf32, #tpu.memory_space<hbm>>
    tpu.enqueue_dma source(%dma_start3A_18 : memref<400x32xf32, #tpu.memory_space<hbm>>) target(%dma_start3A_17 : memref<400x32xf32, #tpu.memory_space<vmem>>) target_semaphore(%dma_start3A_13 : memref<!tpu.dma_semaphore, #tpu.memory_space<semaphore_mem>>)
    %dma_start3A_19 = arith.constant 0 : i32
    %dma_start3A_20 = tpu.memref_slice %arg6[%rem3A_2, %dma_start3A_19] : memref<2x400xi32, #tpu.memory_space<vmem>> -> memref<1x400xi32, #tpu.memory_space<vmem>>
    %dma_start3A_21 = tpu.memref_squeeze %dma_start3A_20 : memref<1x400xi32, #tpu.memory_space<vmem>> -> memref<400xi32, #tpu.memory_space<vmem>>
    %dma_start3A_22 = tpu.memref_slice %arg3[%add3A_5] : memref<800000xi32, #tpu.memory_space<hbm>> -> memref<400xi32, #tpu.memory_space<hbm>>
    %dma_start3A_23 = tpu.memref_slice %arg10[%rem3A_2] : memref<2x!tpu.dma_semaphore, #tpu.memory_space<semaphore_mem>> -> memref<1x!tpu.dma_semaphore, #tpu.memory_space<semaphore_mem>>
    %dma_start3A_24 = tpu.memref_squeeze %dma_start3A_23 : memref<1x!tpu.dma_semaphore, #tpu.memory_space<semaphore_mem>> -> memref<!tpu.dma_semaphore, #tpu.memory_space<semaphore_mem>>
    %dma_start3A_25 = arith.constant 0 : i32
    %dma_start3A_26 = tpu.memref_slice %arg6[%rem3A_2, %dma_start3A_25] : memref<2x400xi32, #tpu.memory_space<vmem>> -> memref<1x400xi32, #tpu.memory_space<vmem>>
    %dma_start3A_27 = tpu.memref_squeeze %dma_start3A_26 : memref<1x400xi32, #tpu.memory_space<vmem>> -> memref<400xi32, #tpu.memory_space<vmem>>
    %dma_start3A_28 = tpu.memref_slice %arg3[%add3A_5] : memref<800000xi32, #tpu.memory_space<hbm>> -> memref<400xi32, #tpu.memory_space<hbm>>
    tpu.enqueue_dma source(%dma_start3A_28 : memref<400xi32, #tpu.memory_space<hbm>>) target(%dma_start3A_27 : memref<400xi32, #tpu.memory_space<vmem>>) target_semaphore(%dma_start3A_24 : memref<!tpu.dma_semaphore, #tpu.memory_space<semaphore_mem>>)
    %scan3A = arith.constant 0 : i32
    %scan3A_29 = arith.constant 0 : i32
    %scan3A_30 = arith.constant 125 : i32
    %scan3A_31 = arith.addi %scan3A_29, %scan3A_30 : i32
    %scan3A_32 = arith.constant 1 : i32
    scf.for %scan3A_39 = %scan3A_29 to %scan3A_31 step %scan3A_32  : i32 {
      %rem3A_40 = arith.constant 2 : i32
      %rem3A_41 = arith.remsi %scan3A_39, %rem3A_40 : i32
      %add3A_42 = arith.constant 1 : i32
      %add3A_43 = arith.addi %scan3A_39, %add3A_42 : i32
      %lt3A = arith.constant 125 : i32
      %lt3A_44 = arith.cmpi slt, %add3A_43, %lt3A : i32
      %convert_element_type3A = arith.extui %lt3A_44 : i1 to i32
      %cond3A = arith.constant 0 : i32
      %cond3A_45 = arith.cmpi ne, %convert_element_type3A, %cond3A : i32
      scf.if %cond3A_45 {
        %add3A_74 = arith.constant 1 : i32
        %add3A_75 = arith.addi %scan3A_39, %add3A_74 : i32
        %rem3A_76 = arith.constant 2 : i32
        %rem3A_77 = arith.remsi %add3A_75, %rem3A_76 : i32
        %mul3A_78 = arith.constant 50000 : i32
        %mul3A_79 = arith.muli %arg1, %mul3A_78 : i32
        %mul3A_80 = arith.constant 400 : i32
        %mul3A_81 = arith.muli %add3A_75, %mul3A_80 : i32
        %add3A_82 = arith.addi %mul3A_79, %mul3A_81 : i32
        %mul3A_83 = arith.constant 32 : i32
        %mul3A_84 = arith.muli %arg0, %mul3A_83 : i32
        %dma_start3A_85 = arith.constant 0 : i32
        %dma_start3A_86 = arith.constant 0 : i32
        %dma_start3A_87 = tpu.memref_slice %arg7[%rem3A_77, %dma_start3A_85, %dma_start3A_86] : memref<2x400x32xf32, #tpu.memory_space<vmem>> -> memref<1x400x32xf32, #tpu.memory_space<vmem>>
        %dma_start3A_88 = tpu.memref_squeeze %dma_start3A_87 : memref<1x400x32xf32, #tpu.memory_space<vmem>> -> memref<400x32xf32, #tpu.memory_space<vmem>>
        %dma_start3A_89 = tpu.memref_slice %arg2[%add3A_82, %mul3A_84] : memref<800000x64xf32, #tpu.memory_space<hbm>> -> memref<400x32xf32, #tpu.memory_space<hbm>>
        %dma_start3A_90 = tpu.memref_slice %arg9[%rem3A_77] : memref<2x!tpu.dma_semaphore, #tpu.memory_space<semaphore_mem>> -> memref<1x!tpu.dma_semaphore, #tpu.memory_space<semaphore_mem>>
        %dma_start3A_91 = tpu.memref_squeeze %dma_start3A_90 : memref<1x!tpu.dma_semaphore, #tpu.memory_space<semaphore_mem>> -> memref<!tpu.dma_semaphore, #tpu.memory_space<semaphore_mem>>
        %dma_start3A_92 = arith.constant 0 : i32
        %dma_start3A_93 = arith.constant 0 : i32
        %dma_start3A_94 = tpu.memref_slice %arg7[%rem3A_77, %dma_start3A_92, %dma_start3A_93] : memref<2x400x32xf32, #tpu.memory_space<vmem>> -> memref<1x400x32xf32, #tpu.memory_space<vmem>>
        %dma_start3A_95 = tpu.memref_squeeze %dma_start3A_94 : memref<1x400x32xf32, #tpu.memory_space<vmem>> -> memref<400x32xf32, #tpu.memory_space<vmem>>
        %dma_start3A_96 = tpu.memref_slice %arg2[%add3A_82, %mul3A_84] : memref<800000x64xf32, #tpu.memory_space<hbm>> -> memref<400x32xf32, #tpu.memory_space<hbm>>
        tpu.enqueue_dma source(%dma_start3A_96 : memref<400x32xf32, #tpu.memory_space<hbm>>) target(%dma_start3A_95 : memref<400x32xf32, #tpu.memory_space<vmem>>) target_semaphore(%dma_start3A_91 : memref<!tpu.dma_semaphore, #tpu.memory_space<semaphore_mem>>)
        %dma_start3A_97 = arith.constant 0 : i32
        %dma_start3A_98 = tpu.memref_slice %arg6[%rem3A_77, %dma_start3A_97] : memref<2x400xi32, #tpu.memory_space<vmem>> -> memref<1x400xi32, #tpu.memory_space<vmem>>
        %dma_start3A_99 = tpu.memref_squeeze %dma_start3A_98 : memref<1x400xi32, #tpu.memory_space<vmem>> -> memref<400xi32, #tpu.memory_space<vmem>>
        %dma_start3A_100 = tpu.memref_slice %arg3[%add3A_82] : memref<800000xi32, #tpu.memory_space<hbm>> -> memref<400xi32, #tpu.memory_space<hbm>>
        %dma_start3A_101 = tpu.memref_slice %arg10[%rem3A_77] : memref<2x!tpu.dma_semaphore, #tpu.memory_space<semaphore_mem>> -> memref<1x!tpu.dma_semaphore, #tpu.memory_space<semaphore_mem>>
        %dma_start3A_102 = tpu.memref_squeeze %dma_start3A_101 : memref<1x!tpu.dma_semaphore, #tpu.memory_space<semaphore_mem>> -> memref<!tpu.dma_semaphore, #tpu.memory_space<semaphore_mem>>
        %dma_start3A_103 = arith.constant 0 : i32
        %dma_start3A_104 = tpu.memref_slice %arg6[%rem3A_77, %dma_start3A_103] : memref<2x400xi32, #tpu.memory_space<vmem>> -> memref<1x400xi32, #tpu.memory_space<vmem>>
        %dma_start3A_105 = tpu.memref_squeeze %dma_start3A_104 : memref<1x400xi32, #tpu.memory_space<vmem>> -> memref<400xi32, #tpu.memory_space<vmem>>
        %dma_start3A_106 = tpu.memref_slice %arg3[%add3A_82] : memref<800000xi32, #tpu.memory_space<hbm>> -> memref<400xi32, #tpu.memory_space<hbm>>
        tpu.enqueue_dma source(%dma_start3A_106 : memref<400xi32, #tpu.memory_space<hbm>>) target(%dma_start3A_105 : memref<400xi32, #tpu.memory_space<vmem>>) target_semaphore(%dma_start3A_102 : memref<!tpu.dma_semaphore, #tpu.memory_space<semaphore_mem>>)
      } else {
      }
      %mul3A_46 = arith.constant 50000 : i32
      %mul3A_47 = arith.muli %arg1, %mul3A_46 : i32
      %mul3A_48 = arith.constant 400 : i32
      %mul3A_49 = arith.muli %scan3A_39, %mul3A_48 : i32
      %add3A_50 = arith.addi %mul3A_47, %mul3A_49 : i32
      %mul3A_51 = arith.constant 32 : i32
      %mul3A_52 = arith.muli %arg0, %mul3A_51 : i32
      %dma_wait3A = arith.constant 0 : i32
      %dma_wait3A_53 = arith.constant 0 : i32
      %dma_wait3A_54 = tpu.memref_slice %arg7[%rem3A_41, %dma_wait3A, %dma_wait3A_53] : memref<2x400x32xf32, #tpu.memory_space<vmem>> -> memref<1x400x32xf32, #tpu.memory_space<vmem>>
      %dma_wait3A_55 = tpu.memref_squeeze %dma_wait3A_54 : memref<1x400x32xf32, #tpu.memory_space<vmem>> -> memref<400x32xf32, #tpu.memory_space<vmem>>
      %dma_wait3A_56 = tpu.memref_slice %arg2[%add3A_50, %mul3A_52] : memref<800000x64xf32, #tpu.memory_space<hbm>> -> memref<400x32xf32, #tpu.memory_space<hbm>>
      %dma_wait3A_57 = tpu.memref_slice %arg9[%rem3A_41] : memref<2x!tpu.dma_semaphore, #tpu.memory_space<semaphore_mem>> -> memref<1x!tpu.dma_semaphore, #tpu.memory_space<semaphore_mem>>
      %dma_wait3A_58 = tpu.memref_squeeze %dma_wait3A_57 : memref<1x!tpu.dma_semaphore, #tpu.memory_space<semaphore_mem>> -> memref<!tpu.dma_semaphore, #tpu.memory_space<semaphore_mem>>
      %dma_wait3A_59 = arith.constant 0 : i32
      %dma_wait3A_60 = arith.constant 0 : i32
      %dma_wait3A_61 = tpu.memref_slice %arg7[%rem3A_41, %dma_wait3A_59, %dma_wait3A_60] : memref<2x400x32xf32, #tpu.memory_space<vmem>> -> memref<1x400x32xf32, #tpu.memory_space<vmem>>
      %dma_wait3A_62 = tpu.memref_squeeze %dma_wait3A_61 : memref<1x400x32xf32, #tpu.memory_space<vmem>> -> memref<400x32xf32, #tpu.memory_space<vmem>>
      %dma_wait3A_63 = tpu.memref_slice %arg2[%add3A_50, %mul3A_52] : memref<800000x64xf32, #tpu.memory_space<hbm>> -> memref<400x32xf32, #tpu.memory_space<hbm>>
      tpu.wait_dma2 semaphore(%dma_wait3A_58 : memref<!tpu.dma_semaphore, #tpu.memory_space<semaphore_mem>>) src(%dma_wait3A_63 : memref<400x32xf32, #tpu.memory_space<hbm>>) dst(%dma_wait3A_62 : memref<400x32xf32, #tpu.memory_space<vmem>>)
      %dma_wait3A_64 = arith.constant 0 : i32
      %dma_wait3A_65 = tpu.memref_slice %arg6[%rem3A_41, %dma_wait3A_64] : memref<2x400xi32, #tpu.memory_space<vmem>> -> memref<1x400xi32, #tpu.memory_space<vmem>>
      %dma_wait3A_66 = tpu.memref_squeeze %dma_wait3A_65 : memref<1x400xi32, #tpu.memory_space<vmem>> -> memref<400xi32, #tpu.memory_space<vmem>>
      %dma_wait3A_67 = tpu.memref_slice %arg3[%add3A_50] : memref<800000xi32, #tpu.memory_space<hbm>> -> memref<400xi32, #tpu.memory_space<hbm>>
      %dma_wait3A_68 = tpu.memref_slice %arg10[%rem3A_41] : memref<2x!tpu.dma_semaphore, #tpu.memory_space<semaphore_mem>> -> memref<1x!tpu.dma_semaphore, #tpu.memory_space<semaphore_mem>>
      %dma_wait3A_69 = tpu.memref_squeeze %dma_wait3A_68 : memref<1x!tpu.dma_semaphore, #tpu.memory_space<semaphore_mem>> -> memref<!tpu.dma_semaphore, #tpu.memory_space<semaphore_mem>>
      %dma_wait3A_70 = arith.constant 0 : i32
      %dma_wait3A_71 = tpu.memref_slice %arg6[%rem3A_41, %dma_wait3A_70] : memref<2x400xi32, #tpu.memory_space<vmem>> -> memref<1x400xi32, #tpu.memory_space<vmem>>
      %dma_wait3A_72 = tpu.memref_squeeze %dma_wait3A_71 : memref<1x400xi32, #tpu.memory_space<vmem>> -> memref<400xi32, #tpu.memory_space<vmem>>
      %dma_wait3A_73 = tpu.memref_slice %arg3[%add3A_50] : memref<800000xi32, #tpu.memory_space<hbm>> -> memref<400xi32, #tpu.memory_space<hbm>>
      tpu.wait_dma2 semaphore(%dma_wait3A_69 : memref<!tpu.dma_semaphore, #tpu.memory_space<semaphore_mem>>) src(%dma_wait3A_73 : memref<400xi32, #tpu.memory_space<hbm>>) dst(%dma_wait3A_72 : memref<400xi32, #tpu.memory_space<vmem>>)
      "tpu.region"() ({
        %run_scoped3A = tpu.sem_alloc : memref<!tpu.dma_semaphore, #tpu.memory_space<semaphore_mem>>
        %dma_start3A_74 = arith.constant 0 : i32
        %dma_start3A_75 = arith.constant 0 : i32
        %dma_start3A_76 = tpu.memref_slice %arg7[%rem3A_41, %dma_start3A_74, %dma_start3A_75] : memref<2x400x32xf32, #tpu.memory_space<vmem>> -> memref<1x400x32xf32, #tpu.memory_space<vmem>>
        %dma_start3A_77 = tpu.memref_squeeze %dma_start3A_76 : memref<1x400x32xf32, #tpu.memory_space<vmem>> -> memref<400x32xf32, #tpu.memory_space<vmem>>
        %dma_start3A_78 = arith.constant 0 : i32
        %dma_start3A_79 = tpu.memref_slice %arg6[%rem3A_41, %dma_start3A_78] : memref<2x400xi32, #tpu.memory_space<vmem>> -> memref<1x400xi32, #tpu.memory_space<vmem>>
        %dma_start3A_80 = tpu.memref_squeeze %dma_start3A_79 : memref<1x400xi32, #tpu.memory_space<vmem>> -> memref<400xi32, #tpu.memory_space<vmem>>
        %dma_start3A_81 = arith.constant 0 : i32
        %dma_start3A_82 = arith.constant 0 : i32
        %dma_start3A_83 = tpu.memref_slice %arg8[%dma_start3A_81, %dma_start3A_82] : memref<50048x32xf32, #tpu.memory_space<vmem_shared>> -> memref<50048x32xf32, #tpu.memory_space<vmem_shared>>
        tpu.enqueue_indirect_dma source(%dma_start3A_77 : memref<400x32xf32, #tpu.memory_space<vmem>>) target(%dma_start3A_83 : memref<50048x32xf32, #tpu.memory_space<vmem_shared>>) offsets(%dma_start3A_80 : memref<400xi32, #tpu.memory_space<vmem>>) semaphore(%run_scoped3A : memref<!tpu.dma_semaphore, #tpu.memory_space<semaphore_mem>>) {add = true}
        %dma_wait3A_84 = arith.constant 0 : i32
        %dma_wait3A_85 = arith.constant 0 : i32
        %dma_wait3A_86 = tpu.memref_slice %arg7[%rem3A_41, %dma_wait3A_84, %dma_wait3A_85] : memref<2x400x32xf32, #tpu.memory_space<vmem>> -> memref<1x400x32xf32, #tpu.memory_space<vmem>>
        %dma_wait3A_87 = tpu.memref_squeeze %dma_wait3A_86 : memref<1x400x32xf32, #tpu.memory_space<vmem>> -> memref<400x32xf32, #tpu.memory_space<vmem>>
        %dma_wait3A_88 = arith.constant 0 : i32
        %dma_wait3A_89 = tpu.memref_slice %arg6[%rem3A_41, %dma_wait3A_88] : memref<2x400xi32, #tpu.memory_space<vmem>> -> memref<1x400xi32, #tpu.memory_space<vmem>>
        %dma_wait3A_90 = tpu.memref_squeeze %dma_wait3A_89 : memref<1x400xi32, #tpu.memory_space<vmem>> -> memref<400xi32, #tpu.memory_space<vmem>>
        %dma_wait3A_91 = arith.constant 0 : i32
        %dma_wait3A_92 = arith.constant 0 : i32
        %dma_wait3A_93 = tpu.memref_slice %arg8[%dma_wait3A_91, %dma_wait3A_92] : memref<50048x32xf32, #tpu.memory_space<vmem_shared>> -> memref<50048x32xf32, #tpu.memory_space<vmem_shared>>
        tpu.wait_indirect_dma semaphore(%run_scoped3A : memref<!tpu.dma_semaphore, #tpu.memory_space<semaphore_mem>>) src(%dma_wait3A_87 : memref<400x32xf32, #tpu.memory_space<vmem>>) dst(%dma_wait3A_93 : memref<50048x32xf32, #tpu.memory_space<vmem_shared>>)
        tpu.yield
      }) : () -> ()
    }
    %scan3A_33 = arith.constant 125 : i32
    %barrier3A_34 = arith.constant 0 : index
    tpu.barrier barrier_id(%barrier3A_34)
    %mul3A_35 = arith.constant 3128 : i32
    %mul3A_36 = arith.muli %arg1, %mul3A_35 : i32
    %mul3A_37 = arith.constant 3128 : i32
    %mul3A_38 = arith.muli %arg1, %mul3A_37 : i32
    "tpu.region"() ({
      %run_scoped3A = tpu.sem_alloc : memref<!tpu.dma_semaphore, #tpu.memory_space<semaphore_mem>>
      %dma_start3A_39 = arith.constant 0 : i32
      %dma_start3A_40 = tpu.memref_slice %arg5[%arg0, %mul3A_38, %dma_start3A_39] : memref<2x50048x32xf32, #tpu.memory_space<hbm>> -> memref<1x3128x32xf32, #tpu.memory_space<hbm>>
      %dma_start3A_41 = tpu.memref_squeeze %dma_start3A_40 : memref<1x3128x32xf32, #tpu.memory_space<hbm>> -> memref<3128x32xf32, #tpu.memory_space<hbm>>
      %dma_start3A_42 = arith.constant 0 : i32
      %dma_start3A_43 = tpu.memref_slice %arg8[%mul3A_36, %dma_start3A_42] : memref<50048x32xf32, #tpu.memory_space<vmem_shared>> -> memref<3128x32xf32, #tpu.memory_space<vmem_shared>>
      tpu.enqueue_dma source(%dma_start3A_43 : memref<3128x32xf32, #tpu.memory_space<vmem_shared>>) target(%dma_start3A_41 : memref<3128x32xf32, #tpu.memory_space<hbm>>) target_semaphore(%run_scoped3A : memref<!tpu.dma_semaphore, #tpu.memory_space<semaphore_mem>>)
      %dma_wait3A = arith.constant 0 : i32
      %dma_wait3A_44 = tpu.memref_slice %arg5[%arg0, %mul3A_38, %dma_wait3A] : memref<2x50048x32xf32, #tpu.memory_space<hbm>> -> memref<1x3128x32xf32, #tpu.memory_space<hbm>>
      %dma_wait3A_45 = tpu.memref_squeeze %dma_wait3A_44 : memref<1x3128x32xf32, #tpu.memory_space<hbm>> -> memref<3128x32xf32, #tpu.memory_space<hbm>>
      %dma_wait3A_46 = arith.constant 0 : i32
      %dma_wait3A_47 = tpu.memref_slice %arg8[%mul3A_36, %dma_wait3A_46] : memref<50048x32xf32, #tpu.memory_space<vmem_shared>> -> memref<3128x32xf32, #tpu.memory_space<vmem_shared>>
      tpu.wait_dma2 semaphore(%run_scoped3A : memref<!tpu.dma_semaphore, #tpu.memory_space<semaphore_mem>>) src(%dma_wait3A_47 : memref<3128x32xf32, #tpu.memory_space<vmem_shared>>) dst(%dma_wait3A_45 : memref<3128x32xf32, #tpu.memory_space<hbm>>)
      tpu.yield
    }) : () -> ()
    return
  }
}

#map = affine_map<(d0, d1) -> (0, 0)>
#map1 = affine_map<(d0, d1) -> (0, 0, 0)>
module attributes {stable_mosaic.version = 14 : i64} {
  func.func @k(%arg0: i32, %arg1: i32, %arg2: memref<50000x16xf32, #tpu.memory_space<hbm>>, %arg3: memref<4x800000xi32, #tpu.memory_space<hbm>>, %arg4: memref<800x8x1008xf32, #tpu.memory_space<hbm>>, %arg5: memref<4x1000xi32, #tpu.memory_space<vmem>>, %arg6: memref<4x1000x16xf32, #tpu.memory_space<vmem>>, %arg7: memref<8x1008xf32, #tpu.memory_space<vmem>>, %arg8: memref<4x!tpu.dma_semaphore, #tpu.memory_space<semaphore_mem>>) attributes {dimension_semantics = [#tpu.dimension_semantics<core_parallel>, #tpu.dimension_semantics<subcore_parallel>], iteration_bounds = array<i64: 2, 16>, scalar_prefetch = 0 : i64, scratch_operands = 4 : i64, tpu.core_type = #tpu.core_type<sc_vector_subcore>, window_params = [{transform_indices = #map}, {transform_indices = #map}, {transform_indices = #map1}]} {
    %mul3A = arith.constant 2 : i32
    %mul3A_0 = arith.muli %arg1, %mul3A : i32
    %add3A = arith.addi %mul3A_0, %arg0 : i32
    %scan3A = arith.constant 0 : i32
    %scan3A_1 = arith.constant 0 : i32
    %scan3A_2 = arith.constant 25 : i32
    %scan3A_3 = arith.addi %scan3A_1, %scan3A_2 : i32
    %scan3A_4 = arith.constant 1 : i32
    scf.for %scan3A_6 = %scan3A_1 to %scan3A_3 step %scan3A_4  : i32 {
      %mul3A_7 = arith.constant 25000 : i32
      %mul3A_8 = arith.muli %add3A, %mul3A_7 : i32
      %mul3A_9 = arith.constant 1000 : i32
      %mul3A_10 = arith.muli %scan3A_6, %mul3A_9 : i32
      %add3A_11 = arith.addi %mul3A_8, %mul3A_10 : i32
      %run_scoped3A = arith.constant 0 : i32
      %run_scoped3A_12 = arith.constant 0 : i32
      "tpu.region"() ({
        %run_scoped3A_146 = tpu.sem_alloc : memref<!tpu.dma_semaphore, #tpu.memory_space<semaphore_mem>>
        %dma_start3A_147 = arith.constant 0 : i32
        %dma_start3A_148 = tpu.memref_slice %arg5[%run_scoped3A_12, %dma_start3A_147] : memref<4x1000xi32, #tpu.memory_space<vmem>> -> memref<1x1000xi32, #tpu.memory_space<vmem>>
        %dma_start3A_149 = tpu.memref_squeeze %dma_start3A_148 : memref<1x1000xi32, #tpu.memory_space<vmem>> -> memref<1000xi32, #tpu.memory_space<vmem>>
        %dma_start3A_150 = tpu.memref_slice %arg3[%run_scoped3A, %add3A_11] : memref<4x800000xi32, #tpu.memory_space<hbm>> -> memref<1x1000xi32, #tpu.memory_space<hbm>>
        %dma_start3A_151 = tpu.memref_squeeze %dma_start3A_150 : memref<1x1000xi32, #tpu.memory_space<hbm>> -> memref<1000xi32, #tpu.memory_space<hbm>>
        %dma_start3A_152 = arith.constant 0 : i32
        %dma_start3A_153 = tpu.memref_slice %arg5[%run_scoped3A_12, %dma_start3A_152] : memref<4x1000xi32, #tpu.memory_space<vmem>> -> memref<1x1000xi32, #tpu.memory_space<vmem>>
        %dma_start3A_154 = tpu.memref_squeeze %dma_start3A_153 : memref<1x1000xi32, #tpu.memory_space<vmem>> -> memref<1000xi32, #tpu.memory_space<vmem>>
        %dma_start3A_155 = tpu.memref_slice %arg3[%run_scoped3A, %add3A_11] : memref<4x800000xi32, #tpu.memory_space<hbm>> -> memref<1x1000xi32, #tpu.memory_space<hbm>>
        %dma_start3A_156 = tpu.memref_squeeze %dma_start3A_155 : memref<1x1000xi32, #tpu.memory_space<hbm>> -> memref<1000xi32, #tpu.memory_space<hbm>>
        tpu.enqueue_dma source(%dma_start3A_156 : memref<1000xi32, #tpu.memory_space<hbm>>) target(%dma_start3A_154 : memref<1000xi32, #tpu.memory_space<vmem>>) target_semaphore(%run_scoped3A_146 : memref<!tpu.dma_semaphore, #tpu.memory_space<semaphore_mem>>)
        %dma_wait3A_157 = arith.constant 0 : i32
        %dma_wait3A_158 = tpu.memref_slice %arg5[%run_scoped3A_12, %dma_wait3A_157] : memref<4x1000xi32, #tpu.memory_space<vmem>> -> memref<1x1000xi32, #tpu.memory_space<vmem>>
        %dma_wait3A_159 = tpu.memref_squeeze %dma_wait3A_158 : memref<1x1000xi32, #tpu.memory_space<vmem>> -> memref<1000xi32, #tpu.memory_space<vmem>>
        %dma_wait3A_160 = tpu.memref_slice %arg3[%run_scoped3A, %add3A_11] : memref<4x800000xi32, #tpu.memory_space<hbm>> -> memref<1x1000xi32, #tpu.memory_space<hbm>>
        %dma_wait3A_161 = tpu.memref_squeeze %dma_wait3A_160 : memref<1x1000xi32, #tpu.memory_space<hbm>> -> memref<1000xi32, #tpu.memory_space<hbm>>
        %dma_wait3A_162 = arith.constant 0 : i32
        %dma_wait3A_163 = tpu.memref_slice %arg5[%run_scoped3A_12, %dma_wait3A_162] : memref<4x1000xi32, #tpu.memory_space<vmem>> -> memref<1x1000xi32, #tpu.memory_space<vmem>>
        %dma_wait3A_164 = tpu.memref_squeeze %dma_wait3A_163 : memref<1x1000xi32, #tpu.memory_space<vmem>> -> memref<1000xi32, #tpu.memory_space<vmem>>
        %dma_wait3A_165 = tpu.memref_slice %arg3[%run_scoped3A, %add3A_11] : memref<4x800000xi32, #tpu.memory_space<hbm>> -> memref<1x1000xi32, #tpu.memory_space<hbm>>
        %dma_wait3A_166 = tpu.memref_squeeze %dma_wait3A_165 : memref<1x1000xi32, #tpu.memory_space<hbm>> -> memref<1000xi32, #tpu.memory_space<hbm>>
        tpu.wait_dma2 semaphore(%run_scoped3A_146 : memref<!tpu.dma_semaphore, #tpu.memory_space<semaphore_mem>>) src(%dma_wait3A_166 : memref<1000xi32, #tpu.memory_space<hbm>>) dst(%dma_wait3A_164 : memref<1000xi32, #tpu.memory_space<vmem>>)
        tpu.yield
      }) : () -> ()
      %run_scoped3A_13 = arith.constant 1 : i32
      %run_scoped3A_14 = arith.constant 1 : i32
      "tpu.region"() ({
        %run_scoped3A_146 = tpu.sem_alloc : memref<!tpu.dma_semaphore, #tpu.memory_space<semaphore_mem>>
        %dma_start3A_147 = arith.constant 0 : i32
        %dma_start3A_148 = tpu.memref_slice %arg5[%run_scoped3A_14, %dma_start3A_147] : memref<4x1000xi32, #tpu.memory_space<vmem>> -> memref<1x1000xi32, #tpu.memory_space<vmem>>
        %dma_start3A_149 = tpu.memref_squeeze %dma_start3A_148 : memref<1x1000xi32, #tpu.memory_space<vmem>> -> memref<1000xi32, #tpu.memory_space<vmem>>
        %dma_start3A_150 = tpu.memref_slice %arg3[%run_scoped3A_13, %add3A_11] : memref<4x800000xi32, #tpu.memory_space<hbm>> -> memref<1x1000xi32, #tpu.memory_space<hbm>>
        %dma_start3A_151 = tpu.memref_squeeze %dma_start3A_150 : memref<1x1000xi32, #tpu.memory_space<hbm>> -> memref<1000xi32, #tpu.memory_space<hbm>>
        %dma_start3A_152 = arith.constant 0 : i32
        %dma_start3A_153 = tpu.memref_slice %arg5[%run_scoped3A_14, %dma_start3A_152] : memref<4x1000xi32, #tpu.memory_space<vmem>> -> memref<1x1000xi32, #tpu.memory_space<vmem>>
        %dma_start3A_154 = tpu.memref_squeeze %dma_start3A_153 : memref<1x1000xi32, #tpu.memory_space<vmem>> -> memref<1000xi32, #tpu.memory_space<vmem>>
        %dma_start3A_155 = tpu.memref_slice %arg3[%run_scoped3A_13, %add3A_11] : memref<4x800000xi32, #tpu.memory_space<hbm>> -> memref<1x1000xi32, #tpu.memory_space<hbm>>
        %dma_start3A_156 = tpu.memref_squeeze %dma_start3A_155 : memref<1x1000xi32, #tpu.memory_space<hbm>> -> memref<1000xi32, #tpu.memory_space<hbm>>
        tpu.enqueue_dma source(%dma_start3A_156 : memref<1000xi32, #tpu.memory_space<hbm>>) target(%dma_start3A_154 : memref<1000xi32, #tpu.memory_space<vmem>>) target_semaphore(%run_scoped3A_146 : memref<!tpu.dma_semaphore, #tpu.memory_space<semaphore_mem>>)
        %dma_wait3A_157 = arith.constant 0 : i32
        %dma_wait3A_158 = tpu.memref_slice %arg5[%run_scoped3A_14, %dma_wait3A_157] : memref<4x1000xi32, #tpu.memory_space<vmem>> -> memref<1x1000xi32, #tpu.memory_space<vmem>>
        %dma_wait3A_159 = tpu.memref_squeeze %dma_wait3A_158 : memref<1x1000xi32, #tpu.memory_space<vmem>> -> memref<1000xi32, #tpu.memory_space<vmem>>
        %dma_wait3A_160 = tpu.memref_slice %arg3[%run_scoped3A_13, %add3A_11] : memref<4x800000xi32, #tpu.memory_space<hbm>> -> memref<1x1000xi32, #tpu.memory_space<hbm>>
        %dma_wait3A_161 = tpu.memref_squeeze %dma_wait3A_160 : memref<1x1000xi32, #tpu.memory_space<hbm>> -> memref<1000xi32, #tpu.memory_space<hbm>>
        %dma_wait3A_162 = arith.constant 0 : i32
        %dma_wait3A_163 = tpu.memref_slice %arg5[%run_scoped3A_14, %dma_wait3A_162] : memref<4x1000xi32, #tpu.memory_space<vmem>> -> memref<1x1000xi32, #tpu.memory_space<vmem>>
        %dma_wait3A_164 = tpu.memref_squeeze %dma_wait3A_163 : memref<1x1000xi32, #tpu.memory_space<vmem>> -> memref<1000xi32, #tpu.memory_space<vmem>>
        %dma_wait3A_165 = tpu.memref_slice %arg3[%run_scoped3A_13, %add3A_11] : memref<4x800000xi32, #tpu.memory_space<hbm>> -> memref<1x1000xi32, #tpu.memory_space<hbm>>
        %dma_wait3A_166 = tpu.memref_squeeze %dma_wait3A_165 : memref<1x1000xi32, #tpu.memory_space<hbm>> -> memref<1000xi32, #tpu.memory_space<hbm>>
        tpu.wait_dma2 semaphore(%run_scoped3A_146 : memref<!tpu.dma_semaphore, #tpu.memory_space<semaphore_mem>>) src(%dma_wait3A_166 : memref<1000xi32, #tpu.memory_space<hbm>>) dst(%dma_wait3A_164 : memref<1000xi32, #tpu.memory_space<vmem>>)
        tpu.yield
      }) : () -> ()
      %run_scoped3A_15 = arith.constant 2 : i32
      %run_scoped3A_16 = arith.constant 2 : i32
      "tpu.region"() ({
        %run_scoped3A_146 = tpu.sem_alloc : memref<!tpu.dma_semaphore, #tpu.memory_space<semaphore_mem>>
        %dma_start3A_147 = arith.constant 0 : i32
        %dma_start3A_148 = tpu.memref_slice %arg5[%run_scoped3A_16, %dma_start3A_147] : memref<4x1000xi32, #tpu.memory_space<vmem>> -> memref<1x1000xi32, #tpu.memory_space<vmem>>
        %dma_start3A_149 = tpu.memref_squeeze %dma_start3A_148 : memref<1x1000xi32, #tpu.memory_space<vmem>> -> memref<1000xi32, #tpu.memory_space<vmem>>
        %dma_start3A_150 = tpu.memref_slice %arg3[%run_scoped3A_15, %add3A_11] : memref<4x800000xi32, #tpu.memory_space<hbm>> -> memref<1x1000xi32, #tpu.memory_space<hbm>>
        %dma_start3A_151 = tpu.memref_squeeze %dma_start3A_150 : memref<1x1000xi32, #tpu.memory_space<hbm>> -> memref<1000xi32, #tpu.memory_space<hbm>>
        %dma_start3A_152 = arith.constant 0 : i32
        %dma_start3A_153 = tpu.memref_slice %arg5[%run_scoped3A_16, %dma_start3A_152] : memref<4x1000xi32, #tpu.memory_space<vmem>> -> memref<1x1000xi32, #tpu.memory_space<vmem>>
        %dma_start3A_154 = tpu.memref_squeeze %dma_start3A_153 : memref<1x1000xi32, #tpu.memory_space<vmem>> -> memref<1000xi32, #tpu.memory_space<vmem>>
        %dma_start3A_155 = tpu.memref_slice %arg3[%run_scoped3A_15, %add3A_11] : memref<4x800000xi32, #tpu.memory_space<hbm>> -> memref<1x1000xi32, #tpu.memory_space<hbm>>
        %dma_start3A_156 = tpu.memref_squeeze %dma_start3A_155 : memref<1x1000xi32, #tpu.memory_space<hbm>> -> memref<1000xi32, #tpu.memory_space<hbm>>
        tpu.enqueue_dma source(%dma_start3A_156 : memref<1000xi32, #tpu.memory_space<hbm>>) target(%dma_start3A_154 : memref<1000xi32, #tpu.memory_space<vmem>>) target_semaphore(%run_scoped3A_146 : memref<!tpu.dma_semaphore, #tpu.memory_space<semaphore_mem>>)
        %dma_wait3A_157 = arith.constant 0 : i32
        %dma_wait3A_158 = tpu.memref_slice %arg5[%run_scoped3A_16, %dma_wait3A_157] : memref<4x1000xi32, #tpu.memory_space<vmem>> -> memref<1x1000xi32, #tpu.memory_space<vmem>>
        %dma_wait3A_159 = tpu.memref_squeeze %dma_wait3A_158 : memref<1x1000xi32, #tpu.memory_space<vmem>> -> memref<1000xi32, #tpu.memory_space<vmem>>
        %dma_wait3A_160 = tpu.memref_slice %arg3[%run_scoped3A_15, %add3A_11] : memref<4x800000xi32, #tpu.memory_space<hbm>> -> memref<1x1000xi32, #tpu.memory_space<hbm>>
        %dma_wait3A_161 = tpu.memref_squeeze %dma_wait3A_160 : memref<1x1000xi32, #tpu.memory_space<hbm>> -> memref<1000xi32, #tpu.memory_space<hbm>>
        %dma_wait3A_162 = arith.constant 0 : i32
        %dma_wait3A_163 = tpu.memref_slice %arg5[%run_scoped3A_16, %dma_wait3A_162] : memref<4x1000xi32, #tpu.memory_space<vmem>> -> memref<1x1000xi32, #tpu.memory_space<vmem>>
        %dma_wait3A_164 = tpu.memref_squeeze %dma_wait3A_163 : memref<1x1000xi32, #tpu.memory_space<vmem>> -> memref<1000xi32, #tpu.memory_space<vmem>>
        %dma_wait3A_165 = tpu.memref_slice %arg3[%run_scoped3A_15, %add3A_11] : memref<4x800000xi32, #tpu.memory_space<hbm>> -> memref<1x1000xi32, #tpu.memory_space<hbm>>
        %dma_wait3A_166 = tpu.memref_squeeze %dma_wait3A_165 : memref<1x1000xi32, #tpu.memory_space<hbm>> -> memref<1000xi32, #tpu.memory_space<hbm>>
        tpu.wait_dma2 semaphore(%run_scoped3A_146 : memref<!tpu.dma_semaphore, #tpu.memory_space<semaphore_mem>>) src(%dma_wait3A_166 : memref<1000xi32, #tpu.memory_space<hbm>>) dst(%dma_wait3A_164 : memref<1000xi32, #tpu.memory_space<vmem>>)
        tpu.yield
      }) : () -> ()
      %run_scoped3A_17 = arith.constant 3 : i32
      %run_scoped3A_18 = arith.constant 3 : i32
      "tpu.region"() ({
        %run_scoped3A_146 = tpu.sem_alloc : memref<!tpu.dma_semaphore, #tpu.memory_space<semaphore_mem>>
        %dma_start3A_147 = arith.constant 0 : i32
        %dma_start3A_148 = tpu.memref_slice %arg5[%run_scoped3A_18, %dma_start3A_147] : memref<4x1000xi32, #tpu.memory_space<vmem>> -> memref<1x1000xi32, #tpu.memory_space<vmem>>
        %dma_start3A_149 = tpu.memref_squeeze %dma_start3A_148 : memref<1x1000xi32, #tpu.memory_space<vmem>> -> memref<1000xi32, #tpu.memory_space<vmem>>
        %dma_start3A_150 = tpu.memref_slice %arg3[%run_scoped3A_17, %add3A_11] : memref<4x800000xi32, #tpu.memory_space<hbm>> -> memref<1x1000xi32, #tpu.memory_space<hbm>>
        %dma_start3A_151 = tpu.memref_squeeze %dma_start3A_150 : memref<1x1000xi32, #tpu.memory_space<hbm>> -> memref<1000xi32, #tpu.memory_space<hbm>>
        %dma_start3A_152 = arith.constant 0 : i32
        %dma_start3A_153 = tpu.memref_slice %arg5[%run_scoped3A_18, %dma_start3A_152] : memref<4x1000xi32, #tpu.memory_space<vmem>> -> memref<1x1000xi32, #tpu.memory_space<vmem>>
        %dma_start3A_154 = tpu.memref_squeeze %dma_start3A_153 : memref<1x1000xi32, #tpu.memory_space<vmem>> -> memref<1000xi32, #tpu.memory_space<vmem>>
        %dma_start3A_155 = tpu.memref_slice %arg3[%run_scoped3A_17, %add3A_11] : memref<4x800000xi32, #tpu.memory_space<hbm>> -> memref<1x1000xi32, #tpu.memory_space<hbm>>
        %dma_start3A_156 = tpu.memref_squeeze %dma_start3A_155 : memref<1x1000xi32, #tpu.memory_space<hbm>> -> memref<1000xi32, #tpu.memory_space<hbm>>
        tpu.enqueue_dma source(%dma_start3A_156 : memref<1000xi32, #tpu.memory_space<hbm>>) target(%dma_start3A_154 : memref<1000xi32, #tpu.memory_space<vmem>>) target_semaphore(%run_scoped3A_146 : memref<!tpu.dma_semaphore, #tpu.memory_space<semaphore_mem>>)
        %dma_wait3A_157 = arith.constant 0 : i32
        %dma_wait3A_158 = tpu.memref_slice %arg5[%run_scoped3A_18, %dma_wait3A_157] : memref<4x1000xi32, #tpu.memory_space<vmem>> -> memref<1x1000xi32, #tpu.memory_space<vmem>>
        %dma_wait3A_159 = tpu.memref_squeeze %dma_wait3A_158 : memref<1x1000xi32, #tpu.memory_space<vmem>> -> memref<1000xi32, #tpu.memory_space<vmem>>
        %dma_wait3A_160 = tpu.memref_slice %arg3[%run_scoped3A_17, %add3A_11] : memref<4x800000xi32, #tpu.memory_space<hbm>> -> memref<1x1000xi32, #tpu.memory_space<hbm>>
        %dma_wait3A_161 = tpu.memref_squeeze %dma_wait3A_160 : memref<1x1000xi32, #tpu.memory_space<hbm>> -> memref<1000xi32, #tpu.memory_space<hbm>>
        %dma_wait3A_162 = arith.constant 0 : i32
        %dma_wait3A_163 = tpu.memref_slice %arg5[%run_scoped3A_18, %dma_wait3A_162] : memref<4x1000xi32, #tpu.memory_space<vmem>> -> memref<1x1000xi32, #tpu.memory_space<vmem>>
        %dma_wait3A_164 = tpu.memref_squeeze %dma_wait3A_163 : memref<1x1000xi32, #tpu.memory_space<vmem>> -> memref<1000xi32, #tpu.memory_space<vmem>>
        %dma_wait3A_165 = tpu.memref_slice %arg3[%run_scoped3A_17, %add3A_11] : memref<4x800000xi32, #tpu.memory_space<hbm>> -> memref<1x1000xi32, #tpu.memory_space<hbm>>
        %dma_wait3A_166 = tpu.memref_squeeze %dma_wait3A_165 : memref<1x1000xi32, #tpu.memory_space<hbm>> -> memref<1000xi32, #tpu.memory_space<hbm>>
        tpu.wait_dma2 semaphore(%run_scoped3A_146 : memref<!tpu.dma_semaphore, #tpu.memory_space<semaphore_mem>>) src(%dma_wait3A_166 : memref<1000xi32, #tpu.memory_space<hbm>>) dst(%dma_wait3A_164 : memref<1000xi32, #tpu.memory_space<vmem>>)
        tpu.yield
      }) : () -> ()
      %dma_start3A = arith.constant 0 : i32
      %dma_start3A_19 = arith.constant 0 : i32
      %dma_start3A_20 = arith.constant 0 : i32
      %dma_start3A_21 = arith.constant 0 : i32
      %dma_start3A_22 = arith.constant 0 : i32
      %dma_start3A_23 = tpu.memref_slice %arg6[%dma_start3A_19, %dma_start3A_21, %dma_start3A_22] : memref<4x1000x16xf32, #tpu.memory_space<vmem>> -> memref<1x1000x16xf32, #tpu.memory_space<vmem>>
      %dma_start3A_24 = tpu.memref_squeeze %dma_start3A_23 : memref<1x1000x16xf32, #tpu.memory_space<vmem>> -> memref<1000x16xf32, #tpu.memory_space<vmem>>
      %dma_start3A_25 = arith.constant 0 : i32
      %dma_start3A_26 = tpu.memref_slice %arg5[%dma_start3A, %dma_start3A_25] : memref<4x1000xi32, #tpu.memory_space<vmem>> -> memref<1x1000xi32, #tpu.memory_space<vmem>>
      %dma_start3A_27 = tpu.memref_squeeze %dma_start3A_26 : memref<1x1000xi32, #tpu.memory_space<vmem>> -> memref<1000xi32, #tpu.memory_space<vmem>>
      %dma_start3A_28 = arith.constant 0 : i32
      %dma_start3A_29 = arith.constant 0 : i32
      %dma_start3A_30 = tpu.memref_slice %arg2[%dma_start3A_28, %dma_start3A_29] : memref<50000x16xf32, #tpu.memory_space<hbm>> -> memref<50000x16xf32, #tpu.memory_space<hbm>>
      %dma_start3A_31 = tpu.memref_slice %arg8[%dma_start3A_20] : memref<4x!tpu.dma_semaphore, #tpu.memory_space<semaphore_mem>> -> memref<1x!tpu.dma_semaphore, #tpu.memory_space<semaphore_mem>>
      %dma_start3A_32 = tpu.memref_squeeze %dma_start3A_31 : memref<1x!tpu.dma_semaphore, #tpu.memory_space<semaphore_mem>> -> memref<!tpu.dma_semaphore, #tpu.memory_space<semaphore_mem>>
      tpu.enqueue_indirect_dma source(%dma_start3A_30 : memref<50000x16xf32, #tpu.memory_space<hbm>>) target(%dma_start3A_24 : memref<1000x16xf32, #tpu.memory_space<vmem>>) offsets(%dma_start3A_27 : memref<1000xi32, #tpu.memory_space<vmem>>) semaphore(%dma_start3A_32 : memref<!tpu.dma_semaphore, #tpu.memory_space<semaphore_mem>>)
      %dma_start3A_33 = arith.constant 1 : i32
      %dma_start3A_34 = arith.constant 1 : i32
      %dma_start3A_35 = arith.constant 1 : i32
      %dma_start3A_36 = arith.constant 0 : i32
      %dma_start3A_37 = arith.constant 0 : i32
      %dma_start3A_38 = tpu.memref_slice %arg6[%dma_start3A_34, %dma_start3A_36, %dma_start3A_37] : memref<4x1000x16xf32, #tpu.memory_space<vmem>> -> memref<1x1000x16xf32, #tpu.memory_space<vmem>>
      %dma_start3A_39 = tpu.memref_squeeze %dma_start3A_38 : memref<1x1000x16xf32, #tpu.memory_space<vmem>> -> memref<1000x16xf32, #tpu.memory_space<vmem>>
      %dma_start3A_40 = arith.constant 0 : i32
      %dma_start3A_41 = tpu.memref_slice %arg5[%dma_start3A_33, %dma_start3A_40] : memref<4x1000xi32, #tpu.memory_space<vmem>> -> memref<1x1000xi32, #tpu.memory_space<vmem>>
      %dma_start3A_42 = tpu.memref_squeeze %dma_start3A_41 : memref<1x1000xi32, #tpu.memory_space<vmem>> -> memref<1000xi32, #tpu.memory_space<vmem>>
      %dma_start3A_43 = arith.constant 0 : i32
      %dma_start3A_44 = arith.constant 0 : i32
      %dma_start3A_45 = tpu.memref_slice %arg2[%dma_start3A_43, %dma_start3A_44] : memref<50000x16xf32, #tpu.memory_space<hbm>> -> memref<50000x16xf32, #tpu.memory_space<hbm>>
      %dma_start3A_46 = tpu.memref_slice %arg8[%dma_start3A_35] : memref<4x!tpu.dma_semaphore, #tpu.memory_space<semaphore_mem>> -> memref<1x!tpu.dma_semaphore, #tpu.memory_space<semaphore_mem>>
      %dma_start3A_47 = tpu.memref_squeeze %dma_start3A_46 : memref<1x!tpu.dma_semaphore, #tpu.memory_space<semaphore_mem>> -> memref<!tpu.dma_semaphore, #tpu.memory_space<semaphore_mem>>
      tpu.enqueue_indirect_dma source(%dma_start3A_45 : memref<50000x16xf32, #tpu.memory_space<hbm>>) target(%dma_start3A_39 : memref<1000x16xf32, #tpu.memory_space<vmem>>) offsets(%dma_start3A_42 : memref<1000xi32, #tpu.memory_space<vmem>>) semaphore(%dma_start3A_47 : memref<!tpu.dma_semaphore, #tpu.memory_space<semaphore_mem>>)
      %dma_start3A_48 = arith.constant 2 : i32
      %dma_start3A_49 = arith.constant 2 : i32
      %dma_start3A_50 = arith.constant 2 : i32
      %dma_start3A_51 = arith.constant 0 : i32
      %dma_start3A_52 = arith.constant 0 : i32
      %dma_start3A_53 = tpu.memref_slice %arg6[%dma_start3A_49, %dma_start3A_51, %dma_start3A_52] : memref<4x1000x16xf32, #tpu.memory_space<vmem>> -> memref<1x1000x16xf32, #tpu.memory_space<vmem>>
      %dma_start3A_54 = tpu.memref_squeeze %dma_start3A_53 : memref<1x1000x16xf32, #tpu.memory_space<vmem>> -> memref<1000x16xf32, #tpu.memory_space<vmem>>
      %dma_start3A_55 = arith.constant 0 : i32
      %dma_start3A_56 = tpu.memref_slice %arg5[%dma_start3A_48, %dma_start3A_55] : memref<4x1000xi32, #tpu.memory_space<vmem>> -> memref<1x1000xi32, #tpu.memory_space<vmem>>
      %dma_start3A_57 = tpu.memref_squeeze %dma_start3A_56 : memref<1x1000xi32, #tpu.memory_space<vmem>> -> memref<1000xi32, #tpu.memory_space<vmem>>
      %dma_start3A_58 = arith.constant 0 : i32
      %dma_start3A_59 = arith.constant 0 : i32
      %dma_start3A_60 = tpu.memref_slice %arg2[%dma_start3A_58, %dma_start3A_59] : memref<50000x16xf32, #tpu.memory_space<hbm>> -> memref<50000x16xf32, #tpu.memory_space<hbm>>
      %dma_start3A_61 = tpu.memref_slice %arg8[%dma_start3A_50] : memref<4x!tpu.dma_semaphore, #tpu.memory_space<semaphore_mem>> -> memref<1x!tpu.dma_semaphore, #tpu.memory_space<semaphore_mem>>
      %dma_start3A_62 = tpu.memref_squeeze %dma_start3A_61 : memref<1x!tpu.dma_semaphore, #tpu.memory_space<semaphore_mem>> -> memref<!tpu.dma_semaphore, #tpu.memory_space<semaphore_mem>>
      tpu.enqueue_indirect_dma source(%dma_start3A_60 : memref<50000x16xf32, #tpu.memory_space<hbm>>) target(%dma_start3A_54 : memref<1000x16xf32, #tpu.memory_space<vmem>>) offsets(%dma_start3A_57 : memref<1000xi32, #tpu.memory_space<vmem>>) semaphore(%dma_start3A_62 : memref<!tpu.dma_semaphore, #tpu.memory_space<semaphore_mem>>)
      %dma_start3A_63 = arith.constant 3 : i32
      %dma_start3A_64 = arith.constant 3 : i32
      %dma_start3A_65 = arith.constant 3 : i32
      %dma_start3A_66 = arith.constant 0 : i32
      %dma_start3A_67 = arith.constant 0 : i32
      %dma_start3A_68 = tpu.memref_slice %arg6[%dma_start3A_64, %dma_start3A_66, %dma_start3A_67] : memref<4x1000x16xf32, #tpu.memory_space<vmem>> -> memref<1x1000x16xf32, #tpu.memory_space<vmem>>
      %dma_start3A_69 = tpu.memref_squeeze %dma_start3A_68 : memref<1x1000x16xf32, #tpu.memory_space<vmem>> -> memref<1000x16xf32, #tpu.memory_space<vmem>>
      %dma_start3A_70 = arith.constant 0 : i32
      %dma_start3A_71 = tpu.memref_slice %arg5[%dma_start3A_63, %dma_start3A_70] : memref<4x1000xi32, #tpu.memory_space<vmem>> -> memref<1x1000xi32, #tpu.memory_space<vmem>>
      %dma_start3A_72 = tpu.memref_squeeze %dma_start3A_71 : memref<1x1000xi32, #tpu.memory_space<vmem>> -> memref<1000xi32, #tpu.memory_space<vmem>>
      %dma_start3A_73 = arith.constant 0 : i32
      %dma_start3A_74 = arith.constant 0 : i32
      %dma_start3A_75 = tpu.memref_slice %arg2[%dma_start3A_73, %dma_start3A_74] : memref<50000x16xf32, #tpu.memory_space<hbm>> -> memref<50000x16xf32, #tpu.memory_space<hbm>>
      %dma_start3A_76 = tpu.memref_slice %arg8[%dma_start3A_65] : memref<4x!tpu.dma_semaphore, #tpu.memory_space<semaphore_mem>> -> memref<1x!tpu.dma_semaphore, #tpu.memory_space<semaphore_mem>>
      %dma_start3A_77 = tpu.memref_squeeze %dma_start3A_76 : memref<1x!tpu.dma_semaphore, #tpu.memory_space<semaphore_mem>> -> memref<!tpu.dma_semaphore, #tpu.memory_space<semaphore_mem>>
      tpu.enqueue_indirect_dma source(%dma_start3A_75 : memref<50000x16xf32, #tpu.memory_space<hbm>>) target(%dma_start3A_69 : memref<1000x16xf32, #tpu.memory_space<vmem>>) offsets(%dma_start3A_72 : memref<1000xi32, #tpu.memory_space<vmem>>) semaphore(%dma_start3A_77 : memref<!tpu.dma_semaphore, #tpu.memory_space<semaphore_mem>>)
      %dma_wait3A = arith.constant 0 : i32
      %dma_wait3A_78 = arith.constant 0 : i32
      %dma_wait3A_79 = arith.constant 0 : i32
      %dma_wait3A_80 = arith.constant 0 : i32
      %dma_wait3A_81 = arith.constant 0 : i32
      %dma_wait3A_82 = tpu.memref_slice %arg6[%dma_wait3A_78, %dma_wait3A_80, %dma_wait3A_81] : memref<4x1000x16xf32, #tpu.memory_space<vmem>> -> memref<1x1000x16xf32, #tpu.memory_space<vmem>>
      %dma_wait3A_83 = tpu.memref_squeeze %dma_wait3A_82 : memref<1x1000x16xf32, #tpu.memory_space<vmem>> -> memref<1000x16xf32, #tpu.memory_space<vmem>>
      %dma_wait3A_84 = arith.constant 0 : i32
      %dma_wait3A_85 = tpu.memref_slice %arg5[%dma_wait3A, %dma_wait3A_84] : memref<4x1000xi32, #tpu.memory_space<vmem>> -> memref<1x1000xi32, #tpu.memory_space<vmem>>
      %dma_wait3A_86 = tpu.memref_squeeze %dma_wait3A_85 : memref<1x1000xi32, #tpu.memory_space<vmem>> -> memref<1000xi32, #tpu.memory_space<vmem>>
      %dma_wait3A_87 = arith.constant 0 : i32
      %dma_wait3A_88 = arith.constant 0 : i32
      %dma_wait3A_89 = tpu.memref_slice %arg2[%dma_wait3A_87, %dma_wait3A_88] : memref<50000x16xf32, #tpu.memory_space<hbm>> -> memref<50000x16xf32, #tpu.memory_space<hbm>>
      %dma_wait3A_90 = tpu.memref_slice %arg8[%dma_wait3A_79] : memref<4x!tpu.dma_semaphore, #tpu.memory_space<semaphore_mem>> -> memref<1x!tpu.dma_semaphore, #tpu.memory_space<semaphore_mem>>
      %dma_wait3A_91 = tpu.memref_squeeze %dma_wait3A_90 : memref<1x!tpu.dma_semaphore, #tpu.memory_space<semaphore_mem>> -> memref<!tpu.dma_semaphore, #tpu.memory_space<semaphore_mem>>
      tpu.wait_indirect_dma semaphore(%dma_wait3A_91 : memref<!tpu.dma_semaphore, #tpu.memory_space<semaphore_mem>>) src(%dma_wait3A_89 : memref<50000x16xf32, #tpu.memory_space<hbm>>) dst(%dma_wait3A_83 : memref<1000x16xf32, #tpu.memory_space<vmem>>)
      %dma_wait3A_92 = arith.constant 1 : i32
      %dma_wait3A_93 = arith.constant 1 : i32
      %dma_wait3A_94 = arith.constant 1 : i32
      %dma_wait3A_95 = arith.constant 0 : i32
      %dma_wait3A_96 = arith.constant 0 : i32
      %dma_wait3A_97 = tpu.memref_slice %arg6[%dma_wait3A_93, %dma_wait3A_95, %dma_wait3A_96] : memref<4x1000x16xf32, #tpu.memory_space<vmem>> -> memref<1x1000x16xf32, #tpu.memory_space<vmem>>
      %dma_wait3A_98 = tpu.memref_squeeze %dma_wait3A_97 : memref<1x1000x16xf32, #tpu.memory_space<vmem>> -> memref<1000x16xf32, #tpu.memory_space<vmem>>
      %dma_wait3A_99 = arith.constant 0 : i32
      %dma_wait3A_100 = tpu.memref_slice %arg5[%dma_wait3A_92, %dma_wait3A_99] : memref<4x1000xi32, #tpu.memory_space<vmem>> -> memref<1x1000xi32, #tpu.memory_space<vmem>>
      %dma_wait3A_101 = tpu.memref_squeeze %dma_wait3A_100 : memref<1x1000xi32, #tpu.memory_space<vmem>> -> memref<1000xi32, #tpu.memory_space<vmem>>
      %dma_wait3A_102 = arith.constant 0 : i32
      %dma_wait3A_103 = arith.constant 0 : i32
      %dma_wait3A_104 = tpu.memref_slice %arg2[%dma_wait3A_102, %dma_wait3A_103] : memref<50000x16xf32, #tpu.memory_space<hbm>> -> memref<50000x16xf32, #tpu.memory_space<hbm>>
      %dma_wait3A_105 = tpu.memref_slice %arg8[%dma_wait3A_94] : memref<4x!tpu.dma_semaphore, #tpu.memory_space<semaphore_mem>> -> memref<1x!tpu.dma_semaphore, #tpu.memory_space<semaphore_mem>>
      %dma_wait3A_106 = tpu.memref_squeeze %dma_wait3A_105 : memref<1x!tpu.dma_semaphore, #tpu.memory_space<semaphore_mem>> -> memref<!tpu.dma_semaphore, #tpu.memory_space<semaphore_mem>>
      tpu.wait_indirect_dma semaphore(%dma_wait3A_106 : memref<!tpu.dma_semaphore, #tpu.memory_space<semaphore_mem>>) src(%dma_wait3A_104 : memref<50000x16xf32, #tpu.memory_space<hbm>>) dst(%dma_wait3A_98 : memref<1000x16xf32, #tpu.memory_space<vmem>>)
      %dma_wait3A_107 = arith.constant 2 : i32
      %dma_wait3A_108 = arith.constant 2 : i32
      %dma_wait3A_109 = arith.constant 2 : i32
      %dma_wait3A_110 = arith.constant 0 : i32
      %dma_wait3A_111 = arith.constant 0 : i32
      %dma_wait3A_112 = tpu.memref_slice %arg6[%dma_wait3A_108, %dma_wait3A_110, %dma_wait3A_111] : memref<4x1000x16xf32, #tpu.memory_space<vmem>> -> memref<1x1000x16xf32, #tpu.memory_space<vmem>>
      %dma_wait3A_113 = tpu.memref_squeeze %dma_wait3A_112 : memref<1x1000x16xf32, #tpu.memory_space<vmem>> -> memref<1000x16xf32, #tpu.memory_space<vmem>>
      %dma_wait3A_114 = arith.constant 0 : i32
      %dma_wait3A_115 = tpu.memref_slice %arg5[%dma_wait3A_107, %dma_wait3A_114] : memref<4x1000xi32, #tpu.memory_space<vmem>> -> memref<1x1000xi32, #tpu.memory_space<vmem>>
      %dma_wait3A_116 = tpu.memref_squeeze %dma_wait3A_115 : memref<1x1000xi32, #tpu.memory_space<vmem>> -> memref<1000xi32, #tpu.memory_space<vmem>>
      %dma_wait3A_117 = arith.constant 0 : i32
      %dma_wait3A_118 = arith.constant 0 : i32
      %dma_wait3A_119 = tpu.memref_slice %arg2[%dma_wait3A_117, %dma_wait3A_118] : memref<50000x16xf32, #tpu.memory_space<hbm>> -> memref<50000x16xf32, #tpu.memory_space<hbm>>
      %dma_wait3A_120 = tpu.memref_slice %arg8[%dma_wait3A_109] : memref<4x!tpu.dma_semaphore, #tpu.memory_space<semaphore_mem>> -> memref<1x!tpu.dma_semaphore, #tpu.memory_space<semaphore_mem>>
      %dma_wait3A_121 = tpu.memref_squeeze %dma_wait3A_120 : memref<1x!tpu.dma_semaphore, #tpu.memory_space<semaphore_mem>> -> memref<!tpu.dma_semaphore, #tpu.memory_space<semaphore_mem>>
      tpu.wait_indirect_dma semaphore(%dma_wait3A_121 : memref<!tpu.dma_semaphore, #tpu.memory_space<semaphore_mem>>) src(%dma_wait3A_119 : memref<50000x16xf32, #tpu.memory_space<hbm>>) dst(%dma_wait3A_113 : memref<1000x16xf32, #tpu.memory_space<vmem>>)
      %dma_wait3A_122 = arith.constant 3 : i32
      %dma_wait3A_123 = arith.constant 3 : i32
      %dma_wait3A_124 = arith.constant 3 : i32
      %dma_wait3A_125 = arith.constant 0 : i32
      %dma_wait3A_126 = arith.constant 0 : i32
      %dma_wait3A_127 = tpu.memref_slice %arg6[%dma_wait3A_123, %dma_wait3A_125, %dma_wait3A_126] : memref<4x1000x16xf32, #tpu.memory_space<vmem>> -> memref<1x1000x16xf32, #tpu.memory_space<vmem>>
      %dma_wait3A_128 = tpu.memref_squeeze %dma_wait3A_127 : memref<1x1000x16xf32, #tpu.memory_space<vmem>> -> memref<1000x16xf32, #tpu.memory_space<vmem>>
      %dma_wait3A_129 = arith.constant 0 : i32
      %dma_wait3A_130 = tpu.memref_slice %arg5[%dma_wait3A_122, %dma_wait3A_129] : memref<4x1000xi32, #tpu.memory_space<vmem>> -> memref<1x1000xi32, #tpu.memory_space<vmem>>
      %dma_wait3A_131 = tpu.memref_squeeze %dma_wait3A_130 : memref<1x1000xi32, #tpu.memory_space<vmem>> -> memref<1000xi32, #tpu.memory_space<vmem>>
      %dma_wait3A_132 = arith.constant 0 : i32
      %dma_wait3A_133 = arith.constant 0 : i32
      %dma_wait3A_134 = tpu.memref_slice %arg2[%dma_wait3A_132, %dma_wait3A_133] : memref<50000x16xf32, #tpu.memory_space<hbm>> -> memref<50000x16xf32, #tpu.memory_space<hbm>>
      %dma_wait3A_135 = tpu.memref_slice %arg8[%dma_wait3A_124] : memref<4x!tpu.dma_semaphore, #tpu.memory_space<semaphore_mem>> -> memref<1x!tpu.dma_semaphore, #tpu.memory_space<semaphore_mem>>
      %dma_wait3A_136 = tpu.memref_squeeze %dma_wait3A_135 : memref<1x!tpu.dma_semaphore, #tpu.memory_space<semaphore_mem>> -> memref<!tpu.dma_semaphore, #tpu.memory_space<semaphore_mem>>
      tpu.wait_indirect_dma semaphore(%dma_wait3A_136 : memref<!tpu.dma_semaphore, #tpu.memory_space<semaphore_mem>>) src(%dma_wait3A_134 : memref<50000x16xf32, #tpu.memory_space<hbm>>) dst(%dma_wait3A_128 : memref<1000x16xf32, #tpu.memory_space<vmem>>)
      %scan3A_137 = arith.constant 0 : i32
      %scan3A_138 = arith.constant 0 : i32
      %scan3A_139 = arith.constant 63 : i32
      %scan3A_140 = arith.addi %scan3A_138, %scan3A_139 : i32
      %scan3A_141 = arith.constant 1 : i32
      scf.for %scan3A_146 = %scan3A_138 to %scan3A_140 step %scan3A_141  : i32 {
        %mul3A_147 = arith.constant 16 : i32
        %mul3A_148 = arith.muli %scan3A_146, %mul3A_147 : i32
        %iota3A = tpu.iota {dimensions = array<i32: 0>} : vector<16xi32>
        %add3A_149 = vector.broadcast %mul3A_148 : i32 to vector<16xi32>
        %add3A_150 = arith.addi %add3A_149, %iota3A : vector<16xi32>
        %min3A = arith.constant 999 : i32
        %min3A_151 = vector.broadcast %min3A : i32 to vector<16xi32>
        %min3A_152 = arith.minsi %add3A_150, %min3A_151 : vector<16xi32>
        %broadcast_in_dim3A = arith.constant 0 : i32
        %broadcast_in_dim3A_153 = vector.broadcast %broadcast_in_dim3A : i32 to vector<16xi32>
        %broadcast_in_dim3A_154 = arith.constant 0 : i32
        %broadcast_in_dim3A_155 = vector.broadcast %broadcast_in_dim3A_154 : i32 to vector<16xi32>
        %gather3A = tpu.vector_load_idx %arg6[%broadcast_in_dim3A_153, %min3A_152, %broadcast_in_dim3A_155] : memref<4x1000x16xf32, #tpu.memory_space<vmem>>[vector<16xi32>, vector<16xi32>, vector<16xi32>], vector<16xf32>,
        %broadcast_in_dim3A_156 = arith.constant 1 : i32
        %broadcast_in_dim3A_157 = vector.broadcast %broadcast_in_dim3A_156 : i32 to vector<16xi32>
        %gather3A_158 = tpu.vector_load_idx %arg6[%broadcast_in_dim3A_153, %min3A_152, %broadcast_in_dim3A_157] : memref<4x1000x16xf32, #tpu.memory_space<vmem>>[vector<16xi32>, vector<16xi32>, vector<16xi32>], vector<16xf32>,
        %broadcast_in_dim3A_159 = arith.constant 2 : i32
        %broadcast_in_dim3A_160 = vector.broadcast %broadcast_in_dim3A_159 : i32 to vector<16xi32>
        %gather3A_161 = tpu.vector_load_idx %arg6[%broadcast_in_dim3A_153, %min3A_152, %broadcast_in_dim3A_160] : memref<4x1000x16xf32, #tpu.memory_space<vmem>>[vector<16xi32>, vector<16xi32>, vector<16xi32>], vector<16xf32>,
        %broadcast_in_dim3A_162 = arith.constant 1 : i32
        %broadcast_in_dim3A_163 = vector.broadcast %broadcast_in_dim3A_162 : i32 to vector<16xi32>
        %broadcast_in_dim3A_164 = arith.constant 0 : i32
        %broadcast_in_dim3A_165 = vector.broadcast %broadcast_in_dim3A_164 : i32 to vector<16xi32>
        %gather3A_166 = tpu.vector_load_idx %arg6[%broadcast_in_dim3A_163, %min3A_152, %broadcast_in_dim3A_165] : memref<4x1000x16xf32, #tpu.memory_space<vmem>>[vector<16xi32>, vector<16xi32>, vector<16xi32>], vector<16xf32>,
        %broadcast_in_dim3A_167 = arith.constant 1 : i32
        %broadcast_in_dim3A_168 = vector.broadcast %broadcast_in_dim3A_167 : i32 to vector<16xi32>
        %gather3A_169 = tpu.vector_load_idx %arg6[%broadcast_in_dim3A_163, %min3A_152, %broadcast_in_dim3A_168] : memref<4x1000x16xf32, #tpu.memory_space<vmem>>[vector<16xi32>, vector<16xi32>, vector<16xi32>], vector<16xf32>,
        %broadcast_in_dim3A_170 = arith.constant 2 : i32
        %broadcast_in_dim3A_171 = vector.broadcast %broadcast_in_dim3A_170 : i32 to vector<16xi32>
        %gather3A_172 = tpu.vector_load_idx %arg6[%broadcast_in_dim3A_163, %min3A_152, %broadcast_in_dim3A_171] : memref<4x1000x16xf32, #tpu.memory_space<vmem>>[vector<16xi32>, vector<16xi32>, vector<16xi32>], vector<16xf32>,
        %broadcast_in_dim3A_173 = arith.constant 2 : i32
        %broadcast_in_dim3A_174 = vector.broadcast %broadcast_in_dim3A_173 : i32 to vector<16xi32>
        %broadcast_in_dim3A_175 = arith.constant 0 : i32
        %broadcast_in_dim3A_176 = vector.broadcast %broadcast_in_dim3A_175 : i32 to vector<16xi32>
        %gather3A_177 = tpu.vector_load_idx %arg6[%broadcast_in_dim3A_174, %min3A_152, %broadcast_in_dim3A_176] : memref<4x1000x16xf32, #tpu.memory_space<vmem>>[vector<16xi32>, vector<16xi32>, vector<16xi32>], vector<16xf32>,
        %broadcast_in_dim3A_178 = arith.constant 1 : i32
        %broadcast_in_dim3A_179 = vector.broadcast %broadcast_in_dim3A_178 : i32 to vector<16xi32>
        %gather3A_180 = tpu.vector_load_idx %arg6[%broadcast_in_dim3A_174, %min3A_152, %broadcast_in_dim3A_179] : memref<4x1000x16xf32, #tpu.memory_space<vmem>>[vector<16xi32>, vector<16xi32>, vector<16xi32>], vector<16xf32>,
        %broadcast_in_dim3A_181 = arith.constant 2 : i32
        %broadcast_in_dim3A_182 = vector.broadcast %broadcast_in_dim3A_181 : i32 to vector<16xi32>
        %gather3A_183 = tpu.vector_load_idx %arg6[%broadcast_in_dim3A_174, %min3A_152, %broadcast_in_dim3A_182] : memref<4x1000x16xf32, #tpu.memory_space<vmem>>[vector<16xi32>, vector<16xi32>, vector<16xi32>], vector<16xf32>,
        %broadcast_in_dim3A_184 = arith.constant 3 : i32
        %broadcast_in_dim3A_185 = vector.broadcast %broadcast_in_dim3A_184 : i32 to vector<16xi32>
        %broadcast_in_dim3A_186 = arith.constant 0 : i32
        %broadcast_in_dim3A_187 = vector.broadcast %broadcast_in_dim3A_186 : i32 to vector<16xi32>
        %gather3A_188 = tpu.vector_load_idx %arg6[%broadcast_in_dim3A_185, %min3A_152, %broadcast_in_dim3A_187] : memref<4x1000x16xf32, #tpu.memory_space<vmem>>[vector<16xi32>, vector<16xi32>, vector<16xi32>], vector<16xf32>,
        %broadcast_in_dim3A_189 = arith.constant 1 : i32
        %broadcast_in_dim3A_190 = vector.broadcast %broadcast_in_dim3A_189 : i32 to vector<16xi32>
        %gather3A_191 = tpu.vector_load_idx %arg6[%broadcast_in_dim3A_185, %min3A_152, %broadcast_in_dim3A_190] : memref<4x1000x16xf32, #tpu.memory_space<vmem>>[vector<16xi32>, vector<16xi32>, vector<16xi32>], vector<16xf32>,
        %broadcast_in_dim3A_192 = arith.constant 2 : i32
        %broadcast_in_dim3A_193 = vector.broadcast %broadcast_in_dim3A_192 : i32 to vector<16xi32>
        %gather3A_194 = tpu.vector_load_idx %arg6[%broadcast_in_dim3A_185, %min3A_152, %broadcast_in_dim3A_193] : memref<4x1000x16xf32, #tpu.memory_space<vmem>>[vector<16xi32>, vector<16xi32>, vector<16xi32>], vector<16xf32>,
        %sub3A = arith.subf %gather3A_166, %gather3A : vector<16xf32>
        %sub3A_195 = arith.subf %gather3A_169, %gather3A_158 : vector<16xf32>
        %sub3A_196 = arith.subf %gather3A_172, %gather3A_161 : vector<16xf32>
        %sub3A_197 = arith.subf %gather3A_177, %gather3A_166 : vector<16xf32>
        %sub3A_198 = arith.subf %gather3A_180, %gather3A_169 : vector<16xf32>
        %sub3A_199 = arith.subf %gather3A_183, %gather3A_172 : vector<16xf32>
        %sub3A_200 = arith.subf %gather3A_188, %gather3A_177 : vector<16xf32>
        %sub3A_201 = arith.subf %gather3A_191, %gather3A_180 : vector<16xf32>
        %sub3A_202 = arith.subf %gather3A_194, %gather3A_183 : vector<16xf32>
        %mul3A_203 = arith.mulf %sub3A_198, %sub3A_202 : vector<16xf32>
        %mul3A_204 = arith.mulf %sub3A_199, %sub3A_201 : vector<16xf32>
        %sub3A_205 = arith.subf %mul3A_203, %mul3A_204 : vector<16xf32>
        %mul3A_206 = arith.mulf %sub3A, %sub3A_205 : vector<16xf32>
        %mul3A_207 = arith.mulf %sub3A_199, %sub3A_200 : vector<16xf32>
        %mul3A_208 = arith.mulf %sub3A_197, %sub3A_202 : vector<16xf32>
        %sub3A_209 = arith.subf %mul3A_207, %mul3A_208 : vector<16xf32>
        %mul3A_210 = arith.mulf %sub3A_195, %sub3A_209 : vector<16xf32>
        %add3A_211 = arith.addf %mul3A_206, %mul3A_210 : vector<16xf32>
        %mul3A_212 = arith.mulf %sub3A_197, %sub3A_201 : vector<16xf32>
        %mul3A_213 = arith.mulf %sub3A_198, %sub3A_200 : vector<16xf32>
        %sub3A_214 = arith.subf %mul3A_212, %mul3A_213 : vector<16xf32>
        %mul3A_215 = arith.mulf %sub3A_196, %sub3A_214 : vector<16xf32>
        %add3A_216 = arith.addf %add3A_211, %mul3A_215 : vector<16xf32>
        %mul3A_217 = arith.mulf %sub3A, %sub3A : vector<16xf32>
        %mul3A_218 = arith.mulf %sub3A_195, %sub3A_195 : vector<16xf32>
        %add3A_219 = arith.addf %mul3A_217, %mul3A_218 : vector<16xf32>
        %mul3A_220 = arith.mulf %sub3A_196, %sub3A_196 : vector<16xf32>
        %add3A_221 = arith.addf %add3A_219, %mul3A_220 : vector<16xf32>
        %mul3A_222 = arith.mulf %sub3A, %sub3A_197 : vector<16xf32>
        %mul3A_223 = arith.mulf %sub3A_195, %sub3A_198 : vector<16xf32>
        %add3A_224 = arith.addf %mul3A_222, %mul3A_223 : vector<16xf32>
        %mul3A_225 = arith.mulf %sub3A_196, %sub3A_199 : vector<16xf32>
        %add3A_226 = arith.addf %add3A_224, %mul3A_225 : vector<16xf32>
        %mul3A_227 = arith.mulf %sub3A_197, %sub3A_197 : vector<16xf32>
        %mul3A_228 = arith.mulf %sub3A_198, %sub3A_198 : vector<16xf32>
        %add3A_229 = arith.addf %mul3A_227, %mul3A_228 : vector<16xf32>
        %mul3A_230 = arith.mulf %sub3A_199, %sub3A_199 : vector<16xf32>
        %add3A_231 = arith.addf %add3A_229, %mul3A_230 : vector<16xf32>
        %mul3A_232 = arith.mulf %sub3A_197, %sub3A_200 : vector<16xf32>
        %mul3A_233 = arith.mulf %sub3A_198, %sub3A_201 : vector<16xf32>
        %add3A_234 = arith.addf %mul3A_232, %mul3A_233 : vector<16xf32>
        %mul3A_235 = arith.mulf %sub3A_199, %sub3A_202 : vector<16xf32>
        %add3A_236 = arith.addf %add3A_234, %mul3A_235 : vector<16xf32>
        %mul3A_237 = arith.mulf %sub3A, %sub3A_200 : vector<16xf32>
        %mul3A_238 = arith.mulf %sub3A_195, %sub3A_201 : vector<16xf32>
        %add3A_239 = arith.addf %mul3A_237, %mul3A_238 : vector<16xf32>
        %mul3A_240 = arith.mulf %sub3A_196, %sub3A_202 : vector<16xf32>
        %add3A_241 = arith.addf %add3A_239, %mul3A_240 : vector<16xf32>
        %swap3A = arith.constant 0 : i32
        %swap3A_242 = arith.index_cast %swap3A : i32 to index
        %swap3A_243 = arith.index_cast %mul3A_148 : i32 to index
        %swap3A_244 = tpu.vector_load %arg7[%swap3A_242, %swap3A_243] {strides = array<i32>} : memref<8x1008xf32, #tpu.memory_space<vmem>>, vector<16xf32>,
        tpu.vector_store %arg7[%swap3A_242, %swap3A_243], %add3A_221 {strides = array<i32>} : memref<8x1008xf32, #tpu.memory_space<vmem>>, vector<16xf32>,
        %swap3A_245 = arith.constant 1 : i32
        %swap3A_246 = arith.index_cast %swap3A_245 : i32 to index
        %swap3A_247 = arith.index_cast %mul3A_148 : i32 to index
        %swap3A_248 = tpu.vector_load %arg7[%swap3A_246, %swap3A_247] {strides = array<i32>} : memref<8x1008xf32, #tpu.memory_space<vmem>>, vector<16xf32>,
        tpu.vector_store %arg7[%swap3A_246, %swap3A_247], %add3A_226 {strides = array<i32>} : memref<8x1008xf32, #tpu.memory_space<vmem>>, vector<16xf32>,
        %swap3A_249 = arith.constant 2 : i32
        %swap3A_250 = arith.index_cast %swap3A_249 : i32 to index
        %swap3A_251 = arith.index_cast %mul3A_148 : i32 to index
        %swap3A_252 = tpu.vector_load %arg7[%swap3A_250, %swap3A_251] {strides = array<i32>} : memref<8x1008xf32, #tpu.memory_space<vmem>>, vector<16xf32>,
        tpu.vector_store %arg7[%swap3A_250, %swap3A_251], %add3A_231 {strides = array<i32>} : memref<8x1008xf32, #tpu.memory_space<vmem>>, vector<16xf32>,
        %swap3A_253 = arith.constant 3 : i32
        %swap3A_254 = arith.index_cast %swap3A_253 : i32 to index
        %swap3A_255 = arith.index_cast %mul3A_148 : i32 to index
        %swap3A_256 = tpu.vector_load %arg7[%swap3A_254, %swap3A_255] {strides = array<i32>} : memref<8x1008xf32, #tpu.memory_space<vmem>>, vector<16xf32>,
        tpu.vector_store %arg7[%swap3A_254, %swap3A_255], %add3A_236 {strides = array<i32>} : memref<8x1008xf32, #tpu.memory_space<vmem>>, vector<16xf32>,
        %swap3A_257 = arith.constant 4 : i32
        %swap3A_258 = arith.index_cast %swap3A_257 : i32 to index
        %swap3A_259 = arith.index_cast %mul3A_148 : i32 to index
        %swap3A_260 = tpu.vector_load %arg7[%swap3A_258, %swap3A_259] {strides = array<i32>} : memref<8x1008xf32, #tpu.memory_space<vmem>>, vector<16xf32>,
        tpu.vector_store %arg7[%swap3A_258, %swap3A_259], %add3A_241 {strides = array<i32>} : memref<8x1008xf32, #tpu.memory_space<vmem>>, vector<16xf32>,
        %swap3A_261 = arith.constant 5 : i32
        %swap3A_262 = arith.index_cast %swap3A_261 : i32 to index
        %swap3A_263 = arith.index_cast %mul3A_148 : i32 to index
        %swap3A_264 = tpu.vector_load %arg7[%swap3A_262, %swap3A_263] {strides = array<i32>} : memref<8x1008xf32, #tpu.memory_space<vmem>>, vector<16xf32>,
        tpu.vector_store %arg7[%swap3A_262, %swap3A_263], %add3A_216 {strides = array<i32>} : memref<8x1008xf32, #tpu.memory_space<vmem>>, vector<16xf32>,
      }
      %scan3A_142 = arith.constant 63 : i32
      %mul3A_143 = arith.constant 25 : i32
      %mul3A_144 = arith.muli %add3A, %mul3A_143 : i32
      %add3A_145 = arith.addi %mul3A_144, %scan3A_6 : i32
      "tpu.region"() ({
        %run_scoped3A_146 = tpu.sem_alloc : memref<!tpu.dma_semaphore, #tpu.memory_space<semaphore_mem>>
        %dma_start3A_147 = arith.constant 0 : i32
        %dma_start3A_148 = arith.constant 0 : i32
        %dma_start3A_149 = tpu.memref_slice %arg4[%add3A_145, %dma_start3A_147, %dma_start3A_148] : memref<800x8x1008xf32, #tpu.memory_space<hbm>> -> memref<1x8x1008xf32, #tpu.memory_space<hbm>>
        %dma_start3A_150 = tpu.memref_squeeze %dma_start3A_149 : memref<1x8x1008xf32, #tpu.memory_space<hbm>> -> memref<8x1008xf32, #tpu.memory_space<hbm>>
        %dma_start3A_151 = arith.constant 0 : i32
        %dma_start3A_152 = arith.constant 0 : i32
        %dma_start3A_153 = tpu.memref_slice %arg4[%add3A_145, %dma_start3A_151, %dma_start3A_152] : memref<800x8x1008xf32, #tpu.memory_space<hbm>> -> memref<1x8x1008xf32, #tpu.memory_space<hbm>>
        %dma_start3A_154 = tpu.memref_squeeze %dma_start3A_153 : memref<1x8x1008xf32, #tpu.memory_space<hbm>> -> memref<8x1008xf32, #tpu.memory_space<hbm>>
        tpu.enqueue_dma source(%arg7 : memref<8x1008xf32, #tpu.memory_space<vmem>>) target(%dma_start3A_154 : memref<8x1008xf32, #tpu.memory_space<hbm>>) target_semaphore(%run_scoped3A_146 : memref<!tpu.dma_semaphore, #tpu.memory_space<semaphore_mem>>)
        %dma_wait3A_155 = arith.constant 0 : i32
        %dma_wait3A_156 = arith.constant 0 : i32
        %dma_wait3A_157 = tpu.memref_slice %arg4[%add3A_145, %dma_wait3A_155, %dma_wait3A_156] : memref<800x8x1008xf32, #tpu.memory_space<hbm>> -> memref<1x8x1008xf32, #tpu.memory_space<hbm>>
        %dma_wait3A_158 = tpu.memref_squeeze %dma_wait3A_157 : memref<1x8x1008xf32, #tpu.memory_space<hbm>> -> memref<8x1008xf32, #tpu.memory_space<hbm>>
        %dma_wait3A_159 = arith.constant 0 : i32
        %dma_wait3A_160 = arith.constant 0 : i32
        %dma_wait3A_161 = tpu.memref_slice %arg4[%add3A_145, %dma_wait3A_159, %dma_wait3A_160] : memref<800x8x1008xf32, #tpu.memory_space<hbm>> -> memref<1x8x1008xf32, #tpu.memory_space<hbm>>
        %dma_wait3A_162 = tpu.memref_squeeze %dma_wait3A_161 : memref<1x8x1008xf32, #tpu.memory_space<hbm>> -> memref<8x1008xf32, #tpu.memory_space<hbm>>
        tpu.wait_dma2 semaphore(%run_scoped3A_146 : memref<!tpu.dma_semaphore, #tpu.memory_space<semaphore_mem>>) src(%arg7 : memref<8x1008xf32, #tpu.memory_space<vmem>>) dst(%dma_wait3A_162 : memref<8x1008xf32, #tpu.memory_space<hbm>>)
        tpu.yield
      }) : () -> ()
    }
    %scan3A_5 = arith.constant 25 : i32
    return
  }
}

#map = affine_map<(d0, d1) -> (0, 0)>
#map1 = affine_map<(d0, d1) -> (0)>
#map2 = affine_map<(d0, d1) -> (0, 0, 0)>
module attributes {stable_mosaic.version = 14 : i64} {
  func.func @k(%arg0: i32, %arg1: i32, %arg2: memref<800000x64xf32, #tpu.memory_space<hbm>>, %arg3: memref<800000xi32, #tpu.memory_space<hbm>>, %arg4: memref<3128x32xf32, #tpu.memory_space<hbm>>, %arg5: memref<2x50048x32xf32, #tpu.memory_space<hbm>>, %arg6: memref<2x400xi32, #tpu.memory_space<vmem>>, %arg7: memref<2x400x32xf32, #tpu.memory_space<vmem>>, %arg8: memref<50048x32xf32, #tpu.memory_space<vmem_shared>>, %arg9: memref<2x!tpu.dma_semaphore, #tpu.memory_space<semaphore_mem>>, %arg10: memref<2x!tpu.dma_semaphore, #tpu.memory_space<semaphore_mem>>) attributes {dimension_semantics = [#tpu.dimension_semantics<core_parallel>, #tpu.dimension_semantics<subcore_parallel>], iteration_bounds = array<i64: 2, 16>, scalar_prefetch = 0 : i64, scratch_operands = 5 : i64, tpu.core_type = #tpu.core_type<sc_vector_subcore>, window_params = [{transform_indices = #map}, {transform_indices = #map1}, {transform_indices = #map}, {transform_indices = #map2}]} {
    %mul3A = arith.constant 3128 : i32
    %mul3A_0 = arith.muli %arg1, %mul3A : i32
    "tpu.region"() ({
      %run_scoped3A = tpu.sem_alloc : memref<!tpu.dma_semaphore, #tpu.memory_space<semaphore_mem>>
      %dma_start3A_39 = arith.constant 0 : i32
      %dma_start3A_40 = tpu.memref_slice %arg8[%mul3A_0, %dma_start3A_39] : memref<50048x32xf32, #tpu.memory_space<vmem_shared>> -> memref<3128x32xf32, #tpu.memory_space<vmem_shared>>
      tpu.enqueue_dma source(%arg4 : memref<3128x32xf32, #tpu.memory_space<hbm>>) target(%dma_start3A_40 : memref<3128x32xf32, #tpu.memory_space<vmem_shared>>) target_semaphore(%run_scoped3A : memref<!tpu.dma_semaphore, #tpu.memory_space<semaphore_mem>>)
      %dma_wait3A = arith.constant 0 : i32
      %dma_wait3A_41 = tpu.memref_slice %arg8[%mul3A_0, %dma_wait3A] : memref<50048x32xf32, #tpu.memory_space<vmem_shared>> -> memref<3128x32xf32, #tpu.memory_space<vmem_shared>>
      tpu.wait_dma2 semaphore(%run_scoped3A : memref<!tpu.dma_semaphore, #tpu.memory_space<semaphore_mem>>) src(%arg4 : memref<3128x32xf32, #tpu.memory_space<hbm>>) dst(%dma_wait3A_41 : memref<3128x32xf32, #tpu.memory_space<vmem_shared>>)
      tpu.yield
    }) : () -> ()
    %barrier3A = arith.constant 0 : index
    tpu.barrier barrier_id(%barrier3A)
    %rem3A = arith.constant 0 : i32
    %rem3A_1 = arith.constant 2 : i32
    %rem3A_2 = arith.remsi %rem3A, %rem3A_1 : i32
    %mul3A_3 = arith.constant 50000 : i32
    %mul3A_4 = arith.muli %arg1, %mul3A_3 : i32
    %add3A = arith.constant 0 : i32
    %add3A_5 = arith.addi %mul3A_4, %add3A : i32
    %mul3A_6 = arith.constant 32 : i32
    %mul3A_7 = arith.muli %arg0, %mul3A_6 : i32
    %dma_start3A = arith.constant 0 : i32
    %dma_start3A_8 = arith.constant 0 : i32
    %dma_start3A_9 = tpu.memref_slice %arg7[%rem3A_2, %dma_start3A, %dma_start3A_8] : memref<2x400x32xf32, #tpu.memory_space<vmem>> -> memref<1x400x32xf32, #tpu.memory_space<vmem>>
    %dma_start3A_10 = tpu.memref_squeeze %dma_start3A_9 : memref<1x400x32xf32, #tpu.memory_space<vmem>> -> memref<400x32xf32, #tpu.memory_space<vmem>>
    %dma_start3A_11 = tpu.memref_slice %arg2[%add3A_5, %mul3A_7] : memref<800000x64xf32, #tpu.memory_space<hbm>> -> memref<400x32xf32, #tpu.memory_space<hbm>>
    %dma_start3A_12 = tpu.memref_slice %arg9[%rem3A_2] : memref<2x!tpu.dma_semaphore, #tpu.memory_space<semaphore_mem>> -> memref<1x!tpu.dma_semaphore, #tpu.memory_space<semaphore_mem>>
    %dma_start3A_13 = tpu.memref_squeeze %dma_start3A_12 : memref<1x!tpu.dma_semaphore, #tpu.memory_space<semaphore_mem>> -> memref<!tpu.dma_semaphore, #tpu.memory_space<semaphore_mem>>
    %dma_start3A_14 = arith.constant 0 : i32
    %dma_start3A_15 = arith.constant 0 : i32
    %dma_start3A_16 = tpu.memref_slice %arg7[%rem3A_2, %dma_start3A_14, %dma_start3A_15] : memref<2x400x32xf32, #tpu.memory_space<vmem>> -> memref<1x400x32xf32, #tpu.memory_space<vmem>>
    %dma_start3A_17 = tpu.memref_squeeze %dma_start3A_16 : memref<1x400x32xf32, #tpu.memory_space<vmem>> -> memref<400x32xf32, #tpu.memory_space<vmem>>
    %dma_start3A_18 = tpu.memref_slice %arg2[%add3A_5, %mul3A_7] : memref<800000x64xf32, #tpu.memory_space<hbm>> -> memref<400x32xf32, #tpu.memory_space<hbm>>
    tpu.enqueue_dma source(%dma_start3A_18 : memref<400x32xf32, #tpu.memory_space<hbm>>) target(%dma_start3A_17 : memref<400x32xf32, #tpu.memory_space<vmem>>) target_semaphore(%dma_start3A_13 : memref<!tpu.dma_semaphore, #tpu.memory_space<semaphore_mem>>)
    %dma_start3A_19 = arith.constant 0 : i32
    %dma_start3A_20 = tpu.memref_slice %arg6[%rem3A_2, %dma_start3A_19] : memref<2x400xi32, #tpu.memory_space<vmem>> -> memref<1x400xi32, #tpu.memory_space<vmem>>
    %dma_start3A_21 = tpu.memref_squeeze %dma_start3A_20 : memref<1x400xi32, #tpu.memory_space<vmem>> -> memref<400xi32, #tpu.memory_space<vmem>>
    %dma_start3A_22 = tpu.memref_slice %arg3[%add3A_5] : memref<800000xi32, #tpu.memory_space<hbm>> -> memref<400xi32, #tpu.memory_space<hbm>>
    %dma_start3A_23 = tpu.memref_slice %arg10[%rem3A_2] : memref<2x!tpu.dma_semaphore, #tpu.memory_space<semaphore_mem>> -> memref<1x!tpu.dma_semaphore, #tpu.memory_space<semaphore_mem>>
    %dma_start3A_24 = tpu.memref_squeeze %dma_start3A_23 : memref<1x!tpu.dma_semaphore, #tpu.memory_space<semaphore_mem>> -> memref<!tpu.dma_semaphore, #tpu.memory_space<semaphore_mem>>
    %dma_start3A_25 = arith.constant 0 : i32
    %dma_start3A_26 = tpu.memref_slice %arg6[%rem3A_2, %dma_start3A_25] : memref<2x400xi32, #tpu.memory_space<vmem>> -> memref<1x400xi32, #tpu.memory_space<vmem>>
    %dma_start3A_27 = tpu.memref_squeeze %dma_start3A_26 : memref<1x400xi32, #tpu.memory_space<vmem>> -> memref<400xi32, #tpu.memory_space<vmem>>
    %dma_start3A_28 = tpu.memref_slice %arg3[%add3A_5] : memref<800000xi32, #tpu.memory_space<hbm>> -> memref<400xi32, #tpu.memory_space<hbm>>
    tpu.enqueue_dma source(%dma_start3A_28 : memref<400xi32, #tpu.memory_space<hbm>>) target(%dma_start3A_27 : memref<400xi32, #tpu.memory_space<vmem>>) target_semaphore(%dma_start3A_24 : memref<!tpu.dma_semaphore, #tpu.memory_space<semaphore_mem>>)
    %scan3A = arith.constant 0 : i32
    %scan3A_29 = arith.constant 0 : i32
    %scan3A_30 = arith.constant 125 : i32
    %scan3A_31 = arith.addi %scan3A_29, %scan3A_30 : i32
    %scan3A_32 = arith.constant 1 : i32
    scf.for %scan3A_39 = %scan3A_29 to %scan3A_31 step %scan3A_32  : i32 {
      %rem3A_40 = arith.constant 2 : i32
      %rem3A_41 = arith.remsi %scan3A_39, %rem3A_40 : i32
      %add3A_42 = arith.constant 1 : i32
      %add3A_43 = arith.addi %scan3A_39, %add3A_42 : i32
      %lt3A = arith.constant 125 : i32
      %lt3A_44 = arith.cmpi slt, %add3A_43, %lt3A : i32
      %convert_element_type3A = arith.extui %lt3A_44 : i1 to i32
      %cond3A = arith.constant 0 : i32
      %cond3A_45 = arith.cmpi ne, %convert_element_type3A, %cond3A : i32
      scf.if %cond3A_45 {
        %add3A_74 = arith.constant 1 : i32
        %add3A_75 = arith.addi %scan3A_39, %add3A_74 : i32
        %rem3A_76 = arith.constant 2 : i32
        %rem3A_77 = arith.remsi %add3A_75, %rem3A_76 : i32
        %mul3A_78 = arith.constant 50000 : i32
        %mul3A_79 = arith.muli %arg1, %mul3A_78 : i32
        %mul3A_80 = arith.constant 400 : i32
        %mul3A_81 = arith.muli %add3A_75, %mul3A_80 : i32
        %add3A_82 = arith.addi %mul3A_79, %mul3A_81 : i32
        %mul3A_83 = arith.constant 32 : i32
        %mul3A_84 = arith.muli %arg0, %mul3A_83 : i32
        %dma_start3A_85 = arith.constant 0 : i32
        %dma_start3A_86 = arith.constant 0 : i32
        %dma_start3A_87 = tpu.memref_slice %arg7[%rem3A_77, %dma_start3A_85, %dma_start3A_86] : memref<2x400x32xf32, #tpu.memory_space<vmem>> -> memref<1x400x32xf32, #tpu.memory_space<vmem>>
        %dma_start3A_88 = tpu.memref_squeeze %dma_start3A_87 : memref<1x400x32xf32, #tpu.memory_space<vmem>> -> memref<400x32xf32, #tpu.memory_space<vmem>>
        %dma_start3A_89 = tpu.memref_slice %arg2[%add3A_82, %mul3A_84] : memref<800000x64xf32, #tpu.memory_space<hbm>> -> memref<400x32xf32, #tpu.memory_space<hbm>>
        %dma_start3A_90 = tpu.memref_slice %arg9[%rem3A_77] : memref<2x!tpu.dma_semaphore, #tpu.memory_space<semaphore_mem>> -> memref<1x!tpu.dma_semaphore, #tpu.memory_space<semaphore_mem>>
        %dma_start3A_91 = tpu.memref_squeeze %dma_start3A_90 : memref<1x!tpu.dma_semaphore, #tpu.memory_space<semaphore_mem>> -> memref<!tpu.dma_semaphore, #tpu.memory_space<semaphore_mem>>
        %dma_start3A_92 = arith.constant 0 : i32
        %dma_start3A_93 = arith.constant 0 : i32
        %dma_start3A_94 = tpu.memref_slice %arg7[%rem3A_77, %dma_start3A_92, %dma_start3A_93] : memref<2x400x32xf32, #tpu.memory_space<vmem>> -> memref<1x400x32xf32, #tpu.memory_space<vmem>>
        %dma_start3A_95 = tpu.memref_squeeze %dma_start3A_94 : memref<1x400x32xf32, #tpu.memory_space<vmem>> -> memref<400x32xf32, #tpu.memory_space<vmem>>
        %dma_start3A_96 = tpu.memref_slice %arg2[%add3A_82, %mul3A_84] : memref<800000x64xf32, #tpu.memory_space<hbm>> -> memref<400x32xf32, #tpu.memory_space<hbm>>
        tpu.enqueue_dma source(%dma_start3A_96 : memref<400x32xf32, #tpu.memory_space<hbm>>) target(%dma_start3A_95 : memref<400x32xf32, #tpu.memory_space<vmem>>) target_semaphore(%dma_start3A_91 : memref<!tpu.dma_semaphore, #tpu.memory_space<semaphore_mem>>)
        %dma_start3A_97 = arith.constant 0 : i32
        %dma_start3A_98 = tpu.memref_slice %arg6[%rem3A_77, %dma_start3A_97] : memref<2x400xi32, #tpu.memory_space<vmem>> -> memref<1x400xi32, #tpu.memory_space<vmem>>
        %dma_start3A_99 = tpu.memref_squeeze %dma_start3A_98 : memref<1x400xi32, #tpu.memory_space<vmem>> -> memref<400xi32, #tpu.memory_space<vmem>>
        %dma_start3A_100 = tpu.memref_slice %arg3[%add3A_82] : memref<800000xi32, #tpu.memory_space<hbm>> -> memref<400xi32, #tpu.memory_space<hbm>>
        %dma_start3A_101 = tpu.memref_slice %arg10[%rem3A_77] : memref<2x!tpu.dma_semaphore, #tpu.memory_space<semaphore_mem>> -> memref<1x!tpu.dma_semaphore, #tpu.memory_space<semaphore_mem>>
        %dma_start3A_102 = tpu.memref_squeeze %dma_start3A_101 : memref<1x!tpu.dma_semaphore, #tpu.memory_space<semaphore_mem>> -> memref<!tpu.dma_semaphore, #tpu.memory_space<semaphore_mem>>
        %dma_start3A_103 = arith.constant 0 : i32
        %dma_start3A_104 = tpu.memref_slice %arg6[%rem3A_77, %dma_start3A_103] : memref<2x400xi32, #tpu.memory_space<vmem>> -> memref<1x400xi32, #tpu.memory_space<vmem>>
        %dma_start3A_105 = tpu.memref_squeeze %dma_start3A_104 : memref<1x400xi32, #tpu.memory_space<vmem>> -> memref<400xi32, #tpu.memory_space<vmem>>
        %dma_start3A_106 = tpu.memref_slice %arg3[%add3A_82] : memref<800000xi32, #tpu.memory_space<hbm>> -> memref<400xi32, #tpu.memory_space<hbm>>
        tpu.enqueue_dma source(%dma_start3A_106 : memref<400xi32, #tpu.memory_space<hbm>>) target(%dma_start3A_105 : memref<400xi32, #tpu.memory_space<vmem>>) target_semaphore(%dma_start3A_102 : memref<!tpu.dma_semaphore, #tpu.memory_space<semaphore_mem>>)
      } else {
      }
      %mul3A_46 = arith.constant 50000 : i32
      %mul3A_47 = arith.muli %arg1, %mul3A_46 : i32
      %mul3A_48 = arith.constant 400 : i32
      %mul3A_49 = arith.muli %scan3A_39, %mul3A_48 : i32
      %add3A_50 = arith.addi %mul3A_47, %mul3A_49 : i32
      %mul3A_51 = arith.constant 32 : i32
      %mul3A_52 = arith.muli %arg0, %mul3A_51 : i32
      %dma_wait3A = arith.constant 0 : i32
      %dma_wait3A_53 = arith.constant 0 : i32
      %dma_wait3A_54 = tpu.memref_slice %arg7[%rem3A_41, %dma_wait3A, %dma_wait3A_53] : memref<2x400x32xf32, #tpu.memory_space<vmem>> -> memref<1x400x32xf32, #tpu.memory_space<vmem>>
      %dma_wait3A_55 = tpu.memref_squeeze %dma_wait3A_54 : memref<1x400x32xf32, #tpu.memory_space<vmem>> -> memref<400x32xf32, #tpu.memory_space<vmem>>
      %dma_wait3A_56 = tpu.memref_slice %arg2[%add3A_50, %mul3A_52] : memref<800000x64xf32, #tpu.memory_space<hbm>> -> memref<400x32xf32, #tpu.memory_space<hbm>>
      %dma_wait3A_57 = tpu.memref_slice %arg9[%rem3A_41] : memref<2x!tpu.dma_semaphore, #tpu.memory_space<semaphore_mem>> -> memref<1x!tpu.dma_semaphore, #tpu.memory_space<semaphore_mem>>
      %dma_wait3A_58 = tpu.memref_squeeze %dma_wait3A_57 : memref<1x!tpu.dma_semaphore, #tpu.memory_space<semaphore_mem>> -> memref<!tpu.dma_semaphore, #tpu.memory_space<semaphore_mem>>
      %dma_wait3A_59 = arith.constant 0 : i32
      %dma_wait3A_60 = arith.constant 0 : i32
      %dma_wait3A_61 = tpu.memref_slice %arg7[%rem3A_41, %dma_wait3A_59, %dma_wait3A_60] : memref<2x400x32xf32, #tpu.memory_space<vmem>> -> memref<1x400x32xf32, #tpu.memory_space<vmem>>
      %dma_wait3A_62 = tpu.memref_squeeze %dma_wait3A_61 : memref<1x400x32xf32, #tpu.memory_space<vmem>> -> memref<400x32xf32, #tpu.memory_space<vmem>>
      %dma_wait3A_63 = tpu.memref_slice %arg2[%add3A_50, %mul3A_52] : memref<800000x64xf32, #tpu.memory_space<hbm>> -> memref<400x32xf32, #tpu.memory_space<hbm>>
      tpu.wait_dma2 semaphore(%dma_wait3A_58 : memref<!tpu.dma_semaphore, #tpu.memory_space<semaphore_mem>>) src(%dma_wait3A_63 : memref<400x32xf32, #tpu.memory_space<hbm>>) dst(%dma_wait3A_62 : memref<400x32xf32, #tpu.memory_space<vmem>>)
      %dma_wait3A_64 = arith.constant 0 : i32
      %dma_wait3A_65 = tpu.memref_slice %arg6[%rem3A_41, %dma_wait3A_64] : memref<2x400xi32, #tpu.memory_space<vmem>> -> memref<1x400xi32, #tpu.memory_space<vmem>>
      %dma_wait3A_66 = tpu.memref_squeeze %dma_wait3A_65 : memref<1x400xi32, #tpu.memory_space<vmem>> -> memref<400xi32, #tpu.memory_space<vmem>>
      %dma_wait3A_67 = tpu.memref_slice %arg3[%add3A_50] : memref<800000xi32, #tpu.memory_space<hbm>> -> memref<400xi32, #tpu.memory_space<hbm>>
      %dma_wait3A_68 = tpu.memref_slice %arg10[%rem3A_41] : memref<2x!tpu.dma_semaphore, #tpu.memory_space<semaphore_mem>> -> memref<1x!tpu.dma_semaphore, #tpu.memory_space<semaphore_mem>>
      %dma_wait3A_69 = tpu.memref_squeeze %dma_wait3A_68 : memref<1x!tpu.dma_semaphore, #tpu.memory_space<semaphore_mem>> -> memref<!tpu.dma_semaphore, #tpu.memory_space<semaphore_mem>>
      %dma_wait3A_70 = arith.constant 0 : i32
      %dma_wait3A_71 = tpu.memref_slice %arg6[%rem3A_41, %dma_wait3A_70] : memref<2x400xi32, #tpu.memory_space<vmem>> -> memref<1x400xi32, #tpu.memory_space<vmem>>
      %dma_wait3A_72 = tpu.memref_squeeze %dma_wait3A_71 : memref<1x400xi32, #tpu.memory_space<vmem>> -> memref<400xi32, #tpu.memory_space<vmem>>
      %dma_wait3A_73 = tpu.memref_slice %arg3[%add3A_50] : memref<800000xi32, #tpu.memory_space<hbm>> -> memref<400xi32, #tpu.memory_space<hbm>>
      tpu.wait_dma2 semaphore(%dma_wait3A_69 : memref<!tpu.dma_semaphore, #tpu.memory_space<semaphore_mem>>) src(%dma_wait3A_73 : memref<400xi32, #tpu.memory_space<hbm>>) dst(%dma_wait3A_72 : memref<400xi32, #tpu.memory_space<vmem>>)
      "tpu.region"() ({
        %run_scoped3A = tpu.sem_alloc : memref<!tpu.dma_semaphore, #tpu.memory_space<semaphore_mem>>
        %dma_start3A_74 = arith.constant 0 : i32
        %dma_start3A_75 = arith.constant 0 : i32
        %dma_start3A_76 = tpu.memref_slice %arg7[%rem3A_41, %dma_start3A_74, %dma_start3A_75] : memref<2x400x32xf32, #tpu.memory_space<vmem>> -> memref<1x400x32xf32, #tpu.memory_space<vmem>>
        %dma_start3A_77 = tpu.memref_squeeze %dma_start3A_76 : memref<1x400x32xf32, #tpu.memory_space<vmem>> -> memref<400x32xf32, #tpu.memory_space<vmem>>
        %dma_start3A_78 = arith.constant 0 : i32
        %dma_start3A_79 = tpu.memref_slice %arg6[%rem3A_41, %dma_start3A_78] : memref<2x400xi32, #tpu.memory_space<vmem>> -> memref<1x400xi32, #tpu.memory_space<vmem>>
        %dma_start3A_80 = tpu.memref_squeeze %dma_start3A_79 : memref<1x400xi32, #tpu.memory_space<vmem>> -> memref<400xi32, #tpu.memory_space<vmem>>
        %dma_start3A_81 = arith.constant 0 : i32
        %dma_start3A_82 = arith.constant 0 : i32
        %dma_start3A_83 = tpu.memref_slice %arg8[%dma_start3A_81, %dma_start3A_82] : memref<50048x32xf32, #tpu.memory_space<vmem_shared>> -> memref<50048x32xf32, #tpu.memory_space<vmem_shared>>
        tpu.enqueue_indirect_dma source(%dma_start3A_77 : memref<400x32xf32, #tpu.memory_space<vmem>>) target(%dma_start3A_83 : memref<50048x32xf32, #tpu.memory_space<vmem_shared>>) offsets(%dma_start3A_80 : memref<400xi32, #tpu.memory_space<vmem>>) semaphore(%run_scoped3A : memref<!tpu.dma_semaphore, #tpu.memory_space<semaphore_mem>>) {add = true}
        %dma_wait3A_84 = arith.constant 0 : i32
        %dma_wait3A_85 = arith.constant 0 : i32
        %dma_wait3A_86 = tpu.memref_slice %arg7[%rem3A_41, %dma_wait3A_84, %dma_wait3A_85] : memref<2x400x32xf32, #tpu.memory_space<vmem>> -> memref<1x400x32xf32, #tpu.memory_space<vmem>>
        %dma_wait3A_87 = tpu.memref_squeeze %dma_wait3A_86 : memref<1x400x32xf32, #tpu.memory_space<vmem>> -> memref<400x32xf32, #tpu.memory_space<vmem>>
        %dma_wait3A_88 = arith.constant 0 : i32
        %dma_wait3A_89 = tpu.memref_slice %arg6[%rem3A_41, %dma_wait3A_88] : memref<2x400xi32, #tpu.memory_space<vmem>> -> memref<1x400xi32, #tpu.memory_space<vmem>>
        %dma_wait3A_90 = tpu.memref_squeeze %dma_wait3A_89 : memref<1x400xi32, #tpu.memory_space<vmem>> -> memref<400xi32, #tpu.memory_space<vmem>>
        %dma_wait3A_91 = arith.constant 0 : i32
        %dma_wait3A_92 = arith.constant 0 : i32
        %dma_wait3A_93 = tpu.memref_slice %arg8[%dma_wait3A_91, %dma_wait3A_92] : memref<50048x32xf32, #tpu.memory_space<vmem_shared>> -> memref<50048x32xf32, #tpu.memory_space<vmem_shared>>
        tpu.wait_indirect_dma semaphore(%run_scoped3A : memref<!tpu.dma_semaphore, #tpu.memory_space<semaphore_mem>>) src(%dma_wait3A_87 : memref<400x32xf32, #tpu.memory_space<vmem>>) dst(%dma_wait3A_93 : memref<50048x32xf32, #tpu.memory_space<vmem_shared>>)
        tpu.yield
      }) : () -> ()
    }
    %scan3A_33 = arith.constant 125 : i32
    %barrier3A_34 = arith.constant 0 : index
    tpu.barrier barrier_id(%barrier3A_34)
    %mul3A_35 = arith.constant 3128 : i32
    %mul3A_36 = arith.muli %arg1, %mul3A_35 : i32
    %mul3A_37 = arith.constant 3128 : i32
    %mul3A_38 = arith.muli %arg1, %mul3A_37 : i32
    "tpu.region"() ({
      %run_scoped3A = tpu.sem_alloc : memref<!tpu.dma_semaphore, #tpu.memory_space<semaphore_mem>>
      %dma_start3A_39 = arith.constant 0 : i32
      %dma_start3A_40 = tpu.memref_slice %arg5[%arg0, %mul3A_38, %dma_start3A_39] : memref<2x50048x32xf32, #tpu.memory_space<hbm>> -> memref<1x3128x32xf32, #tpu.memory_space<hbm>>
      %dma_start3A_41 = tpu.memref_squeeze %dma_start3A_40 : memref<1x3128x32xf32, #tpu.memory_space<hbm>> -> memref<3128x32xf32, #tpu.memory_space<hbm>>
      %dma_start3A_42 = arith.constant 0 : i32
      %dma_start3A_43 = tpu.memref_slice %arg8[%mul3A_36, %dma_start3A_42] : memref<50048x32xf32, #tpu.memory_space<vmem_shared>> -> memref<3128x32xf32, #tpu.memory_space<vmem_shared>>
      tpu.enqueue_dma source(%dma_start3A_43 : memref<3128x32xf32, #tpu.memory_space<vmem_shared>>) target(%dma_start3A_41 : memref<3128x32xf32, #tpu.memory_space<hbm>>) target_semaphore(%run_scoped3A : memref<!tpu.dma_semaphore, #tpu.memory_space<semaphore_mem>>)
      %dma_wait3A = arith.constant 0 : i32
      %dma_wait3A_44 = tpu.memref_slice %arg5[%arg0, %mul3A_38, %dma_wait3A] : memref<2x50048x32xf32, #tpu.memory_space<hbm>> -> memref<1x3128x32xf32, #tpu.memory_space<hbm>>
      %dma_wait3A_45 = tpu.memref_squeeze %dma_wait3A_44 : memref<1x3128x32xf32, #tpu.memory_space<hbm>> -> memref<3128x32xf32, #tpu.memory_space<hbm>>
      %dma_wait3A_46 = arith.constant 0 : i32
      %dma_wait3A_47 = tpu.memref_slice %arg8[%mul3A_36, %dma_wait3A_46] : memref<50048x32xf32, #tpu.memory_space<vmem_shared>> -> memref<3128x32xf32, #tpu.memory_space<vmem_shared>>
      tpu.wait_dma2 semaphore(%run_scoped3A : memref<!tpu.dma_semaphore, #tpu.memory_space<semaphore_mem>>) src(%dma_wait3A_47 : memref<3128x32xf32, #tpu.memory_space<vmem_shared>>) dst(%dma_wait3A_45 : memref<3128x32xf32, #tpu.memory_space<hbm>>)
      tpu.yield
    }) : () -> ()
    return
  }
}

#map = affine_map<(d0, d1) -> (0, 0)>
#map1 = affine_map<(d0, d1) -> (0)>
module attributes {stable_mosaic.version = 14 : i64} {
  func.func @k(%arg0: i32, %arg1: i32, %arg2: memref<50000x64xf32, #tpu.memory_space<hbm>>, %arg3: memref<800000xi32, #tpu.memory_space<hbm>>, %arg4: memref<800000x64xf32, #tpu.memory_space<hbm>>, %arg5: memref<2x200xi32, #tpu.memory_space<vmem>>, %arg6: memref<2x200x64xf32, #tpu.memory_space<vmem>>, %arg7: memref<2x!tpu.dma_semaphore, #tpu.memory_space<semaphore_mem>>, %arg8: memref<2x!tpu.dma_semaphore, #tpu.memory_space<semaphore_mem>>) attributes {dimension_semantics = [#tpu.dimension_semantics<core_parallel>, #tpu.dimension_semantics<subcore_parallel>], iteration_bounds = array<i64: 2, 16>, scalar_prefetch = 0 : i64, scratch_operands = 4 : i64, tpu.core_type = #tpu.core_type<sc_vector_subcore>, window_params = [{transform_indices = #map}, {transform_indices = #map1}, {transform_indices = #map}]} {
    %mul3A = arith.constant 2 : i32
    %mul3A_0 = arith.muli %arg1, %mul3A : i32
    %add3A = arith.addi %mul3A_0, %arg0 : i32
    %mul3A_1 = arith.constant 25000 : i32
    %mul3A_2 = arith.muli %add3A, %mul3A_1 : i32
    %rem3A = arith.constant 0 : i32
    %rem3A_3 = arith.constant 2 : i32
    %rem3A_4 = arith.remsi %rem3A, %rem3A_3 : i32
    %add3A_5 = arith.constant 0 : i32
    %add3A_6 = arith.addi %mul3A_2, %add3A_5 : i32
    %dma_start3A = arith.constant 0 : i32
    %dma_start3A_7 = tpu.memref_slice %arg5[%rem3A_4, %dma_start3A] : memref<2x200xi32, #tpu.memory_space<vmem>> -> memref<1x200xi32, #tpu.memory_space<vmem>>
    %dma_start3A_8 = tpu.memref_squeeze %dma_start3A_7 : memref<1x200xi32, #tpu.memory_space<vmem>> -> memref<200xi32, #tpu.memory_space<vmem>>
    %dma_start3A_9 = tpu.memref_slice %arg3[%add3A_6] : memref<800000xi32, #tpu.memory_space<hbm>> -> memref<200xi32, #tpu.memory_space<hbm>>
    %dma_start3A_10 = tpu.memref_slice %arg7[%rem3A_4] : memref<2x!tpu.dma_semaphore, #tpu.memory_space<semaphore_mem>> -> memref<1x!tpu.dma_semaphore, #tpu.memory_space<semaphore_mem>>
    %dma_start3A_11 = tpu.memref_squeeze %dma_start3A_10 : memref<1x!tpu.dma_semaphore, #tpu.memory_space<semaphore_mem>> -> memref<!tpu.dma_semaphore, #tpu.memory_space<semaphore_mem>>
    %dma_start3A_12 = arith.constant 0 : i32
    %dma_start3A_13 = tpu.memref_slice %arg5[%rem3A_4, %dma_start3A_12] : memref<2x200xi32, #tpu.memory_space<vmem>> -> memref<1x200xi32, #tpu.memory_space<vmem>>
    %dma_start3A_14 = tpu.memref_squeeze %dma_start3A_13 : memref<1x200xi32, #tpu.memory_space<vmem>> -> memref<200xi32, #tpu.memory_space<vmem>>
    %dma_start3A_15 = tpu.memref_slice %arg3[%add3A_6] : memref<800000xi32, #tpu.memory_space<hbm>> -> memref<200xi32, #tpu.memory_space<hbm>>
    tpu.enqueue_dma source(%dma_start3A_15 : memref<200xi32, #tpu.memory_space<hbm>>) target(%dma_start3A_14 : memref<200xi32, #tpu.memory_space<vmem>>) target_semaphore(%dma_start3A_11 : memref<!tpu.dma_semaphore, #tpu.memory_space<semaphore_mem>>)
    %rem3A_16 = arith.constant 0 : i32
    %rem3A_17 = arith.constant 2 : i32
    %rem3A_18 = arith.remsi %rem3A_16, %rem3A_17 : i32
    %add3A_19 = arith.constant 0 : i32
    %add3A_20 = arith.addi %mul3A_2, %add3A_19 : i32
    %dma_wait3A = arith.constant 0 : i32
    %dma_wait3A_21 = tpu.memref_slice %arg5[%rem3A_18, %dma_wait3A] : memref<2x200xi32, #tpu.memory_space<vmem>> -> memref<1x200xi32, #tpu.memory_space<vmem>>
    %dma_wait3A_22 = tpu.memref_squeeze %dma_wait3A_21 : memref<1x200xi32, #tpu.memory_space<vmem>> -> memref<200xi32, #tpu.memory_space<vmem>>
    %dma_wait3A_23 = tpu.memref_slice %arg3[%add3A_20] : memref<800000xi32, #tpu.memory_space<hbm>> -> memref<200xi32, #tpu.memory_space<hbm>>
    %dma_wait3A_24 = tpu.memref_slice %arg7[%rem3A_18] : memref<2x!tpu.dma_semaphore, #tpu.memory_space<semaphore_mem>> -> memref<1x!tpu.dma_semaphore, #tpu.memory_space<semaphore_mem>>
    %dma_wait3A_25 = tpu.memref_squeeze %dma_wait3A_24 : memref<1x!tpu.dma_semaphore, #tpu.memory_space<semaphore_mem>> -> memref<!tpu.dma_semaphore, #tpu.memory_space<semaphore_mem>>
    %dma_wait3A_26 = arith.constant 0 : i32
    %dma_wait3A_27 = tpu.memref_slice %arg5[%rem3A_18, %dma_wait3A_26] : memref<2x200xi32, #tpu.memory_space<vmem>> -> memref<1x200xi32, #tpu.memory_space<vmem>>
    %dma_wait3A_28 = tpu.memref_squeeze %dma_wait3A_27 : memref<1x200xi32, #tpu.memory_space<vmem>> -> memref<200xi32, #tpu.memory_space<vmem>>
    %dma_wait3A_29 = tpu.memref_slice %arg3[%add3A_20] : memref<800000xi32, #tpu.memory_space<hbm>> -> memref<200xi32, #tpu.memory_space<hbm>>
    tpu.wait_dma2 semaphore(%dma_wait3A_25 : memref<!tpu.dma_semaphore, #tpu.memory_space<semaphore_mem>>) src(%dma_wait3A_29 : memref<200xi32, #tpu.memory_space<hbm>>) dst(%dma_wait3A_28 : memref<200xi32, #tpu.memory_space<vmem>>)
    %dma_start3A_30 = arith.constant 0 : i32
    %dma_start3A_31 = arith.constant 0 : i32
    %dma_start3A_32 = tpu.memref_slice %arg6[%rem3A_18, %dma_start3A_30, %dma_start3A_31] : memref<2x200x64xf32, #tpu.memory_space<vmem>> -> memref<1x200x64xf32, #tpu.memory_space<vmem>>
    %dma_start3A_33 = tpu.memref_squeeze %dma_start3A_32 : memref<1x200x64xf32, #tpu.memory_space<vmem>> -> memref<200x64xf32, #tpu.memory_space<vmem>>
    %dma_start3A_34 = arith.constant 0 : i32
    %dma_start3A_35 = tpu.memref_slice %arg5[%rem3A_18, %dma_start3A_34] : memref<2x200xi32, #tpu.memory_space<vmem>> -> memref<1x200xi32, #tpu.memory_space<vmem>>
    %dma_start3A_36 = tpu.memref_squeeze %dma_start3A_35 : memref<1x200xi32, #tpu.memory_space<vmem>> -> memref<200xi32, #tpu.memory_space<vmem>>
    %dma_start3A_37 = arith.constant 0 : i32
    %dma_start3A_38 = arith.constant 0 : i32
    %dma_start3A_39 = tpu.memref_slice %arg2[%dma_start3A_37, %dma_start3A_38] : memref<50000x64xf32, #tpu.memory_space<hbm>> -> memref<50000x64xf32, #tpu.memory_space<hbm>>
    %dma_start3A_40 = tpu.memref_slice %arg8[%rem3A_18] : memref<2x!tpu.dma_semaphore, #tpu.memory_space<semaphore_mem>> -> memref<1x!tpu.dma_semaphore, #tpu.memory_space<semaphore_mem>>
    %dma_start3A_41 = tpu.memref_squeeze %dma_start3A_40 : memref<1x!tpu.dma_semaphore, #tpu.memory_space<semaphore_mem>> -> memref<!tpu.dma_semaphore, #tpu.memory_space<semaphore_mem>>
    tpu.enqueue_indirect_dma source(%dma_start3A_39 : memref<50000x64xf32, #tpu.memory_space<hbm>>) target(%dma_start3A_33 : memref<200x64xf32, #tpu.memory_space<vmem>>) offsets(%dma_start3A_36 : memref<200xi32, #tpu.memory_space<vmem>>) semaphore(%dma_start3A_41 : memref<!tpu.dma_semaphore, #tpu.memory_space<semaphore_mem>>)
    %rem3A_42 = arith.constant 1 : i32
    %rem3A_43 = arith.constant 2 : i32
    %rem3A_44 = arith.remsi %rem3A_42, %rem3A_43 : i32
    %add3A_45 = arith.constant 200 : i32
    %add3A_46 = arith.addi %mul3A_2, %add3A_45 : i32
    %dma_start3A_47 = arith.constant 0 : i32
    %dma_start3A_48 = tpu.memref_slice %arg5[%rem3A_44, %dma_start3A_47] : memref<2x200xi32, #tpu.memory_space<vmem>> -> memref<1x200xi32, #tpu.memory_space<vmem>>
    %dma_start3A_49 = tpu.memref_squeeze %dma_start3A_48 : memref<1x200xi32, #tpu.memory_space<vmem>> -> memref<200xi32, #tpu.memory_space<vmem>>
    %dma_start3A_50 = tpu.memref_slice %arg3[%add3A_46] : memref<800000xi32, #tpu.memory_space<hbm>> -> memref<200xi32, #tpu.memory_space<hbm>>
    %dma_start3A_51 = tpu.memref_slice %arg7[%rem3A_44] : memref<2x!tpu.dma_semaphore, #tpu.memory_space<semaphore_mem>> -> memref<1x!tpu.dma_semaphore, #tpu.memory_space<semaphore_mem>>
    %dma_start3A_52 = tpu.memref_squeeze %dma_start3A_51 : memref<1x!tpu.dma_semaphore, #tpu.memory_space<semaphore_mem>> -> memref<!tpu.dma_semaphore, #tpu.memory_space<semaphore_mem>>
    %dma_start3A_53 = arith.constant 0 : i32
    %dma_start3A_54 = tpu.memref_slice %arg5[%rem3A_44, %dma_start3A_53] : memref<2x200xi32, #tpu.memory_space<vmem>> -> memref<1x200xi32, #tpu.memory_space<vmem>>
    %dma_start3A_55 = tpu.memref_squeeze %dma_start3A_54 : memref<1x200xi32, #tpu.memory_space<vmem>> -> memref<200xi32, #tpu.memory_space<vmem>>
    %dma_start3A_56 = tpu.memref_slice %arg3[%add3A_46] : memref<800000xi32, #tpu.memory_space<hbm>> -> memref<200xi32, #tpu.memory_space<hbm>>
    tpu.enqueue_dma source(%dma_start3A_56 : memref<200xi32, #tpu.memory_space<hbm>>) target(%dma_start3A_55 : memref<200xi32, #tpu.memory_space<vmem>>) target_semaphore(%dma_start3A_52 : memref<!tpu.dma_semaphore, #tpu.memory_space<semaphore_mem>>)
    %scan3A = arith.constant 0 : i32
    %scan3A_57 = arith.constant 0 : i32
    %scan3A_58 = arith.constant 125 : i32
    %scan3A_59 = arith.addi %scan3A_57, %scan3A_58 : i32
    %scan3A_60 = arith.constant 1 : i32
    scf.for %scan3A_62 = %scan3A_57 to %scan3A_59 step %scan3A_60  : i32 {
      %rem3A_63 = arith.constant 2 : i32
      %rem3A_64 = arith.remsi %scan3A_62, %rem3A_63 : i32
      %dma_wait3A_65 = arith.constant 0 : i32
      %dma_wait3A_66 = arith.constant 0 : i32
      %dma_wait3A_67 = tpu.memref_slice %arg6[%rem3A_64, %dma_wait3A_65, %dma_wait3A_66] : memref<2x200x64xf32, #tpu.memory_space<vmem>> -> memref<1x200x64xf32, #tpu.memory_space<vmem>>
      %dma_wait3A_68 = tpu.memref_squeeze %dma_wait3A_67 : memref<1x200x64xf32, #tpu.memory_space<vmem>> -> memref<200x64xf32, #tpu.memory_space<vmem>>
      %dma_wait3A_69 = arith.constant 0 : i32
      %dma_wait3A_70 = tpu.memref_slice %arg5[%rem3A_64, %dma_wait3A_69] : memref<2x200xi32, #tpu.memory_space<vmem>> -> memref<1x200xi32, #tpu.memory_space<vmem>>
      %dma_wait3A_71 = tpu.memref_squeeze %dma_wait3A_70 : memref<1x200xi32, #tpu.memory_space<vmem>> -> memref<200xi32, #tpu.memory_space<vmem>>
      %dma_wait3A_72 = arith.constant 0 : i32
      %dma_wait3A_73 = arith.constant 0 : i32
      %dma_wait3A_74 = tpu.memref_slice %arg2[%dma_wait3A_72, %dma_wait3A_73] : memref<50000x64xf32, #tpu.memory_space<hbm>> -> memref<50000x64xf32, #tpu.memory_space<hbm>>
      %dma_wait3A_75 = tpu.memref_slice %arg8[%rem3A_64] : memref<2x!tpu.dma_semaphore, #tpu.memory_space<semaphore_mem>> -> memref<1x!tpu.dma_semaphore, #tpu.memory_space<semaphore_mem>>
      %dma_wait3A_76 = tpu.memref_squeeze %dma_wait3A_75 : memref<1x!tpu.dma_semaphore, #tpu.memory_space<semaphore_mem>> -> memref<!tpu.dma_semaphore, #tpu.memory_space<semaphore_mem>>
      tpu.wait_indirect_dma semaphore(%dma_wait3A_76 : memref<!tpu.dma_semaphore, #tpu.memory_space<semaphore_mem>>) src(%dma_wait3A_74 : memref<50000x64xf32, #tpu.memory_space<hbm>>) dst(%dma_wait3A_68 : memref<200x64xf32, #tpu.memory_space<vmem>>)
      %add3A_77 = arith.constant 1 : i32
      %add3A_78 = arith.addi %scan3A_62, %add3A_77 : i32
      %lt3A = arith.constant 125 : i32
      %lt3A_79 = arith.cmpi slt, %add3A_78, %lt3A : i32
      %convert_element_type3A = arith.extui %lt3A_79 : i1 to i32
      %cond3A = arith.constant 0 : i32
      %cond3A_80 = arith.cmpi ne, %convert_element_type3A, %cond3A : i32
      scf.if %cond3A_80 {
        %add3A_91 = arith.constant 1 : i32
        %add3A_92 = arith.addi %scan3A_62, %add3A_91 : i32
        %rem3A_93 = arith.constant 2 : i32
        %rem3A_94 = arith.remsi %add3A_92, %rem3A_93 : i32
        %mul3A_95 = arith.constant 200 : i32
        %mul3A_96 = arith.muli %add3A_92, %mul3A_95 : i32
        %add3A_97 = arith.addi %mul3A_2, %mul3A_96 : i32
        %dma_wait3A_98 = arith.constant 0 : i32
        %dma_wait3A_99 = tpu.memref_slice %arg5[%rem3A_94, %dma_wait3A_98] : memref<2x200xi32, #tpu.memory_space<vmem>> -> memref<1x200xi32, #tpu.memory_space<vmem>>
        %dma_wait3A_100 = tpu.memref_squeeze %dma_wait3A_99 : memref<1x200xi32, #tpu.memory_space<vmem>> -> memref<200xi32, #tpu.memory_space<vmem>>
        %dma_wait3A_101 = tpu.memref_slice %arg3[%add3A_97] : memref<800000xi32, #tpu.memory_space<hbm>> -> memref<200xi32, #tpu.memory_space<hbm>>
        %dma_wait3A_102 = tpu.memref_slice %arg7[%rem3A_94] : memref<2x!tpu.dma_semaphore, #tpu.memory_space<semaphore_mem>> -> memref<1x!tpu.dma_semaphore, #tpu.memory_space<semaphore_mem>>
        %dma_wait3A_103 = tpu.memref_squeeze %dma_wait3A_102 : memref<1x!tpu.dma_semaphore, #tpu.memory_space<semaphore_mem>> -> memref<!tpu.dma_semaphore, #tpu.memory_space<semaphore_mem>>
        %dma_wait3A_104 = arith.constant 0 : i32
        %dma_wait3A_105 = tpu.memref_slice %arg5[%rem3A_94, %dma_wait3A_104] : memref<2x200xi32, #tpu.memory_space<vmem>> -> memref<1x200xi32, #tpu.memory_space<vmem>>
        %dma_wait3A_106 = tpu.memref_squeeze %dma_wait3A_105 : memref<1x200xi32, #tpu.memory_space<vmem>> -> memref<200xi32, #tpu.memory_space<vmem>>
        %dma_wait3A_107 = tpu.memref_slice %arg3[%add3A_97] : memref<800000xi32, #tpu.memory_space<hbm>> -> memref<200xi32, #tpu.memory_space<hbm>>
        tpu.wait_dma2 semaphore(%dma_wait3A_103 : memref<!tpu.dma_semaphore, #tpu.memory_space<semaphore_mem>>) src(%dma_wait3A_107 : memref<200xi32, #tpu.memory_space<hbm>>) dst(%dma_wait3A_106 : memref<200xi32, #tpu.memory_space<vmem>>)
        %dma_start3A_108 = arith.constant 0 : i32
        %dma_start3A_109 = arith.constant 0 : i32
        %dma_start3A_110 = tpu.memref_slice %arg6[%rem3A_94, %dma_start3A_108, %dma_start3A_109] : memref<2x200x64xf32, #tpu.memory_space<vmem>> -> memref<1x200x64xf32, #tpu.memory_space<vmem>>
        %dma_start3A_111 = tpu.memref_squeeze %dma_start3A_110 : memref<1x200x64xf32, #tpu.memory_space<vmem>> -> memref<200x64xf32, #tpu.memory_space<vmem>>
        %dma_start3A_112 = arith.constant 0 : i32
        %dma_start3A_113 = tpu.memref_slice %arg5[%rem3A_94, %dma_start3A_112] : memref<2x200xi32, #tpu.memory_space<vmem>> -> memref<1x200xi32, #tpu.memory_space<vmem>>
        %dma_start3A_114 = tpu.memref_squeeze %dma_start3A_113 : memref<1x200xi32, #tpu.memory_space<vmem>> -> memref<200xi32, #tpu.memory_space<vmem>>
        %dma_start3A_115 = arith.constant 0 : i32
        %dma_start3A_116 = arith.constant 0 : i32
        %dma_start3A_117 = tpu.memref_slice %arg2[%dma_start3A_115, %dma_start3A_116] : memref<50000x64xf32, #tpu.memory_space<hbm>> -> memref<50000x64xf32, #tpu.memory_space<hbm>>
        %dma_start3A_118 = tpu.memref_slice %arg8[%rem3A_94] : memref<2x!tpu.dma_semaphore, #tpu.memory_space<semaphore_mem>> -> memref<1x!tpu.dma_semaphore, #tpu.memory_space<semaphore_mem>>
        %dma_start3A_119 = tpu.memref_squeeze %dma_start3A_118 : memref<1x!tpu.dma_semaphore, #tpu.memory_space<semaphore_mem>> -> memref<!tpu.dma_semaphore, #tpu.memory_space<semaphore_mem>>
        tpu.enqueue_indirect_dma source(%dma_start3A_117 : memref<50000x64xf32, #tpu.memory_space<hbm>>) target(%dma_start3A_111 : memref<200x64xf32, #tpu.memory_space<vmem>>) offsets(%dma_start3A_114 : memref<200xi32, #tpu.memory_space<vmem>>) semaphore(%dma_start3A_119 : memref<!tpu.dma_semaphore, #tpu.memory_space<semaphore_mem>>)
      } else {
      }
      %add3A_81 = arith.constant 2 : i32
      %add3A_82 = arith.addi %scan3A_62, %add3A_81 : i32
      %lt3A_83 = arith.constant 125 : i32
      %lt3A_84 = arith.cmpi slt, %add3A_82, %lt3A_83 : i32
      %convert_element_type3A_85 = arith.extui %lt3A_84 : i1 to i32
      %cond3A_86 = arith.constant 0 : i32
      %cond3A_87 = arith.cmpi ne, %convert_element_type3A_85, %cond3A_86 : i32
      scf.if %cond3A_87 {
        %add3A_91 = arith.constant 2 : i32
        %add3A_92 = arith.addi %scan3A_62, %add3A_91 : i32
        %rem3A_93 = arith.constant 2 : i32
        %rem3A_94 = arith.remsi %add3A_92, %rem3A_93 : i32
        %mul3A_95 = arith.constant 200 : i32
        %mul3A_96 = arith.muli %add3A_92, %mul3A_95 : i32
        %add3A_97 = arith.addi %mul3A_2, %mul3A_96 : i32
        %dma_start3A_98 = arith.constant 0 : i32
        %dma_start3A_99 = tpu.memref_slice %arg5[%rem3A_94, %dma_start3A_98] : memref<2x200xi32, #tpu.memory_space<vmem>> -> memref<1x200xi32, #tpu.memory_space<vmem>>
        %dma_start3A_100 = tpu.memref_squeeze %dma_start3A_99 : memref<1x200xi32, #tpu.memory_space<vmem>> -> memref<200xi32, #tpu.memory_space<vmem>>
        %dma_start3A_101 = tpu.memref_slice %arg3[%add3A_97] : memref<800000xi32, #tpu.memory_space<hbm>> -> memref<200xi32, #tpu.memory_space<hbm>>
        %dma_start3A_102 = tpu.memref_slice %arg7[%rem3A_94] : memref<2x!tpu.dma_semaphore, #tpu.memory_space<semaphore_mem>> -> memref<1x!tpu.dma_semaphore, #tpu.memory_space<semaphore_mem>>
        %dma_start3A_103 = tpu.memref_squeeze %dma_start3A_102 : memref<1x!tpu.dma_semaphore, #tpu.memory_space<semaphore_mem>> -> memref<!tpu.dma_semaphore, #tpu.memory_space<semaphore_mem>>
        %dma_start3A_104 = arith.constant 0 : i32
        %dma_start3A_105 = tpu.memref_slice %arg5[%rem3A_94, %dma_start3A_104] : memref<2x200xi32, #tpu.memory_space<vmem>> -> memref<1x200xi32, #tpu.memory_space<vmem>>
        %dma_start3A_106 = tpu.memref_squeeze %dma_start3A_105 : memref<1x200xi32, #tpu.memory_space<vmem>> -> memref<200xi32, #tpu.memory_space<vmem>>
        %dma_start3A_107 = tpu.memref_slice %arg3[%add3A_97] : memref<800000xi32, #tpu.memory_space<hbm>> -> memref<200xi32, #tpu.memory_space<hbm>>
        tpu.enqueue_dma source(%dma_start3A_107 : memref<200xi32, #tpu.memory_space<hbm>>) target(%dma_start3A_106 : memref<200xi32, #tpu.memory_space<vmem>>) target_semaphore(%dma_start3A_103 : memref<!tpu.dma_semaphore, #tpu.memory_space<semaphore_mem>>)
      } else {
      }
      %mul3A_88 = arith.constant 200 : i32
      %mul3A_89 = arith.muli %scan3A_62, %mul3A_88 : i32
      %add3A_90 = arith.addi %mul3A_2, %mul3A_89 : i32
      "tpu.region"() ({
        %run_scoped3A = tpu.sem_alloc : memref<!tpu.dma_semaphore, #tpu.memory_space<semaphore_mem>>
        %dma_start3A_91 = arith.constant 0 : i32
        %dma_start3A_92 = arith.constant 0 : i32
        %dma_start3A_93 = tpu.memref_slice %arg6[%rem3A_64, %dma_start3A_91, %dma_start3A_92] : memref<2x200x64xf32, #tpu.memory_space<vmem>> -> memref<1x200x64xf32, #tpu.memory_space<vmem>>
        %dma_start3A_94 = tpu.memref_squeeze %dma_start3A_93 : memref<1x200x64xf32, #tpu.memory_space<vmem>> -> memref<200x64xf32, #tpu.memory_space<vmem>>
        %dma_start3A_95 = arith.constant 0 : i32
        %dma_start3A_96 = tpu.memref_slice %arg4[%add3A_90, %dma_start3A_95] : memref<800000x64xf32, #tpu.memory_space<hbm>> -> memref<200x64xf32, #tpu.memory_space<hbm>>
        %dma_start3A_97 = arith.constant 0 : i32
        %dma_start3A_98 = tpu.memref_slice %arg4[%add3A_90, %dma_start3A_97] : memref<800000x64xf32, #tpu.memory_space<hbm>> -> memref<200x64xf32, #tpu.memory_space<hbm>>
        %dma_start3A_99 = arith.constant 0 : i32
        %dma_start3A_100 = arith.constant 0 : i32
        %dma_start3A_101 = tpu.memref_slice %arg6[%rem3A_64, %dma_start3A_99, %dma_start3A_100] : memref<2x200x64xf32, #tpu.memory_space<vmem>> -> memref<1x200x64xf32, #tpu.memory_space<vmem>>
        %dma_start3A_102 = tpu.memref_squeeze %dma_start3A_101 : memref<1x200x64xf32, #tpu.memory_space<vmem>> -> memref<200x64xf32, #tpu.memory_space<vmem>>
        tpu.enqueue_dma source(%dma_start3A_102 : memref<200x64xf32, #tpu.memory_space<vmem>>) target(%dma_start3A_98 : memref<200x64xf32, #tpu.memory_space<hbm>>) target_semaphore(%run_scoped3A : memref<!tpu.dma_semaphore, #tpu.memory_space<semaphore_mem>>)
        %dma_wait3A_103 = arith.constant 0 : i32
        %dma_wait3A_104 = arith.constant 0 : i32
        %dma_wait3A_105 = tpu.memref_slice %arg6[%rem3A_64, %dma_wait3A_103, %dma_wait3A_104] : memref<2x200x64xf32, #tpu.memory_space<vmem>> -> memref<1x200x64xf32, #tpu.memory_space<vmem>>
        %dma_wait3A_106 = tpu.memref_squeeze %dma_wait3A_105 : memref<1x200x64xf32, #tpu.memory_space<vmem>> -> memref<200x64xf32, #tpu.memory_space<vmem>>
        %dma_wait3A_107 = arith.constant 0 : i32
        %dma_wait3A_108 = tpu.memref_slice %arg4[%add3A_90, %dma_wait3A_107] : memref<800000x64xf32, #tpu.memory_space<hbm>> -> memref<200x64xf32, #tpu.memory_space<hbm>>
        %dma_wait3A_109 = arith.constant 0 : i32
        %dma_wait3A_110 = tpu.memref_slice %arg4[%add3A_90, %dma_wait3A_109] : memref<800000x64xf32, #tpu.memory_space<hbm>> -> memref<200x64xf32, #tpu.memory_space<hbm>>
        %dma_wait3A_111 = arith.constant 0 : i32
        %dma_wait3A_112 = arith.constant 0 : i32
        %dma_wait3A_113 = tpu.memref_slice %arg6[%rem3A_64, %dma_wait3A_111, %dma_wait3A_112] : memref<2x200x64xf32, #tpu.memory_space<vmem>> -> memref<1x200x64xf32, #tpu.memory_space<vmem>>
        %dma_wait3A_114 = tpu.memref_squeeze %dma_wait3A_113 : memref<1x200x64xf32, #tpu.memory_space<vmem>> -> memref<200x64xf32, #tpu.memory_space<vmem>>
        tpu.wait_dma2 semaphore(%run_scoped3A : memref<!tpu.dma_semaphore, #tpu.memory_space<semaphore_mem>>) src(%dma_wait3A_114 : memref<200x64xf32, #tpu.memory_space<vmem>>) dst(%dma_wait3A_110 : memref<200x64xf32, #tpu.memory_space<hbm>>)
        tpu.yield
      }) : () -> ()
    }
    %scan3A_61 = arith.constant 125 : i32
    return
  }
}

#map = affine_map<(d0, d1) -> (0, 0)>
#map1 = affine_map<(d0, d1) -> (0)>
#map2 = affine_map<(d0, d1) -> (0, 0, 0)>
module attributes {stable_mosaic.version = 14 : i64} {
  func.func @k(%arg0: i32, %arg1: i32, %arg2: memref<800000x64xf32, #tpu.memory_space<hbm>>, %arg3: memref<800000xi32, #tpu.memory_space<hbm>>, %arg4: memref<3128x32xf32, #tpu.memory_space<hbm>>, %arg5: memref<2x50048x32xf32, #tpu.memory_space<hbm>>, %arg6: memref<2x400xi32, #tpu.memory_space<vmem>>, %arg7: memref<2x400x32xf32, #tpu.memory_space<vmem>>, %arg8: memref<50048x32xf32, #tpu.memory_space<vmem_shared>>, %arg9: memref<2x!tpu.dma_semaphore, #tpu.memory_space<semaphore_mem>>, %arg10: memref<2x!tpu.dma_semaphore, #tpu.memory_space<semaphore_mem>>) attributes {dimension_semantics = [#tpu.dimension_semantics<core_parallel>, #tpu.dimension_semantics<subcore_parallel>], iteration_bounds = array<i64: 2, 16>, scalar_prefetch = 0 : i64, scratch_operands = 5 : i64, tpu.core_type = #tpu.core_type<sc_vector_subcore>, window_params = [{transform_indices = #map}, {transform_indices = #map1}, {transform_indices = #map}, {transform_indices = #map2}]} {
    %mul3A = arith.constant 3128 : i32
    %mul3A_0 = arith.muli %arg1, %mul3A : i32
    "tpu.region"() ({
      %run_scoped3A = tpu.sem_alloc : memref<!tpu.dma_semaphore, #tpu.memory_space<semaphore_mem>>
      %dma_start3A_39 = arith.constant 0 : i32
      %dma_start3A_40 = tpu.memref_slice %arg8[%mul3A_0, %dma_start3A_39] : memref<50048x32xf32, #tpu.memory_space<vmem_shared>> -> memref<3128x32xf32, #tpu.memory_space<vmem_shared>>
      tpu.enqueue_dma source(%arg4 : memref<3128x32xf32, #tpu.memory_space<hbm>>) target(%dma_start3A_40 : memref<3128x32xf32, #tpu.memory_space<vmem_shared>>) target_semaphore(%run_scoped3A : memref<!tpu.dma_semaphore, #tpu.memory_space<semaphore_mem>>)
      %dma_wait3A = arith.constant 0 : i32
      %dma_wait3A_41 = tpu.memref_slice %arg8[%mul3A_0, %dma_wait3A] : memref<50048x32xf32, #tpu.memory_space<vmem_shared>> -> memref<3128x32xf32, #tpu.memory_space<vmem_shared>>
      tpu.wait_dma2 semaphore(%run_scoped3A : memref<!tpu.dma_semaphore, #tpu.memory_space<semaphore_mem>>) src(%arg4 : memref<3128x32xf32, #tpu.memory_space<hbm>>) dst(%dma_wait3A_41 : memref<3128x32xf32, #tpu.memory_space<vmem_shared>>)
      tpu.yield
    }) : () -> ()
    %barrier3A = arith.constant 0 : index
    tpu.barrier barrier_id(%barrier3A)
    %rem3A = arith.constant 0 : i32
    %rem3A_1 = arith.constant 2 : i32
    %rem3A_2 = arith.remsi %rem3A, %rem3A_1 : i32
    %mul3A_3 = arith.constant 50000 : i32
    %mul3A_4 = arith.muli %arg1, %mul3A_3 : i32
    %add3A = arith.constant 0 : i32
    %add3A_5 = arith.addi %mul3A_4, %add3A : i32
    %mul3A_6 = arith.constant 32 : i32
    %mul3A_7 = arith.muli %arg0, %mul3A_6 : i32
    %dma_start3A = arith.constant 0 : i32
    %dma_start3A_8 = arith.constant 0 : i32
    %dma_start3A_9 = tpu.memref_slice %arg7[%rem3A_2, %dma_start3A, %dma_start3A_8] : memref<2x400x32xf32, #tpu.memory_space<vmem>> -> memref<1x400x32xf32, #tpu.memory_space<vmem>>
    %dma_start3A_10 = tpu.memref_squeeze %dma_start3A_9 : memref<1x400x32xf32, #tpu.memory_space<vmem>> -> memref<400x32xf32, #tpu.memory_space<vmem>>
    %dma_start3A_11 = tpu.memref_slice %arg2[%add3A_5, %mul3A_7] : memref<800000x64xf32, #tpu.memory_space<hbm>> -> memref<400x32xf32, #tpu.memory_space<hbm>>
    %dma_start3A_12 = tpu.memref_slice %arg9[%rem3A_2] : memref<2x!tpu.dma_semaphore, #tpu.memory_space<semaphore_mem>> -> memref<1x!tpu.dma_semaphore, #tpu.memory_space<semaphore_mem>>
    %dma_start3A_13 = tpu.memref_squeeze %dma_start3A_12 : memref<1x!tpu.dma_semaphore, #tpu.memory_space<semaphore_mem>> -> memref<!tpu.dma_semaphore, #tpu.memory_space<semaphore_mem>>
    %dma_start3A_14 = arith.constant 0 : i32
    %dma_start3A_15 = arith.constant 0 : i32
    %dma_start3A_16 = tpu.memref_slice %arg7[%rem3A_2, %dma_start3A_14, %dma_start3A_15] : memref<2x400x32xf32, #tpu.memory_space<vmem>> -> memref<1x400x32xf32, #tpu.memory_space<vmem>>
    %dma_start3A_17 = tpu.memref_squeeze %dma_start3A_16 : memref<1x400x32xf32, #tpu.memory_space<vmem>> -> memref<400x32xf32, #tpu.memory_space<vmem>>
    %dma_start3A_18 = tpu.memref_slice %arg2[%add3A_5, %mul3A_7] : memref<800000x64xf32, #tpu.memory_space<hbm>> -> memref<400x32xf32, #tpu.memory_space<hbm>>
    tpu.enqueue_dma source(%dma_start3A_18 : memref<400x32xf32, #tpu.memory_space<hbm>>) target(%dma_start3A_17 : memref<400x32xf32, #tpu.memory_space<vmem>>) target_semaphore(%dma_start3A_13 : memref<!tpu.dma_semaphore, #tpu.memory_space<semaphore_mem>>)
    %dma_start3A_19 = arith.constant 0 : i32
    %dma_start3A_20 = tpu.memref_slice %arg6[%rem3A_2, %dma_start3A_19] : memref<2x400xi32, #tpu.memory_space<vmem>> -> memref<1x400xi32, #tpu.memory_space<vmem>>
    %dma_start3A_21 = tpu.memref_squeeze %dma_start3A_20 : memref<1x400xi32, #tpu.memory_space<vmem>> -> memref<400xi32, #tpu.memory_space<vmem>>
    %dma_start3A_22 = tpu.memref_slice %arg3[%add3A_5] : memref<800000xi32, #tpu.memory_space<hbm>> -> memref<400xi32, #tpu.memory_space<hbm>>
    %dma_start3A_23 = tpu.memref_slice %arg10[%rem3A_2] : memref<2x!tpu.dma_semaphore, #tpu.memory_space<semaphore_mem>> -> memref<1x!tpu.dma_semaphore, #tpu.memory_space<semaphore_mem>>
    %dma_start3A_24 = tpu.memref_squeeze %dma_start3A_23 : memref<1x!tpu.dma_semaphore, #tpu.memory_space<semaphore_mem>> -> memref<!tpu.dma_semaphore, #tpu.memory_space<semaphore_mem>>
    %dma_start3A_25 = arith.constant 0 : i32
    %dma_start3A_26 = tpu.memref_slice %arg6[%rem3A_2, %dma_start3A_25] : memref<2x400xi32, #tpu.memory_space<vmem>> -> memref<1x400xi32, #tpu.memory_space<vmem>>
    %dma_start3A_27 = tpu.memref_squeeze %dma_start3A_26 : memref<1x400xi32, #tpu.memory_space<vmem>> -> memref<400xi32, #tpu.memory_space<vmem>>
    %dma_start3A_28 = tpu.memref_slice %arg3[%add3A_5] : memref<800000xi32, #tpu.memory_space<hbm>> -> memref<400xi32, #tpu.memory_space<hbm>>
    tpu.enqueue_dma source(%dma_start3A_28 : memref<400xi32, #tpu.memory_space<hbm>>) target(%dma_start3A_27 : memref<400xi32, #tpu.memory_space<vmem>>) target_semaphore(%dma_start3A_24 : memref<!tpu.dma_semaphore, #tpu.memory_space<semaphore_mem>>)
    %scan3A = arith.constant 0 : i32
    %scan3A_29 = arith.constant 0 : i32
    %scan3A_30 = arith.constant 125 : i32
    %scan3A_31 = arith.addi %scan3A_29, %scan3A_30 : i32
    %scan3A_32 = arith.constant 1 : i32
    scf.for %scan3A_39 = %scan3A_29 to %scan3A_31 step %scan3A_32  : i32 {
      %rem3A_40 = arith.constant 2 : i32
      %rem3A_41 = arith.remsi %scan3A_39, %rem3A_40 : i32
      %add3A_42 = arith.constant 1 : i32
      %add3A_43 = arith.addi %scan3A_39, %add3A_42 : i32
      %lt3A = arith.constant 125 : i32
      %lt3A_44 = arith.cmpi slt, %add3A_43, %lt3A : i32
      %convert_element_type3A = arith.extui %lt3A_44 : i1 to i32
      %cond3A = arith.constant 0 : i32
      %cond3A_45 = arith.cmpi ne, %convert_element_type3A, %cond3A : i32
      scf.if %cond3A_45 {
        %add3A_74 = arith.constant 1 : i32
        %add3A_75 = arith.addi %scan3A_39, %add3A_74 : i32
        %rem3A_76 = arith.constant 2 : i32
        %rem3A_77 = arith.remsi %add3A_75, %rem3A_76 : i32
        %mul3A_78 = arith.constant 50000 : i32
        %mul3A_79 = arith.muli %arg1, %mul3A_78 : i32
        %mul3A_80 = arith.constant 400 : i32
        %mul3A_81 = arith.muli %add3A_75, %mul3A_80 : i32
        %add3A_82 = arith.addi %mul3A_79, %mul3A_81 : i32
        %mul3A_83 = arith.constant 32 : i32
        %mul3A_84 = arith.muli %arg0, %mul3A_83 : i32
        %dma_start3A_85 = arith.constant 0 : i32
        %dma_start3A_86 = arith.constant 0 : i32
        %dma_start3A_87 = tpu.memref_slice %arg7[%rem3A_77, %dma_start3A_85, %dma_start3A_86] : memref<2x400x32xf32, #tpu.memory_space<vmem>> -> memref<1x400x32xf32, #tpu.memory_space<vmem>>
        %dma_start3A_88 = tpu.memref_squeeze %dma_start3A_87 : memref<1x400x32xf32, #tpu.memory_space<vmem>> -> memref<400x32xf32, #tpu.memory_space<vmem>>
        %dma_start3A_89 = tpu.memref_slice %arg2[%add3A_82, %mul3A_84] : memref<800000x64xf32, #tpu.memory_space<hbm>> -> memref<400x32xf32, #tpu.memory_space<hbm>>
        %dma_start3A_90 = tpu.memref_slice %arg9[%rem3A_77] : memref<2x!tpu.dma_semaphore, #tpu.memory_space<semaphore_mem>> -> memref<1x!tpu.dma_semaphore, #tpu.memory_space<semaphore_mem>>
        %dma_start3A_91 = tpu.memref_squeeze %dma_start3A_90 : memref<1x!tpu.dma_semaphore, #tpu.memory_space<semaphore_mem>> -> memref<!tpu.dma_semaphore, #tpu.memory_space<semaphore_mem>>
        %dma_start3A_92 = arith.constant 0 : i32
        %dma_start3A_93 = arith.constant 0 : i32
        %dma_start3A_94 = tpu.memref_slice %arg7[%rem3A_77, %dma_start3A_92, %dma_start3A_93] : memref<2x400x32xf32, #tpu.memory_space<vmem>> -> memref<1x400x32xf32, #tpu.memory_space<vmem>>
        %dma_start3A_95 = tpu.memref_squeeze %dma_start3A_94 : memref<1x400x32xf32, #tpu.memory_space<vmem>> -> memref<400x32xf32, #tpu.memory_space<vmem>>
        %dma_start3A_96 = tpu.memref_slice %arg2[%add3A_82, %mul3A_84] : memref<800000x64xf32, #tpu.memory_space<hbm>> -> memref<400x32xf32, #tpu.memory_space<hbm>>
        tpu.enqueue_dma source(%dma_start3A_96 : memref<400x32xf32, #tpu.memory_space<hbm>>) target(%dma_start3A_95 : memref<400x32xf32, #tpu.memory_space<vmem>>) target_semaphore(%dma_start3A_91 : memref<!tpu.dma_semaphore, #tpu.memory_space<semaphore_mem>>)
        %dma_start3A_97 = arith.constant 0 : i32
        %dma_start3A_98 = tpu.memref_slice %arg6[%rem3A_77, %dma_start3A_97] : memref<2x400xi32, #tpu.memory_space<vmem>> -> memref<1x400xi32, #tpu.memory_space<vmem>>
        %dma_start3A_99 = tpu.memref_squeeze %dma_start3A_98 : memref<1x400xi32, #tpu.memory_space<vmem>> -> memref<400xi32, #tpu.memory_space<vmem>>
        %dma_start3A_100 = tpu.memref_slice %arg3[%add3A_82] : memref<800000xi32, #tpu.memory_space<hbm>> -> memref<400xi32, #tpu.memory_space<hbm>>
        %dma_start3A_101 = tpu.memref_slice %arg10[%rem3A_77] : memref<2x!tpu.dma_semaphore, #tpu.memory_space<semaphore_mem>> -> memref<1x!tpu.dma_semaphore, #tpu.memory_space<semaphore_mem>>
        %dma_start3A_102 = tpu.memref_squeeze %dma_start3A_101 : memref<1x!tpu.dma_semaphore, #tpu.memory_space<semaphore_mem>> -> memref<!tpu.dma_semaphore, #tpu.memory_space<semaphore_mem>>
        %dma_start3A_103 = arith.constant 0 : i32
        %dma_start3A_104 = tpu.memref_slice %arg6[%rem3A_77, %dma_start3A_103] : memref<2x400xi32, #tpu.memory_space<vmem>> -> memref<1x400xi32, #tpu.memory_space<vmem>>
        %dma_start3A_105 = tpu.memref_squeeze %dma_start3A_104 : memref<1x400xi32, #tpu.memory_space<vmem>> -> memref<400xi32, #tpu.memory_space<vmem>>
        %dma_start3A_106 = tpu.memref_slice %arg3[%add3A_82] : memref<800000xi32, #tpu.memory_space<hbm>> -> memref<400xi32, #tpu.memory_space<hbm>>
        tpu.enqueue_dma source(%dma_start3A_106 : memref<400xi32, #tpu.memory_space<hbm>>) target(%dma_start3A_105 : memref<400xi32, #tpu.memory_space<vmem>>) target_semaphore(%dma_start3A_102 : memref<!tpu.dma_semaphore, #tpu.memory_space<semaphore_mem>>)
      } else {
      }
      %mul3A_46 = arith.constant 50000 : i32
      %mul3A_47 = arith.muli %arg1, %mul3A_46 : i32
      %mul3A_48 = arith.constant 400 : i32
      %mul3A_49 = arith.muli %scan3A_39, %mul3A_48 : i32
      %add3A_50 = arith.addi %mul3A_47, %mul3A_49 : i32
      %mul3A_51 = arith.constant 32 : i32
      %mul3A_52 = arith.muli %arg0, %mul3A_51 : i32
      %dma_wait3A = arith.constant 0 : i32
      %dma_wait3A_53 = arith.constant 0 : i32
      %dma_wait3A_54 = tpu.memref_slice %arg7[%rem3A_41, %dma_wait3A, %dma_wait3A_53] : memref<2x400x32xf32, #tpu.memory_space<vmem>> -> memref<1x400x32xf32, #tpu.memory_space<vmem>>
      %dma_wait3A_55 = tpu.memref_squeeze %dma_wait3A_54 : memref<1x400x32xf32, #tpu.memory_space<vmem>> -> memref<400x32xf32, #tpu.memory_space<vmem>>
      %dma_wait3A_56 = tpu.memref_slice %arg2[%add3A_50, %mul3A_52] : memref<800000x64xf32, #tpu.memory_space<hbm>> -> memref<400x32xf32, #tpu.memory_space<hbm>>
      %dma_wait3A_57 = tpu.memref_slice %arg9[%rem3A_41] : memref<2x!tpu.dma_semaphore, #tpu.memory_space<semaphore_mem>> -> memref<1x!tpu.dma_semaphore, #tpu.memory_space<semaphore_mem>>
      %dma_wait3A_58 = tpu.memref_squeeze %dma_wait3A_57 : memref<1x!tpu.dma_semaphore, #tpu.memory_space<semaphore_mem>> -> memref<!tpu.dma_semaphore, #tpu.memory_space<semaphore_mem>>
      %dma_wait3A_59 = arith.constant 0 : i32
      %dma_wait3A_60 = arith.constant 0 : i32
      %dma_wait3A_61 = tpu.memref_slice %arg7[%rem3A_41, %dma_wait3A_59, %dma_wait3A_60] : memref<2x400x32xf32, #tpu.memory_space<vmem>> -> memref<1x400x32xf32, #tpu.memory_space<vmem>>
      %dma_wait3A_62 = tpu.memref_squeeze %dma_wait3A_61 : memref<1x400x32xf32, #tpu.memory_space<vmem>> -> memref<400x32xf32, #tpu.memory_space<vmem>>
      %dma_wait3A_63 = tpu.memref_slice %arg2[%add3A_50, %mul3A_52] : memref<800000x64xf32, #tpu.memory_space<hbm>> -> memref<400x32xf32, #tpu.memory_space<hbm>>
      tpu.wait_dma2 semaphore(%dma_wait3A_58 : memref<!tpu.dma_semaphore, #tpu.memory_space<semaphore_mem>>) src(%dma_wait3A_63 : memref<400x32xf32, #tpu.memory_space<hbm>>) dst(%dma_wait3A_62 : memref<400x32xf32, #tpu.memory_space<vmem>>)
      %dma_wait3A_64 = arith.constant 0 : i32
      %dma_wait3A_65 = tpu.memref_slice %arg6[%rem3A_41, %dma_wait3A_64] : memref<2x400xi32, #tpu.memory_space<vmem>> -> memref<1x400xi32, #tpu.memory_space<vmem>>
      %dma_wait3A_66 = tpu.memref_squeeze %dma_wait3A_65 : memref<1x400xi32, #tpu.memory_space<vmem>> -> memref<400xi32, #tpu.memory_space<vmem>>
      %dma_wait3A_67 = tpu.memref_slice %arg3[%add3A_50] : memref<800000xi32, #tpu.memory_space<hbm>> -> memref<400xi32, #tpu.memory_space<hbm>>
      %dma_wait3A_68 = tpu.memref_slice %arg10[%rem3A_41] : memref<2x!tpu.dma_semaphore, #tpu.memory_space<semaphore_mem>> -> memref<1x!tpu.dma_semaphore, #tpu.memory_space<semaphore_mem>>
      %dma_wait3A_69 = tpu.memref_squeeze %dma_wait3A_68 : memref<1x!tpu.dma_semaphore, #tpu.memory_space<semaphore_mem>> -> memref<!tpu.dma_semaphore, #tpu.memory_space<semaphore_mem>>
      %dma_wait3A_70 = arith.constant 0 : i32
      %dma_wait3A_71 = tpu.memref_slice %arg6[%rem3A_41, %dma_wait3A_70] : memref<2x400xi32, #tpu.memory_space<vmem>> -> memref<1x400xi32, #tpu.memory_space<vmem>>
      %dma_wait3A_72 = tpu.memref_squeeze %dma_wait3A_71 : memref<1x400xi32, #tpu.memory_space<vmem>> -> memref<400xi32, #tpu.memory_space<vmem>>
      %dma_wait3A_73 = tpu.memref_slice %arg3[%add3A_50] : memref<800000xi32, #tpu.memory_space<hbm>> -> memref<400xi32, #tpu.memory_space<hbm>>
      tpu.wait_dma2 semaphore(%dma_wait3A_69 : memref<!tpu.dma_semaphore, #tpu.memory_space<semaphore_mem>>) src(%dma_wait3A_73 : memref<400xi32, #tpu.memory_space<hbm>>) dst(%dma_wait3A_72 : memref<400xi32, #tpu.memory_space<vmem>>)
      "tpu.region"() ({
        %run_scoped3A = tpu.sem_alloc : memref<!tpu.dma_semaphore, #tpu.memory_space<semaphore_mem>>
        %dma_start3A_74 = arith.constant 0 : i32
        %dma_start3A_75 = arith.constant 0 : i32
        %dma_start3A_76 = tpu.memref_slice %arg7[%rem3A_41, %dma_start3A_74, %dma_start3A_75] : memref<2x400x32xf32, #tpu.memory_space<vmem>> -> memref<1x400x32xf32, #tpu.memory_space<vmem>>
        %dma_start3A_77 = tpu.memref_squeeze %dma_start3A_76 : memref<1x400x32xf32, #tpu.memory_space<vmem>> -> memref<400x32xf32, #tpu.memory_space<vmem>>
        %dma_start3A_78 = arith.constant 0 : i32
        %dma_start3A_79 = tpu.memref_slice %arg6[%rem3A_41, %dma_start3A_78] : memref<2x400xi32, #tpu.memory_space<vmem>> -> memref<1x400xi32, #tpu.memory_space<vmem>>
        %dma_start3A_80 = tpu.memref_squeeze %dma_start3A_79 : memref<1x400xi32, #tpu.memory_space<vmem>> -> memref<400xi32, #tpu.memory_space<vmem>>
        %dma_start3A_81 = arith.constant 0 : i32
        %dma_start3A_82 = arith.constant 0 : i32
        %dma_start3A_83 = tpu.memref_slice %arg8[%dma_start3A_81, %dma_start3A_82] : memref<50048x32xf32, #tpu.memory_space<vmem_shared>> -> memref<50048x32xf32, #tpu.memory_space<vmem_shared>>
        tpu.enqueue_indirect_dma source(%dma_start3A_77 : memref<400x32xf32, #tpu.memory_space<vmem>>) target(%dma_start3A_83 : memref<50048x32xf32, #tpu.memory_space<vmem_shared>>) offsets(%dma_start3A_80 : memref<400xi32, #tpu.memory_space<vmem>>) semaphore(%run_scoped3A : memref<!tpu.dma_semaphore, #tpu.memory_space<semaphore_mem>>) {add = true}
        %dma_wait3A_84 = arith.constant 0 : i32
        %dma_wait3A_85 = arith.constant 0 : i32
        %dma_wait3A_86 = tpu.memref_slice %arg7[%rem3A_41, %dma_wait3A_84, %dma_wait3A_85] : memref<2x400x32xf32, #tpu.memory_space<vmem>> -> memref<1x400x32xf32, #tpu.memory_space<vmem>>
        %dma_wait3A_87 = tpu.memref_squeeze %dma_wait3A_86 : memref<1x400x32xf32, #tpu.memory_space<vmem>> -> memref<400x32xf32, #tpu.memory_space<vmem>>
        %dma_wait3A_88 = arith.constant 0 : i32
        %dma_wait3A_89 = tpu.memref_slice %arg6[%rem3A_41, %dma_wait3A_88] : memref<2x400xi32, #tpu.memory_space<vmem>> -> memref<1x400xi32, #tpu.memory_space<vmem>>
        %dma_wait3A_90 = tpu.memref_squeeze %dma_wait3A_89 : memref<1x400xi32, #tpu.memory_space<vmem>> -> memref<400xi32, #tpu.memory_space<vmem>>
        %dma_wait3A_91 = arith.constant 0 : i32
        %dma_wait3A_92 = arith.constant 0 : i32
        %dma_wait3A_93 = tpu.memref_slice %arg8[%dma_wait3A_91, %dma_wait3A_92] : memref<50048x32xf32, #tpu.memory_space<vmem_shared>> -> memref<50048x32xf32, #tpu.memory_space<vmem_shared>>
        tpu.wait_indirect_dma semaphore(%run_scoped3A : memref<!tpu.dma_semaphore, #tpu.memory_space<semaphore_mem>>) src(%dma_wait3A_87 : memref<400x32xf32, #tpu.memory_space<vmem>>) dst(%dma_wait3A_93 : memref<50048x32xf32, #tpu.memory_space<vmem_shared>>)
        tpu.yield
      }) : () -> ()
    }
    %scan3A_33 = arith.constant 125 : i32
    %barrier3A_34 = arith.constant 0 : index
    tpu.barrier barrier_id(%barrier3A_34)
    %mul3A_35 = arith.constant 3128 : i32
    %mul3A_36 = arith.muli %arg1, %mul3A_35 : i32
    %mul3A_37 = arith.constant 3128 : i32
    %mul3A_38 = arith.muli %arg1, %mul3A_37 : i32
    "tpu.region"() ({
      %run_scoped3A = tpu.sem_alloc : memref<!tpu.dma_semaphore, #tpu.memory_space<semaphore_mem>>
      %dma_start3A_39 = arith.constant 0 : i32
      %dma_start3A_40 = tpu.memref_slice %arg5[%arg0, %mul3A_38, %dma_start3A_39] : memref<2x50048x32xf32, #tpu.memory_space<hbm>> -> memref<1x3128x32xf32, #tpu.memory_space<hbm>>
      %dma_start3A_41 = tpu.memref_squeeze %dma_start3A_40 : memref<1x3128x32xf32, #tpu.memory_space<hbm>> -> memref<3128x32xf32, #tpu.memory_space<hbm>>
      %dma_start3A_42 = arith.constant 0 : i32
      %dma_start3A_43 = tpu.memref_slice %arg8[%mul3A_36, %dma_start3A_42] : memref<50048x32xf32, #tpu.memory_space<vmem_shared>> -> memref<3128x32xf32, #tpu.memory_space<vmem_shared>>
      tpu.enqueue_dma source(%dma_start3A_43 : memref<3128x32xf32, #tpu.memory_space<vmem_shared>>) target(%dma_start3A_41 : memref<3128x32xf32, #tpu.memory_space<hbm>>) target_semaphore(%run_scoped3A : memref<!tpu.dma_semaphore, #tpu.memory_space<semaphore_mem>>)
      %dma_wait3A = arith.constant 0 : i32
      %dma_wait3A_44 = tpu.memref_slice %arg5[%arg0, %mul3A_38, %dma_wait3A] : memref<2x50048x32xf32, #tpu.memory_space<hbm>> -> memref<1x3128x32xf32, #tpu.memory_space<hbm>>
      %dma_wait3A_45 = tpu.memref_squeeze %dma_wait3A_44 : memref<1x3128x32xf32, #tpu.memory_space<hbm>> -> memref<3128x32xf32, #tpu.memory_space<hbm>>
      %dma_wait3A_46 = arith.constant 0 : i32
      %dma_wait3A_47 = tpu.memref_slice %arg8[%mul3A_36, %dma_wait3A_46] : memref<50048x32xf32, #tpu.memory_space<vmem_shared>> -> memref<3128x32xf32, #tpu.memory_space<vmem_shared>>
      tpu.wait_dma2 semaphore(%run_scoped3A : memref<!tpu.dma_semaphore, #tpu.memory_space<semaphore_mem>>) src(%dma_wait3A_47 : memref<3128x32xf32, #tpu.memory_space<vmem_shared>>) dst(%dma_wait3A_45 : memref<3128x32xf32, #tpu.memory_space<hbm>>)
      tpu.yield
    }) : () -> ()
    return
  }
}

#map = affine_map<(d0, d1) -> (0, 0)>
#map1 = affine_map<(d0, d1) -> (0)>
#map2 = affine_map<(d0, d1) -> (0, 0, 0)>
module attributes {stable_mosaic.version = 14 : i64} {
  func.func @k(%arg0: i32, %arg1: i32, %arg2: memref<50176x64xf32, #tpu.memory_space<hbm>>, %arg3: memref<50176xi32, #tpu.memory_space<hbm>>, %arg4: memref<32x32xf32, #tpu.memory_space<hbm>>, %arg5: memref<2x512x32xf32, #tpu.memory_space<hbm>>, %arg6: memref<2x392xi32, #tpu.memory_space<vmem>>, %arg7: memref<2x392x32xf32, #tpu.memory_space<vmem>>, %arg8: memref<512x32xf32, #tpu.memory_space<vmem_shared>>, %arg9: memref<2x!tpu.dma_semaphore, #tpu.memory_space<semaphore_mem>>, %arg10: memref<2x!tpu.dma_semaphore, #tpu.memory_space<semaphore_mem>>) attributes {dimension_semantics = [#tpu.dimension_semantics<core_parallel>, #tpu.dimension_semantics<subcore_parallel>], iteration_bounds = array<i64: 2, 16>, scalar_prefetch = 0 : i64, scratch_operands = 5 : i64, tpu.core_type = #tpu.core_type<sc_vector_subcore>, window_params = [{transform_indices = #map}, {transform_indices = #map1}, {transform_indices = #map}, {transform_indices = #map2}]} {
    %mul3A = arith.constant 32 : i32
    %mul3A_0 = arith.muli %arg1, %mul3A : i32
    "tpu.region"() ({
      %run_scoped3A = tpu.sem_alloc : memref<!tpu.dma_semaphore, #tpu.memory_space<semaphore_mem>>
      %dma_start3A_39 = arith.constant 0 : i32
      %dma_start3A_40 = tpu.memref_slice %arg8[%mul3A_0, %dma_start3A_39] : memref<512x32xf32, #tpu.memory_space<vmem_shared>> -> memref<32x32xf32, #tpu.memory_space<vmem_shared>>
      tpu.enqueue_dma source(%arg4 : memref<32x32xf32, #tpu.memory_space<hbm>>) target(%dma_start3A_40 : memref<32x32xf32, #tpu.memory_space<vmem_shared>>) target_semaphore(%run_scoped3A : memref<!tpu.dma_semaphore, #tpu.memory_space<semaphore_mem>>)
      %dma_wait3A = arith.constant 0 : i32
      %dma_wait3A_41 = tpu.memref_slice %arg8[%mul3A_0, %dma_wait3A] : memref<512x32xf32, #tpu.memory_space<vmem_shared>> -> memref<32x32xf32, #tpu.memory_space<vmem_shared>>
      tpu.wait_dma2 semaphore(%run_scoped3A : memref<!tpu.dma_semaphore, #tpu.memory_space<semaphore_mem>>) src(%arg4 : memref<32x32xf32, #tpu.memory_space<hbm>>) dst(%dma_wait3A_41 : memref<32x32xf32, #tpu.memory_space<vmem_shared>>)
      tpu.yield
    }) : () -> ()
    %barrier3A = arith.constant 0 : index
    tpu.barrier barrier_id(%barrier3A)
    %rem3A = arith.constant 0 : i32
    %rem3A_1 = arith.constant 2 : i32
    %rem3A_2 = arith.remsi %rem3A, %rem3A_1 : i32
    %mul3A_3 = arith.constant 3136 : i32
    %mul3A_4 = arith.muli %arg1, %mul3A_3 : i32
    %add3A = arith.constant 0 : i32
    %add3A_5 = arith.addi %mul3A_4, %add3A : i32
    %mul3A_6 = arith.constant 32 : i32
    %mul3A_7 = arith.muli %arg0, %mul3A_6 : i32
    %dma_start3A = arith.constant 0 : i32
    %dma_start3A_8 = arith.constant 0 : i32
    %dma_start3A_9 = tpu.memref_slice %arg7[%rem3A_2, %dma_start3A, %dma_start3A_8] : memref<2x392x32xf32, #tpu.memory_space<vmem>> -> memref<1x392x32xf32, #tpu.memory_space<vmem>>
    %dma_start3A_10 = tpu.memref_squeeze %dma_start3A_9 : memref<1x392x32xf32, #tpu.memory_space<vmem>> -> memref<392x32xf32, #tpu.memory_space<vmem>>
    %dma_start3A_11 = tpu.memref_slice %arg2[%add3A_5, %mul3A_7] : memref<50176x64xf32, #tpu.memory_space<hbm>> -> memref<392x32xf32, #tpu.memory_space<hbm>>
    %dma_start3A_12 = tpu.memref_slice %arg9[%rem3A_2] : memref<2x!tpu.dma_semaphore, #tpu.memory_space<semaphore_mem>> -> memref<1x!tpu.dma_semaphore, #tpu.memory_space<semaphore_mem>>
    %dma_start3A_13 = tpu.memref_squeeze %dma_start3A_12 : memref<1x!tpu.dma_semaphore, #tpu.memory_space<semaphore_mem>> -> memref<!tpu.dma_semaphore, #tpu.memory_space<semaphore_mem>>
    %dma_start3A_14 = arith.constant 0 : i32
    %dma_start3A_15 = arith.constant 0 : i32
    %dma_start3A_16 = tpu.memref_slice %arg7[%rem3A_2, %dma_start3A_14, %dma_start3A_15] : memref<2x392x32xf32, #tpu.memory_space<vmem>> -> memref<1x392x32xf32, #tpu.memory_space<vmem>>
    %dma_start3A_17 = tpu.memref_squeeze %dma_start3A_16 : memref<1x392x32xf32, #tpu.memory_space<vmem>> -> memref<392x32xf32, #tpu.memory_space<vmem>>
    %dma_start3A_18 = tpu.memref_slice %arg2[%add3A_5, %mul3A_7] : memref<50176x64xf32, #tpu.memory_space<hbm>> -> memref<392x32xf32, #tpu.memory_space<hbm>>
    tpu.enqueue_dma source(%dma_start3A_18 : memref<392x32xf32, #tpu.memory_space<hbm>>) target(%dma_start3A_17 : memref<392x32xf32, #tpu.memory_space<vmem>>) target_semaphore(%dma_start3A_13 : memref<!tpu.dma_semaphore, #tpu.memory_space<semaphore_mem>>)
    %dma_start3A_19 = arith.constant 0 : i32
    %dma_start3A_20 = tpu.memref_slice %arg6[%rem3A_2, %dma_start3A_19] : memref<2x392xi32, #tpu.memory_space<vmem>> -> memref<1x392xi32, #tpu.memory_space<vmem>>
    %dma_start3A_21 = tpu.memref_squeeze %dma_start3A_20 : memref<1x392xi32, #tpu.memory_space<vmem>> -> memref<392xi32, #tpu.memory_space<vmem>>
    %dma_start3A_22 = tpu.memref_slice %arg3[%add3A_5] : memref<50176xi32, #tpu.memory_space<hbm>> -> memref<392xi32, #tpu.memory_space<hbm>>
    %dma_start3A_23 = tpu.memref_slice %arg10[%rem3A_2] : memref<2x!tpu.dma_semaphore, #tpu.memory_space<semaphore_mem>> -> memref<1x!tpu.dma_semaphore, #tpu.memory_space<semaphore_mem>>
    %dma_start3A_24 = tpu.memref_squeeze %dma_start3A_23 : memref<1x!tpu.dma_semaphore, #tpu.memory_space<semaphore_mem>> -> memref<!tpu.dma_semaphore, #tpu.memory_space<semaphore_mem>>
    %dma_start3A_25 = arith.constant 0 : i32
    %dma_start3A_26 = tpu.memref_slice %arg6[%rem3A_2, %dma_start3A_25] : memref<2x392xi32, #tpu.memory_space<vmem>> -> memref<1x392xi32, #tpu.memory_space<vmem>>
    %dma_start3A_27 = tpu.memref_squeeze %dma_start3A_26 : memref<1x392xi32, #tpu.memory_space<vmem>> -> memref<392xi32, #tpu.memory_space<vmem>>
    %dma_start3A_28 = tpu.memref_slice %arg3[%add3A_5] : memref<50176xi32, #tpu.memory_space<hbm>> -> memref<392xi32, #tpu.memory_space<hbm>>
    tpu.enqueue_dma source(%dma_start3A_28 : memref<392xi32, #tpu.memory_space<hbm>>) target(%dma_start3A_27 : memref<392xi32, #tpu.memory_space<vmem>>) target_semaphore(%dma_start3A_24 : memref<!tpu.dma_semaphore, #tpu.memory_space<semaphore_mem>>)
    %scan3A = arith.constant 0 : i32
    %scan3A_29 = arith.constant 0 : i32
    %scan3A_30 = arith.constant 8 : i32
    %scan3A_31 = arith.addi %scan3A_29, %scan3A_30 : i32
    %scan3A_32 = arith.constant 1 : i32
    scf.for %scan3A_39 = %scan3A_29 to %scan3A_31 step %scan3A_32  : i32 {
      %rem3A_40 = arith.constant 2 : i32
      %rem3A_41 = arith.remsi %scan3A_39, %rem3A_40 : i32
      %add3A_42 = arith.constant 1 : i32
      %add3A_43 = arith.addi %scan3A_39, %add3A_42 : i32
      %lt3A = arith.constant 8 : i32
      %lt3A_44 = arith.cmpi slt, %add3A_43, %lt3A : i32
      %convert_element_type3A = arith.extui %lt3A_44 : i1 to i32
      %cond3A = arith.constant 0 : i32
      %cond3A_45 = arith.cmpi ne, %convert_element_type3A, %cond3A : i32
      scf.if %cond3A_45 {
        %add3A_74 = arith.constant 1 : i32
        %add3A_75 = arith.addi %scan3A_39, %add3A_74 : i32
        %rem3A_76 = arith.constant 2 : i32
        %rem3A_77 = arith.remsi %add3A_75, %rem3A_76 : i32
        %mul3A_78 = arith.constant 3136 : i32
        %mul3A_79 = arith.muli %arg1, %mul3A_78 : i32
        %mul3A_80 = arith.constant 392 : i32
        %mul3A_81 = arith.muli %add3A_75, %mul3A_80 : i32
        %add3A_82 = arith.addi %mul3A_79, %mul3A_81 : i32
        %mul3A_83 = arith.constant 32 : i32
        %mul3A_84 = arith.muli %arg0, %mul3A_83 : i32
        %dma_start3A_85 = arith.constant 0 : i32
        %dma_start3A_86 = arith.constant 0 : i32
        %dma_start3A_87 = tpu.memref_slice %arg7[%rem3A_77, %dma_start3A_85, %dma_start3A_86] : memref<2x392x32xf32, #tpu.memory_space<vmem>> -> memref<1x392x32xf32, #tpu.memory_space<vmem>>
        %dma_start3A_88 = tpu.memref_squeeze %dma_start3A_87 : memref<1x392x32xf32, #tpu.memory_space<vmem>> -> memref<392x32xf32, #tpu.memory_space<vmem>>
        %dma_start3A_89 = tpu.memref_slice %arg2[%add3A_82, %mul3A_84] : memref<50176x64xf32, #tpu.memory_space<hbm>> -> memref<392x32xf32, #tpu.memory_space<hbm>>
        %dma_start3A_90 = tpu.memref_slice %arg9[%rem3A_77] : memref<2x!tpu.dma_semaphore, #tpu.memory_space<semaphore_mem>> -> memref<1x!tpu.dma_semaphore, #tpu.memory_space<semaphore_mem>>
        %dma_start3A_91 = tpu.memref_squeeze %dma_start3A_90 : memref<1x!tpu.dma_semaphore, #tpu.memory_space<semaphore_mem>> -> memref<!tpu.dma_semaphore, #tpu.memory_space<semaphore_mem>>
        %dma_start3A_92 = arith.constant 0 : i32
        %dma_start3A_93 = arith.constant 0 : i32
        %dma_start3A_94 = tpu.memref_slice %arg7[%rem3A_77, %dma_start3A_92, %dma_start3A_93] : memref<2x392x32xf32, #tpu.memory_space<vmem>> -> memref<1x392x32xf32, #tpu.memory_space<vmem>>
        %dma_start3A_95 = tpu.memref_squeeze %dma_start3A_94 : memref<1x392x32xf32, #tpu.memory_space<vmem>> -> memref<392x32xf32, #tpu.memory_space<vmem>>
        %dma_start3A_96 = tpu.memref_slice %arg2[%add3A_82, %mul3A_84] : memref<50176x64xf32, #tpu.memory_space<hbm>> -> memref<392x32xf32, #tpu.memory_space<hbm>>
        tpu.enqueue_dma source(%dma_start3A_96 : memref<392x32xf32, #tpu.memory_space<hbm>>) target(%dma_start3A_95 : memref<392x32xf32, #tpu.memory_space<vmem>>) target_semaphore(%dma_start3A_91 : memref<!tpu.dma_semaphore, #tpu.memory_space<semaphore_mem>>)
        %dma_start3A_97 = arith.constant 0 : i32
        %dma_start3A_98 = tpu.memref_slice %arg6[%rem3A_77, %dma_start3A_97] : memref<2x392xi32, #tpu.memory_space<vmem>> -> memref<1x392xi32, #tpu.memory_space<vmem>>
        %dma_start3A_99 = tpu.memref_squeeze %dma_start3A_98 : memref<1x392xi32, #tpu.memory_space<vmem>> -> memref<392xi32, #tpu.memory_space<vmem>>
        %dma_start3A_100 = tpu.memref_slice %arg3[%add3A_82] : memref<50176xi32, #tpu.memory_space<hbm>> -> memref<392xi32, #tpu.memory_space<hbm>>
        %dma_start3A_101 = tpu.memref_slice %arg10[%rem3A_77] : memref<2x!tpu.dma_semaphore, #tpu.memory_space<semaphore_mem>> -> memref<1x!tpu.dma_semaphore, #tpu.memory_space<semaphore_mem>>
        %dma_start3A_102 = tpu.memref_squeeze %dma_start3A_101 : memref<1x!tpu.dma_semaphore, #tpu.memory_space<semaphore_mem>> -> memref<!tpu.dma_semaphore, #tpu.memory_space<semaphore_mem>>
        %dma_start3A_103 = arith.constant 0 : i32
        %dma_start3A_104 = tpu.memref_slice %arg6[%rem3A_77, %dma_start3A_103] : memref<2x392xi32, #tpu.memory_space<vmem>> -> memref<1x392xi32, #tpu.memory_space<vmem>>
        %dma_start3A_105 = tpu.memref_squeeze %dma_start3A_104 : memref<1x392xi32, #tpu.memory_space<vmem>> -> memref<392xi32, #tpu.memory_space<vmem>>
        %dma_start3A_106 = tpu.memref_slice %arg3[%add3A_82] : memref<50176xi32, #tpu.memory_space<hbm>> -> memref<392xi32, #tpu.memory_space<hbm>>
        tpu.enqueue_dma source(%dma_start3A_106 : memref<392xi32, #tpu.memory_space<hbm>>) target(%dma_start3A_105 : memref<392xi32, #tpu.memory_space<vmem>>) target_semaphore(%dma_start3A_102 : memref<!tpu.dma_semaphore, #tpu.memory_space<semaphore_mem>>)
      } else {
      }
      %mul3A_46 = arith.constant 3136 : i32
      %mul3A_47 = arith.muli %arg1, %mul3A_46 : i32
      %mul3A_48 = arith.constant 392 : i32
      %mul3A_49 = arith.muli %scan3A_39, %mul3A_48 : i32
      %add3A_50 = arith.addi %mul3A_47, %mul3A_49 : i32
      %mul3A_51 = arith.constant 32 : i32
      %mul3A_52 = arith.muli %arg0, %mul3A_51 : i32
      %dma_wait3A = arith.constant 0 : i32
      %dma_wait3A_53 = arith.constant 0 : i32
      %dma_wait3A_54 = tpu.memref_slice %arg7[%rem3A_41, %dma_wait3A, %dma_wait3A_53] : memref<2x392x32xf32, #tpu.memory_space<vmem>> -> memref<1x392x32xf32, #tpu.memory_space<vmem>>
      %dma_wait3A_55 = tpu.memref_squeeze %dma_wait3A_54 : memref<1x392x32xf32, #tpu.memory_space<vmem>> -> memref<392x32xf32, #tpu.memory_space<vmem>>
      %dma_wait3A_56 = tpu.memref_slice %arg2[%add3A_50, %mul3A_52] : memref<50176x64xf32, #tpu.memory_space<hbm>> -> memref<392x32xf32, #tpu.memory_space<hbm>>
      %dma_wait3A_57 = tpu.memref_slice %arg9[%rem3A_41] : memref<2x!tpu.dma_semaphore, #tpu.memory_space<semaphore_mem>> -> memref<1x!tpu.dma_semaphore, #tpu.memory_space<semaphore_mem>>
      %dma_wait3A_58 = tpu.memref_squeeze %dma_wait3A_57 : memref<1x!tpu.dma_semaphore, #tpu.memory_space<semaphore_mem>> -> memref<!tpu.dma_semaphore, #tpu.memory_space<semaphore_mem>>
      %dma_wait3A_59 = arith.constant 0 : i32
      %dma_wait3A_60 = arith.constant 0 : i32
      %dma_wait3A_61 = tpu.memref_slice %arg7[%rem3A_41, %dma_wait3A_59, %dma_wait3A_60] : memref<2x392x32xf32, #tpu.memory_space<vmem>> -> memref<1x392x32xf32, #tpu.memory_space<vmem>>
      %dma_wait3A_62 = tpu.memref_squeeze %dma_wait3A_61 : memref<1x392x32xf32, #tpu.memory_space<vmem>> -> memref<392x32xf32, #tpu.memory_space<vmem>>
      %dma_wait3A_63 = tpu.memref_slice %arg2[%add3A_50, %mul3A_52] : memref<50176x64xf32, #tpu.memory_space<hbm>> -> memref<392x32xf32, #tpu.memory_space<hbm>>
      tpu.wait_dma2 semaphore(%dma_wait3A_58 : memref<!tpu.dma_semaphore, #tpu.memory_space<semaphore_mem>>) src(%dma_wait3A_63 : memref<392x32xf32, #tpu.memory_space<hbm>>) dst(%dma_wait3A_62 : memref<392x32xf32, #tpu.memory_space<vmem>>)
      %dma_wait3A_64 = arith.constant 0 : i32
      %dma_wait3A_65 = tpu.memref_slice %arg6[%rem3A_41, %dma_wait3A_64] : memref<2x392xi32, #tpu.memory_space<vmem>> -> memref<1x392xi32, #tpu.memory_space<vmem>>
      %dma_wait3A_66 = tpu.memref_squeeze %dma_wait3A_65 : memref<1x392xi32, #tpu.memory_space<vmem>> -> memref<392xi32, #tpu.memory_space<vmem>>
      %dma_wait3A_67 = tpu.memref_slice %arg3[%add3A_50] : memref<50176xi32, #tpu.memory_space<hbm>> -> memref<392xi32, #tpu.memory_space<hbm>>
      %dma_wait3A_68 = tpu.memref_slice %arg10[%rem3A_41] : memref<2x!tpu.dma_semaphore, #tpu.memory_space<semaphore_mem>> -> memref<1x!tpu.dma_semaphore, #tpu.memory_space<semaphore_mem>>
      %dma_wait3A_69 = tpu.memref_squeeze %dma_wait3A_68 : memref<1x!tpu.dma_semaphore, #tpu.memory_space<semaphore_mem>> -> memref<!tpu.dma_semaphore, #tpu.memory_space<semaphore_mem>>
      %dma_wait3A_70 = arith.constant 0 : i32
      %dma_wait3A_71 = tpu.memref_slice %arg6[%rem3A_41, %dma_wait3A_70] : memref<2x392xi32, #tpu.memory_space<vmem>> -> memref<1x392xi32, #tpu.memory_space<vmem>>
      %dma_wait3A_72 = tpu.memref_squeeze %dma_wait3A_71 : memref<1x392xi32, #tpu.memory_space<vmem>> -> memref<392xi32, #tpu.memory_space<vmem>>
      %dma_wait3A_73 = tpu.memref_slice %arg3[%add3A_50] : memref<50176xi32, #tpu.memory_space<hbm>> -> memref<392xi32, #tpu.memory_space<hbm>>
      tpu.wait_dma2 semaphore(%dma_wait3A_69 : memref<!tpu.dma_semaphore, #tpu.memory_space<semaphore_mem>>) src(%dma_wait3A_73 : memref<392xi32, #tpu.memory_space<hbm>>) dst(%dma_wait3A_72 : memref<392xi32, #tpu.memory_space<vmem>>)
      "tpu.region"() ({
        %run_scoped3A = tpu.sem_alloc : memref<!tpu.dma_semaphore, #tpu.memory_space<semaphore_mem>>
        %dma_start3A_74 = arith.constant 0 : i32
        %dma_start3A_75 = arith.constant 0 : i32
        %dma_start3A_76 = tpu.memref_slice %arg7[%rem3A_41, %dma_start3A_74, %dma_start3A_75] : memref<2x392x32xf32, #tpu.memory_space<vmem>> -> memref<1x392x32xf32, #tpu.memory_space<vmem>>
        %dma_start3A_77 = tpu.memref_squeeze %dma_start3A_76 : memref<1x392x32xf32, #tpu.memory_space<vmem>> -> memref<392x32xf32, #tpu.memory_space<vmem>>
        %dma_start3A_78 = arith.constant 0 : i32
        %dma_start3A_79 = tpu.memref_slice %arg6[%rem3A_41, %dma_start3A_78] : memref<2x392xi32, #tpu.memory_space<vmem>> -> memref<1x392xi32, #tpu.memory_space<vmem>>
        %dma_start3A_80 = tpu.memref_squeeze %dma_start3A_79 : memref<1x392xi32, #tpu.memory_space<vmem>> -> memref<392xi32, #tpu.memory_space<vmem>>
        %dma_start3A_81 = arith.constant 0 : i32
        %dma_start3A_82 = arith.constant 0 : i32
        %dma_start3A_83 = tpu.memref_slice %arg8[%dma_start3A_81, %dma_start3A_82] : memref<512x32xf32, #tpu.memory_space<vmem_shared>> -> memref<512x32xf32, #tpu.memory_space<vmem_shared>>
        tpu.enqueue_indirect_dma source(%dma_start3A_77 : memref<392x32xf32, #tpu.memory_space<vmem>>) target(%dma_start3A_83 : memref<512x32xf32, #tpu.memory_space<vmem_shared>>) offsets(%dma_start3A_80 : memref<392xi32, #tpu.memory_space<vmem>>) semaphore(%run_scoped3A : memref<!tpu.dma_semaphore, #tpu.memory_space<semaphore_mem>>) {add = true}
        %dma_wait3A_84 = arith.constant 0 : i32
        %dma_wait3A_85 = arith.constant 0 : i32
        %dma_wait3A_86 = tpu.memref_slice %arg7[%rem3A_41, %dma_wait3A_84, %dma_wait3A_85] : memref<2x392x32xf32, #tpu.memory_space<vmem>> -> memref<1x392x32xf32, #tpu.memory_space<vmem>>
        %dma_wait3A_87 = tpu.memref_squeeze %dma_wait3A_86 : memref<1x392x32xf32, #tpu.memory_space<vmem>> -> memref<392x32xf32, #tpu.memory_space<vmem>>
        %dma_wait3A_88 = arith.constant 0 : i32
        %dma_wait3A_89 = tpu.memref_slice %arg6[%rem3A_41, %dma_wait3A_88] : memref<2x392xi32, #tpu.memory_space<vmem>> -> memref<1x392xi32, #tpu.memory_space<vmem>>
        %dma_wait3A_90 = tpu.memref_squeeze %dma_wait3A_89 : memref<1x392xi32, #tpu.memory_space<vmem>> -> memref<392xi32, #tpu.memory_space<vmem>>
        %dma_wait3A_91 = arith.constant 0 : i32
        %dma_wait3A_92 = arith.constant 0 : i32
        %dma_wait3A_93 = tpu.memref_slice %arg8[%dma_wait3A_91, %dma_wait3A_92] : memref<512x32xf32, #tpu.memory_space<vmem_shared>> -> memref<512x32xf32, #tpu.memory_space<vmem_shared>>
        tpu.wait_indirect_dma semaphore(%run_scoped3A : memref<!tpu.dma_semaphore, #tpu.memory_space<semaphore_mem>>) src(%dma_wait3A_87 : memref<392x32xf32, #tpu.memory_space<vmem>>) dst(%dma_wait3A_93 : memref<512x32xf32, #tpu.memory_space<vmem_shared>>)
        tpu.yield
      }) : () -> ()
    }
    %scan3A_33 = arith.constant 8 : i32
    %barrier3A_34 = arith.constant 0 : index
    tpu.barrier barrier_id(%barrier3A_34)
    %mul3A_35 = arith.constant 32 : i32
    %mul3A_36 = arith.muli %arg1, %mul3A_35 : i32
    %mul3A_37 = arith.constant 32 : i32
    %mul3A_38 = arith.muli %arg1, %mul3A_37 : i32
    "tpu.region"() ({
      %run_scoped3A = tpu.sem_alloc : memref<!tpu.dma_semaphore, #tpu.memory_space<semaphore_mem>>
      %dma_start3A_39 = arith.constant 0 : i32
      %dma_start3A_40 = tpu.memref_slice %arg5[%arg0, %mul3A_38, %dma_start3A_39] : memref<2x512x32xf32, #tpu.memory_space<hbm>> -> memref<1x32x32xf32, #tpu.memory_space<hbm>>
      %dma_start3A_41 = tpu.memref_squeeze %dma_start3A_40 : memref<1x32x32xf32, #tpu.memory_space<hbm>> -> memref<32x32xf32, #tpu.memory_space<hbm>>
      %dma_start3A_42 = arith.constant 0 : i32
      %dma_start3A_43 = tpu.memref_slice %arg8[%mul3A_36, %dma_start3A_42] : memref<512x32xf32, #tpu.memory_space<vmem_shared>> -> memref<32x32xf32, #tpu.memory_space<vmem_shared>>
      tpu.enqueue_dma source(%dma_start3A_43 : memref<32x32xf32, #tpu.memory_space<vmem_shared>>) target(%dma_start3A_41 : memref<32x32xf32, #tpu.memory_space<hbm>>) target_semaphore(%run_scoped3A : memref<!tpu.dma_semaphore, #tpu.memory_space<semaphore_mem>>)
      %dma_wait3A = arith.constant 0 : i32
      %dma_wait3A_44 = tpu.memref_slice %arg5[%arg0, %mul3A_38, %dma_wait3A] : memref<2x512x32xf32, #tpu.memory_space<hbm>> -> memref<1x32x32xf32, #tpu.memory_space<hbm>>
      %dma_wait3A_45 = tpu.memref_squeeze %dma_wait3A_44 : memref<1x32x32xf32, #tpu.memory_space<hbm>> -> memref<32x32xf32, #tpu.memory_space<hbm>>
      %dma_wait3A_46 = arith.constant 0 : i32
      %dma_wait3A_47 = tpu.memref_slice %arg8[%mul3A_36, %dma_wait3A_46] : memref<512x32xf32, #tpu.memory_space<vmem_shared>> -> memref<32x32xf32, #tpu.memory_space<vmem_shared>>
      tpu.wait_dma2 semaphore(%run_scoped3A : memref<!tpu.dma_semaphore, #tpu.memory_space<semaphore_mem>>) src(%dma_wait3A_47 : memref<32x32xf32, #tpu.memory_space<vmem_shared>>) dst(%dma_wait3A_45 : memref<32x32xf32, #tpu.memory_space<hbm>>)
      tpu.yield
    }) : () -> ()
    return
  }
}

module attributes {stable_mosaic.version = 14 : i64} {
  func.func @body(%arg0: i32, %arg1: memref<5000x5xf32, #tpu.memory_space<vmem>>, %arg2: memref<5x64xf32, #tpu.memory_space<vmem>>, %arg3: memref<1x64xf32, #tpu.memory_space<vmem>>, %arg4: memref<5000x64xf32, #tpu.memory_space<vmem>>) attributes {dimension_semantics = [#tpu.dimension_semantics<arbitrary>], iteration_bounds = array<i64: 10>, scalar_prefetch = 0 : i64, scratch_operands = 0 : i64, tpu.core_type = #tpu.core_type<tc>, window_params = [{transform_indices = @transform_0, window_bounds = array<i64: 5000, 5>}, {pipeline_mode = #tpu.pipeline_mode<synchronous>, transform_indices = @transform_1, window_bounds = array<i64: 5, 64>}, {pipeline_mode = #tpu.pipeline_mode<synchronous>, transform_indices = @transform_2, window_bounds = array<i64: 1, 64>}, {transform_indices = @transform_3, window_bounds = array<i64: 5000, 64>}]} {
    %get3A = arith.constant 0 : index
    %get3A_0 = arith.constant 0 : index
    %get3A_1 = vector.load %arg1[%get3A, %get3A_0] : memref<5000x5xf32, #tpu.memory_space<vmem>>, vector<5000x5xf32>
    %get3A_2 = arith.constant 0 : index
    %get3A_3 = arith.constant 0 : index
    %get3A_4 = vector.load %arg2[%get3A_2, %get3A_3] : memref<5x64xf32, #tpu.memory_space<vmem>>, vector<5x64xf32>
    %dot_general3A = arith.constant dense<0.000000e+00> : vector<5000x64xf32>
    %dot_general3A_5 = tpu.matmul %get3A_1, %get3A_4, %dot_general3A {dimension_numbers = #tpu.dot_dimension_numbers<[1], [0], [0], [1], [0, 0, 1, 1], [], []>, transpose_lhs_hint = false} : vector<5000x5xf32>, vector<5x64xf32>, vector<5000x64xf32> -> vector<5000x64xf32>
    %get3A_6 = arith.constant 0 : index
    %get3A_7 = arith.constant 0 : index
    %get3A_8 = vector.load %arg3[%get3A_6, %get3A_7] : memref<1x64xf32, #tpu.memory_space<vmem>>, vector<1x64xf32>
    %add3A = vector.broadcast %get3A_8 : vector<1x64xf32> to vector<5000x64xf32>
    %add3A_9 = arith.addf %dot_general3A_5, %add3A : vector<5000x64xf32>
    %swap3A = arith.constant 0 : index
    %swap3A_10 = arith.constant 0 : index
    %swap3A_11 = vector.load %arg4[%swap3A, %swap3A_10] : memref<5000x64xf32, #tpu.memory_space<vmem>>, vector<5000x64xf32>
    tpu.vector_store %arg4[%swap3A, %swap3A_10], %add3A_9 {strides = array<i32>} : memref<5000x64xf32, #tpu.memory_space<vmem>>, vector<5000x64xf32>,
    return
  }
  func.func @transform_0(%arg0: i32) -> (i32, i32) {
    %c0_i32 = arith.constant 0 : i32
    %c0_i32_0 = arith.constant 0 : i32
    return %arg0, %c0_i32 : i32, i32
  }
  func.func @transform_1(%arg0: i32) -> (i32, i32) {
    %c0_i32 = arith.constant 0 : i32
    %c0_i32_0 = arith.constant 0 : i32
    %c0_i32_1 = arith.constant 0 : i32
    return %c0_i32, %c0_i32_0 : i32, i32
  }
  func.func @transform_2(%arg0: i32) -> (i32, i32) {
    %c0_i32 = arith.constant 0 : i32
    %c0_i32_0 = arith.constant 0 : i32
    %c0_i32_1 = arith.constant 0 : i32
    return %c0_i32, %c0_i32_0 : i32, i32
  }
  func.func @transform_3(%arg0: i32) -> (i32, i32) {
    %c0_i32 = arith.constant 0 : i32
    %c0_i32_0 = arith.constant 0 : i32
    return %arg0, %c0_i32 : i32, i32
  }
}

module attributes {stable_mosaic.version = 14 : i64} {
  func.func @body(%arg0: i32, %arg1: memref<1x8x1008xf32, #tpu.memory_space<vmem>>, %arg2: memref<3x64x50xf32, #tpu.memory_space<vmem>>, %arg3: memref<3x64x6xf32, #tpu.memory_space<vmem>>, %arg4: memref<3x64x12xf32, #tpu.memory_space<vmem>>, %arg5: memref<3x64x1xf32, #tpu.memory_space<vmem>>, %arg6: memref<50x1xf32, #tpu.memory_space<vmem>>, %arg7: memref<6x1xf32, #tpu.memory_space<vmem>>, %arg8: memref<12x1xf32, #tpu.memory_space<vmem>>, %arg9: memref<1000x64xf32, #tpu.memory_space<vmem>>, %arg10: memref<1000x64xf32, #tpu.memory_space<vmem>>, %arg11: memref<1000x64xf32, #tpu.memory_space<vmem>>) attributes {dimension_semantics = [#tpu.dimension_semantics<arbitrary>], iteration_bounds = array<i64: 800>, scalar_prefetch = 0 : i64, scratch_operands = 0 : i64, tpu.core_type = #tpu.core_type<tc>, window_params = [{transform_indices = @transform_0, window_bounds = array<i64: 1, 8, 1008>}, {pipeline_mode = #tpu.pipeline_mode<synchronous>, transform_indices = @transform_1, window_bounds = array<i64: 3, 64, 50>}, {pipeline_mode = #tpu.pipeline_mode<synchronous>, transform_indices = @transform_2, window_bounds = array<i64: 3, 64, 6>}, {pipeline_mode = #tpu.pipeline_mode<synchronous>, transform_indices = @transform_3, window_bounds = array<i64: 3, 64, 12>}, {pipeline_mode = #tpu.pipeline_mode<synchronous>, transform_indices = @transform_4, window_bounds = array<i64: 3, 64, 1>}, {pipeline_mode = #tpu.pipeline_mode<synchronous>, transform_indices = @transform_5, window_bounds = array<i64: 50, 1>}, {pipeline_mode = #tpu.pipeline_mode<synchronous>, transform_indices = @transform_6, window_bounds = array<i64: 6, 1>}, {pipeline_mode = #tpu.pipeline_mode<synchronous>, transform_indices = @transform_7, window_bounds = array<i64: 12, 1>}, {transform_indices = @transform_8, window_bounds = array<i64: 1000, 64>}, {transform_indices = @transform_9, window_bounds = array<i64: 1000, 64>}, {transform_indices = @transform_10, window_bounds = array<i64: 1000, 64>}]} {
    %get3A = arith.constant 0 : index
    %get3A_0 = arith.constant 0 : index
    %get3A_1 = arith.constant 0 : index
    %get3A_2 = vector.load %arg1[%get3A, %get3A_0, %get3A_1] : memref<1x8x1008xf32, #tpu.memory_space<vmem>>, vector<1x8x1008xf32>
    %get3A_3 = vector.shape_cast %get3A_2 : vector<1x8x1008xf32> to vector<8x1008xf32>
    %slice3A = vector.extract_strided_slice %get3A_3 {offsets = [0, 0], sizes = [1, 1000], strides = [1, 1]} : vector<8x1008xf32> to vector<1x1000xf32>
    %slice3A_4 = vector.extract_strided_slice %get3A_3 {offsets = [1, 0], sizes = [1, 1000], strides = [1, 1]} : vector<8x1008xf32> to vector<1x1000xf32>
    %slice3A_5 = vector.extract_strided_slice %get3A_3 {offsets = [2, 0], sizes = [1, 1000], strides = [1, 1]} : vector<8x1008xf32> to vector<1x1000xf32>
    %slice3A_6 = vector.extract_strided_slice %get3A_3 {offsets = [3, 0], sizes = [1, 1000], strides = [1, 1]} : vector<8x1008xf32> to vector<1x1000xf32>
    %slice3A_7 = vector.extract_strided_slice %get3A_3 {offsets = [4, 0], sizes = [1, 1000], strides = [1, 1]} : vector<8x1008xf32> to vector<1x1000xf32>
    %slice3A_8 = vector.extract_strided_slice %get3A_3 {offsets = [5, 0], sizes = [1, 1000], strides = [1, 1]} : vector<8x1008xf32> to vector<1x1000xf32>
    %add3A = arith.constant 9.99999993E-9 : f32
    %add3A_9 = vector.broadcast %add3A : f32 to vector<1x1000xf32>
    %add3A_10 = arith.addf %slice3A, %add3A_9 : vector<1x1000xf32>
    %sqrt3A = math.sqrt %add3A_10 : vector<1x1000xf32>
    %sqrt3A_11 = math.sqrt %slice3A : vector<1x1000xf32>
    %sqrt3A_12 = math.sqrt %slice3A_5 : vector<1x1000xf32>
    %neg3A = arith.constant 0.000000e+00 : f32
    %neg3A_13 = vector.broadcast %neg3A : f32 to vector<1x1000xf32>
    %neg3A_14 = arith.subf %neg3A_13, %slice3A_4 : vector<1x1000xf32>
    %mul3A = arith.mulf %sqrt3A_11, %sqrt3A_12 : vector<1x1000xf32>
    %add3A_15 = arith.constant 9.99999993E-9 : f32
    %add3A_16 = vector.broadcast %add3A_15 : f32 to vector<1x1000xf32>
    %add3A_17 = arith.addf %mul3A, %add3A_16 : vector<1x1000xf32>
    %div3A = arith.divf %neg3A_14, %add3A_17 : vector<1x1000xf32>
    %jit3A = arith.constant -0.99999988 : f32
    %jit3A_18 = arith.constant 0.99999988 : f32
    %max3A = vector.broadcast %jit3A : f32 to vector<1x1000xf32>
    %max3A_19 = arith.maximumf %max3A, %div3A : vector<1x1000xf32>
    %min3A = vector.broadcast %jit3A_18 : f32 to vector<1x1000xf32>
    %min3A_20 = arith.minimumf %min3A, %max3A_19 : vector<1x1000xf32>
    %mul3A_21 = arith.mulf %min3A_20, %min3A_20 : vector<1x1000xf32>
    %sub3A = arith.constant 1.000000e+00 : f32
    %sub3A_22 = vector.broadcast %sub3A : f32 to vector<1x1000xf32>
    %sub3A_23 = arith.subf %sub3A_22, %mul3A_21 : vector<1x1000xf32>
    %sqrt3A_24 = math.sqrt %sub3A_23 : vector<1x1000xf32>
    %atan23A = math.atan2 %sqrt3A_24, %min3A_20 : vector<1x1000xf32>
    %mul3A_25 = arith.mulf %slice3A_4, %slice3A_6 : vector<1x1000xf32>
    %mul3A_26 = arith.mulf %slice3A_7, %slice3A_5 : vector<1x1000xf32>
    %sub3A_27 = arith.subf %mul3A_25, %mul3A_26 : vector<1x1000xf32>
    %add3A_28 = arith.constant 9.99999993E-9 : f32
    %add3A_29 = vector.broadcast %add3A_28 : f32 to vector<1x1000xf32>
    %add3A_30 = arith.addf %sub3A_27, %add3A_29 : vector<1x1000xf32>
    %mul3A_31 = arith.mulf %slice3A_8, %slice3A_5 : vector<1x1000xf32>
    %neg3A_32 = arith.constant 0.000000e+00 : f32
    %neg3A_33 = vector.broadcast %neg3A_32 : f32 to vector<1x1000xf32>
    %neg3A_34 = arith.subf %neg3A_33, %mul3A_31 : vector<1x1000xf32>
    %add3A_35 = arith.constant 9.99999993E-9 : f32
    %add3A_36 = vector.broadcast %add3A_35 : f32 to vector<1x1000xf32>
    %add3A_37 = arith.addf %sqrt3A_12, %add3A_36 : vector<1x1000xf32>
    %div3A_38 = arith.divf %neg3A_34, %add3A_37 : vector<1x1000xf32>
    %atan23A_39 = math.atan2 %div3A_38, %add3A_30 : vector<1x1000xf32>
    %mul3A_40 = arith.constant 0.314159274 : f32
    %mul3A_41 = vector.broadcast %mul3A_40 : f32 to vector<1x1000xf32>
    %mul3A_42 = arith.mulf %sqrt3A, %mul3A_41 : vector<1x1000xf32>
    %cos3A = math.cos %mul3A_42 : vector<1x1000xf32>
    %add3A_43 = arith.constant 1.000000e+00 : f32
    %add3A_44 = vector.broadcast %add3A_43 : f32 to vector<1x1000xf32>
    %add3A_45 = arith.addf %cos3A, %add3A_44 : vector<1x1000xf32>
    %mul3A_46 = arith.constant 5.000000e-01 : f32
    %mul3A_47 = vector.broadcast %mul3A_46 : f32 to vector<1x1000xf32>
    %mul3A_48 = arith.mulf %mul3A_47, %add3A_45 : vector<1x1000xf32>
    %lt3A = arith.constant 1.000000e+01 : f32
    %lt3A_49 = vector.broadcast %lt3A : f32 to vector<1x1000xf32>
    %lt3A_50 = arith.cmpf olt, %sqrt3A, %lt3A_49 : vector<1x1000xf32>
    %convert_element_type3A = arith.extui %lt3A_50 : vector<1x1000xi1> to vector<1x1000xi32>
    %convert_element_type3A_51 = arith.sitofp %convert_element_type3A : vector<1x1000xi32> to vector<1x1000xf32>
    %mul3A_52 = arith.mulf %mul3A_48, %convert_element_type3A_51 : vector<1x1000xf32>
    %get3A_53 = arith.constant 0 : index
    %get3A_54 = arith.constant 0 : index
    %get3A_55 = vector.load %arg6[%get3A_53, %get3A_54] : memref<50x1xf32, #tpu.memory_space<vmem>>, vector<50x1xf32>
    %sub3A_56 = vector.broadcast %sqrt3A : vector<1x1000xf32> to vector<50x1000xf32>
    %sub3A_57 = vector.broadcast %get3A_55 : vector<50x1xf32> to vector<50x1000xf32>
    %sub3A_58 = arith.subf %sub3A_56, %sub3A_57 : vector<50x1000xf32>
    %integer_pow3A = arith.mulf %sub3A_58, %sub3A_58 : vector<50x1000xf32>
    %mul3A_59 = arith.constant -1.200500e+01 : f32
    %mul3A_60 = vector.broadcast %mul3A_59 : f32 to vector<50x1000xf32>
    %mul3A_61 = arith.mulf %mul3A_60, %integer_pow3A : vector<50x1000xf32>
    %exp3A = math.exp %mul3A_61 : vector<50x1000xf32>
    %get3A_62 = arith.constant 0 : index
    %get3A_63 = arith.constant 0 : index
    %get3A_64 = vector.load %arg7[%get3A_62, %get3A_63] : memref<6x1xf32, #tpu.memory_space<vmem>>, vector<6x1xf32>
    %sub3A_65 = vector.broadcast %atan23A : vector<1x1000xf32> to vector<6x1000xf32>
    %sub3A_66 = vector.broadcast %get3A_64 : vector<6x1xf32> to vector<6x1000xf32>
    %sub3A_67 = arith.subf %sub3A_65, %sub3A_66 : vector<6x1000xf32>
    %integer_pow3A_68 = arith.mulf %sub3A_67, %sub3A_67 : vector<6x1000xf32>
    %mul3A_69 = arith.constant -1.26651478 : f32
    %mul3A_70 = vector.broadcast %mul3A_69 : f32 to vector<6x1000xf32>
    %mul3A_71 = arith.mulf %mul3A_70, %integer_pow3A_68 : vector<6x1000xf32>
    %exp3A_72 = math.exp %mul3A_71 : vector<6x1000xf32>
    %get3A_73 = arith.constant 0 : index
    %get3A_74 = arith.constant 0 : index
    %get3A_75 = vector.load %arg8[%get3A_73, %get3A_74] : memref<12x1xf32, #tpu.memory_space<vmem>>, vector<12x1xf32>
    %sub3A_76 = vector.broadcast %atan23A_39 : vector<1x1000xf32> to vector<12x1000xf32>
    %sub3A_77 = vector.broadcast %get3A_75 : vector<12x1xf32> to vector<12x1000xf32>
    %sub3A_78 = arith.subf %sub3A_76, %sub3A_77 : vector<12x1000xf32>
    %integer_pow3A_79 = arith.mulf %sub3A_78, %sub3A_78 : vector<12x1000xf32>
    %mul3A_80 = arith.constant -1.53248286 : f32
    %mul3A_81 = vector.broadcast %mul3A_80 : f32 to vector<12x1000xf32>
    %mul3A_82 = arith.mulf %mul3A_81, %integer_pow3A_79 : vector<12x1000xf32>
    %exp3A_83 = math.exp %mul3A_82 : vector<12x1000xf32>
    %get3A_84 = arith.constant 0 : index
    %get3A_85 = arith.constant 0 : index
    %get3A_86 = arith.constant 0 : index
    %get3A_87 = vector.load %arg2[%get3A_84, %get3A_85, %get3A_86] : memref<3x64x50xf32, #tpu.memory_space<vmem>>, vector<1x64x50xf32>
    %get3A_88 = vector.shape_cast %get3A_87 : vector<1x64x50xf32> to vector<64x50xf32>
    %dot_general3A = arith.constant dense<0.000000e+00> : vector<64x1000xf32>
    %dot_general3A_89 = tpu.matmul %get3A_88, %exp3A, %dot_general3A {dimension_numbers = #tpu.dot_dimension_numbers<[1], [0], [0], [1], [0, 0, 1, 1], [], []>, transpose_lhs_hint = false} : vector<64x50xf32>, vector<50x1000xf32>, vector<64x1000xf32> -> vector<64x1000xf32>
    %get3A_90 = arith.constant 0 : index
    %get3A_91 = arith.constant 0 : index
    %get3A_92 = arith.constant 0 : index
    %get3A_93 = vector.load %arg3[%get3A_90, %get3A_91, %get3A_92] : memref<3x64x6xf32, #tpu.memory_space<vmem>>, vector<1x64x6xf32>
    %get3A_94 = vector.shape_cast %get3A_93 : vector<1x64x6xf32> to vector<64x6xf32>
    %dot_general3A_95 = arith.constant dense<0.000000e+00> : vector<64x1000xf32>
    %dot_general3A_96 = tpu.matmul %get3A_94, %exp3A_72, %dot_general3A_95 {dimension_numbers = #tpu.dot_dimension_numbers<[1], [0], [0], [1], [0, 0, 1, 1], [], []>, transpose_lhs_hint = false} : vector<64x6xf32>, vector<6x1000xf32>, vector<64x1000xf32> -> vector<64x1000xf32>
    %add3A_97 = arith.addf %dot_general3A_89, %dot_general3A_96 : vector<64x1000xf32>
    %get3A_98 = arith.constant 0 : index
    %get3A_99 = arith.constant 0 : index
    %get3A_100 = arith.constant 0 : index
    %get3A_101 = vector.load %arg4[%get3A_98, %get3A_99, %get3A_100] : memref<3x64x12xf32, #tpu.memory_space<vmem>>, vector<1x64x12xf32>
    %get3A_102 = vector.shape_cast %get3A_101 : vector<1x64x12xf32> to vector<64x12xf32>
    %dot_general3A_103 = arith.constant dense<0.000000e+00> : vector<64x1000xf32>
    %dot_general3A_104 = tpu.matmul %get3A_102, %exp3A_83, %dot_general3A_103 {dimension_numbers = #tpu.dot_dimension_numbers<[1], [0], [0], [1], [0, 0, 1, 1], [], []>, transpose_lhs_hint = false} : vector<64x12xf32>, vector<12x1000xf32>, vector<64x1000xf32> -> vector<64x1000xf32>
    %add3A_105 = arith.addf %add3A_97, %dot_general3A_104 : vector<64x1000xf32>
    %get3A_106 = arith.constant 0 : index
    %get3A_107 = arith.constant 0 : index
    %get3A_108 = arith.constant 0 : index
    %get3A_109 = vector.load %arg5[%get3A_106, %get3A_107, %get3A_108] : memref<3x64x1xf32, #tpu.memory_space<vmem>>, vector<1x64x1xf32>
    %get3A_110 = vector.shape_cast %get3A_109 : vector<1x64x1xf32> to vector<64x1xf32>
    %add3A_111 = vector.broadcast %get3A_110 : vector<64x1xf32> to vector<64x1000xf32>
    %add3A_112 = arith.addf %add3A_105, %add3A_111 : vector<64x1000xf32>
    %max3A_113 = arith.constant 0.000000e+00 : f32
    %max3A_114 = vector.broadcast %max3A_113 : f32 to vector<64x1000xf32>
    %max3A_115 = arith.maximumf %add3A_112, %max3A_114 : vector<64x1000xf32>
    %mul3A_116 = vector.broadcast %mul3A_52 : vector<1x1000xf32> to vector<64x1000xf32>
    %mul3A_117 = arith.mulf %max3A_115, %mul3A_116 : vector<64x1000xf32>
    %transpose3A = tpu.transpose %mul3A_117, [1, 0] : vector<64x1000xf32> -> vector<1000x64xf32>
    %swap3A = arith.constant 0 : index
    %swap3A_118 = arith.constant 0 : index
    %swap3A_119 = vector.load %arg9[%swap3A, %swap3A_118] : memref<1000x64xf32, #tpu.memory_space<vmem>>, vector<1000x64xf32>
    tpu.vector_store %arg9[%swap3A, %swap3A_118], %transpose3A {strides = array<i32>} : memref<1000x64xf32, #tpu.memory_space<vmem>>, vector<1000x64xf32>,
    %get3A_120 = arith.constant 1 : index
    %get3A_121 = arith.constant 0 : index
    %get3A_122 = arith.constant 0 : index
    %get3A_123 = vector.load %arg2[%get3A_120, %get3A_121, %get3A_122] : memref<3x64x50xf32, #tpu.memory_space<vmem>>, vector<1x64x50xf32>
    %get3A_124 = vector.shape_cast %get3A_123 : vector<1x64x50xf32> to vector<64x50xf32>
    %dot_general3A_125 = arith.constant dense<0.000000e+00> : vector<64x1000xf32>
    %dot_general3A_126 = tpu.matmul %get3A_124, %exp3A, %dot_general3A_125 {dimension_numbers = #tpu.dot_dimension_numbers<[1], [0], [0], [1], [0, 0, 1, 1], [], []>, transpose_lhs_hint = false} : vector<64x50xf32>, vector<50x1000xf32>, vector<64x1000xf32> -> vector<64x1000xf32>
    %get3A_127 = arith.constant 1 : index
    %get3A_128 = arith.constant 0 : index
    %get3A_129 = arith.constant 0 : index
    %get3A_130 = vector.load %arg3[%get3A_127, %get3A_128, %get3A_129] : memref<3x64x6xf32, #tpu.memory_space<vmem>>, vector<1x64x6xf32>
    %get3A_131 = vector.shape_cast %get3A_130 : vector<1x64x6xf32> to vector<64x6xf32>
    %dot_general3A_132 = arith.constant dense<0.000000e+00> : vector<64x1000xf32>
    %dot_general3A_133 = tpu.matmul %get3A_131, %exp3A_72, %dot_general3A_132 {dimension_numbers = #tpu.dot_dimension_numbers<[1], [0], [0], [1], [0, 0, 1, 1], [], []>, transpose_lhs_hint = false} : vector<64x6xf32>, vector<6x1000xf32>, vector<64x1000xf32> -> vector<64x1000xf32>
    %add3A_134 = arith.addf %dot_general3A_126, %dot_general3A_133 : vector<64x1000xf32>
    %get3A_135 = arith.constant 1 : index
    %get3A_136 = arith.constant 0 : index
    %get3A_137 = arith.constant 0 : index
    %get3A_138 = vector.load %arg4[%get3A_135, %get3A_136, %get3A_137] : memref<3x64x12xf32, #tpu.memory_space<vmem>>, vector<1x64x12xf32>
    %get3A_139 = vector.shape_cast %get3A_138 : vector<1x64x12xf32> to vector<64x12xf32>
    %dot_general3A_140 = arith.constant dense<0.000000e+00> : vector<64x1000xf32>
    %dot_general3A_141 = tpu.matmul %get3A_139, %exp3A_83, %dot_general3A_140 {dimension_numbers = #tpu.dot_dimension_numbers<[1], [0], [0], [1], [0, 0, 1, 1], [], []>, transpose_lhs_hint = false} : vector<64x12xf32>, vector<12x1000xf32>, vector<64x1000xf32> -> vector<64x1000xf32>
    %add3A_142 = arith.addf %add3A_134, %dot_general3A_141 : vector<64x1000xf32>
    %get3A_143 = arith.constant 1 : index
    %get3A_144 = arith.constant 0 : index
    %get3A_145 = arith.constant 0 : index
    %get3A_146 = vector.load %arg5[%get3A_143, %get3A_144, %get3A_145] : memref<3x64x1xf32, #tpu.memory_space<vmem>>, vector<1x64x1xf32>
    %get3A_147 = vector.shape_cast %get3A_146 : vector<1x64x1xf32> to vector<64x1xf32>
    %add3A_148 = vector.broadcast %get3A_147 : vector<64x1xf32> to vector<64x1000xf32>
    %add3A_149 = arith.addf %add3A_142, %add3A_148 : vector<64x1000xf32>
    %max3A_150 = arith.constant 0.000000e+00 : f32
    %max3A_151 = vector.broadcast %max3A_150 : f32 to vector<64x1000xf32>
    %max3A_152 = arith.maximumf %add3A_149, %max3A_151 : vector<64x1000xf32>
    %mul3A_153 = vector.broadcast %mul3A_52 : vector<1x1000xf32> to vector<64x1000xf32>
    %mul3A_154 = arith.mulf %max3A_152, %mul3A_153 : vector<64x1000xf32>
    %transpose3A_155 = tpu.transpose %mul3A_154, [1, 0] : vector<64x1000xf32> -> vector<1000x64xf32>
    %swap3A_156 = arith.constant 0 : index
    %swap3A_157 = arith.constant 0 : index
    %swap3A_158 = vector.load %arg10[%swap3A_156, %swap3A_157] : memref<1000x64xf32, #tpu.memory_space<vmem>>, vector<1000x64xf32>
    tpu.vector_store %arg10[%swap3A_156, %swap3A_157], %transpose3A_155 {strides = array<i32>} : memref<1000x64xf32, #tpu.memory_space<vmem>>, vector<1000x64xf32>,
    %get3A_159 = arith.constant 2 : index
    %get3A_160 = arith.constant 0 : index
    %get3A_161 = arith.constant 0 : index
    %get3A_162 = vector.load %arg2[%get3A_159, %get3A_160, %get3A_161] : memref<3x64x50xf32, #tpu.memory_space<vmem>>, vector<1x64x50xf32>
    %get3A_163 = vector.shape_cast %get3A_162 : vector<1x64x50xf32> to vector<64x50xf32>
    %dot_general3A_164 = arith.constant dense<0.000000e+00> : vector<64x1000xf32>
    %dot_general3A_165 = tpu.matmul %get3A_163, %exp3A, %dot_general3A_164 {dimension_numbers = #tpu.dot_dimension_numbers<[1], [0], [0], [1], [0, 0, 1, 1], [], []>, transpose_lhs_hint = false} : vector<64x50xf32>, vector<50x1000xf32>, vector<64x1000xf32> -> vector<64x1000xf32>
    %get3A_166 = arith.constant 2 : index
    %get3A_167 = arith.constant 0 : index
    %get3A_168 = arith.constant 0 : index
    %get3A_169 = vector.load %arg3[%get3A_166, %get3A_167, %get3A_168] : memref<3x64x6xf32, #tpu.memory_space<vmem>>, vector<1x64x6xf32>
    %get3A_170 = vector.shape_cast %get3A_169 : vector<1x64x6xf32> to vector<64x6xf32>
    %dot_general3A_171 = arith.constant dense<0.000000e+00> : vector<64x1000xf32>
    %dot_general3A_172 = tpu.matmul %get3A_170, %exp3A_72, %dot_general3A_171 {dimension_numbers = #tpu.dot_dimension_numbers<[1], [0], [0], [1], [0, 0, 1, 1], [], []>, transpose_lhs_hint = false} : vector<64x6xf32>, vector<6x1000xf32>, vector<64x1000xf32> -> vector<64x1000xf32>
    %add3A_173 = arith.addf %dot_general3A_165, %dot_general3A_172 : vector<64x1000xf32>
    %get3A_174 = arith.constant 2 : index
    %get3A_175 = arith.constant 0 : index
    %get3A_176 = arith.constant 0 : index
    %get3A_177 = vector.load %arg4[%get3A_174, %get3A_175, %get3A_176] : memref<3x64x12xf32, #tpu.memory_space<vmem>>, vector<1x64x12xf32>
    %get3A_178 = vector.shape_cast %get3A_177 : vector<1x64x12xf32> to vector<64x12xf32>
    %dot_general3A_179 = arith.constant dense<0.000000e+00> : vector<64x1000xf32>
    %dot_general3A_180 = tpu.matmul %get3A_178, %exp3A_83, %dot_general3A_179 {dimension_numbers = #tpu.dot_dimension_numbers<[1], [0], [0], [1], [0, 0, 1, 1], [], []>, transpose_lhs_hint = false} : vector<64x12xf32>, vector<12x1000xf32>, vector<64x1000xf32> -> vector<64x1000xf32>
    %add3A_181 = arith.addf %add3A_173, %dot_general3A_180 : vector<64x1000xf32>
    %get3A_182 = arith.constant 2 : index
    %get3A_183 = arith.constant 0 : index
    %get3A_184 = arith.constant 0 : index
    %get3A_185 = vector.load %arg5[%get3A_182, %get3A_183, %get3A_184] : memref<3x64x1xf32, #tpu.memory_space<vmem>>, vector<1x64x1xf32>
    %get3A_186 = vector.shape_cast %get3A_185 : vector<1x64x1xf32> to vector<64x1xf32>
    %add3A_187 = vector.broadcast %get3A_186 : vector<64x1xf32> to vector<64x1000xf32>
    %add3A_188 = arith.addf %add3A_181, %add3A_187 : vector<64x1000xf32>
    %max3A_189 = arith.constant 0.000000e+00 : f32
    %max3A_190 = vector.broadcast %max3A_189 : f32 to vector<64x1000xf32>
    %max3A_191 = arith.maximumf %add3A_188, %max3A_190 : vector<64x1000xf32>
    %mul3A_192 = vector.broadcast %mul3A_52 : vector<1x1000xf32> to vector<64x1000xf32>
    %mul3A_193 = arith.mulf %max3A_191, %mul3A_192 : vector<64x1000xf32>
    %transpose3A_194 = tpu.transpose %mul3A_193, [1, 0] : vector<64x1000xf32> -> vector<1000x64xf32>
    %swap3A_195 = arith.constant 0 : index
    %swap3A_196 = arith.constant 0 : index
    %swap3A_197 = vector.load %arg11[%swap3A_195, %swap3A_196] : memref<1000x64xf32, #tpu.memory_space<vmem>>, vector<1000x64xf32>
    tpu.vector_store %arg11[%swap3A_195, %swap3A_196], %transpose3A_194 {strides = array<i32>} : memref<1000x64xf32, #tpu.memory_space<vmem>>, vector<1000x64xf32>,
    return
  }
  func.func @transform_0(%arg0: i32) -> (i32, i32, i32) {
    %c0_i32 = arith.constant 0 : i32
    %c0_i32_0 = arith.constant 0 : i32
    %c0_i32_1 = arith.constant 0 : i32
    return %arg0, %c0_i32, %c0_i32_0 : i32, i32, i32
  }
  func.func @transform_1(%arg0: i32) -> (i32, i32, i32) {
    %c0_i32 = arith.constant 0 : i32
    %c0_i32_0 = arith.constant 0 : i32
    %c0_i32_1 = arith.constant 0 : i32
    %c0_i32_2 = arith.constant 0 : i32
    return %c0_i32, %c0_i32_0, %c0_i32_1 : i32, i32, i32
  }
  func.func @transform_2(%arg0: i32) -> (i32, i32, i32) {
    %c0_i32 = arith.constant 0 : i32
    %c0_i32_0 = arith.constant 0 : i32
    %c0_i32_1 = arith.constant 0 : i32
    %c0_i32_2 = arith.constant 0 : i32
    return %c0_i32, %c0_i32_0, %c0_i32_1 : i32, i32, i32
  }
  func.func @transform_3(%arg0: i32) -> (i32, i32, i32) {
    %c0_i32 = arith.constant 0 : i32
    %c0_i32_0 = arith.constant 0 : i32
    %c0_i32_1 = arith.constant 0 : i32
    %c0_i32_2 = arith.constant 0 : i32
    return %c0_i32, %c0_i32_0, %c0_i32_1 : i32, i32, i32
  }
  func.func @transform_4(%arg0: i32) -> (i32, i32, i32) {
    %c0_i32 = arith.constant 0 : i32
    %c0_i32_0 = arith.constant 0 : i32
    %c0_i32_1 = arith.constant 0 : i32
    %c0_i32_2 = arith.constant 0 : i32
    return %c0_i32, %c0_i32_0, %c0_i32_1 : i32, i32, i32
  }
  func.func @transform_5(%arg0: i32) -> (i32, i32) {
    %c0_i32 = arith.constant 0 : i32
    %c0_i32_0 = arith.constant 0 : i32
    %c0_i32_1 = arith.constant 0 : i32
    return %c0_i32, %c0_i32_0 : i32, i32
  }
  func.func @transform_6(%arg0: i32) -> (i32, i32) {
    %c0_i32 = arith.constant 0 : i32
    %c0_i32_0 = arith.constant 0 : i32
    %c0_i32_1 = arith.constant 0 : i32
    return %c0_i32, %c0_i32_0 : i32, i32
  }
  func.func @transform_7(%arg0: i32) -> (i32, i32) {
    %c0_i32 = arith.constant 0 : i32
    %c0_i32_0 = arith.constant 0 : i32
    %c0_i32_1 = arith.constant 0 : i32
    return %c0_i32, %c0_i32_0 : i32, i32
  }
  func.func @transform_8(%arg0: i32) -> (i32, i32) {
    %c0_i32 = arith.constant 0 : i32
    %c0_i32_0 = arith.constant 0 : i32
    return %arg0, %c0_i32 : i32, i32
  }
  func.func @transform_9(%arg0: i32) -> (i32, i32) {
    %c0_i32 = arith.constant 0 : i32
    %c0_i32_0 = arith.constant 0 : i32
    return %arg0, %c0_i32 : i32, i32
  }
  func.func @transform_10(%arg0: i32) -> (i32, i32) {
    %c0_i32 = arith.constant 0 : i32
    %c0_i32_0 = arith.constant 0 : i32
    return %arg0, %c0_i32 : i32, i32
  }
}

module attributes {stable_mosaic.version = 14 : i64} {
  func.func @body(%arg0: i32, %arg1: memref<8000x64xf32, #tpu.memory_space<vmem>>, %arg2: memref<8000x64xf32, #tpu.memory_space<vmem>>, %arg3: memref<8000x64xf32, #tpu.memory_space<vmem>>) attributes {dimension_semantics = [#tpu.dimension_semantics<arbitrary>], iteration_bounds = array<i64: 100>, scalar_prefetch = 0 : i64, scratch_operands = 0 : i64, tpu.core_type = #tpu.core_type<tc>, window_params = [{transform_indices = @transform_0, window_bounds = array<i64: 8000, 64>}, {transform_indices = @transform_1, window_bounds = array<i64: 8000, 64>}, {transform_indices = @transform_2, window_bounds = array<i64: 8000, 64>}]} {
    %get3A = arith.constant 0 : index
    %get3A_0 = arith.constant 0 : index
    %get3A_1 = vector.load %arg1[%get3A, %get3A_0] : memref<8000x64xf32, #tpu.memory_space<vmem>>, vector<8000x64xf32>
    %get3A_2 = arith.constant 0 : index
    %get3A_3 = arith.constant 0 : index
    %get3A_4 = vector.load %arg2[%get3A_2, %get3A_3] : memref<8000x64xf32, #tpu.memory_space<vmem>>, vector<8000x64xf32>
    %mul3A = arith.mulf %get3A_1, %get3A_4 : vector<8000x64xf32>
    %swap3A = arith.constant 0 : index
    %swap3A_5 = arith.constant 0 : index
    %swap3A_6 = vector.load %arg3[%swap3A, %swap3A_5] : memref<8000x64xf32, #tpu.memory_space<vmem>>, vector<8000x64xf32>
    tpu.vector_store %arg3[%swap3A, %swap3A_5], %mul3A {strides = array<i32>} : memref<8000x64xf32, #tpu.memory_space<vmem>>, vector<8000x64xf32>,
    return
  }
  func.func @transform_0(%arg0: i32) -> (i32, i32) {
    %c0_i32 = arith.constant 0 : i32
    %c0_i32_0 = arith.constant 0 : i32
    return %arg0, %c0_i32 : i32, i32
  }
  func.func @transform_1(%arg0: i32) -> (i32, i32) {
    %c0_i32 = arith.constant 0 : i32
    %c0_i32_0 = arith.constant 0 : i32
    return %arg0, %c0_i32 : i32, i32
  }
  func.func @transform_2(%arg0: i32) -> (i32, i32) {
    %c0_i32 = arith.constant 0 : i32
    %c0_i32_0 = arith.constant 0 : i32
    return %arg0, %c0_i32 : i32, i32
  }
}

module attributes {stable_mosaic.version = 14 : i64} {
  func.func @body(%arg0: i32, %arg1: memref<5000x64xf32, #tpu.memory_space<vmem>>, %arg2: memref<1x5000x32xf32, #tpu.memory_space<vmem>>, %arg3: memref<1x5000x32xf32, #tpu.memory_space<vmem>>, %arg4: memref<64x64xf32, #tpu.memory_space<vmem>>, %arg5: memref<1x64xf32, #tpu.memory_space<vmem>>, %arg6: memref<5000x64xf32, #tpu.memory_space<vmem>>) attributes {dimension_semantics = [#tpu.dimension_semantics<arbitrary>], iteration_bounds = array<i64: 10>, scalar_prefetch = 0 : i64, scratch_operands = 0 : i64, tpu.core_type = #tpu.core_type<tc>, window_params = [{transform_indices = @transform_0, window_bounds = array<i64: 5000, 64>}, {transform_indices = @transform_1, window_bounds = array<i64: 1, 5000, 32>}, {transform_indices = @transform_2, window_bounds = array<i64: 1, 5000, 32>}, {pipeline_mode = #tpu.pipeline_mode<synchronous>, transform_indices = @transform_3, window_bounds = array<i64: 64, 64>}, {pipeline_mode = #tpu.pipeline_mode<synchronous>, transform_indices = @transform_4, window_bounds = array<i64: 1, 64>}, {transform_indices = @transform_5, window_bounds = array<i64: 5000, 64>}]} {
    %get3A = arith.constant 0 : index
    %get3A_0 = arith.constant 0 : index
    %get3A_1 = arith.constant 0 : index
    %get3A_2 = vector.load %arg2[%get3A, %get3A_0, %get3A_1] : memref<1x5000x32xf32, #tpu.memory_space<vmem>>, vector<1x5000x32xf32>
    %get3A_3 = vector.shape_cast %get3A_2 : vector<1x5000x32xf32> to vector<5000x32xf32>
    %get3A_4 = arith.constant 0 : index
    %get3A_5 = arith.constant 0 : index
    %get3A_6 = arith.constant 0 : index
    %get3A_7 = vector.load %arg3[%get3A_4, %get3A_5, %get3A_6] : memref<1x5000x32xf32, #tpu.memory_space<vmem>>, vector<1x5000x32xf32>
    %get3A_8 = vector.shape_cast %get3A_7 : vector<1x5000x32xf32> to vector<5000x32xf32>
    %concatenate3A = tpu.concatenate %get3A_3, %get3A_8 in 1 : vector<5000x32xf32>, vector<5000x32xf32> -> vector<5000x64xf32>
    %get3A_9 = arith.constant 0 : index
    %get3A_10 = arith.constant 0 : index
    %get3A_11 = vector.load %arg1[%get3A_9, %get3A_10] : memref<5000x64xf32, #tpu.memory_space<vmem>>, vector<5000x64xf32>
    %get3A_12 = arith.constant 0 : index
    %get3A_13 = arith.constant 0 : index
    %get3A_14 = vector.load %arg4[%get3A_12, %get3A_13] : memref<64x64xf32, #tpu.memory_space<vmem>>, vector<64x64xf32>
    %dot_general3A = arith.constant dense<0.000000e+00> : vector<5000x64xf32>
    %dot_general3A_15 = tpu.matmul %concatenate3A, %get3A_14, %dot_general3A {dimension_numbers = #tpu.dot_dimension_numbers<[1], [0], [0], [1], [0, 0, 1, 1], [], []>, transpose_lhs_hint = false} : vector<5000x64xf32>, vector<64x64xf32>, vector<5000x64xf32> -> vector<5000x64xf32>
    %get3A_16 = arith.constant 0 : index
    %get3A_17 = arith.constant 0 : index
    %get3A_18 = vector.load %arg5[%get3A_16, %get3A_17] : memref<1x64xf32, #tpu.memory_space<vmem>>, vector<1x64xf32>
    %add3A = vector.broadcast %get3A_18 : vector<1x64xf32> to vector<5000x64xf32>
    %add3A_19 = arith.addf %dot_general3A_15, %add3A : vector<5000x64xf32>
    %max3A = arith.constant 0.000000e+00 : f32
    %max3A_20 = vector.broadcast %max3A : f32 to vector<5000x64xf32>
    %max3A_21 = arith.maximumf %add3A_19, %max3A_20 : vector<5000x64xf32>
    %add3A_22 = arith.addf %get3A_11, %max3A_21 : vector<5000x64xf32>
    %swap3A = arith.constant 0 : index
    %swap3A_23 = arith.constant 0 : index
    %swap3A_24 = vector.load %arg6[%swap3A, %swap3A_23] : memref<5000x64xf32, #tpu.memory_space<vmem>>, vector<5000x64xf32>
    tpu.vector_store %arg6[%swap3A, %swap3A_23], %add3A_22 {strides = array<i32>} : memref<5000x64xf32, #tpu.memory_space<vmem>>, vector<5000x64xf32>,
    return
  }
  func.func @transform_0(%arg0: i32) -> (i32, i32) {
    %c0_i32 = arith.constant 0 : i32
    %c0_i32_0 = arith.constant 0 : i32
    return %arg0, %c0_i32 : i32, i32
  }
  func.func @transform_1(%arg0: i32) -> (i32, i32, i32) {
    %c0_i32 = arith.constant 0 : i32
    %c0_i32_0 = arith.constant 0 : i32
    %c0_i32_1 = arith.constant 0 : i32
    return %c0_i32, %arg0, %c0_i32_0 : i32, i32, i32
  }
  func.func @transform_2(%arg0: i32) -> (i32, i32, i32) {
    %c1_i32 = arith.constant 1 : i32
    %c0_i32 = arith.constant 0 : i32
    %c0_i32_0 = arith.constant 0 : i32
    return %c1_i32, %arg0, %c0_i32 : i32, i32, i32
  }
  func.func @transform_3(%arg0: i32) -> (i32, i32) {
    %c0_i32 = arith.constant 0 : i32
    %c0_i32_0 = arith.constant 0 : i32
    %c0_i32_1 = arith.constant 0 : i32
    return %c0_i32, %c0_i32_0 : i32, i32
  }
  func.func @transform_4(%arg0: i32) -> (i32, i32) {
    %c0_i32 = arith.constant 0 : i32
    %c0_i32_0 = arith.constant 0 : i32
    %c0_i32_1 = arith.constant 0 : i32
    return %c0_i32, %c0_i32_0 : i32, i32
  }
  func.func @transform_5(%arg0: i32) -> (i32, i32) {
    %c0_i32 = arith.constant 0 : i32
    %c0_i32_0 = arith.constant 0 : i32
    return %arg0, %c0_i32 : i32, i32
  }
}

module attributes {stable_mosaic.version = 14 : i64} {
  func.func @body(%arg0: memref<2x512x32xf32, #tpu.memory_space<vmem>>, %arg1: memref<64x64xf32, #tpu.memory_space<vmem>>, %arg2: memref<1x64xf32, #tpu.memory_space<vmem>>, %arg3: memref<64x128xf32, #tpu.memory_space<vmem>>, %arg4: memref<1x128xf32, #tpu.memory_space<vmem>>, %arg5: memref<128x256xf32, #tpu.memory_space<vmem>>, %arg6: memref<1x256xf32, #tpu.memory_space<vmem>>, %arg7: memref<256x750xf32, #tpu.memory_space<vmem>>, %arg8: memref<1x750xf32, #tpu.memory_space<vmem>>, %arg9: memref<64x64xf32, #tpu.memory_space<vmem>>, %arg10: memref<1x64xf32, #tpu.memory_space<vmem>>, %arg11: memref<64x1xf32, #tpu.memory_space<vmem>>, %arg12: memref<1x1xf32, #tpu.memory_space<vmem>>, %arg13: memref<500x64xf32, #tpu.memory_space<vmem>>, %arg14: memref<500x750xf32, #tpu.memory_space<vmem>>, %arg15: memref<500x1xf32, #tpu.memory_space<vmem>>) attributes {dimension_semantics = [], scalar_prefetch = 0 : i64, scratch_operands = 0 : i64, tpu.core_type = #tpu.core_type<tc>} {
    %get3A = arith.constant 0 : index
    %get3A_0 = arith.constant 0 : index
    %get3A_1 = arith.constant 0 : index
    %get3A_2 = vector.load %arg0[%get3A, %get3A_0, %get3A_1] : memref<2x512x32xf32, #tpu.memory_space<vmem>>, vector<1x500x32xf32>
    %get3A_3 = vector.shape_cast %get3A_2 : vector<1x500x32xf32> to vector<500x32xf32>
    %get3A_4 = arith.constant 1 : index
    %get3A_5 = arith.constant 0 : index
    %get3A_6 = arith.constant 0 : index
    %get3A_7 = vector.load %arg0[%get3A_4, %get3A_5, %get3A_6] : memref<2x512x32xf32, #tpu.memory_space<vmem>>, vector<1x500x32xf32>
    %get3A_8 = vector.shape_cast %get3A_7 : vector<1x500x32xf32> to vector<500x32xf32>
    %concatenate3A = tpu.concatenate %get3A_3, %get3A_8 in 1 : vector<500x32xf32>, vector<500x32xf32> -> vector<500x64xf32>
    %get3A_9 = arith.constant 0 : index
    %get3A_10 = arith.constant 0 : index
    %get3A_11 = vector.load %arg1[%get3A_9, %get3A_10] : memref<64x64xf32, #tpu.memory_space<vmem>>, vector<64x64xf32>
    %dot_general3A = arith.constant dense<0.000000e+00> : vector<500x64xf32>
    %dot_general3A_12 = tpu.matmul %concatenate3A, %get3A_11, %dot_general3A {dimension_numbers = #tpu.dot_dimension_numbers<[1], [0], [0], [1], [0, 0, 1, 1], [], []>, transpose_lhs_hint = false} : vector<500x64xf32>, vector<64x64xf32>, vector<500x64xf32> -> vector<500x64xf32>
    %get3A_13 = arith.constant 0 : index
    %get3A_14 = arith.constant 0 : index
    %get3A_15 = vector.load %arg2[%get3A_13, %get3A_14] : memref<1x64xf32, #tpu.memory_space<vmem>>, vector<1x64xf32>
    %add3A = vector.broadcast %get3A_15 : vector<1x64xf32> to vector<500x64xf32>
    %add3A_16 = arith.addf %dot_general3A_12, %add3A : vector<500x64xf32>
    %get3A_17 = arith.constant 0 : index
    %get3A_18 = arith.constant 0 : index
    %get3A_19 = vector.load %arg3[%get3A_17, %get3A_18] : memref<64x128xf32, #tpu.memory_space<vmem>>, vector<64x128xf32>
    %dot_general3A_20 = arith.constant dense<0.000000e+00> : vector<500x128xf32>
    %dot_general3A_21 = tpu.matmul %add3A_16, %get3A_19, %dot_general3A_20 {dimension_numbers = #tpu.dot_dimension_numbers<[1], [0], [0], [1], [0, 0, 1, 1], [], []>, transpose_lhs_hint = false} : vector<500x64xf32>, vector<64x128xf32>, vector<500x128xf32> -> vector<500x128xf32>
    %get3A_22 = arith.constant 0 : index
    %get3A_23 = arith.constant 0 : index
    %get3A_24 = vector.load %arg4[%get3A_22, %get3A_23] : memref<1x128xf32, #tpu.memory_space<vmem>>, vector<1x128xf32>
    %add3A_25 = vector.broadcast %get3A_24 : vector<1x128xf32> to vector<500x128xf32>
    %add3A_26 = arith.addf %dot_general3A_21, %add3A_25 : vector<500x128xf32>
    %max3A = arith.constant 0.000000e+00 : f32
    %max3A_27 = vector.broadcast %max3A : f32 to vector<500x128xf32>
    %max3A_28 = arith.maximumf %add3A_26, %max3A_27 : vector<500x128xf32>
    %get3A_29 = arith.constant 0 : index
    %get3A_30 = arith.constant 0 : index
    %get3A_31 = vector.load %arg5[%get3A_29, %get3A_30] : memref<128x256xf32, #tpu.memory_space<vmem>>, vector<128x256xf32>
    %dot_general3A_32 = arith.constant dense<0.000000e+00> : vector<500x256xf32>
    %dot_general3A_33 = tpu.matmul %max3A_28, %get3A_31, %dot_general3A_32 {dimension_numbers = #tpu.dot_dimension_numbers<[1], [0], [0], [1], [0, 0, 1, 1], [], []>, transpose_lhs_hint = false} : vector<500x128xf32>, vector<128x256xf32>, vector<500x256xf32> -> vector<500x256xf32>
    %get3A_34 = arith.constant 0 : index
    %get3A_35 = arith.constant 0 : index
    %get3A_36 = vector.load %arg6[%get3A_34, %get3A_35] : memref<1x256xf32, #tpu.memory_space<vmem>>, vector<1x256xf32>
    %add3A_37 = vector.broadcast %get3A_36 : vector<1x256xf32> to vector<500x256xf32>
    %add3A_38 = arith.addf %dot_general3A_33, %add3A_37 : vector<500x256xf32>
    %max3A_39 = arith.constant 0.000000e+00 : f32
    %max3A_40 = vector.broadcast %max3A_39 : f32 to vector<500x256xf32>
    %max3A_41 = arith.maximumf %add3A_38, %max3A_40 : vector<500x256xf32>
    %get3A_42 = arith.constant 0 : index
    %get3A_43 = arith.constant 0 : index
    %get3A_44 = vector.load %arg7[%get3A_42, %get3A_43] : memref<256x750xf32, #tpu.memory_space<vmem>>, vector<256x750xf32>
    %dot_general3A_45 = arith.constant dense<0.000000e+00> : vector<500x750xf32>
    %dot_general3A_46 = tpu.matmul %max3A_41, %get3A_44, %dot_general3A_45 {dimension_numbers = #tpu.dot_dimension_numbers<[1], [0], [0], [1], [0, 0, 1, 1], [], []>, transpose_lhs_hint = false} : vector<500x256xf32>, vector<256x750xf32>, vector<500x750xf32> -> vector<500x750xf32>
    %get3A_47 = arith.constant 0 : index
    %get3A_48 = arith.constant 0 : index
    %get3A_49 = vector.load %arg8[%get3A_47, %get3A_48] : memref<1x750xf32, #tpu.memory_space<vmem>>, vector<1x750xf32>
    %add3A_50 = vector.broadcast %get3A_49 : vector<1x750xf32> to vector<500x750xf32>
    %add3A_51 = arith.addf %dot_general3A_46, %add3A_50 : vector<500x750xf32>
    %get3A_52 = arith.constant 0 : index
    %get3A_53 = arith.constant 0 : index
    %get3A_54 = vector.load %arg9[%get3A_52, %get3A_53] : memref<64x64xf32, #tpu.memory_space<vmem>>, vector<64x64xf32>
    %dot_general3A_55 = arith.constant dense<0.000000e+00> : vector<500x64xf32>
    %dot_general3A_56 = tpu.matmul %add3A_16, %get3A_54, %dot_general3A_55 {dimension_numbers = #tpu.dot_dimension_numbers<[1], [0], [0], [1], [0, 0, 1, 1], [], []>, transpose_lhs_hint = false} : vector<500x64xf32>, vector<64x64xf32>, vector<500x64xf32> -> vector<500x64xf32>
    %get3A_57 = arith.constant 0 : index
    %get3A_58 = arith.constant 0 : index
    %get3A_59 = vector.load %arg10[%get3A_57, %get3A_58] : memref<1x64xf32, #tpu.memory_space<vmem>>, vector<1x64xf32>
    %add3A_60 = vector.broadcast %get3A_59 : vector<1x64xf32> to vector<500x64xf32>
    %add3A_61 = arith.addf %dot_general3A_56, %add3A_60 : vector<500x64xf32>
    %max3A_62 = arith.constant 0.000000e+00 : f32
    %max3A_63 = vector.broadcast %max3A_62 : f32 to vector<500x64xf32>
    %max3A_64 = arith.maximumf %add3A_61, %max3A_63 : vector<500x64xf32>
    %get3A_65 = arith.constant 0 : index
    %get3A_66 = arith.constant 0 : index
    %get3A_67 = vector.load %arg11[%get3A_65, %get3A_66] : memref<64x1xf32, #tpu.memory_space<vmem>>, vector<64x1xf32>
    %dot_general3A_68 = arith.constant dense<0.000000e+00> : vector<500x1xf32>
    %dot_general3A_69 = tpu.matmul %max3A_64, %get3A_67, %dot_general3A_68 {dimension_numbers = #tpu.dot_dimension_numbers<[1], [0], [0], [1], [0, 0, 1, 1], [], []>, transpose_lhs_hint = false} : vector<500x64xf32>, vector<64x1xf32>, vector<500x1xf32> -> vector<500x1xf32>
    %get3A_70 = arith.constant 0 : index
    %get3A_71 = arith.constant 0 : index
    %get3A_72 = vector.load %arg12[%get3A_70, %get3A_71] : memref<1x1xf32, #tpu.memory_space<vmem>>, vector<1x1xf32>
    %add3A_73 = vector.broadcast %get3A_72 : vector<1x1xf32> to vector<500x1xf32>
    %add3A_74 = arith.addf %dot_general3A_69, %add3A_73 : vector<500x1xf32>
    %max3A_75 = arith.constant 0.000000e+00 : f32
    %max3A_76 = vector.broadcast %max3A_75 : f32 to vector<500x1xf32>
    %max3A_77 = arith.maximumf %add3A_74, %max3A_76 : vector<500x1xf32>
    %swap3A = arith.constant 0 : index
    %swap3A_78 = arith.constant 0 : index
    %swap3A_79 = vector.load %arg13[%swap3A, %swap3A_78] : memref<500x64xf32, #tpu.memory_space<vmem>>, vector<500x64xf32>
    tpu.vector_store %arg13[%swap3A, %swap3A_78], %add3A_16 {strides = array<i32>} : memref<500x64xf32, #tpu.memory_space<vmem>>, vector<500x64xf32>,
    %swap3A_80 = arith.constant 0 : index
    %swap3A_81 = arith.constant 0 : index
    %swap3A_82 = vector.load %arg14[%swap3A_80, %swap3A_81] : memref<500x750xf32, #tpu.memory_space<vmem>>, vector<500x750xf32>
    tpu.vector_store %arg14[%swap3A_80, %swap3A_81], %add3A_51 {strides = array<i32>} : memref<500x750xf32, #tpu.memory_space<vmem>>, vector<500x750xf32>,
    %swap3A_83 = arith.constant 0 : index
    %swap3A_84 = arith.constant 0 : index
    %swap3A_85 = vector.load %arg15[%swap3A_83, %swap3A_84] : memref<500x1xf32, #tpu.memory_space<vmem>>, vector<500x1xf32>
    tpu.vector_store %arg15[%swap3A_83, %swap3A_84], %max3A_77 {strides = array<i32>} : memref<500x1xf32, #tpu.memory_space<vmem>>, vector<500x1xf32>,
    return
  }
}

</mosaic_0001>

<sc_bundles>
// kernel: kernel.19.cloned.1.call-start
scs
__scs_entry_jumppad:
0x0: {  	(pc) =	sbr.rel $0x88, $3  }
0x1: {  	(tag) =	ssettag $0x0;
	lr =	simm.s32 $0x1  }
0x2: {  	[smem:$0x3F8B] =	sst lr;
	_ =	strace $0xD0000000  }
0x3: {  	_ = 	snop  }
0x4: {  	_ = 	snop  }
0x5: {  	_ = 	snop  }
0x6: {  	_ = 	snop  }
0x7: {  	_ = 	snop  }
__scs_overlays_trampoline_lowered:
0x8: {  	[smem:$0x3F9A] =	sst s0  }
0x9: {  	[smem:$0x3F9B] =	sst s1  }
0xa: {  	[smem:$0x3F9C] =	sst s2  }
0xb: {  	[smem:$0x3F9D] =	sst s3  }
0xc: {  	[smem:$0x3F9E] =	sst s4  }
0xd: {  	[smem:$0x3F9F] =	sst s5  }
0xe: {  	[smem:$0x3FA0] =	sst s6  }
0xf: {  	[smem:$0x3FA1] =	sst s7  }
0x10: {  	[smem:$0x3FA2] =	sst s8  }
0x11: {  	[smem:$0x3FA3] =	sst s9;
	s0 =	simm.s32 @!p0 $0x0  }
0x12: {  	s1 =	sld [smem:$0x3F89];
	s0 =	simm.s32 @p0 $0x1  }
0x13: {  	[smem:$0x3FA4] =	sst s0;
	s0 =	simm.s32 @!p1 $0x0  }
0x14: {  	s2 =	sld [smem:$0x3F88];
	s0 =	simm.s32 @p1 $0x1  }
0x15: {  	[smem:$0x3FA5] =	sst s0;
	s0 =	simm.s32 @!p2 $0x0  }
0x16: {  	s3 =	sld [smem:$0x3FDB];
	s0 =	simm.s32 @p2 $0x1  }
0x17: {  	s4 =	simm.s32 $0x1BF5;
	[smem:$0x3FA7] =	sst s0  }
0x18: {  	s0 =	sld [smem:$0x3F8A];
	_ =	swait.ge [sflag:s4], $0x0  }
0x19: {  	s7 =	sld [smem:$0x3F8B]  }
0x1a: {  	s8 =	sadd.s32 $0xFFFFE003, lr  }
0x1b: {  	s9 =	sadd.s32 $0xFFFFFEF7, lr;
	s5 =	simm.s32 $0xFFFFFFFF;
	p2 =	slt.u32 s8, $0xFFFFF086  }
0x1c: {  	p1 =	slt.u32 s9, $0xF7A;
	s5 =	simm.s32 @!p2 $0x0  }
0x1d: {  	s5 =	simm.s32 @p1 $0x1;
	p0 =	seq.s32 s7, s2  }
0x1e: {  	s7 =	smul.u32 @!p0 $0xF7A, s2;
	p2 =	seq.s32 @!p0 s5, $0x0  }
0x1f: {  	s9 =	smul.u32 $0xF7A, s1;
	s8 =	simm.s32 @!p0 $0x1BF5;
	p2 =	por !p2, p0  }
0x20: {  	[sflag:s8] =	ssyncset.s32 @!p0 $0xFFFFF086;
	s6 =	sadd.s32 @!p0 s3, s7;
	s7 =	simm.s32 @!p0 $0x108  }
0x21: {  	s3 =	sadd.s32 s3, s9;
	s6 =	sadd.s32 @!p0 $0x88, s6;
	s7 =	simm.s32 @p2 $0x1082  }
0x22: {  	[simem:s7], [sflag:s8] =	dma.local @!p0 [hbm:s6], $0xF7A  }
0x23: {  	s9 =	sor.u32 $0xD0000000, s2;
	s6 =	simm.s32 $0x108;
	_ =	swait.ge @!p0 [sflag:s8], $0x0  }
0x24: {  	s3 =	sadd.s32 $0x88, s3;
	s6 =	simm.s32 @!p1 $0x1082;
	[sflag:s4] =	ssyncset.s32 $0xFFFFF086  }
0x25: {  	[simem:s6], [sflag:s4] =	dma.local [hbm:s3], $0xF7A  }
0x26: {  	[smem:$0x3F8B] =	sst s1;
	(tag) =	ssettag s2;
	_ =	strace s9  }
0x27: {  	s1 =	sld [smem:$0x3F9B]  }
0x28: {  	s2 =	sld [smem:$0x3F9C]  }
0x29: {  	s4 =	sld [smem:$0x3F9E]  }
0x2a: {  	p0 =	seq.s32 s5, $0x0;
	s5 =	sld [smem:$0x3F9F]  }
0x2b: {  	s6 =	sld [smem:$0x3FA0]  }
0x2c: {  	s7 =	sld [smem:$0x3FA1]  }
0x2d: {  	s3 =	simm.s32 $0x108;
	s8 =	sld [smem:$0x3FA2]  }
0x2e: {  	s3 =	simm.s32 @!p0 $0x1082;
	s9 =	sld [smem:$0x3FA3]  }
0x2f: {  	lr =	sadd.s32 s0, s3;
	s0 =	sld [smem:$0x3F9A]  }
0x30: {  	s3 =	sld [smem:$0x3F9D]  }
0x31: {  	[smem:$0x3FA6] =	sst s10  }
0x32: {  	s10 =	sld [smem:$0x3FA4];
	_ =	sdelay $0x3  }
0x33: {  	p0 =	seq.s32 s10, $0x1;
	s10 =	sld [smem:$0x3FA6];
	_ =	sdelay $0x3  }
0x34: {  	[smem:$0x3FA6] =	sst s10  }
0x35: {  	s10 =	sld [smem:$0x3FA5];
	_ =	sdelay $0x3  }
0x36: {  	p1 =	seq.s32 s10, $0x1;
	s10 =	sld [smem:$0x3FA6];
	_ =	sdelay $0x3  }
0x37: {  	[smem:$0x3FA6] =	sst s10  }
0x38: {  	s10 =	sld [smem:$0x3FA7]  }
0x39: {  	_ = 	snop;
	(pc) =	sbr.ind lr, $3  }
0x3a: {  	_ = 	snop  }
0x3b: {  	_ = 	snop  }
0x3c: {  	p2 =	seq.s32 s10, $0x1;
	s10 =	sld [smem:$0x3FA6]  }
0x3d: {  	_ =	shalt  }
0x3e: {  	_ =	shalt  }
0x3f: {  	_ =	shalt  }
0x40: {  	_ =	shalt  }
0x41: {  	_ =	shalt  }
0x42: {  	_ =	shalt  }
0x43: {  	_ =	shalt  }
0x44: {  	_ =	shalt  }
0x45: {  	_ =	shalt  }
0x46: {  	_ =	shalt  }
0x47: {  	_ =	shalt  }
0x48: {  	_ =	shalt  }
0x49: {  	_ =	shalt  }
0x4a: {  	_ =	shalt  }
0x4b: {  	_ =	shalt  }
0x4c: {  	_ =	shalt  }
0x4d: {  	_ =	shalt  }
0x4e: {  	_ =	shalt  }
0x4f: {  	_ =	shalt  }
0x50: {  	_ =	shalt  }
0x51: {  	_ =	shalt  }
0x52: {  	_ =	shalt  }
0x53: {  	_ =	shalt  }
0x54: {  	_ =	shalt  }
0x55: {  	_ =	shalt  }
0x56: {  	_ =	shalt  }
0x57: {  	_ =	shalt  }
0x58: {  	_ =	shalt  }
0x59: {  	_ =	shalt  }
0x5a: {  	_ =	shalt  }
0x5b: {  	_ =	shalt  }
0x5c: {  	_ =	shalt  }
0x5d: {  	_ =	shalt  }
0x5e: {  	_ =	shalt  }
0x5f: {  	_ =	shalt  }
0x60: {  	_ =	shalt  }
0x61: {  	_ =	shalt  }
0x62: {  	_ =	shalt  }
0x63: {  	_ =	shalt  }
0x64: {  	_ =	shalt  }
0x65: {  	_ =	shalt  }
0x66: {  	_ =	shalt  }
0x67: {  	_ =	shalt  }
0x68: {  	_ =	shalt  }
0x69: {  	_ =	shalt  }
0x6a: {  	_ =	shalt  }
0x6b: {  	_ =	shalt  }
0x6c: {  	_ =	shalt  }
0x6d: {  	_ =	shalt  }
0x6e: {  	_ =	shalt  }
0x6f: {  	_ =	shalt  }
0x70: {  	_ =	shalt  }
0x71: {  	_ =	shalt  }
0x72: {  	_ =	shalt  }
0x73: {  	_ =	shalt  }
0x74: {  	_ =	shalt  }
0x75: {  	_ =	shalt  }
0x76: {  	_ =	shalt  }
0x77: {  	_ =	shalt  }
0x78: {  	_ =	shalt  }
0x79: {  	_ =	shalt  }
0x7a: {  	_ =	shalt  }
0x7b: {  	_ =	shalt  }
0x7c: {  	_ =	shalt  }
0x7d: {  	_ =	shalt  }
0x7e: {  	_ =	shalt  }
0x7f: {  	_ =	shalt  }
0x80: {  	_ =	shalt  }
0x81: {  	_ =	shalt  }
0x82: {  	_ =	shalt  }
0x83: {  	_ =	shalt  }
0x84: {  	_ =	shalt  }
0x85: {  	_ =	shalt  }
0x86: {  	_ =	shalt  }
0x87: {  	_ =	shalt  }
.Lfunc_end0:
.L_simem_size_0:
called_computation_lowered:
.L_overlay_start_0:
0x88: {  	s2 =	sld [smem:$0x3FD9]  }
0x89: {  	s3 =	sld [smem:$0x3FFE];
	_ =	sdelay $0x1  }
0x8a: {  	s1 =	srdreg.scid  }
0x8b: {  	s0 =	sand.u32 $0x1, s1  }
0x8c: {  	s17 =	sshll.u32 s0, $0xA;
	s2 =	sadd.s32 s3, s2  }
0x8d: {  	s2 =	sadd.s32 s2, s17  }
0x8e: {  	[smem:$0x3FB2] =	sst s2  }
0x8f: {  	_ = 	snop  }
0x90: {  	(tm) =	ssettm $0x1  }
0x91: {  	s18 =	sld [smem:$0x3FFB];
	_ =	sdelay $0x3  }
0x92: {  	_ =	strace s18  }
0x93: {  	s2 =	sld [smem:$0x3FFC];
	_ =	sdelay $0x3  }
0x94: {  	_ =	strace s2  }
0x95: {  	s2 =	sld [smem:$0x3FFD];
	_ =	sdelay $0x3  }
0x96: {  	_ =	strace s2  }
0x97: {  	_ =	strace $0x8FFFFFFF  }
0x98: {  	s19 =	sld [smem:$0x3FDB];
	_ =	sdelay $0x1  }
0x99: {  	s20 =	simm.s32 $_scs_section_size  }
0x9a: {  	s4 =	simm.s32 $_size__tile_overlayer_lowered;
	s5 =	simm.s32 $_tile_overlayer_lowered  }
0x9b: {  	s6 =	simm.s32 $0x1BFF;
	s21 =	sshll.u32 s5, $0x1;
	s3 =	sadd.s32 s20, s19  }
0x9c: {  	s22 =	simm.s32 $0x0;
	s4 =	sshll.u32 s4, $0x1;
	s5 =	sadd.s32 s21, s3  }
0x9d: {  	[timem:s22], [sflag:s6] =	dma.local [hbm:s5], s4  }
0x9e: {  	_ =	swait.ge [sflag:s6], s4  }
0x9f: {  	s4 =	ssub.s32 $0x0, s4;
	[sflag:s6] =	ssyncset.done $0x0  }
0xa0: {  	[sflag:s6] =	ssyncadd.s32 s4;
	_ =	sdelay $0x1  }
0xa1: {  	s23 =	simm.s32 $0x1B8B  }
0xa2: {  	_ =	swait.ge [sflag:s23], $0x1  }
0xa3: {  	[sflag:s23] =	ssyncset.done $0x0  }
0xa4: {  	[sflag:s23] =	ssyncadd.s32 $0xFFFFFFFF  }
0xa5: {  	s4 =	sld [smem:$0x0]  }
0xa6: {  	s5 =	sand.u32 $0xFFFFFFFE, s1  }
0xa7: {  	p0 =	sne.s32 s1, s5  }
0xa8: {  	s5 =	sshll.u32 @p0 s5, $0xE  }
0xa9: {  	s5 =	sadd.s32 @p0 $0x11B8D, s5;
	s6 =	sshll.u32 @p0 s4, $0x11  }
0xaa: {  	s5 =	sor.u32 @p0 s6, s5  }
0xab: {  	[sflag:s5] =	ssyncadd.remote.s32 @p0 $0x1;
	_ =	sdelay $0x1  }
0xac: {  	s5 =	simm.s32 @p0 $0x1B8D  }
0xad: {  	_ =	swait.eq @p0 [sflag:s5], $0x1  }
0xae: {  	[sflag:s5] =	ssyncadd.s32 @p0 $0xFFFFFFFF  }
0xaf: {  	s6 =	sshll.u32 @!p0 s1, $0xE  }
0xb0: {  	s6 =	sor.u32 @!p0 $0x4000, s6;
	s5 =	simm.s32 @!p0 $0x1B8D  }
0xb1: {  	s4 =	sshll.u32 @!p0 s4, $0x11;
	s6 =	sadd.s32 @!p0 $0x11B8D, s6;
	_ =	swait.eq @!p0 [sflag:s5], $0x1  }
0xb2: {  	s4 =	sor.u32 @!p0 s4, s6;
	[sflag:s5] =	ssyncadd.s32 @!p0 $0xFFFFFFFF  }
0xb3: {  	s25 =	simm.s32 $0x1B8E;
	s24 =	sld [smem:$0x3FFE];
	[sflag:s4] =	ssyncadd.remote.s32 @!p0 $0x1  }
0xb4: {  	s26 =	simm.s32 $execute0_lowered;
	[smem:$0x3FD2] =	sst s25  }
0xb5: {  	s5 =	sshll.u32 s26, $0x1;
	_ =	strace $0x80000049;
	[dreg:$0x1] =	wrdreg $0xFFFFFFFF  }
0xb6: {  	s28 =	simm.s32 $_size_execute0_lowered;
	s3 =	sadd.s32 s3, s5;
	[dreg:$0x0] =	wrdreg $0x0  }
0xb7: {  	s5 =	sshll.u32 s28, $0x1;
	[dreg:$0x2] =	wrdreg s3  }
0xb8: {  	[dreg:$0x3] =	wrdreg s5  }
0xb9: {  	[dreg:$0x4] =	wrdreg $0xC0  }
0xba: {  	_ =	task [dreg:s22], $0x5FFFF  }
0xbb: {  	[dreg:$0x1] =	wrdreg $0xFFFFFFFF  }
0xbc: {  	[dreg:$0x0] =	wrdreg $0x60  }
0xbd: {  	[dreg:$0x2] =	wrdreg s24  }
0xbe: {  	[dreg:$0x3] =	wrdreg $0x9  }
0xbf: {  	_ =	task.clear_ibuf [dreg:s22], $0x4FFFF;
	_ =	strace $0x90000049  }
0xc0: {  	s29 =	simm.s32 $0x9;
	_ =	strace $0x8000004B  }
0xc1: {  	_ =	swait.ge [sflag:s29], $0x1  }
0xc2: {  	[sflag:s29] =	ssyncadd.s32 $0xFFFFFFFF  }
0xc3: {  	_ =	strace $0x9000004B  }
0xc4: {  	_ =	sfence  }
0xc5: {  	s30 =	sld [smem:$0x0];
	_ =	sdelay $0x2  }
0xc6: {  	s31 =	sshll.u32 s1, $0xD;
	s1 =	sshrl.u32 s1, $0x2  }
0xc7: {  	s4 =	sand.u32 $0x4000, s31;
	s1 =	sadd.s32 s1, s30  }
0xc8: {  	s0 =	sor.u32 s4, s0;
	s1 =	sshll.u32 s1, $0x11  }
0xc9: {  	s0 =	sor.u32 s1, s0  }
0xca: {  	s0 =	sadd.s32 $0x8F2B, s0  }
0xcb: {  	[sflag:s0] =	ssyncadd.remote.s32 $0x1  }
0xcc: {  	_ =	sfence.sel $0xFFFF  }
0xcd: {  	[dreg:$0x0] =	wrdreg $0xFFFFFFFF;
	(pc) =	sbr.abs _section_cstart, $3  }
0xce: {  	[dreg:$0x1] =	wrdreg $0xFFFFFFFF  }
0xcf: {  	_ =	task.clear_ibuf [dreg:s22], $0x2FFFF;
	_ =	strace $0x9FFFFFFF  }
0xd0: {  	(tm) =	ssettm $0x7FFFFFFF  }
0xd1: {  	_ =	shalt  }
tec
execute0_lowered:
.L_overlay_start_1:
0x0: {  	(tag) =	ssettag $0x1  }
0x1: {  	s6 =	rddreg [dreg:$0x0]  }
0x2: {  	s0 =	rddreg [dreg:$0x1];
	s2 =	simm.s32 $0x0  }
0x3: {  	s3 =	srdreg.scid;
	s1 =	stileid.u32;
	s10 =	simm.s32 $0x3E8  }
0x4: {  	s11 =	simm.s32 $0x7D0;
	s12 =	simm.s32 $0xBB8;
	s13 =	simm.s32 $0xFA0  }
0x5: {  	s14 =	simm.s32 $0x4E20;
	s15 =	simm.s32 $0x8CA0;
	s16 =	simm.s32 $0xCB20  }
0x6: {  	s17 =	simm.s32 $0x1;
	s18 =	simm.s32 $0x2;
	s19 =	simm.s32 $0x3  }
0x7: {  	s20 =	simm.s32 $0x4;
	s21 =	simm.s32 $0x109A0;
	s22 =	simm.s32 $0x0  }
0x8: {  	[smem:$0x7FF] =	sst s2;
	s4 =	sand.u32 $0x1, s3;
	s5 =	sshll.u32 s1, $0x1  }
0x9: {  	s3 =	sadd.s32 $0x98A00, s6;
	_ =	strace $0x8000004A;
	s7 =	ssub.s32 $0x2, s4  }
0xa: {  	s8 =	sor.u32 s4, s5;
	s4 =	sadd.s32 $0x7D8200, s6;
	s9 =	sshrl.u32 s7, $0x1  }
0xb: {  	s6 =	sadd.s32 $0x839E00, s6;
	s5 =	smul.u32 $0x61A8, s8;
	s9 =	ssub.s32 s7, s9  }
0xc: {  	v0 =	vlaneseq.u32;
	s7 =	smul.u32 $0x19, s8;
	s8 =	smax.u32 s9, $0x1;
	s9 =	simm.s32 $0x5  }
.LBB2_1:
0xd: {  	s23 =	simm.s32 $0x0  }
.LBB2_2:
0xe: {  	s24 =	smul.u32 $0x3E8, s23;
	_ =	sdelay $0x1  }
0xf: {  	s24 =	sadd.s32 s5, s24  }
0x10: {  	s24 =	sshrl.u32 s24, $0x3  }
0x11: {  	s25 =	simm.s32 $0x0;
	s24 =	sadd.s32 s4, s24  }
0x12: {  	[tilespmem:s25], [sflag:$0x5] =	stream.linear.gather [hbm4b:s24+s25], $0x3E8, $0x38;
	[tilespmem:$0x12920] =	vst v63  }
0x13: {  	_ =	swait.ge [sflag:s9], $0x3E8  }
0x14: {  	[sflag:s9] =	ssyncset.done $0x0  }
0x15: {  	s26 =	sadd.s32 $0x186A0, s24;
	[sflag:s9] =	ssyncadd.s32 $0xFFFFFC18  }
0x16: {  	[tilespmem:s10], [sflag:$0x5] =	stream.linear.gather [hbm4b:s26+s25], $0x3E8, $0x38;
	[tilespmem:$0x12920] =	vst v63  }
0x17: {  	_ =	swait.ge [sflag:s9], $0x3E8  }
0x18: {  	[sflag:s9] =	ssyncset.done $0x0  }
0x19: {  	s30 =	sadd.s32 $0x30D40, s24;
	[sflag:s9] =	ssyncadd.s32 $0xFFFFFC18  }
0x1a: {  	[tilespmem:s11], [sflag:$0x5] =	stream.linear.gather [hbm4b:s30+s25], $0x3E8, $0x38;
	[tilespmem:$0x12920] =	vst v63  }
0x1b: {  	_ =	swait.ge [sflag:s9], $0x3E8  }
0x1c: {  	[sflag:s9] =	ssyncset.done $0x0  }
0x1d: {  	s24 =	sadd.s32 $0x493E0, s24;
	[sflag:s9] =	ssyncadd.s32 $0xFFFFFC18  }
0x1e: {  	[tilespmem:s12], [sflag:$0x5] =	stream.linear.gather [hbm4b:s24+s25], $0x3E8, $0x38;
	[tilespmem:$0x12920] =	vst v63  }
0x1f: {  	_ =	swait.ge [sflag:s9], $0x3E8  }
0x20: {  	[sflag:s9] =	ssyncset.done $0x0  }
0x21: {  	[sflag:s9] =	ssyncadd.s32 $0xFFFFFC18  }
0x22: {  	[tilespmem:s13], [sflag:$0x1] =	stream.indirect.gather [hbm4b:s3+s10], $0x10, s25, s10, $0xb8;
	[tilespmem:$0x12920] =	vst v63  }
0x23: {  	_ = 	snop  }
0x24: {  	[tilespmem:s14], [sflag:$0x2] =	stream.indirect.gather [hbm4b:s3+s10], $0x10, s10, s10, $0xb8;
	[tilespmem:$0x12920] =	vst v63  }
0x25: {  	_ = 	snop  }
0x26: {  	[tilespmem:s15], [sflag:$0x3] =	stream.indirect.gather [hbm4b:s3+s10], $0x10, s11, s10, $0xb8;
	[tilespmem:$0x12920] =	vst v63  }
0x27: {  	_ = 	snop  }
0x28: {  	[tilespmem:s16], [sflag:$0x4] =	stream.indirect.gather [hbm4b:s3+s10], $0x10, s12, s10, $0xb8;
	[tilespmem:$0x12920] =	vst v63  }
0x29: {  	_ =	swait.ge [sflag:s17], $0x3E80  }
0x2a: {  	[sflag:s17] =	ssyncset.done $0x0  }
0x2b: {  	[sflag:s17] =	ssyncadd.s32 $0xFFFFC180  }
0x2c: {  	v1 =	vor.u32 s25, v0;
	_ =	swait.ge [sflag:s18], $0x3E80  }
0x2d: {  	vm0 =	vlt.s32 v1, $0x3E7;
	[sflag:s18] =	ssyncset.done $0x0  }
0x2e: {  	v1 =	vnsel vm0, $0x3E7, v1;
	[sflag:s18] =	ssyncadd.s32 $0xFFFFC180  }
0x2f: {  	v1 =	vshll.u32 v1, $0x4;
	_ =	swait.ge [sflag:s19], $0x3E80  }
0x30: {  	v2 =	vor.u32 $0x2, v1;
	[sflag:s19] =	ssyncset.done $0x0  }
0x31: {  	v3 =	vadd.s32 $0xBB81, v1;
	[sflag:s19] =	ssyncadd.s32 $0xFFFFC180  }
0x32: {  	v4 =	vadd.s32 $0x7D01, v1;
	_ =	swait.ge [sflag:s20], $0x3E80  }
0x33: {  	v5 =	vadd.s32 $0x3E82, v1;
	[sflag:s20] =	ssyncset.done $0x0  }
0x34: {  	v6 =	vadd.s32 $0x3E81, v1;
	[sflag:s20] =	ssyncadd.s32 $0xFFFFC180  }
0x35: {  	v7 =	vadd.s32 $0x7D02, v1;
	v2 =	vld.idx.msk [tilespmem:v2+s13+$0x0], $0xffff  }
0x36: {  	v8 =	vadd.s32 $0xBB82, v1;
	v3 =	vld.idx.msk [tilespmem:v3+s13+$0x0], $0xffff  }
0x37: {  	v9 =	vadd.s32 $0x3E80, v1;
	v4 =	vld.idx.msk [tilespmem:v4+s13+$0x0], $0xffff  }
0x38: {  	v5 =	vld.idx.msk [tilespmem:v5+s13+$0x0], $0xffff  }
0x39: {  	v10 =	vld.idx.msk [tilespmem:v6+s13+$0x0], $0xffff  }
0x3a: {  	v7 =	vld.idx.msk [tilespmem:v7+s13+$0x0], $0xffff  }
0x3b: {  	v11 =	vor.u32 $0x1, v1;
	v8 =	vld.idx.msk [tilespmem:v8+s13+$0x0], $0xffff  }
0x3c: {  	s31 =	simm.s32 $0x10;
	v6 =	vadd.s32 $0x7D00, v1;
	v9 =	vld.idx.msk [tilespmem:v9+s13+$0x0], $0xffff  }
0x3d: {  	v13 =	vor.u32 s31, v0;
	v12 =	vadd.s32 $0xBB80, v1;
	v14 =	vld.idx.msk [tilespmem:v1+s13+$0x0], $0xffff  }
0x3e: {  	vm15 =	vlt.s32 v13, $0x3E7  }
0x3f: {  	v1 =	vnsel vm15, $0x3E7, v13  }
0x40: {  	v11 =	vld.idx.msk [tilespmem:v11+s13+$0x0], $0xffff;
	v1 =	vshll.u32 v1, $0x4;
	v15 =	vsub.f32 v5, v2;
	v16 =	vsub.f32 v3, v4  }
0x41: {  	v13 =	vld.idx.msk [tilespmem:v6+s13+$0x0], $0xffff;
	v2 =	vadd.s32 $0x3E80, v1;
	v17 =	vsub.f32 v4, v10;
	v18 =	vsub.f32 v8, v7  }
0x42: {  	v12 =	vld.idx.msk [tilespmem:v12+s13+$0x0], $0xffff;
	v4 =	vadd.s32 $0x3E81, v1;
	v6 =	vadd.s32 $0x3E82, v1;
	v14 =	vsub.f32 v9, v14  }
0x43: {  	v3 =	vadd.s32 $0x7D00, v1;
	v19 =	vsub.f32 v7, v5;
	v20 =	vmul.f32 v18, v17  }
0x44: {  	v8 =	vor.u32 $0x2, v1;
	v21 =	vmul.f32 v17, v17;
	v22 =	vmul.f32 v14, v14  }
0x45: {  	v10 =	vsub.f32 v10, v11;
	v23 =	vmul.f32 v15, v15;
	v24 =	vmul.f32 v16, v19  }
0x46: {  	v11 =	vmul.f32 v19, v15;
	v27 =	vmul.f32 v18, v15;
	v9 =	vsub.f32 v13, v9  }
0x47: {  	v28 =	vmul.f32 v10, v10;
	v31 =	vmul.f32 v17, v10;
	v12 =	vsub.f32 v12, v13  }
0x48: {  	v7 =	vadd.s32 $0x7D02, v1;
	v13 =	vmul.f32 v16, v17;
	v25 =	vmul.f32 v18, v9  }
0x49: {  	v20 =	vsub.f32 v20, v24;
	v26 =	vmul.f32 v16, v9;
	v29 =	vmul.f32 v12, v14  }
0x4a: {  	v22 =	vadd.f32 v28, v22;
	v30 =	vmul.f32 v12, v19;
	v16 =	vmul.f32 v16, v10  }
0x4b: {  	v5 =	vadd.s32 $0xBB80, v1;
	v17 =	vmul.f32 v12, v17;
	v12 =	vmul.f32 v12, v9  }
0x4c: {  	v22 =	vadd.f32 v23, v22;
	v60 =	vmul.f32 v9, v14;
	v14 =	vmul.f32 v20, v14  }
0x4d: {  	v9 =	vmul.f32 v9, v9;
	v59 =	vsub.f32 v30, v25;
	v16 =	vadd.f32 v16, v29  }
0x4e: {  	v17 =	vsub.f32 v26, v17;
	v12 =	vadd.f32 v13, v12;
	v13 =	vmul.f32 v18, v19  }
0x4f: {  	s25 =	simm.s32 $0x11570;
	v61 =	vadd.f32 v31, v60;
	v10 =	vmul.f32 v59, v10;
	v16 =	vadd.f32 v27, v16  }
0x50: {  	[tilespmem:s25+$0xFFFFF430] =	vst v22;
	v19 =	vmul.f32 v19, v19;
	v62 =	vadd.f32 v21, v9;
	v13 =	vadd.f32 v13, v12  }
0x51: {  	v15 =	vmul.f32 v17, v15;
	v63 =	vadd.f32 v11, v61;
	v14 =	vadd.f32 v10, v14;
	[tilespmem:s25+$0x3F0] =	vst v16  }
0x52: {  	v9 =	vor.u32 $0x1, v1;
	v12 =	vadd.s32 $0x7D01, v1;
	v11 =	vadd.s32 $0xBB81, v1;
	[tilespmem:s25+$0x0] =	vst v13  }
0x53: {  	s28 =	simm.s32 $0x11580;
	s26 =	simm.s32 $0x20;
	s24 =	simm.s32 $0x11580;
	v10 =	vadd.s32 $0xBB82, v1;
	v13 =	vadd.f32 v19, v62;
	[tilespmem:s25+$0xFFFFF820] =	vst v63;
	v14 =	vadd.f32 v14, v15  }
.LBB2_3:
0x54: {  	p0 =	sne.s32 s26, $0x3E0  }
0x55: {  	s28 =	sadd.s32 $0x10, s28;
	[tilespmem:s25+$0x7E0] =	vst v14;
	s29 =	smov.u32 s26;
	s26 =	sadd.s32 $0x10, s26  }
0x56: {  	[tilespmem:s25+$0xFFFFFC10] =	vst v13;
	s25 =	smov.u32 s24;
	s24 =	smov.u32 s28  }
0x57: {  	v8 =	vld.idx.msk [tilespmem:v8+s13+$0x0], $0xffff  }
0x58: {  	v11 =	vld.idx.msk [tilespmem:v11+s13+$0x0], $0xffff  }
0x59: {  	v12 =	vld.idx.msk [tilespmem:v12+s13+$0x0], $0xffff  }
0x5a: {  	v13 =	vld.idx.msk [tilespmem:v6+s13+$0x0], $0xffff  }
0x5b: {  	v14 =	vld.idx.msk [tilespmem:v4+s13+$0x0], $0xffff  }
0x5c: {  	v15 =	vld.idx.msk [tilespmem:v7+s13+$0x0], $0xffff  }
0x5d: {  	v4 =	vor.u32 s29, v0;
	v10 =	vld.idx.msk [tilespmem:v10+s13+$0x0], $0xffff  }
0x5e: {  	vm0 =	vlt.s32 v4, $0x3E7;
	v16 =	vld.idx.msk [tilespmem:v2+s13+$0x0], $0xffff  }
0x5f: {  	v2 =	vnsel vm0, $0x3E7, v4;
	v17 =	vld.idx.msk [tilespmem:v1+s13+$0x0], $0xffff  }
0x60: {  	v20 =	vsub.f32 v11, v12;
	v1 =	vshll.u32 v2, $0x4;
	v19 =	vsub.f32 v13, v8;
	v18 =	vld.idx.msk [tilespmem:v3+s13+$0x0], $0xffff  }
0x61: {  	v2 =	vadd.s32 $0x3E80, v1;
	v4 =	vadd.s32 $0x3E81, v1;
	v22 =	vsub.f32 v12, v14;
	v21 =	vld.idx.msk [tilespmem:v5+s13+$0x0], $0xffff  }
0x62: {  	v6 =	vadd.s32 $0x3E82, v1;
	v3 =	vadd.s32 $0x7D00, v1;
	v13 =	vsub.f32 v15, v13;
	v23 =	vld.idx.msk [tilespmem:v9+s13+$0x0], $0xffff  }
0x63: {  	v8 =	vor.u32 $0x2, v1;
	v7 =	vadd.s32 $0x7D02, v1;
	v15 =	vsub.f32 v10, v15  }
0x64: {  	v5 =	vadd.s32 $0xBB80, v1;
	v10 =	vadd.s32 $0xBB82, v1;
	v24 =	vmul.f32 v13, v13  }
0x65: {  	v26 =	vmul.f32 v22, v22;
	v17 =	vsub.f32 v16, v17;
	v25 =	vmul.f32 v15, v22  }
0x66: {  	v12 =	vadd.s32 $0x7D01, v1;
	v11 =	vadd.s32 $0xBB81, v1;
	v16 =	vsub.f32 v18, v16  }
0x67: {  	v28 =	vmul.f32 v19, v19;
	v9 =	vor.u32 $0x1, v1;
	v27 =	vmul.f32 v17, v17  }
0x68: {  	v29 =	vmul.f32 v13, v19;
	v14 =	vsub.f32 v14, v23;
	v23 =	vmul.f32 v20, v13  }
0x69: {  	v30 =	vmul.f32 v20, v22;
	v18 =	vsub.f32 v21, v18;
	v21 =	vmul.f32 v15, v16  }
0x6a: {  	v32 =	vmul.f32 v15, v19;
	v31 =	vmul.f32 v20, v16  }
0x6b: {  	v34 =	vmul.f32 v18, v17;
	v33 =	vmul.f32 v14, v14  }
0x6c: {  	v35 =	vmul.f32 v18, v13;
	v36 =	vmul.f32 v22, v14  }
0x6d: {  	v23 =	vsub.f32 v25, v23;
	v20 =	vmul.f32 v20, v14;
	v25 =	vadd.f32 v33, v27  }
0x6e: {  	v22 =	vmul.f32 v18, v22;
	v18 =	vmul.f32 v18, v16;
	v21 =	vsub.f32 v35, v21  }
0x6f: {  	v27 =	vmul.f32 v16, v17;
	v20 =	vadd.f32 v20, v34;
	v25 =	vadd.f32 v28, v25  }
0x70: {  	v22 =	vsub.f32 v31, v22;
	v16 =	vmul.f32 v16, v16;
	v18 =	vadd.f32 v30, v18  }
0x71: {  	v17 =	vmul.f32 v23, v17;
	v14 =	vmul.f32 v21, v14;
	v20 =	vadd.f32 v32, v20;
	[tilespmem:s25+$0xFFFFF430] =	vst v25  }
0x72: {  	v13 =	vmul.f32 v15, v13;
	v19 =	vmul.f32 v22, v19;
	v21 =	vadd.f32 v36, v27  }
.Ltmp0:
0x73: {  	v15 =	vadd.f32 v26, v16;
	v14 =	vadd.f32 v14, v17;
	[tilespmem:s25+$0x3F0] =	vst v20;
	(pc) =	sbr.rel @p0 .LBB2_3-.Ltmp0, $4  }
0x74: {  	v17 =	vadd.f32 v13, v18;
	v16 =	vadd.f32 v29, v21  }
0x75: {  	v13 =	vadd.f32 v24, v15;
	v14 =	vadd.f32 v14, v19  }
0x76: {  	[tilespmem:s25+$0x0] =	vst v17  }
0x77: {  	[tilespmem:s25+$0xFFFFF820] =	vst v16  }
0x78: {  	_ =	sdelay $0x1  }
0x79: {  	[tilespmem:s25+$0x7E0] =	vst v14  }
0x7a: {  	[tilespmem:s25+$0xFFFFFC10] =	vst v13  }
0x7b: {  	v8 =	vld.idx.msk [tilespmem:v8+s13+$0x0], $0xffff  }
0x7c: {  	v12 =	vld.idx.msk [tilespmem:v12+s13+$0x0], $0xffff  }
0x7d: {  	v6 =	vld.idx.msk [tilespmem:v6+s13+$0x0], $0xffff  }
0x7e: {  	v4 =	vld.idx.msk [tilespmem:v4+s13+$0x0], $0xffff  }
0x7f: {  	v7 =	vld.idx.msk [tilespmem:v7+s13+$0x0], $0xffff  }
0x80: {  	v10 =	vld.idx.msk [tilespmem:v10+s13+$0x0], $0xffff  }
0x81: {  	v2 =	vld.idx.msk [tilespmem:v2+s13+$0x0], $0xffff  }
0x82: {  	v1 =	vld.idx.msk [tilespmem:v1+s13+$0x0], $0xffff  }
0x83: {  	v11 =	vld.idx.msk [tilespmem:v11+s13+$0x0], $0xffff;
	_ =	sdelay $0x1  }
0x84: {  	v3 =	vld.idx.msk [tilespmem:v3+s13+$0x0], $0xffff  }
0x85: {  	v9 =	vld.idx.msk [tilespmem:v9+s13+$0x0], $0xffff;
	v51 =	vsub.f32 v12, v4  }
0x86: {  	v5 =	vld.idx.msk [tilespmem:v5+s13+$0x0], $0xffff;
	v10 =	vsub.f32 v10, v7;
	v8 =	vsub.f32 v6, v8  }
0x87: {  	v1 =	vsub.f32 v2, v1;
	v11 =	vsub.f32 v11, v12  }
0x88: {  	v6 =	vsub.f32 v7, v6;
	v52 =	vmul.f32 v10, v51;
	v53 =	vmul.f32 v51, v51  }
0x89: {  	v2 =	vsub.f32 v3, v2;
	v54 =	vmul.f32 v1, v1;
	v15 =	vmul.f32 v8, v8  }
0x8a: {  	v4 =	vsub.f32 v4, v9;
	v16 =	vmul.f32 v11, v6;
	v55 =	vmul.f32 v6, v8  }
0x8b: {  	v3 =	vsub.f32 v5, v3;
	v17 =	vmul.f32 v10, v2;
	v56 =	vmul.f32 v11, v51  }
0x8c: {  	v18 =	vmul.f32 v11, v2;
	v19 =	vmul.f32 v10, v8  }
0x8d: {  	v20 =	vmul.f32 v4, v4;
	v21 =	vmul.f32 v3, v1  }
0x8e: {  	v22 =	vmul.f32 v3, v6;
	v23 =	vmul.f32 v51, v4  }
0x8f: {  	v11 =	vmul.f32 v11, v4;
	v13 =	vmul.f32 v3, v51  }
0x90: {  	v3 =	vmul.f32 v3, v2;
	v7 =	vsub.f32 v52, v16;
	v14 =	vadd.f32 v20, v54  }
0x91: {  	v58 =	vmul.f32 v2, v1;
	v57 =	vsub.f32 v22, v17;
	v11 =	vadd.f32 v11, v21  }
0x92: {  	v59 =	vmul.f32 v10, v6;
	v13 =	vsub.f32 v18, v13;
	v3 =	vadd.f32 v56, v3  }
0x93: {  	v2 =	vmul.f32 v2, v2;
	v61 =	vadd.f32 v23, v58;
	v14 =	vadd.f32 v15, v14  }
0x94: {  	v1 =	vmul.f32 v7, v1;
	v4 =	vmul.f32 v57, v4;
	v60 =	vadd.f32 v19, v11  }
0x95: {  	v62 =	vmul.f32 v6, v6;
	v2 =	vadd.f32 v53, v2;
	v3 =	vadd.f32 v59, v3;
	[tilespmem:s24+$0xFFFFF430] =	vst v14  }
0x96: {  	v8 =	vmul.f32 v13, v8;
	v63 =	vadd.f32 v55, v61;
	v1 =	vadd.f32 v4, v1;
	[tilespmem:s24+$0x3F0] =	vst v60  }
0x97: {  	s30 =	sadd.s32 s7, s23;
	v2 =	vadd.f32 v62, v2;
	[tilespmem:s24+$0x0] =	vst v3  }
0x98: {  	s23 =	sadd.s32 $0x1, s23;
	s25 =	smul.u32 $0x3F0, s30;
	[tilespmem:s24+$0xFFFFF820] =	vst v63;
	v1 =	vadd.f32 v1, v8  }
0x99: {  	p0 =	sne.s32 s23, $0x19;
	[tilespmem:s24+$0xFFFFFC10] =	vst v2  }
.Ltmp1:
0x9a: {  	s31 =	sadd.s32 s6, s25;
	[tilespmem:s24+$0x7E0] =	vst v1;
	(pc) =	sbr.rel @p0 .LBB2_2-.Ltmp1, $4  }
0x9b: {  	[hbm4b:s31+s2] =	stream.linear.scatter [tilespmem:s21], [sflag:$0x5], $0x1F80, $0x38;
	[tilespmem:$0x12920] =	vst v63  }
0x9c: {  	_ =	swait.ge [sflag:s9], $0x1F80  }
0x9d: {  	[sflag:s9] =	ssyncset.done $0x0  }
0x9e: {  	[sflag:s9] =	ssyncadd.s32 $0xFFFFE080  }
0x9f: {  	s22 =	sadd.s32 $0x1, s22  }
0xa0: {  	p0 =	sne.s32 s22, s8  }
.Ltmp2:
0xa1: {  	_ = 	snop;
	(pc) =	sbr.rel @p0 .LBB2_1-.Ltmp2, $1  }
0xa2: {  	_ =	sdelay $0x3  }
0xa3: {  	_ =	sfence.sel $0x180000  }
0xa4: {  	[bflag:$0x0] =	sbarrier.arrive $0xFFFF  }
0xa5: {  	p0 =	sne.s32 s1, $0x0;
	_ =	strace $0x9000004A  }
0xa6: {  	s0 =	sadd.s32 @!p0 $0x100000, s0;
	[bflag:$0x2] =	sbarrier.arrive $0xFFFF  }
0xa7: {  	[sflag:s0] =	ssyncadd.tile.s32 @!p0 $0x1;
	_ =	shalt  }
.Lfunc_end2:
_tile_overlayer_lowered:
.L_overlay_start_2:
0xa8: {  	(tag) =	ssettag $0x2  }
0xa9: {  	s0 =	rddreg [dreg:$0x0];
	s2 =	stileid.u32  }
0xaa: {  	s1 =	rddreg [dreg:$0x1];
	p0 =	sne.s32 s2, $0x0  }
0xab: {  	s3 =	rddreg [dreg:$0x2];
	[bflag:$0x3] =	sbarrier.arrive $0xFFFF;
	s2 =	simm.s32 @!p0 $0x1C05  }
0xac: {  	[timem:s3], [sflag:s2] =	dma.local @!p0 [hbm:s0], s1  }
0xad: {  	s0 =	simm.s32 @!p0 $0x5  }
0xae: {  	_ =	swait.ge @!p0 [sflag:s0], s1  }
0xaf: {  	s1 =	ssub.s32 @!p0 $0x0, s1;
	[sflag:s0] =	ssyncset.done @!p0 $0x0  }
0xb0: {  	[sflag:s0] =	ssyncadd.s32 @!p0 s1  }
0xb1: {  	[bflag:$0x3] =	sbarrier.arrive $0xFFFF  }
0xb2: {  	_ =	shalt  }

// kernel: kernel.22.cloned.1.call-start
scs
__scs_entry_jumppad:
0x0: {  	(pc) =	sbr.rel $0x88, $3  }
0x1: {  	(tag) =	ssettag $0x0;
	lr =	simm.s32 $0x1  }
0x2: {  	[smem:$0x3F8B] =	sst lr;
	_ =	strace $0xD0000000  }
0x3: {  	_ = 	snop  }
0x4: {  	_ = 	snop  }
0x5: {  	_ = 	snop  }
0x6: {  	_ = 	snop  }
0x7: {  	_ = 	snop  }
__scs_overlays_trampoline_lowered:
0x8: {  	[smem:$0x3F9A] =	sst s0  }
0x9: {  	[smem:$0x3F9B] =	sst s1  }
0xa: {  	[smem:$0x3F9C] =	sst s2  }
0xb: {  	[smem:$0x3F9D] =	sst s3  }
0xc: {  	[smem:$0x3F9E] =	sst s4  }
0xd: {  	[smem:$0x3F9F] =	sst s5  }
0xe: {  	[smem:$0x3FA0] =	sst s6  }
0xf: {  	[smem:$0x3FA1] =	sst s7  }
0x10: {  	[smem:$0x3FA2] =	sst s8  }
0x11: {  	[smem:$0x3FA3] =	sst s9;
	s0 =	simm.s32 @!p0 $0x0  }
0x12: {  	s1 =	sld [smem:$0x3F89];
	s0 =	simm.s32 @p0 $0x1  }
0x13: {  	[smem:$0x3FA4] =	sst s0;
	s0 =	simm.s32 @!p1 $0x0  }
0x14: {  	s2 =	sld [smem:$0x3F88];
	s0 =	simm.s32 @p1 $0x1  }
0x15: {  	[smem:$0x3FA5] =	sst s0;
	s0 =	simm.s32 @!p2 $0x0  }
0x16: {  	s3 =	sld [smem:$0x3FDB];
	s0 =	simm.s32 @p2 $0x1  }
0x17: {  	s4 =	simm.s32 $0x1BF5;
	[smem:$0x3FA7] =	sst s0  }
0x18: {  	s0 =	sld [smem:$0x3F8A];
	_ =	swait.ge [sflag:s4], $0x0  }
0x19: {  	s7 =	sld [smem:$0x3F8B]  }
0x1a: {  	s8 =	sadd.s32 $0xFFFFE003, lr  }
0x1b: {  	s9 =	sadd.s32 $0xFFFFFEF7, lr;
	s5 =	simm.s32 $0xFFFFFFFF;
	p2 =	slt.u32 s8, $0xFFFFF086  }
0x1c: {  	p1 =	slt.u32 s9, $0xF7A;
	s5 =	simm.s32 @!p2 $0x0  }
0x1d: {  	s5 =	simm.s32 @p1 $0x1;
	p0 =	seq.s32 s7, s2  }
0x1e: {  	s7 =	smul.u32 @!p0 $0xF7A, s2;
	p2 =	seq.s32 @!p0 s5, $0x0  }
0x1f: {  	s9 =	smul.u32 $0xF7A, s1;
	s8 =	simm.s32 @!p0 $0x1BF5;
	p2 =	por !p2, p0  }
0x20: {  	[sflag:s8] =	ssyncset.s32 @!p0 $0xFFFFF086;
	s6 =	sadd.s32 @!p0 s3, s7;
	s7 =	simm.s32 @!p0 $0x108  }
0x21: {  	s3 =	sadd.s32 s3, s9;
	s6 =	sadd.s32 @!p0 $0x88, s6;
	s7 =	simm.s32 @p2 $0x1082  }
0x22: {  	[simem:s7], [sflag:s8] =	dma.local @!p0 [hbm:s6], $0xF7A  }
0x23: {  	s9 =	sor.u32 $0xD0000000, s2;
	s6 =	simm.s32 $0x108;
	_ =	swait.ge @!p0 [sflag:s8], $0x0  }
0x24: {  	s3 =	sadd.s32 $0x88, s3;
	s6 =	simm.s32 @!p1 $0x1082;
	[sflag:s4] =	ssyncset.s32 $0xFFFFF086  }
0x25: {  	[simem:s6], [sflag:s4] =	dma.local [hbm:s3], $0xF7A  }
0x26: {  	[smem:$0x3F8B] =	sst s1;
	(tag) =	ssettag s2;
	_ =	strace s9  }
0x27: {  	s1 =	sld [smem:$0x3F9B]  }
0x28: {  	s2 =	sld [smem:$0x3F9C]  }
0x29: {  	s4 =	sld [smem:$0x3F9E]  }
0x2a: {  	p0 =	seq.s32 s5, $0x0;
	s5 =	sld [smem:$0x3F9F]  }
0x2b: {  	s6 =	sld [smem:$0x3FA0]  }
0x2c: {  	s7 =	sld [smem:$0x3FA1]  }
0x2d: {  	s3 =	simm.s32 $0x108;
	s8 =	sld [smem:$0x3FA2]  }
0x2e: {  	s3 =	simm.s32 @!p0 $0x1082;
	s9 =	sld [smem:$0x3FA3]  }
0x2f: {  	lr =	sadd.s32 s0, s3;
	s0 =	sld [smem:$0x3F9A]  }
0x30: {  	s3 =	sld [smem:$0x3F9D]  }
0x31: {  	[smem:$0x3FA6] =	sst s10  }
0x32: {  	s10 =	sld [smem:$0x3FA4];
	_ =	sdelay $0x3  }
0x33: {  	p0 =	seq.s32 s10, $0x1;
	s10 =	sld [smem:$0x3FA6];
	_ =	sdelay $0x3  }
0x34: {  	[smem:$0x3FA6] =	sst s10  }
0x35: {  	s10 =	sld [smem:$0x3FA5];
	_ =	sdelay $0x3  }
0x36: {  	p1 =	seq.s32 s10, $0x1;
	s10 =	sld [smem:$0x3FA6];
	_ =	sdelay $0x3  }
0x37: {  	[smem:$0x3FA6] =	sst s10  }
0x38: {  	s10 =	sld [smem:$0x3FA7]  }
0x39: {  	_ = 	snop;
	(pc) =	sbr.ind lr, $3  }
0x3a: {  	_ = 	snop  }
0x3b: {  	_ = 	snop  }
0x3c: {  	p2 =	seq.s32 s10, $0x1;
	s10 =	sld [smem:$0x3FA6]  }
0x3d: {  	_ =	shalt  }
0x3e: {  	_ =	shalt  }
0x3f: {  	_ =	shalt  }
0x40: {  	_ =	shalt  }
0x41: {  	_ =	shalt  }
0x42: {  	_ =	shalt  }
0x43: {  	_ =	shalt  }
0x44: {  	_ =	shalt  }
0x45: {  	_ =	shalt  }
0x46: {  	_ =	shalt  }
0x47: {  	_ =	shalt  }
0x48: {  	_ =	shalt  }
0x49: {  	_ =	shalt  }
0x4a: {  	_ =	shalt  }
0x4b: {  	_ =	shalt  }
0x4c: {  	_ =	shalt  }
0x4d: {  	_ =	shalt  }
0x4e: {  	_ =	shalt  }
0x4f: {  	_ =	shalt  }
0x50: {  	_ =	shalt  }
0x51: {  	_ =	shalt  }
0x52: {  	_ =	shalt  }
0x53: {  	_ =	shalt  }
0x54: {  	_ =	shalt  }
0x55: {  	_ =	shalt  }
0x56: {  	_ =	shalt  }
0x57: {  	_ =	shalt  }
0x58: {  	_ =	shalt  }
0x59: {  	_ =	shalt  }
0x5a: {  	_ =	shalt  }
0x5b: {  	_ =	shalt  }
0x5c: {  	_ =	shalt  }
0x5d: {  	_ =	shalt  }
0x5e: {  	_ =	shalt  }
0x5f: {  	_ =	shalt  }
0x60: {  	_ =	shalt  }
0x61: {  	_ =	shalt  }
0x62: {  	_ =	shalt  }
0x63: {  	_ =	shalt  }
0x64: {  	_ =	shalt  }
0x65: {  	_ =	shalt  }
0x66: {  	_ =	shalt  }
0x67: {  	_ =	shalt  }
0x68: {  	_ =	shalt  }
0x69: {  	_ =	shalt  }
0x6a: {  	_ =	shalt  }
0x6b: {  	_ =	shalt  }
0x6c: {  	_ =	shalt  }
0x6d: {  	_ =	shalt  }
0x6e: {  	_ =	shalt  }
0x6f: {  	_ =	shalt  }
0x70: {  	_ =	shalt  }
0x71: {  	_ =	shalt  }
0x72: {  	_ =	shalt  }
0x73: {  	_ =	shalt  }
0x74: {  	_ =	shalt  }
0x75: {  	_ =	shalt  }
0x76: {  	_ =	shalt  }
0x77: {  	_ =	shalt  }
0x78: {  	_ =	shalt  }
0x79: {  	_ =	shalt  }
0x7a: {  	_ =	shalt  }
0x7b: {  	_ =	shalt  }
0x7c: {  	_ =	shalt  }
0x7d: {  	_ =	shalt  }
0x7e: {  	_ =	shalt  }
0x7f: {  	_ =	shalt  }
0x80: {  	_ =	shalt  }
0x81: {  	_ =	shalt  }
0x82: {  	_ =	shalt  }
0x83: {  	_ =	shalt  }
0x84: {  	_ =	shalt  }
0x85: {  	_ =	shalt  }
0x86: {  	_ =	shalt  }
0x87: {  	_ =	shalt  }
.Lfunc_end0:
.L_simem_size_0:
called_computation.1_lowered:
.L_overlay_start_0:
0x88: {  	s2 =	sld [smem:$0x3FD9]  }
0x89: {  	s3 =	sld [smem:$0x3FFE];
	_ =	sdelay $0x1  }
0x8a: {  	s1 =	srdreg.scid  }
0x8b: {  	s0 =	sand.u32 $0x1, s1  }
0x8c: {  	s16 =	sshll.u32 s0, $0xA;
	s2 =	sadd.s32 s3, s2  }
0x8d: {  	s2 =	sadd.s32 s2, s16  }
0x8e: {  	[smem:$0x3FB2] =	sst s2  }
0x8f: {  	_ = 	snop  }
0x90: {  	(tm) =	ssettm $0x1  }
0x91: {  	s17 =	sld [smem:$0x3FFB];
	_ =	sdelay $0x3  }
0x92: {  	_ =	strace s17  }
0x93: {  	s2 =	sld [smem:$0x3FFC];
	_ =	sdelay $0x3  }
0x94: {  	_ =	strace s2  }
0x95: {  	s2 =	sld [smem:$0x3FFD];
	_ =	sdelay $0x3  }
0x96: {  	_ =	strace s2  }
0x97: {  	_ =	strace $0x8FFFFFFF  }
0x98: {  	s18 =	sld [smem:$0x3FDB];
	_ =	sdelay $0x1  }
0x99: {  	s19 =	simm.s32 $_scs_section_size  }
0x9a: {  	s4 =	simm.s32 $_size__tile_overlayer_lowered;
	s5 =	simm.s32 $_tile_overlayer_lowered  }
0x9b: {  	s22 =	simm.s32 $0x1BFF;
	s21 =	sshll.u32 s5, $0x1;
	s2 =	sadd.s32 s19, s18  }
0x9c: {  	s6 =	simm.s32 $0x0;
	s20 =	sshll.u32 s4, $0x1;
	s4 =	sadd.s32 s21, s2  }
0x9d: {  	[timem:s6], [sflag:s22] =	dma.local [hbm:s4], s20  }
0x9e: {  	_ =	swait.ge [sflag:s22], s20  }
0x9f: {  	s3 =	ssub.s32 $0x0, s20;
	[sflag:s22] =	ssyncset.done $0x0  }
0xa0: {  	[sflag:s22] =	ssyncadd.s32 s3;
	_ =	sdelay $0x1  }
0xa1: {  	s23 =	simm.s32 $0x1B8B  }
0xa2: {  	_ =	swait.ge [sflag:s23], $0x1  }
0xa3: {  	[sflag:s23] =	ssyncset.done $0x0  }
0xa4: {  	s25 =	simm.s32 $0x1B8E;
	s24 =	sld [smem:$0x3FFE];
	[sflag:s23] =	ssyncadd.s32 $0xFFFFFFFF  }
0xa5: {  	s26 =	simm.s32 $execute0_lowered;
	[smem:$0x3FD2] =	sst s25  }
0xa6: {  	s4 =	sshll.u32 s26, $0x1;
	_ =	strace $0x80000046;
	[dreg:$0x1] =	wrdreg $0xFFFFFFFF  }
0xa7: {  	s28 =	simm.s32 $_size_execute0_lowered;
	s2 =	sadd.s32 s2, s4;
	[dreg:$0x0] =	wrdreg $0x0  }
0xa8: {  	s4 =	sshll.u32 s28, $0x1;
	[dreg:$0x2] =	wrdreg s2  }
0xa9: {  	[dreg:$0x3] =	wrdreg s4  }
0xaa: {  	[dreg:$0x4] =	wrdreg $0xC0  }
0xab: {  	_ =	task [dreg:s6], $0x5FFFF  }
0xac: {  	[dreg:$0x1] =	wrdreg $0xFFFFFFFF  }
0xad: {  	[dreg:$0x0] =	wrdreg $0x60  }
0xae: {  	[dreg:$0x2] =	wrdreg s24  }
0xaf: {  	[dreg:$0x3] =	wrdreg $0xA  }
0xb0: {  	_ =	task.clear_ibuf [dreg:s6], $0x4FFFF;
	_ =	strace $0x90000046  }
0xb1: {  	s29 =	simm.s32 $0xA;
	_ =	strace $0x80000048  }
0xb2: {  	_ =	swait.ge [sflag:s29], $0x1  }
0xb3: {  	[sflag:s29] =	ssyncadd.s32 $0xFFFFFFFF  }
0xb4: {  	_ =	strace $0x90000048  }
0xb5: {  	_ =	sfence  }
0xb6: {  	s30 =	sld [smem:$0x0];
	_ =	sdelay $0x2  }
0xb7: {  	s31 =	sshll.u32 s1, $0xD;
	s1 =	sshrl.u32 s1, $0x2  }
0xb8: {  	s3 =	sand.u32 $0x4000, s31;
	s1 =	sadd.s32 s1, s30  }
0xb9: {  	s0 =	sor.u32 s3, s0;
	s1 =	sshll.u32 s1, $0x11  }
0xba: {  	s0 =	sor.u32 s1, s0  }
0xbb: {  	s0 =	sadd.s32 $0x8F2B, s0  }
0xbc: {  	[sflag:s0] =	ssyncadd.remote.s32 $0x1  }
0xbd: {  	_ =	sfence.sel $0xFFFF  }
0xbe: {  	[dreg:$0x0] =	wrdreg $0xFFFFFFFF;
	(pc) =	sbr.abs _section_cstart, $3  }
0xbf: {  	[dreg:$0x1] =	wrdreg $0xFFFFFFFF  }
0xc0: {  	_ =	task.clear_ibuf [dreg:s6], $0x2FFFF;
	_ =	strace $0x9FFFFFFF  }
0xc1: {  	(tm) =	ssettm $0x7FFFFFFF  }
tec
execute0_lowered:
.L_overlay_start_1:
0x0: {  	(tag) =	ssettag $0x1  }
0x1: {  	s4 =	rddreg [dreg:$0x0]  }
0x2: {  	s0 =	rddreg [dreg:$0x1]  }
0x3: {  	s2 =	simm.s32 $0x0;
	s3 =	srdreg.scid;
	s1 =	stileid.u32  }
0x4: {  	s15 =	simm.s32 $0x3390;
	s16 =	simm.s32 $0x3;
	s17 =	simm.s32 $0x0  }
0x5: {  	[smem:$0x7FF] =	sst s2;
	s8 =	sand.u32 $0x1, s3;
	s12 =	smul.u32 $0xC350, s1  }
0x6: {  	s5 =	sshll.u32 s1, $0x1;
	s3 =	sadd.s32 $0x36E00, s4;
	s14 =	smul.u32 $0x61A80, s1  }
0x7: {  	s10 =	sadd.s32 $0x5E00, s4;
	s9 =	sadd.s32 $0x1BDA00, s4;
	s13 =	smul.u32 $0x61A8, s8  }
0x8: {  	s5 =	sor.u32 s8, s5;
	s6 =	ssub.s32 $0x2, s8;
	s30 =	smul.u32 $0x30D40, s8  }
0x9: {  	_ =	strace $0x80000047;
	s7 =	smul.u32 $0x61A8, s5;
	s25 =	sshrl.u32 s6, $0x1  }
0xa: {  	s11 =	smul.u32 $0x30D40, s5;
	s6 =	ssub.s32 s6, s25;
	s12 =	sadd.s32 s13, s12  }
0xb: {  	s13 =	simm.s32 $0x5;
	s26 =	sadd.s32 $0xC8, s7;
	s28 =	sshrl.u32 s7, $0x3  }
0xc: {  	s6 =	smax.u32 s6, $0x1;
	s11 =	sadd.s32 s9, s11;
	s12 =	sadd.s32 $0x190, s12  }
0xd: {  	s9 =	sadd.s32 s14, s9;
	s14 =	simm.s32 $0x4;
	s29 =	sshrl.u32 s26, $0x3  }
0xe: {  	s4 =	sadd.s32 s10, s28;
	s7 =	sadd.s32 $0x30700, s11;
	s8 =	sadd.s32 $0x300C0, s11  }
0xf: {  	s31 =	sshrl.u32 s12, $0x3;
	s9 =	sadd.s32 s30, s9;
	s11 =	simm.s32 $0xC8  }
0x10: {  	s12 =	simm.s32 $0x190;
	s5 =	sadd.s32 s10, s29;
	s10 =	sadd.s32 s31, s10  }
.LBB2_1:
0x11: {  	[tilespmem:s2], [sflag:$0x1] =	stream.linear.gather [hbm4b:s4+s2], $0xC8, $0x38;
	[tilespmem:$0x6590] =	vst v63  }
0x12: {  	s18 =	simm.s32 $0x1  }
0x13: {  	_ =	swait.ge [sflag:s18], $0xC8  }
0x14: {  	s19 =	simm.s32 $0x0;
	[sflag:s18] =	ssyncset.done $0x0  }
0x15: {  	s19 =	sand.u32 $0x1, s19;
	[sflag:s18] =	ssyncadd.s32 $0xFFFFFF38  }
0x16: {  	[tilespmem:s12], [sflag:$0x3] =	stream.indirect.gather [hbm4b:s3+s11], $0x40, s2, s11, $0xb8;
	[tilespmem:$0x6590] =	vst v63  }
0x17: {  	s20 =	sadd.s32 $0x3, s19  }
0x18: {  	[tilespmem:s11], [sflag:$0x2] =	stream.linear.gather [hbm4b:s5+s2], $0xC8, $0x38;
	[tilespmem:$0x6590] =	vst v63  }
0x19: {  	s21 =	smul.u32 $0x320, s19;
	_ =	swait.ge [sflag:s20], $0x3200  }
0x1a: {  	s22 =	smul.u32 $0xC800, s19;
	s18 =	sand.u32 $0x1, s18;
	[sflag:s20] =	ssyncset.done $0x0  }
0x1b: {  	s28 =	sadd.s32 $0x1, s18;
	s23 =	smul.u32 $0xC800, s18;
	[sflag:s20] =	ssyncadd.s32 $0xFFFFCE00  }
0x1c: {  	s24 =	smul.u32 $0x320, s18;
	_ =	swait.ge [sflag:s28], $0xC8  }
0x1d: {  	s18 =	sadd.s32 $0x3, s18;
	s23 =	sshrl.u32 s23, $0x2;
	[sflag:s28] =	ssyncset.done $0x0  }
0x1e: {  	s24 =	sshrl.u32 s24, $0x2;
	s29 =	sor.u32 $0x190, s23;
	[sflag:s28] =	ssyncadd.s32 $0xFFFFFF38  }
0x1f: {  	[tilespmem:s29], [sflag:s18] =	stream.indirect.gather [hbm4b:s3+s11], $0x40, s24, s11, $0xb8;
	[tilespmem:$0x6590] =	vst v63  }
0x20: {  	s19 =	sadd.s32 $0x1, s19;
	s30 =	sshrl.u32 s22, $0x2;
	s31 =	sshrl.u32 s21, $0x2  }
0x21: {  	[tilespmem:s31], [sflag:s19] =	stream.linear.gather [hbm4b:s10+s2], $0xC8, $0x38;
	[tilespmem:$0x6590] =	vst v63  }
0x22: {  	s21 =	simm.s32 $0x3;
	s18 =	sor.u32 $0x190, s30  }
0x23: {  	[hbm4b:s9+s2] =	stream.linear.scatter [tilespmem:s18], [sflag:$0x5], $0x3200, $0x38;
	[tilespmem:$0x6590] =	vst v63  }
0x24: {  	s22 =	simm.s32 $0x1;
	s20 =	simm.s32 $0x2;
	_ =	swait.ge [sflag:s13], $0x3200  }
0x25: {  	s19 =	sadd.s32 $0x640, s9;
	s18 =	sadd.s32 $0x19, s10;
	[sflag:s13] =	ssyncset.done $0x0  }
.LBB2_2:
0x26: {  	s22 =	sand.u32 $0x1, s22  }
0x27: {  	[sflag:s13] =	ssyncadd.s32 $0xFFFFCE00;
	s23 =	smov.u32 s21;
	s24 =	sadd.s32 $0x1, s21  }
0x28: {  	p0 =	sne.s32 s21, $0x7B;
	s21 =	sadd.s32 $0x3, s22;
	s25 =	smul.u32 $0x320, s22  }
0x29: {  	s26 =	smul.u32 $0xC800, s22;
	_ =	swait.ge [sflag:s21], $0x3200  }
0x2a: {  	s28 =	sand.u32 $0x1, s20;
	s20 =	smov.u32 s23;
	[sflag:s21] =	ssyncset.done $0x0  }
0x2b: {  	s23 =	smul.u32 $0xC800, s28;
	[sflag:s21] =	ssyncadd.s32 $0xFFFFCE00;
	s21 =	sadd.s32 $0x1, s28  }
0x2c: {  	s29 =	smul.u32 $0x320, s28;
	_ =	swait.ge [sflag:s21], $0xC8  }
0x2d: {  	s23 =	sshrl.u32 s23, $0x2;
	s28 =	sadd.s32 $0x3, s28;
	[sflag:s21] =	ssyncset.done $0x0  }
0x2e: {  	s29 =	sshrl.u32 s29, $0x2;
	[sflag:s21] =	ssyncadd.s32 $0xFFFFFF38;
	s21 =	sor.u32 $0x190, s23  }
0x2f: {  	[tilespmem:s21], [sflag:s28] =	stream.indirect.gather [hbm4b:s3+s11], $0x40, s29, s11, $0xb8;
	[tilespmem:$0x6590] =	vst v63  }
0x30: {  	s22 =	sadd.s32 $0x1, s22;
	s23 =	sshrl.u32 s25, $0x2;
	s21 =	sshrl.u32 s26, $0x2  }
0x31: {  	[tilespmem:s23], [sflag:s22] =	stream.linear.gather [hbm4b:s18+s2], $0xC8, $0x38;
	[tilespmem:$0x6590] =	vst v63  }
.Ltmp0:
0x32: {  	_ = 	snop;
	(pc) =	sbr.rel @p0 .LBB2_2-.Ltmp0, $4  }
0x33: {  	s21 =	sor.u32 $0x190, s21  }
0x34: {  	[hbm4b:s19+s2] =	stream.linear.scatter [tilespmem:s21], [sflag:$0x5], $0x3200, $0x38;
	[tilespmem:$0x6590] =	vst v63  }
0x35: {  	s18 =	sadd.s32 $0x19, s18;
	s22 =	sadd.s32 $0xFFFFFFFF, s20;
	_ =	swait.ge [sflag:s13], $0x3200  }
0x36: {  	s19 =	sadd.s32 $0x640, s19;
	s21 =	smov.u32 s24;
	[sflag:s13] =	ssyncset.done $0x0  }
0x37: {  	s21 =	sand.u32 $0x1, s22  }
0x38: {  	[sflag:s13] =	ssyncadd.s32 $0xFFFFCE00;
	s22 =	sadd.s32 $0x3, s21  }
0x39: {  	s23 =	smul.u32 $0x320, s21;
	_ =	swait.ge [sflag:s22], $0x3200  }
0x3a: {  	s20 =	sand.u32 $0x1, s20;
	s24 =	smul.u32 $0xC800, s21;
	[sflag:s22] =	ssyncset.done $0x0  }
0x3b: {  	s25 =	sadd.s32 $0x1, s20;
	s26 =	smul.u32 $0xC800, s20;
	[sflag:s22] =	ssyncadd.s32 $0xFFFFCE00  }
0x3c: {  	s28 =	smul.u32 $0x320, s20;
	_ =	swait.ge [sflag:s25], $0xC8  }
0x3d: {  	s20 =	sadd.s32 $0x3, s20;
	s26 =	sshrl.u32 s26, $0x2;
	[sflag:s25] =	ssyncset.done $0x0  }
0x3e: {  	s28 =	sshrl.u32 s28, $0x2;
	s29 =	sor.u32 $0x190, s26;
	[sflag:s25] =	ssyncadd.s32 $0xFFFFFF38  }
0x3f: {  	[tilespmem:s29], [sflag:s20] =	stream.indirect.gather [hbm4b:s3+s11], $0x40, s28, s11, $0xb8;
	[tilespmem:$0x6590] =	vst v63  }
0x40: {  	s21 =	sadd.s32 $0x1, s21;
	s30 =	sshrl.u32 s24, $0x2;
	s23 =	sshrl.u32 s23, $0x2  }
0x41: {  	[tilespmem:s23], [sflag:s21] =	stream.linear.gather [hbm4b:s18+s2], $0xC8, $0x38;
	[tilespmem:$0x6590] =	vst v63  }
0x42: {  	s31 =	sor.u32 $0x190, s30  }
0x43: {  	[hbm4b:s19+s2] =	stream.linear.scatter [tilespmem:s31], [sflag:$0x5], $0x3200, $0x38;
	[tilespmem:$0x6590] =	vst v63  }
0x44: {  	_ =	swait.ge [sflag:s13], $0x3200  }
0x45: {  	[sflag:s13] =	ssyncset.done $0x0  }
0x46: {  	[sflag:s13] =	ssyncadd.s32 $0xFFFFCE00  }
0x47: {  	_ =	swait.ge [sflag:s14], $0x3200  }
0x48: {  	[sflag:s14] =	ssyncset.done $0x0  }
0x49: {  	[sflag:s14] =	ssyncadd.s32 $0xFFFFCE00  }
0x4a: {  	_ =	swait.ge [sflag:s21], $0xC8  }
0x4b: {  	[sflag:s21] =	ssyncset.done $0x0  }
0x4c: {  	[sflag:s21] =	ssyncadd.s32 $0xFFFFFF38  }
0x4d: {  	[tilespmem:s31], [sflag:s22] =	stream.indirect.gather [hbm4b:s3+s11], $0x40, s23, s11, $0xb8;
	[tilespmem:$0x6590] =	vst v63  }
0x4e: {  	_ = 	snop  }
0x4f: {  	[hbm4b:s8+s2] =	stream.linear.scatter [tilespmem:s15], [sflag:$0x5], $0x3200, $0x38;
	[tilespmem:$0x6590] =	vst v63  }
0x50: {  	_ =	swait.ge [sflag:s13], $0x3200  }
0x51: {  	[sflag:s13] =	ssyncset.done $0x0  }
0x52: {  	[sflag:s13] =	ssyncadd.s32 $0xFFFFCE00  }
0x53: {  	s17 =	sadd.s32 $0x1, s17;
	_ =	swait.ge [sflag:s16], $0x3200  }
0x54: {  	p0 =	sne.s32 s17, s6;
	[sflag:s16] =	ssyncset.done $0x0  }
.Ltmp1:
0x55: {  	[sflag:s16] =	ssyncadd.s32 $0xFFFFCE00;
	(pc) =	sbr.rel @p0 .LBB2_1-.Ltmp1, $4  }
0x56: {  	[hbm4b:s7+s2] =	stream.linear.scatter [tilespmem:s12], [sflag:$0x5], $0x3200, $0x38;
	[tilespmem:$0x6590] =	vst v63  }
0x57: {  	_ =	swait.ge [sflag:s13], $0x3200  }
0x58: {  	[sflag:s13] =	ssyncset.done $0x0  }
0x59: {  	[sflag:s13] =	ssyncadd.s32 $0xFFFFCE00  }
0x5a: {  	_ =	sfence.sel $0x180000  }
0x5b: {  	[bflag:$0x0] =	sbarrier.arrive $0xFFFF  }
0x5c: {  	p0 =	sne.s32 s1, $0x0;
	_ =	strace $0x90000047  }
0x5d: {  	s0 =	sadd.s32 @!p0 $0x100000, s0;
	[bflag:$0x2] =	sbarrier.arrive $0xFFFF  }
0x5e: {  	[sflag:s0] =	ssyncadd.tile.s32 @!p0 $0x1;
	_ =	shalt  }
.Lfunc_end2:
_tile_overlayer_lowered:
.L_overlay_start_2:
0x5f: {  	(tag) =	ssettag $0x2  }
0x60: {  	s0 =	rddreg [dreg:$0x0];
	s2 =	stileid.u32  }
0x61: {  	s1 =	rddreg [dreg:$0x1];
	p0 =	sne.s32 s2, $0x0  }
0x62: {  	s3 =	rddreg [dreg:$0x2];
	[bflag:$0x3] =	sbarrier.arrive $0xFFFF;
	s2 =	simm.s32 @!p0 $0x1C05  }
0x63: {  	[timem:s3], [sflag:s2] =	dma.local @!p0 [hbm:s0], s1  }
0x64: {  	s0 =	simm.s32 @!p0 $0x5  }
0x65: {  	_ =	swait.ge @!p0 [sflag:s0], s1  }
0x66: {  	s1 =	ssub.s32 @!p0 $0x0, s1;
	[sflag:s0] =	ssyncset.done @!p0 $0x0  }
0x67: {  	[sflag:s0] =	ssyncadd.s32 @!p0 s1  }
0x68: {  	[bflag:$0x3] =	sbarrier.arrive $0xFFFF  }
0x69: {  	_ =	shalt  }

// kernel: kernel.25.cloned.1.call-start
scs
__scs_entry_jumppad:
0x0: {  	(pc) =	sbr.rel $0x88, $3  }
0x1: {  	(tag) =	ssettag $0x0;
	lr =	simm.s32 $0x1  }
0x2: {  	[smem:$0x3F8B] =	sst lr;
	_ =	strace $0xD0000000  }
0x3: {  	_ = 	snop  }
0x4: {  	_ = 	snop  }
0x5: {  	_ = 	snop  }
0x6: {  	_ = 	snop  }
0x7: {  	_ = 	snop  }
__scs_overlays_trampoline_lowered:
0x8: {  	[smem:$0x3F9A] =	sst s0  }
0x9: {  	[smem:$0x3F9B] =	sst s1  }
0xa: {  	[smem:$0x3F9C] =	sst s2  }
0xb: {  	[smem:$0x3F9D] =	sst s3  }
0xc: {  	[smem:$0x3F9E] =	sst s4  }
0xd: {  	[smem:$0x3F9F] =	sst s5  }
0xe: {  	[smem:$0x3FA0] =	sst s6  }
0xf: {  	[smem:$0x3FA1] =	sst s7  }
0x10: {  	[smem:$0x3FA2] =	sst s8  }
0x11: {  	[smem:$0x3FA3] =	sst s9;
	s0 =	simm.s32 @!p0 $0x0  }
0x12: {  	s1 =	sld [smem:$0x3F89];
	s0 =	simm.s32 @p0 $0x1  }
0x13: {  	[smem:$0x3FA4] =	sst s0;
	s0 =	simm.s32 @!p1 $0x0  }
0x14: {  	s2 =	sld [smem:$0x3F88];
	s0 =	simm.s32 @p1 $0x1  }
0x15: {  	[smem:$0x3FA5] =	sst s0;
	s0 =	simm.s32 @!p2 $0x0  }
0x16: {  	s3 =	sld [smem:$0x3FDB];
	s0 =	simm.s32 @p2 $0x1  }
0x17: {  	s4 =	simm.s32 $0x1BF5;
	[smem:$0x3FA7] =	sst s0  }
0x18: {  	s0 =	sld [smem:$0x3F8A];
	_ =	swait.ge [sflag:s4], $0x0  }
0x19: {  	s7 =	sld [smem:$0x3F8B]  }
0x1a: {  	s8 =	sadd.s32 $0xFFFFE003, lr  }
0x1b: {  	s9 =	sadd.s32 $0xFFFFFEF7, lr;
	s5 =	simm.s32 $0xFFFFFFFF;
	p2 =	slt.u32 s8, $0xFFFFF086  }
0x1c: {  	p1 =	slt.u32 s9, $0xF7A;
	s5 =	simm.s32 @!p2 $0x0  }
0x1d: {  	s5 =	simm.s32 @p1 $0x1;
	p0 =	seq.s32 s7, s2  }
0x1e: {  	s7 =	smul.u32 @!p0 $0xF7A, s2;
	p2 =	seq.s32 @!p0 s5, $0x0  }
0x1f: {  	s9 =	smul.u32 $0xF7A, s1;
	s8 =	simm.s32 @!p0 $0x1BF5;
	p2 =	por !p2, p0  }
0x20: {  	[sflag:s8] =	ssyncset.s32 @!p0 $0xFFFFF086;
	s6 =	sadd.s32 @!p0 s3, s7;
	s7 =	simm.s32 @!p0 $0x108  }
0x21: {  	s3 =	sadd.s32 s3, s9;
	s6 =	sadd.s32 @!p0 $0x88, s6;
	s7 =	simm.s32 @p2 $0x1082  }
0x22: {  	[simem:s7], [sflag:s8] =	dma.local @!p0 [hbm:s6], $0xF7A  }
0x23: {  	s9 =	sor.u32 $0xD0000000, s2;
	s6 =	simm.s32 $0x108;
	_ =	swait.ge @!p0 [sflag:s8], $0x0  }
0x24: {  	s3 =	sadd.s32 $0x88, s3;
	s6 =	simm.s32 @!p1 $0x1082;
	[sflag:s4] =	ssyncset.s32 $0xFFFFF086  }
0x25: {  	[simem:s6], [sflag:s4] =	dma.local [hbm:s3], $0xF7A  }
0x26: {  	[smem:$0x3F8B] =	sst s1;
	(tag) =	ssettag s2;
	_ =	strace s9  }
0x27: {  	s1 =	sld [smem:$0x3F9B]  }
0x28: {  	s2 =	sld [smem:$0x3F9C]  }
0x29: {  	s4 =	sld [smem:$0x3F9E]  }
0x2a: {  	p0 =	seq.s32 s5, $0x0;
	s5 =	sld [smem:$0x3F9F]  }
0x2b: {  	s6 =	sld [smem:$0x3FA0]  }
0x2c: {  	s7 =	sld [smem:$0x3FA1]  }
0x2d: {  	s3 =	simm.s32 $0x108;
	s8 =	sld [smem:$0x3FA2]  }
0x2e: {  	s3 =	simm.s32 @!p0 $0x1082;
	s9 =	sld [smem:$0x3FA3]  }
0x2f: {  	lr =	sadd.s32 s0, s3;
	s0 =	sld [smem:$0x3F9A]  }
0x30: {  	s3 =	sld [smem:$0x3F9D]  }
0x31: {  	[smem:$0x3FA6] =	sst s10  }
0x32: {  	s10 =	sld [smem:$0x3FA4];
	_ =	sdelay $0x3  }
0x33: {  	p0 =	seq.s32 s10, $0x1;
	s10 =	sld [smem:$0x3FA6];
	_ =	sdelay $0x3  }
0x34: {  	[smem:$0x3FA6] =	sst s10  }
0x35: {  	s10 =	sld [smem:$0x3FA5];
	_ =	sdelay $0x3  }
0x36: {  	p1 =	seq.s32 s10, $0x1;
	s10 =	sld [smem:$0x3FA6];
	_ =	sdelay $0x3  }
0x37: {  	[smem:$0x3FA6] =	sst s10  }
0x38: {  	s10 =	sld [smem:$0x3FA7]  }
0x39: {  	_ = 	snop;
	(pc) =	sbr.ind lr, $3  }
0x3a: {  	_ = 	snop  }
0x3b: {  	_ = 	snop  }
0x3c: {  	p2 =	seq.s32 s10, $0x1;
	s10 =	sld [smem:$0x3FA6]  }
0x3d: {  	_ =	shalt  }
0x3e: {  	_ =	shalt  }
0x3f: {  	_ =	shalt  }
0x40: {  	_ =	shalt  }
0x41: {  	_ =	shalt  }
0x42: {  	_ =	shalt  }
0x43: {  	_ =	shalt  }
0x44: {  	_ =	shalt  }
0x45: {  	_ =	shalt  }
0x46: {  	_ =	shalt  }
0x47: {  	_ =	shalt  }
0x48: {  	_ =	shalt  }
0x49: {  	_ =	shalt  }
0x4a: {  	_ =	shalt  }
0x4b: {  	_ =	shalt  }
0x4c: {  	_ =	shalt  }
0x4d: {  	_ =	shalt  }
0x4e: {  	_ =	shalt  }
0x4f: {  	_ =	shalt  }
0x50: {  	_ =	shalt  }
0x51: {  	_ =	shalt  }
0x52: {  	_ =	shalt  }
0x53: {  	_ =	shalt  }
0x54: {  	_ =	shalt  }
0x55: {  	_ =	shalt  }
0x56: {  	_ =	shalt  }
0x57: {  	_ =	shalt  }
0x58: {  	_ =	shalt  }
0x59: {  	_ =	shalt  }
0x5a: {  	_ =	shalt  }
0x5b: {  	_ =	shalt  }
0x5c: {  	_ =	shalt  }
0x5d: {  	_ =	shalt  }
0x5e: {  	_ =	shalt  }
0x5f: {  	_ =	shalt  }
0x60: {  	_ =	shalt  }
0x61: {  	_ =	shalt  }
0x62: {  	_ =	shalt  }
0x63: {  	_ =	shalt  }
0x64: {  	_ =	shalt  }
0x65: {  	_ =	shalt  }
0x66: {  	_ =	shalt  }
0x67: {  	_ =	shalt  }
0x68: {  	_ =	shalt  }
0x69: {  	_ =	shalt  }
0x6a: {  	_ =	shalt  }
0x6b: {  	_ =	shalt  }
0x6c: {  	_ =	shalt  }
0x6d: {  	_ =	shalt  }
0x6e: {  	_ =	shalt  }
0x6f: {  	_ =	shalt  }
0x70: {  	_ =	shalt  }
0x71: {  	_ =	shalt  }
0x72: {  	_ =	shalt  }
0x73: {  	_ =	shalt  }
0x74: {  	_ =	shalt  }
0x75: {  	_ =	shalt  }
0x76: {  	_ =	shalt  }
0x77: {  	_ =	shalt  }
0x78: {  	_ =	shalt  }
0x79: {  	_ =	shalt  }
0x7a: {  	_ =	shalt  }
0x7b: {  	_ =	shalt  }
0x7c: {  	_ =	shalt  }
0x7d: {  	_ =	shalt  }
0x7e: {  	_ =	shalt  }
0x7f: {  	_ =	shalt  }
0x80: {  	_ =	shalt  }
0x81: {  	_ =	shalt  }
0x82: {  	_ =	shalt  }
0x83: {  	_ =	shalt  }
0x84: {  	_ =	shalt  }
0x85: {  	_ =	shalt  }
0x86: {  	_ =	shalt  }
0x87: {  	_ =	shalt  }
.Lfunc_end0:
.L_simem_size_0:
called_computation.2_lowered:
.L_overlay_start_0:
0x88: {  	s2 =	sld [smem:$0x3FD9]  }
0x89: {  	s3 =	sld [smem:$0x3FFE];
	_ =	sdelay $0x1  }
0x8a: {  	s1 =	srdreg.scid  }
0x8b: {  	s0 =	sand.u32 $0x1, s1  }
0x8c: {  	s14 =	sshll.u32 s0, $0xA;
	s2 =	sadd.s32 s3, s2  }
0x8d: {  	s2 =	sadd.s32 s2, s14  }
0x8e: {  	[smem:$0x3FB2] =	sst s2  }
0x8f: {  	_ = 	snop  }
0x90: {  	s2 =	sld [smem:$0x3FD0];
	_ =	sdelay $0x2  }
0x91: {  	s15 =	simm.s32 $0xB;
	s4 =	simm.s32 $0x10  }
0x92: {  	[smem:s4], [sflag:s15] =	dma.local [hbm:s2], $0x1  }
0x93: {  	_ =	swait.eq [sflag:s15], $0x1  }
0x94: {  	[sflag:s15] =	ssyncset.done $0x0  }
0x95: {  	[sflag:s15] =	ssyncadd.s32 $0xFFFFFFFF  }
0x96: {  	s16 =	sld [smem:$0x10];
	(tm) =	ssettm $0x1  }
0x97: {  	s17 =	sld [smem:$0x3FFB];
	_ =	sdelay $0x3  }
0x98: {  	_ =	strace s17  }
0x99: {  	s3 =	sld [smem:$0x3FFC];
	_ =	sdelay $0x3  }
0x9a: {  	_ =	strace s3  }
0x9b: {  	s3 =	sld [smem:$0x3FFD];
	_ =	sdelay $0x3  }
0x9c: {  	_ =	strace s3  }
0x9d: {  	_ =	strace $0x8FFFFFFF  }
0x9e: {  	s18 =	sld [smem:$0x3FDB];
	_ =	sdelay $0x1  }
0x9f: {  	s19 =	simm.s32 $_scs_section_size  }
0xa0: {  	s5 =	simm.s32 $_size__tile_overlayer_lowered;
	s6 =	simm.s32 $_tile_overlayer_lowered  }
0xa1: {  	s22 =	simm.s32 $0x1BFF;
	s21 =	sshll.u32 s6, $0x1;
	s3 =	sadd.s32 s19, s18  }
0xa2: {  	s7 =	simm.s32 $0x0;
	s20 =	sshll.u32 s5, $0x1;
	s5 =	sadd.s32 s21, s3  }
0xa3: {  	[timem:s7], [sflag:s22] =	dma.local [hbm:s5], s20  }
0xa4: {  	_ =	swait.ge [sflag:s22], s20  }
0xa5: {  	s4 =	ssub.s32 $0x0, s20;
	[sflag:s22] =	ssyncset.done $0x0  }
0xa6: {  	[sflag:s22] =	ssyncadd.s32 s4;
	_ =	sdelay $0x1  }
0xa7: {  	s23 =	simm.s32 $0x1B8B  }
0xa8: {  	_ =	swait.ge [sflag:s23], $0x1  }
0xa9: {  	[sflag:s23] =	ssyncset.done $0x0  }
0xaa: {  	s25 =	simm.s32 $0x1B8E;
	s24 =	sld [smem:$0x3FFE];
	[sflag:s23] =	ssyncadd.s32 $0xFFFFFFFF  }
0xab: {  	s26 =	simm.s32 $execute0_lowered;
	[smem:$0x3FD2] =	sst s25  }
0xac: {  	s5 =	sshll.u32 s26, $0x1;
	_ =	strace $0x8000004C;
	[dreg:$0x1] =	wrdreg $0xFFFFFFFF  }
0xad: {  	s28 =	simm.s32 $_size_execute0_lowered;
	s3 =	sadd.s32 s3, s5;
	[dreg:$0x0] =	wrdreg $0x0  }
0xae: {  	s5 =	sshll.u32 s28, $0x1;
	[dreg:$0x2] =	wrdreg s3  }
0xaf: {  	[dreg:$0x3] =	wrdreg s5  }
0xb0: {  	[dreg:$0x4] =	wrdreg $0xC0  }
0xb1: {  	_ =	task [dreg:s7], $0x5FFFF  }
0xb2: {  	[dreg:$0x1] =	wrdreg $0xFFFFFFFF  }
0xb3: {  	[dreg:$0x0] =	wrdreg $0x60  }
0xb4: {  	[dreg:$0x2] =	wrdreg s24  }
0xb5: {  	[dreg:$0x3] =	wrdreg s16  }
0xb6: {  	[dreg:$0x4] =	wrdreg $0x67200  }
0xb7: {  	[dreg:$0x5] =	wrdreg $0x9  }
0xb8: {  	_ =	task.clear_ibuf [dreg:s7], $0x6FFFF;
	_ =	strace $0x9000004C  }
0xb9: {  	s29 =	simm.s32 $0x9;
	_ =	strace $0x8000004E  }
0xba: {  	_ =	swait.ge [sflag:s29], $0x1  }
0xbb: {  	[sflag:s29] =	ssyncadd.s32 $0xFFFFFFFF  }
0xbc: {  	_ =	strace $0x9000004E  }
0xbd: {  	_ =	sfence  }
0xbe: {  	s30 =	sld [smem:$0x0];
	_ =	sdelay $0x2  }
0xbf: {  	s31 =	sshll.u32 s1, $0xD;
	s1 =	sshrl.u32 s1, $0x2  }
0xc0: {  	s3 =	sand.u32 $0x4000, s31;
	s1 =	sadd.s32 s1, s30  }
0xc1: {  	s0 =	sor.u32 s3, s0;
	s1 =	sshll.u32 s1, $0x11  }
0xc2: {  	s0 =	sor.u32 s1, s0  }
0xc3: {  	s0 =	sadd.s32 $0x8F2B, s0  }
0xc4: {  	[sflag:s0] =	ssyncadd.remote.s32 $0x1  }
0xc5: {  	_ =	sfence.sel $0xFFFF  }
0xc6: {  	[dreg:$0x0] =	wrdreg $0xFFFFFFFF;
	(pc) =	sbr.abs _section_cstart, $3  }
0xc7: {  	[dreg:$0x1] =	wrdreg $0xFFFFFFFF  }
0xc8: {  	_ =	task.clear_ibuf [dreg:s7], $0x2FFFF;
	_ =	strace $0x9FFFFFFF  }
0xc9: {  	(tm) =	ssettm $0x7FFFFFFF  }
tec
execute0_lowered:
.L_overlay_start_1:
0x0: {  	(tag) =	ssettag $0x1  }
0x1: {  	s6 =	rddreg [dreg:$0x0]  }
0x2: {  	s2 =	rddreg [dreg:$0x1]  }
0x3: {  	s3 =	rddreg [dreg:$0x2]  }
0x4: {  	s5 =	srdreg.scid;
	s1 =	stileid.u32;
	s4 =	simm.s32 $0x0  }
0x5: {  	s15 =	simm.s32 $0x20;
	s16 =	simm.s32 $0x40;
	s17 =	simm.s32 $0x320  }
0x6: {  	s18 =	simm.s32 $0x190;
	s19 =	simm.s32 $0x1;
	s8 =	smul.u32 $0x18700, s1  }
0x7: {  	s20 =	simm.s32 $0x3;
	s21 =	simm.s32 $0x0;
	s13 =	smul.u32 $0x30D400, s1  }
0x8: {  	s7 =	sand.u32 $0x1, s5;
	[smem:$0x7FF] =	sst s4;
	s26 =	smul.u32 $0xC350, s1  }
0x9: {  	s5 =	sadd.s32 $0x1BDA00, s6;
	s10 =	sadd.s32 $0x1E600, s6;
	s31 =	smul.u32 $0x186A, s1  }
0xa: {  	s29 =	sshll.u32 s1, $0x6;
	s9 =	smul.u32 $0x187000, s7;
	s11 =	ssub.s32 $0x2, s7  }
0xb: {  	_ =	strace $0x8000004D;
	s25 =	sshll.u32 s7, $0x5;
	s12 =	sshrl.u32 s11, $0x1  }
0xc: {  	s14 =	sadd.s32 s8, s3;
	s28 =	sor.u32 s25, s13;
	s13 =	sadd.s32 s31, s10  }
0xd: {  	s9 =	sadd.s32 s8, s9;
	s11 =	ssub.s32 s11, s12;
	s30 =	sshrl.u32 s28, $0x3  }
0xe: {  	s8 =	sshrl.u32 s26, $0x3;
	s12 =	sadd.s32 $0x6400, s28;
	s9 =	sshrl.u32 s9, $0x3  }
0xf: {  	s7 =	sadd.s32 s5, s30;
	s8 =	sadd.s32 s10, s8;
	s10 =	smax.u32 s11, $0x1  }
0x10: {  	s11 =	sadd.s32 $0x32, s13;
	s13 =	sshrl.u32 s14, $0x3;
	s9 =	sadd.s32 s9, s6  }
0x11: {  	s14 =	simm.s32 $0x5;
	s6 =	sor.u32 $0x1C05, s29;
	s9 =	sadd.s32 $0x36E00, s9  }
.LBB2_1:
0x12: {  	[spmem:s13], [sflag:s6] =	dma.local [hbm:s2], $0x30E0  }
0x13: {  	_ =	swait.ge [sflag:s14], $0x30E0  }
0x14: {  	[sflag:s14] =	ssyncset.done $0x0  }
0x15: {  	s22 =	sand.u32 $0x1, s19;
	[sflag:s14] =	ssyncadd.s32 $0xFFFFCF20  }
0x16: {  	s25 =	simm.s32 $0x0;
	s23 =	smul.u32 $0xC800, s22;
	[bflag:$0x0] =	sbarrier.arrive $0xFFFF  }
0x17: {  	[tilespmem:s17], [sflag:$0x1] =	stream.strided.gather [hbm4b:s7+s15], $0x3200, s16, s15, $0x38;
	[tilespmem:$0x1EE20] =	vst v63  }
0x18: {  	s26 =	sshrl.u32 s12, $0x3;
	s24 =	sadd.s32 $0x1, s22;
	s23 =	sshrl.u32 s23, $0x2  }
0x19: {  	[tilespmem:s4], [sflag:$0x3] =	stream.linear.gather [hbm4b:s8+s4], $0x190, $0x38;
	[tilespmem:$0x1EE20] =	vst v63  }
0x1a: {  	s28 =	smul.u32 $0x640, s22;
	s26 =	sadd.s32 s5, s26;
	s23 =	sadd.s32 $0x320, s23  }
0x1b: {  	[tilespmem:s23], [sflag:s24] =	stream.strided.gather [hbm4b:s26+s15], $0x3200, s16, s15, $0x38;
	[tilespmem:$0x1EE20] =	vst v63  }
0x1c: {  	s0 =	simm.s32 $0x2;
	s22 =	sadd.s32 $0x3, s22;
	s23 =	sand.u32 $0x1, s25  }
0x1d: {  	s25 =	sshrl.u32 s28, $0x2;
	s26 =	sadd.s32 $0x1, s23;
	s31 =	smul.u32 $0xC800, s23  }
0x1e: {  	[tilespmem:s25], [sflag:s22] =	stream.linear.gather [hbm4b:s11+s4], $0x190, $0x38;
	[tilespmem:$0x1EE20] =	vst v63  }
0x1f: {  	s24 =	sand.u32 $0x1, s0;
	s28 =	smul.u32 $0x640, s23;
	_ =	swait.ge [sflag:s26], $0x3200  }
0x20: {  	s30 =	smul.u32 $0xC800, s24;
	[sflag:s26] =	ssyncset.done $0x0  }
0x21: {  	s23 =	sadd.s32 $0x3, s23;
	s29 =	smul.u32 $0x640, s24;
	[sflag:s26] =	ssyncadd.s32 $0xFFFFCE00  }
0x22: {  	s25 =	simm.s32 $0x3;
	s22 =	sadd.s32 $0x32, s11;
	_ =	swait.ge [sflag:s23], $0x190  }
0x23: {  	s28 =	sshrl.u32 s28, $0x2;
	s26 =	sshrl.u32 s31, $0x2;
	[sflag:s23] =	ssyncset.done $0x0  }
0x24: {  	s26 =	sadd.s32 $0x320, s26;
	[sflag:s23] =	ssyncadd.s32 $0xFFFFFE70;
	s23 =	sadd.s32 $0x6400, s12  }
0x25: {  	[spmem:s3] =	stream.indirect.scatter.add.f32 [tilespmem:s26], [sflag:$0x5], $0x20, s28, s18, $0xb8;
	[tilespmem:$0x1EE20] =	vst v63  }
0x26: {  	s26 =	sadd.s32 $0x1, s24;
	s28 =	simm.s32 $0x1;
	_ =	swait.ge [sflag:s14], $0x3200  }
.LBB2_2:
0x27: {  	s30 =	sshrl.u32 s30, $0x2;
	s31 =	sshrl.u32 s23, $0x3  }
0x28: {  	[sflag:s14] =	ssyncset.done $0x0;
	s0 =	smov.u32 s25;
	s24 =	sadd.s32 $0x3, s24  }
0x29: {  	s30 =	sadd.s32 $0x320, s30;
	s31 =	sadd.s32 s5, s31;
	[sflag:s14] =	ssyncadd.s32 $0xFFFFCE00  }
0x2a: {  	[tilespmem:s30], [sflag:s26] =	stream.strided.gather [hbm4b:s31+s15], $0x3200, s16, s15, $0x38;
	[tilespmem:$0x1EE20] =	vst v63  }
0x2b: {  	p0 =	sne.s32 s25, $0x7C;
	s26 =	sand.u32 $0x1, s28;
	s28 =	sshrl.u32 s29, $0x2  }
0x2c: {  	[tilespmem:s28], [sflag:s24] =	stream.linear.gather [hbm4b:s22+s4], $0x190, $0x38;
	[tilespmem:$0x1EE20] =	vst v63  }
0x2d: {  	s31 =	sadd.s32 $0x1, s25;
	s24 =	sadd.s32 $0x1, s26;
	s28 =	smul.u32 $0xC800, s26  }
0x2e: {  	s23 =	sadd.s32 $0x6400, s23;
	s25 =	smul.u32 $0x640, s26;
	_ =	swait.ge [sflag:s24], $0x3200  }
0x2f: {  	s29 =	sadd.s32 $0x3, s26;
	s28 =	sshrl.u32 s28, $0x2;
	[sflag:s24] =	ssyncset.done $0x0  }
0x30: {  	s22 =	sadd.s32 $0x32, s22;
	s25 =	sshrl.u32 s25, $0x2;
	[sflag:s24] =	ssyncadd.s32 $0xFFFFCE00  }
.Ltmp0:
0x31: {  	s24 =	sand.u32 $0x1, s0;
	_ =	swait.ge [sflag:s29], $0x190;
	(pc) =	sbr.rel @p0 .LBB2_2-.Ltmp0, $4  }
0x32: {  	s28 =	sadd.s32 $0x320, s28;
	s30 =	smul.u32 $0xC800, s24;
	[sflag:s29] =	ssyncset.done $0x0  }
0x33: {  	s26 =	sadd.s32 $0x1, s24;
	[sflag:s29] =	ssyncadd.s32 $0xFFFFFE70;
	s29 =	smul.u32 $0x640, s24  }
0x34: {  	[spmem:s3] =	stream.indirect.scatter.add.f32 [tilespmem:s28], [sflag:$0x5], $0x20, s25, s18, $0xb8;
	[tilespmem:$0x1EE20] =	vst v63  }
0x35: {  	s28 =	sadd.s32 $0xFFFFFFFF, s0;
	s25 =	smov.u32 s31;
	_ =	swait.ge [sflag:s14], $0x3200  }
0x36: {  	s0 =	sshrl.u32 s30, $0x2  }
0x37: {  	s23 =	sshrl.u32 s23, $0x3;
	[sflag:s14] =	ssyncset.done $0x0;
	s25 =	sand.u32 $0x1, s28  }
0x38: {  	s0 =	sadd.s32 $0x320, s0;
	s23 =	sadd.s32 s5, s23;
	[sflag:s14] =	ssyncadd.s32 $0xFFFFCE00  }
0x39: {  	[tilespmem:s0], [sflag:s26] =	stream.strided.gather [hbm4b:s23+s15], $0x3200, s16, s15, $0x38;
	[tilespmem:$0x1EE20] =	vst v63  }
0x3a: {  	s24 =	sadd.s32 $0x3, s24;
	s28 =	sadd.s32 $0x1, s25;
	s26 =	sshrl.u32 s29, $0x2  }
0x3b: {  	[tilespmem:s26], [sflag:s24] =	stream.linear.gather [hbm4b:s22+s4], $0x190, $0x38;
	[tilespmem:$0x1EE20] =	vst v63  }
0x3c: {  	_ =	swait.ge [sflag:s28], $0x3200  }
0x3d: {  	[sflag:s28] =	ssyncset.done $0x0  }
0x3e: {  	s30 =	sadd.s32 $0x3, s25;
	s29 =	smul.u32 $0xC800, s25;
	[sflag:s28] =	ssyncadd.s32 $0xFFFFCE00  }
0x3f: {  	s0 =	smul.u32 $0x640, s25;
	_ =	swait.ge [sflag:s30], $0x190  }
0x40: {  	s31 =	sshrl.u32 s29, $0x2;
	[sflag:s30] =	ssyncset.done $0x0  }
0x41: {  	s0 =	sshrl.u32 s0, $0x2;
	s22 =	sadd.s32 $0x320, s31;
	[sflag:s30] =	ssyncadd.s32 $0xFFFFFE70  }
0x42: {  	[spmem:s3] =	stream.indirect.scatter.add.f32 [tilespmem:s22], [sflag:$0x5], $0x20, s0, s18, $0xb8;
	[tilespmem:$0x1EE20] =	vst v63  }
0x43: {  	_ =	swait.ge [sflag:s14], $0x3200  }
0x44: {  	[sflag:s14] =	ssyncset.done $0x0  }
0x45: {  	[sflag:s14] =	ssyncadd.s32 $0xFFFFCE00  }
0x46: {  	_ =	swait.ge [sflag:s19], $0x3200  }
0x47: {  	[sflag:s19] =	ssyncset.done $0x0  }
0x48: {  	[sflag:s19] =	ssyncadd.s32 $0xFFFFCE00  }
0x49: {  	_ =	swait.ge [sflag:s20], $0x190  }
0x4a: {  	[sflag:s20] =	ssyncset.done $0x0  }
0x4b: {  	[sflag:s20] =	ssyncadd.s32 $0xFFFFFE70  }
0x4c: {  	[spmem:s3] =	stream.indirect.scatter.add.f32 [tilespmem:s17], [sflag:$0x5], $0x20, s4, s18, $0xb8;
	[tilespmem:$0x1EE20] =	vst v63  }
0x4d: {  	_ =	swait.ge [sflag:s14], $0x3200  }
0x4e: {  	s21 =	sadd.s32 $0x1, s21;
	[sflag:s14] =	ssyncset.done $0x0  }
0x4f: {  	p0 =	sne.s32 s21, s10;
	[sflag:s14] =	ssyncadd.s32 $0xFFFFCE00  }
.Ltmp1:
0x50: {  	[bflag:$0x0] =	sbarrier.arrive $0xFFFF;
	(pc) =	sbr.rel @p0 .LBB2_1-.Ltmp1, $4  }
0x51: {  	[hbm:s9], [sflag:s6] =	dma.local [spmem:s13], $0x30E0  }
0x52: {  	_ =	swait.ge [sflag:s14], $0x30E0  }
0x53: {  	[sflag:s14] =	ssyncset.done $0x0  }
0x54: {  	[sflag:s14] =	ssyncadd.s32 $0xFFFFCF20  }
0x55: {  	_ =	sfence.sel $0x180000  }
0x56: {  	[bflag:$0x0] =	sbarrier.arrive $0xFFFF  }
0x57: {  	_ =	strace $0x9000004D  }
0x58: {  	[bflag:$0x2] =	sbarrier.arrive $0xFFFF  }
0x59: {  	p0 =	sne.s32 s1, $0x0;
	s0 =	rddreg [dreg:$0x3]  }
0x5a: {  	s0 =	sadd.s32 @!p0 $0x100000, s0  }
0x5b: {  	[sflag:s0] =	ssyncadd.tile.s32 @!p0 $0x1;
	_ =	shalt  }
.Lfunc_end2:
_tile_overlayer_lowered:
.L_overlay_start_2:
0x5c: {  	(tag) =	ssettag $0x2  }
0x5d: {  	s0 =	rddreg [dreg:$0x0];
	s2 =	stileid.u32  }
0x5e: {  	s1 =	rddreg [dreg:$0x1];
	p0 =	sne.s32 s2, $0x0  }
0x5f: {  	s3 =	rddreg [dreg:$0x2];
	[bflag:$0x3] =	sbarrier.arrive $0xFFFF;
	s2 =	simm.s32 @!p0 $0x1C05  }
0x60: {  	[timem:s3], [sflag:s2] =	dma.local @!p0 [hbm:s0], s1  }
0x61: {  	s0 =	simm.s32 @!p0 $0x5  }
0x62: {  	_ =	swait.ge @!p0 [sflag:s0], s1  }
0x63: {  	s1 =	ssub.s32 @!p0 $0x0, s1;
	[sflag:s0] =	ssyncset.done @!p0 $0x0  }
0x64: {  	[sflag:s0] =	ssyncadd.s32 @!p0 s1  }
0x65: {  	[bflag:$0x3] =	sbarrier.arrive $0xFFFF  }
0x66: {  	_ =	shalt  }

// kernel: kernel.28.cloned.1.call-start
scs
__scs_entry_jumppad:
0x0: {  	(pc) =	sbr.rel $0x88, $3  }
0x1: {  	(tag) =	ssettag $0x0;
	lr =	simm.s32 $0x1  }
0x2: {  	[smem:$0x3F8B] =	sst lr;
	_ =	strace $0xD0000000  }
0x3: {  	_ = 	snop  }
0x4: {  	_ = 	snop  }
0x5: {  	_ = 	snop  }
0x6: {  	_ = 	snop  }
0x7: {  	_ = 	snop  }
__scs_overlays_trampoline_lowered:
0x8: {  	[smem:$0x3F9A] =	sst s0  }
0x9: {  	[smem:$0x3F9B] =	sst s1  }
0xa: {  	[smem:$0x3F9C] =	sst s2  }
0xb: {  	[smem:$0x3F9D] =	sst s3  }
0xc: {  	[smem:$0x3F9E] =	sst s4  }
0xd: {  	[smem:$0x3F9F] =	sst s5  }
0xe: {  	[smem:$0x3FA0] =	sst s6  }
0xf: {  	[smem:$0x3FA1] =	sst s7  }
0x10: {  	[smem:$0x3FA2] =	sst s8  }
0x11: {  	[smem:$0x3FA3] =	sst s9;
	s0 =	simm.s32 @!p0 $0x0  }
0x12: {  	s1 =	sld [smem:$0x3F89];
	s0 =	simm.s32 @p0 $0x1  }
0x13: {  	[smem:$0x3FA4] =	sst s0;
	s0 =	simm.s32 @!p1 $0x0  }
0x14: {  	s2 =	sld [smem:$0x3F88];
	s0 =	simm.s32 @p1 $0x1  }
0x15: {  	[smem:$0x3FA5] =	sst s0;
	s0 =	simm.s32 @!p2 $0x0  }
0x16: {  	s3 =	sld [smem:$0x3FDB];
	s0 =	simm.s32 @p2 $0x1  }
0x17: {  	s4 =	simm.s32 $0x1BF5;
	[smem:$0x3FA7] =	sst s0  }
0x18: {  	s0 =	sld [smem:$0x3F8A];
	_ =	swait.ge [sflag:s4], $0x0  }
0x19: {  	s7 =	sld [smem:$0x3F8B]  }
0x1a: {  	s8 =	sadd.s32 $0xFFFFE003, lr  }
0x1b: {  	s9 =	sadd.s32 $0xFFFFFEF7, lr;
	s5 =	simm.s32 $0xFFFFFFFF;
	p2 =	slt.u32 s8, $0xFFFFF086  }
0x1c: {  	p1 =	slt.u32 s9, $0xF7A;
	s5 =	simm.s32 @!p2 $0x0  }
0x1d: {  	s5 =	simm.s32 @p1 $0x1;
	p0 =	seq.s32 s7, s2  }
0x1e: {  	s7 =	smul.u32 @!p0 $0xF7A, s2;
	p2 =	seq.s32 @!p0 s5, $0x0  }
0x1f: {  	s9 =	smul.u32 $0xF7A, s1;
	s8 =	simm.s32 @!p0 $0x1BF5;
	p2 =	por !p2, p0  }
0x20: {  	[sflag:s8] =	ssyncset.s32 @!p0 $0xFFFFF086;
	s6 =	sadd.s32 @!p0 s3, s7;
	s7 =	simm.s32 @!p0 $0x108  }
0x21: {  	s3 =	sadd.s32 s3, s9;
	s6 =	sadd.s32 @!p0 $0x88, s6;
	s7 =	simm.s32 @p2 $0x1082  }
0x22: {  	[simem:s7], [sflag:s8] =	dma.local @!p0 [hbm:s6], $0xF7A  }
0x23: {  	s9 =	sor.u32 $0xD0000000, s2;
	s6 =	simm.s32 $0x108;
	_ =	swait.ge @!p0 [sflag:s8], $0x0  }
0x24: {  	s3 =	sadd.s32 $0x88, s3;
	s6 =	simm.s32 @!p1 $0x1082;
	[sflag:s4] =	ssyncset.s32 $0xFFFFF086  }
0x25: {  	[simem:s6], [sflag:s4] =	dma.local [hbm:s3], $0xF7A  }
0x26: {  	[smem:$0x3F8B] =	sst s1;
	(tag) =	ssettag s2;
	_ =	strace s9  }
0x27: {  	s1 =	sld [smem:$0x3F9B]  }
0x28: {  	s2 =	sld [smem:$0x3F9C]  }
0x29: {  	s4 =	sld [smem:$0x3F9E]  }
0x2a: {  	p0 =	seq.s32 s5, $0x0;
	s5 =	sld [smem:$0x3F9F]  }
0x2b: {  	s6 =	sld [smem:$0x3FA0]  }
0x2c: {  	s7 =	sld [smem:$0x3FA1]  }
0x2d: {  	s3 =	simm.s32 $0x108;
	s8 =	sld [smem:$0x3FA2]  }
0x2e: {  	s3 =	simm.s32 @!p0 $0x1082;
	s9 =	sld [smem:$0x3FA3]  }
0x2f: {  	lr =	sadd.s32 s0, s3;
	s0 =	sld [smem:$0x3F9A]  }
0x30: {  	s3 =	sld [smem:$0x3F9D]  }
0x31: {  	[smem:$0x3FA6] =	sst s10  }
0x32: {  	s10 =	sld [smem:$0x3FA4];
	_ =	sdelay $0x3  }
0x33: {  	p0 =	seq.s32 s10, $0x1;
	s10 =	sld [smem:$0x3FA6];
	_ =	sdelay $0x3  }
0x34: {  	[smem:$0x3FA6] =	sst s10  }
0x35: {  	s10 =	sld [smem:$0x3FA5];
	_ =	sdelay $0x3  }
0x36: {  	p1 =	seq.s32 s10, $0x1;
	s10 =	sld [smem:$0x3FA6];
	_ =	sdelay $0x3  }
0x37: {  	[smem:$0x3FA6] =	sst s10  }
0x38: {  	s10 =	sld [smem:$0x3FA7]  }
0x39: {  	_ = 	snop;
	(pc) =	sbr.ind lr, $3  }
0x3a: {  	_ = 	snop  }
0x3b: {  	_ = 	snop  }
0x3c: {  	p2 =	seq.s32 s10, $0x1;
	s10 =	sld [smem:$0x3FA6]  }
0x3d: {  	_ =	shalt  }
0x3e: {  	_ =	shalt  }
0x3f: {  	_ =	shalt  }
0x40: {  	_ =	shalt  }
0x41: {  	_ =	shalt  }
0x42: {  	_ =	shalt  }
0x43: {  	_ =	shalt  }
0x44: {  	_ =	shalt  }
0x45: {  	_ =	shalt  }
0x46: {  	_ =	shalt  }
0x47: {  	_ =	shalt  }
0x48: {  	_ =	shalt  }
0x49: {  	_ =	shalt  }
0x4a: {  	_ =	shalt  }
0x4b: {  	_ =	shalt  }
0x4c: {  	_ =	shalt  }
0x4d: {  	_ =	shalt  }
0x4e: {  	_ =	shalt  }
0x4f: {  	_ =	shalt  }
0x50: {  	_ =	shalt  }
0x51: {  	_ =	shalt  }
0x52: {  	_ =	shalt  }
0x53: {  	_ =	shalt  }
0x54: {  	_ =	shalt  }
0x55: {  	_ =	shalt  }
0x56: {  	_ =	shalt  }
0x57: {  	_ =	shalt  }
0x58: {  	_ =	shalt  }
0x59: {  	_ =	shalt  }
0x5a: {  	_ =	shalt  }
0x5b: {  	_ =	shalt  }
0x5c: {  	_ =	shalt  }
0x5d: {  	_ =	shalt  }
0x5e: {  	_ =	shalt  }
0x5f: {  	_ =	shalt  }
0x60: {  	_ =	shalt  }
0x61: {  	_ =	shalt  }
0x62: {  	_ =	shalt  }
0x63: {  	_ =	shalt  }
0x64: {  	_ =	shalt  }
0x65: {  	_ =	shalt  }
0x66: {  	_ =	shalt  }
0x67: {  	_ =	shalt  }
0x68: {  	_ =	shalt  }
0x69: {  	_ =	shalt  }
0x6a: {  	_ =	shalt  }
0x6b: {  	_ =	shalt  }
0x6c: {  	_ =	shalt  }
0x6d: {  	_ =	shalt  }
0x6e: {  	_ =	shalt  }
0x6f: {  	_ =	shalt  }
0x70: {  	_ =	shalt  }
0x71: {  	_ =	shalt  }
0x72: {  	_ =	shalt  }
0x73: {  	_ =	shalt  }
0x74: {  	_ =	shalt  }
0x75: {  	_ =	shalt  }
0x76: {  	_ =	shalt  }
0x77: {  	_ =	shalt  }
0x78: {  	_ =	shalt  }
0x79: {  	_ =	shalt  }
0x7a: {  	_ =	shalt  }
0x7b: {  	_ =	shalt  }
0x7c: {  	_ =	shalt  }
0x7d: {  	_ =	shalt  }
0x7e: {  	_ =	shalt  }
0x7f: {  	_ =	shalt  }
0x80: {  	_ =	shalt  }
0x81: {  	_ =	shalt  }
0x82: {  	_ =	shalt  }
0x83: {  	_ =	shalt  }
0x84: {  	_ =	shalt  }
0x85: {  	_ =	shalt  }
0x86: {  	_ =	shalt  }
0x87: {  	_ =	shalt  }
.Lfunc_end0:
.L_simem_size_0:
called_computation.3_lowered:
.L_overlay_start_0:
0x88: {  	s2 =	sld [smem:$0x3FD9]  }
0x89: {  	s3 =	sld [smem:$0x3FFE];
	_ =	sdelay $0x1  }
0x8a: {  	s1 =	srdreg.scid  }
0x8b: {  	s0 =	sand.u32 $0x1, s1  }
0x8c: {  	s16 =	sshll.u32 s0, $0xA;
	s2 =	sadd.s32 s3, s2  }
0x8d: {  	s2 =	sadd.s32 s2, s16  }
0x8e: {  	[smem:$0x3FB2] =	sst s2  }
0x8f: {  	_ = 	snop  }
0x90: {  	(tm) =	ssettm $0x1  }
0x91: {  	s17 =	sld [smem:$0x3FFB];
	_ =	sdelay $0x3  }
0x92: {  	_ =	strace s17  }
0x93: {  	s2 =	sld [smem:$0x3FFC];
	_ =	sdelay $0x3  }
0x94: {  	_ =	strace s2  }
0x95: {  	s2 =	sld [smem:$0x3FFD];
	_ =	sdelay $0x3  }
0x96: {  	_ =	strace s2  }
0x97: {  	_ =	strace $0x8FFFFFFF  }
0x98: {  	s18 =	sld [smem:$0x3FDB];
	_ =	sdelay $0x1  }
0x99: {  	s19 =	simm.s32 $_scs_section_size  }
0x9a: {  	s4 =	simm.s32 $_size__tile_overlayer_lowered;
	s5 =	simm.s32 $_tile_overlayer_lowered  }
0x9b: {  	s22 =	simm.s32 $0x1BFF;
	s21 =	sshll.u32 s5, $0x1;
	s2 =	sadd.s32 s19, s18  }
0x9c: {  	s6 =	simm.s32 $0x0;
	s20 =	sshll.u32 s4, $0x1;
	s4 =	sadd.s32 s21, s2  }
0x9d: {  	[timem:s6], [sflag:s22] =	dma.local [hbm:s4], s20  }
0x9e: {  	_ =	swait.ge [sflag:s22], s20  }
0x9f: {  	s3 =	ssub.s32 $0x0, s20;
	[sflag:s22] =	ssyncset.done $0x0  }
0xa0: {  	[sflag:s22] =	ssyncadd.s32 s3;
	_ =	sdelay $0x1  }
0xa1: {  	s23 =	simm.s32 $0x1B8B  }
0xa2: {  	_ =	swait.ge [sflag:s23], $0x1  }
0xa3: {  	[sflag:s23] =	ssyncset.done $0x0  }
0xa4: {  	s25 =	simm.s32 $0x1B8E;
	s24 =	sld [smem:$0x3FFE];
	[sflag:s23] =	ssyncadd.s32 $0xFFFFFFFF  }
0xa5: {  	s26 =	simm.s32 $execute0_lowered;
	[smem:$0x3FD2] =	sst s25  }
0xa6: {  	s4 =	sshll.u32 s26, $0x1;
	_ =	strace $0x8000004F;
	[dreg:$0x1] =	wrdreg $0xFFFFFFFF  }
0xa7: {  	s28 =	simm.s32 $_size_execute0_lowered;
	s2 =	sadd.s32 s2, s4;
	[dreg:$0x0] =	wrdreg $0x0  }
0xa8: {  	s4 =	sshll.u32 s28, $0x1;
	[dreg:$0x2] =	wrdreg s2  }
0xa9: {  	[dreg:$0x3] =	wrdreg s4  }
0xaa: {  	[dreg:$0x4] =	wrdreg $0xC0  }
0xab: {  	_ =	task [dreg:s6], $0x5FFFF  }
0xac: {  	[dreg:$0x1] =	wrdreg $0xFFFFFFFF  }
0xad: {  	[dreg:$0x0] =	wrdreg $0x60  }
0xae: {  	[dreg:$0x2] =	wrdreg s24  }
0xaf: {  	[dreg:$0x3] =	wrdreg $0x9  }
0xb0: {  	_ =	task.clear_ibuf [dreg:s6], $0x4FFFF;
	_ =	strace $0x9000004F  }
0xb1: {  	s29 =	simm.s32 $0x9;
	_ =	strace $0x80000051  }
0xb2: {  	_ =	swait.ge [sflag:s29], $0x1  }
0xb3: {  	[sflag:s29] =	ssyncadd.s32 $0xFFFFFFFF  }
0xb4: {  	_ =	strace $0x90000051  }
0xb5: {  	_ =	sfence  }
0xb6: {  	s30 =	sld [smem:$0x0];
	_ =	sdelay $0x2  }
0xb7: {  	s31 =	sshll.u32 s1, $0xD;
	s1 =	sshrl.u32 s1, $0x2  }
0xb8: {  	s3 =	sand.u32 $0x4000, s31;
	s1 =	sadd.s32 s1, s30  }
0xb9: {  	s0 =	sor.u32 s3, s0;
	s1 =	sshll.u32 s1, $0x11  }
0xba: {  	s0 =	sor.u32 s1, s0  }
0xbb: {  	s0 =	sadd.s32 $0x8F2B, s0  }
0xbc: {  	[sflag:s0] =	ssyncadd.remote.s32 $0x1  }
0xbd: {  	_ =	sfence.sel $0xFFFF  }
0xbe: {  	[dreg:$0x0] =	wrdreg $0xFFFFFFFF;
	(pc) =	sbr.abs _section_cstart, $3  }
0xbf: {  	[dreg:$0x1] =	wrdreg $0xFFFFFFFF  }
0xc0: {  	_ =	task.clear_ibuf [dreg:s6], $0x2FFFF;
	_ =	strace $0x9FFFFFFF  }
0xc1: {  	(tm) =	ssettm $0x7FFFFFFF  }
tec
execute0_lowered:
.L_overlay_start_1:
0x0: {  	(tag) =	ssettag $0x1  }
0x1: {  	s4 =	rddreg [dreg:$0x0]  }
0x2: {  	s0 =	rddreg [dreg:$0x1]  }
0x3: {  	s2 =	simm.s32 $0x0;
	s3 =	srdreg.scid;
	s1 =	stileid.u32  }
0x4: {  	s15 =	simm.s32 $0x3390;
	s16 =	simm.s32 $0x3;
	s17 =	simm.s32 $0x0  }
0x5: {  	[smem:$0x7FF] =	sst s2;
	s8 =	sand.u32 $0x1, s3;
	s12 =	smul.u32 $0xC350, s1  }
0x6: {  	s5 =	sshll.u32 s1, $0x1;
	s3 =	sadd.s32 $0x36E00, s4;
	s14 =	smul.u32 $0x61A80, s1  }
0x7: {  	s10 =	sadd.s32 $0x5E00, s4;
	s9 =	sadd.s32 $0x408000, s4;
	s13 =	smul.u32 $0x61A8, s8  }
0x8: {  	s5 =	sor.u32 s8, s5;
	s6 =	ssub.s32 $0x2, s8;
	s30 =	smul.u32 $0x30D40, s8  }
0x9: {  	_ =	strace $0x80000050;
	s7 =	smul.u32 $0x61A8, s5;
	s25 =	sshrl.u32 s6, $0x1  }
0xa: {  	s11 =	smul.u32 $0x30D40, s5;
	s6 =	ssub.s32 s6, s25;
	s12 =	sadd.s32 s13, s12  }
0xb: {  	s13 =	simm.s32 $0x5;
	s26 =	sadd.s32 $0xC8, s7;
	s28 =	sshrl.u32 s7, $0x3  }
0xc: {  	s6 =	smax.u32 s6, $0x1;
	s11 =	sadd.s32 s9, s11;
	s12 =	sadd.s32 $0x190, s12  }
0xd: {  	s9 =	sadd.s32 s14, s9;
	s14 =	simm.s32 $0x4;
	s29 =	sshrl.u32 s26, $0x3  }
0xe: {  	s4 =	sadd.s32 s10, s28;
	s7 =	sadd.s32 $0x30700, s11;
	s8 =	sadd.s32 $0x300C0, s11  }
0xf: {  	s31 =	sshrl.u32 s12, $0x3;
	s9 =	sadd.s32 s30, s9;
	s11 =	simm.s32 $0xC8  }
0x10: {  	s12 =	simm.s32 $0x190;
	s5 =	sadd.s32 s10, s29;
	s10 =	sadd.s32 s31, s10  }
.LBB2_1:
0x11: {  	[tilespmem:s2], [sflag:$0x1] =	stream.linear.gather [hbm4b:s4+s2], $0xC8, $0x38;
	[tilespmem:$0x6590] =	vst v63  }
0x12: {  	s18 =	simm.s32 $0x1  }
0x13: {  	_ =	swait.ge [sflag:s18], $0xC8  }
0x14: {  	s19 =	simm.s32 $0x0;
	[sflag:s18] =	ssyncset.done $0x0  }
0x15: {  	s19 =	sand.u32 $0x1, s19;
	[sflag:s18] =	ssyncadd.s32 $0xFFFFFF38  }
0x16: {  	[tilespmem:s12], [sflag:$0x3] =	stream.indirect.gather [hbm4b:s3+s11], $0x40, s2, s11, $0xb8;
	[tilespmem:$0x6590] =	vst v63  }
0x17: {  	s20 =	sadd.s32 $0x3, s19  }
0x18: {  	[tilespmem:s11], [sflag:$0x2] =	stream.linear.gather [hbm4b:s5+s2], $0xC8, $0x38;
	[tilespmem:$0x6590] =	vst v63  }
0x19: {  	s21 =	smul.u32 $0x320, s19;
	_ =	swait.ge [sflag:s20], $0x3200  }
0x1a: {  	s22 =	smul.u32 $0xC800, s19;
	s18 =	sand.u32 $0x1, s18;
	[sflag:s20] =	ssyncset.done $0x0  }
0x1b: {  	s28 =	sadd.s32 $0x1, s18;
	s23 =	smul.u32 $0xC800, s18;
	[sflag:s20] =	ssyncadd.s32 $0xFFFFCE00  }
0x1c: {  	s24 =	smul.u32 $0x320, s18;
	_ =	swait.ge [sflag:s28], $0xC8  }
0x1d: {  	s18 =	sadd.s32 $0x3, s18;
	s23 =	sshrl.u32 s23, $0x2;
	[sflag:s28] =	ssyncset.done $0x0  }
0x1e: {  	s24 =	sshrl.u32 s24, $0x2;
	s29 =	sor.u32 $0x190, s23;
	[sflag:s28] =	ssyncadd.s32 $0xFFFFFF38  }
0x1f: {  	[tilespmem:s29], [sflag:s18] =	stream.indirect.gather [hbm4b:s3+s11], $0x40, s24, s11, $0xb8;
	[tilespmem:$0x6590] =	vst v63  }
0x20: {  	s19 =	sadd.s32 $0x1, s19;
	s30 =	sshrl.u32 s22, $0x2;
	s31 =	sshrl.u32 s21, $0x2  }
0x21: {  	[tilespmem:s31], [sflag:s19] =	stream.linear.gather [hbm4b:s10+s2], $0xC8, $0x38;
	[tilespmem:$0x6590] =	vst v63  }
0x22: {  	s21 =	simm.s32 $0x3;
	s18 =	sor.u32 $0x190, s30  }
0x23: {  	[hbm4b:s9+s2] =	stream.linear.scatter [tilespmem:s18], [sflag:$0x5], $0x3200, $0x38;
	[tilespmem:$0x6590] =	vst v63  }
0x24: {  	s22 =	simm.s32 $0x1;
	s20 =	simm.s32 $0x2;
	_ =	swait.ge [sflag:s13], $0x3200  }
0x25: {  	s19 =	sadd.s32 $0x640, s9;
	s18 =	sadd.s32 $0x19, s10;
	[sflag:s13] =	ssyncset.done $0x0  }
.LBB2_2:
0x26: {  	s22 =	sand.u32 $0x1, s22  }
0x27: {  	[sflag:s13] =	ssyncadd.s32 $0xFFFFCE00;
	s23 =	smov.u32 s21;
	s24 =	sadd.s32 $0x1, s21  }
0x28: {  	p0 =	sne.s32 s21, $0x7B;
	s21 =	sadd.s32 $0x3, s22;
	s25 =	smul.u32 $0x320, s22  }
0x29: {  	s26 =	smul.u32 $0xC800, s22;
	_ =	swait.ge [sflag:s21], $0x3200  }
0x2a: {  	s28 =	sand.u32 $0x1, s20;
	s20 =	smov.u32 s23;
	[sflag:s21] =	ssyncset.done $0x0  }
0x2b: {  	s23 =	smul.u32 $0xC800, s28;
	[sflag:s21] =	ssyncadd.s32 $0xFFFFCE00;
	s21 =	sadd.s32 $0x1, s28  }
0x2c: {  	s29 =	smul.u32 $0x320, s28;
	_ =	swait.ge [sflag:s21], $0xC8  }
0x2d: {  	s23 =	sshrl.u32 s23, $0x2;
	s28 =	sadd.s32 $0x3, s28;
	[sflag:s21] =	ssyncset.done $0x0  }
0x2e: {  	s29 =	sshrl.u32 s29, $0x2;
	[sflag:s21] =	ssyncadd.s32 $0xFFFFFF38;
	s21 =	sor.u32 $0x190, s23  }
0x2f: {  	[tilespmem:s21], [sflag:s28] =	stream.indirect.gather [hbm4b:s3+s11], $0x40, s29, s11, $0xb8;
	[tilespmem:$0x6590] =	vst v63  }
0x30: {  	s22 =	sadd.s32 $0x1, s22;
	s23 =	sshrl.u32 s25, $0x2;
	s21 =	sshrl.u32 s26, $0x2  }
0x31: {  	[tilespmem:s23], [sflag:s22] =	stream.linear.gather [hbm4b:s18+s2], $0xC8, $0x38;
	[tilespmem:$0x6590] =	vst v63  }
.Ltmp0:
0x32: {  	_ = 	snop;
	(pc) =	sbr.rel @p0 .LBB2_2-.Ltmp0, $4  }
0x33: {  	s21 =	sor.u32 $0x190, s21  }
0x34: {  	[hbm4b:s19+s2] =	stream.linear.scatter [tilespmem:s21], [sflag:$0x5], $0x3200, $0x38;
	[tilespmem:$0x6590] =	vst v63  }
0x35: {  	s18 =	sadd.s32 $0x19, s18;
	s22 =	sadd.s32 $0xFFFFFFFF, s20;
	_ =	swait.ge [sflag:s13], $0x3200  }
0x36: {  	s19 =	sadd.s32 $0x640, s19;
	s21 =	smov.u32 s24;
	[sflag:s13] =	ssyncset.done $0x0  }
0x37: {  	s21 =	sand.u32 $0x1, s22  }
0x38: {  	[sflag:s13] =	ssyncadd.s32 $0xFFFFCE00;
	s22 =	sadd.s32 $0x3, s21  }
0x39: {  	s23 =	smul.u32 $0x320, s21;
	_ =	swait.ge [sflag:s22], $0x3200  }
0x3a: {  	s20 =	sand.u32 $0x1, s20;
	s24 =	smul.u32 $0xC800, s21;
	[sflag:s22] =	ssyncset.done $0x0  }
0x3b: {  	s25 =	sadd.s32 $0x1, s20;
	s26 =	smul.u32 $0xC800, s20;
	[sflag:s22] =	ssyncadd.s32 $0xFFFFCE00  }
0x3c: {  	s28 =	smul.u32 $0x320, s20;
	_ =	swait.ge [sflag:s25], $0xC8  }
0x3d: {  	s20 =	sadd.s32 $0x3, s20;
	s26 =	sshrl.u32 s26, $0x2;
	[sflag:s25] =	ssyncset.done $0x0  }
0x3e: {  	s28 =	sshrl.u32 s28, $0x2;
	s29 =	sor.u32 $0x190, s26;
	[sflag:s25] =	ssyncadd.s32 $0xFFFFFF38  }
0x3f: {  	[tilespmem:s29], [sflag:s20] =	stream.indirect.gather [hbm4b:s3+s11], $0x40, s28, s11, $0xb8;
	[tilespmem:$0x6590] =	vst v63  }
0x40: {  	s21 =	sadd.s32 $0x1, s21;
	s30 =	sshrl.u32 s24, $0x2;
	s23 =	sshrl.u32 s23, $0x2  }
0x41: {  	[tilespmem:s23], [sflag:s21] =	stream.linear.gather [hbm4b:s18+s2], $0xC8, $0x38;
	[tilespmem:$0x6590] =	vst v63  }
0x42: {  	s31 =	sor.u32 $0x190, s30  }
0x43: {  	[hbm4b:s19+s2] =	stream.linear.scatter [tilespmem:s31], [sflag:$0x5], $0x3200, $0x38;
	[tilespmem:$0x6590] =	vst v63  }
0x44: {  	_ =	swait.ge [sflag:s13], $0x3200  }
0x45: {  	[sflag:s13] =	ssyncset.done $0x0  }
0x46: {  	[sflag:s13] =	ssyncadd.s32 $0xFFFFCE00  }
0x47: {  	_ =	swait.ge [sflag:s14], $0x3200  }
0x48: {  	[sflag:s14] =	ssyncset.done $0x0  }
0x49: {  	[sflag:s14] =	ssyncadd.s32 $0xFFFFCE00  }
0x4a: {  	_ =	swait.ge [sflag:s21], $0xC8  }
0x4b: {  	[sflag:s21] =	ssyncset.done $0x0  }
0x4c: {  	[sflag:s21] =	ssyncadd.s32 $0xFFFFFF38  }
0x4d: {  	[tilespmem:s31], [sflag:s22] =	stream.indirect.gather [hbm4b:s3+s11], $0x40, s23, s11, $0xb8;
	[tilespmem:$0x6590] =	vst v63  }
0x4e: {  	_ = 	snop  }
0x4f: {  	[hbm4b:s8+s2] =	stream.linear.scatter [tilespmem:s15], [sflag:$0x5], $0x3200, $0x38;
	[tilespmem:$0x6590] =	vst v63  }
0x50: {  	_ =	swait.ge [sflag:s13], $0x3200  }
0x51: {  	[sflag:s13] =	ssyncset.done $0x0  }
0x52: {  	[sflag:s13] =	ssyncadd.s32 $0xFFFFCE00  }
0x53: {  	s17 =	sadd.s32 $0x1, s17;
	_ =	swait.ge [sflag:s16], $0x3200  }
0x54: {  	p0 =	sne.s32 s17, s6;
	[sflag:s16] =	ssyncset.done $0x0  }
.Ltmp1:
0x55: {  	[sflag:s16] =	ssyncadd.s32 $0xFFFFCE00;
	(pc) =	sbr.rel @p0 .LBB2_1-.Ltmp1, $4  }
0x56: {  	[hbm4b:s7+s2] =	stream.linear.scatter [tilespmem:s12], [sflag:$0x5], $0x3200, $0x38;
	[tilespmem:$0x6590] =	vst v63  }
0x57: {  	_ =	swait.ge [sflag:s13], $0x3200  }
0x58: {  	[sflag:s13] =	ssyncset.done $0x0  }
0x59: {  	[sflag:s13] =	ssyncadd.s32 $0xFFFFCE00  }
0x5a: {  	_ =	sfence.sel $0x180000  }
0x5b: {  	[bflag:$0x0] =	sbarrier.arrive $0xFFFF  }
0x5c: {  	p0 =	sne.s32 s1, $0x0;
	_ =	strace $0x90000050  }
0x5d: {  	s0 =	sadd.s32 @!p0 $0x100000, s0;
	[bflag:$0x2] =	sbarrier.arrive $0xFFFF  }
0x5e: {  	[sflag:s0] =	ssyncadd.tile.s32 @!p0 $0x1;
	_ =	shalt  }
.Lfunc_end2:
_tile_overlayer_lowered:
.L_overlay_start_2:
0x5f: {  	(tag) =	ssettag $0x2  }
0x60: {  	s0 =	rddreg [dreg:$0x0];
	s2 =	stileid.u32  }
0x61: {  	s1 =	rddreg [dreg:$0x1];
	p0 =	sne.s32 s2, $0x0  }
0x62: {  	s3 =	rddreg [dreg:$0x2];
	[bflag:$0x3] =	sbarrier.arrive $0xFFFF;
	s2 =	simm.s32 @!p0 $0x1C05  }
0x63: {  	[timem:s3], [sflag:s2] =	dma.local @!p0 [hbm:s0], s1  }
0x64: {  	s0 =	simm.s32 @!p0 $0x5  }
0x65: {  	_ =	swait.ge @!p0 [sflag:s0], s1  }
0x66: {  	s1 =	ssub.s32 @!p0 $0x0, s1;
	[sflag:s0] =	ssyncset.done @!p0 $0x0  }
0x67: {  	[sflag:s0] =	ssyncadd.s32 @!p0 s1  }
0x68: {  	[bflag:$0x3] =	sbarrier.arrive $0xFFFF  }
0x69: {  	_ =	shalt  }

// kernel: kernel.31.cloned.1.call-start
scs
__scs_entry_jumppad:
0x0: {  	(pc) =	sbr.rel $0x88, $3  }
0x1: {  	(tag) =	ssettag $0x0;
	lr =	simm.s32 $0x1  }
0x2: {  	[smem:$0x3F8B] =	sst lr;
	_ =	strace $0xD0000000  }
0x3: {  	_ = 	snop  }
0x4: {  	_ = 	snop  }
0x5: {  	_ = 	snop  }
0x6: {  	_ = 	snop  }
0x7: {  	_ = 	snop  }
__scs_overlays_trampoline_lowered:
0x8: {  	[smem:$0x3F9A] =	sst s0  }
0x9: {  	[smem:$0x3F9B] =	sst s1  }
0xa: {  	[smem:$0x3F9C] =	sst s2  }
0xb: {  	[smem:$0x3F9D] =	sst s3  }
0xc: {  	[smem:$0x3F9E] =	sst s4  }
0xd: {  	[smem:$0x3F9F] =	sst s5  }
0xe: {  	[smem:$0x3FA0] =	sst s6  }
0xf: {  	[smem:$0x3FA1] =	sst s7  }
0x10: {  	[smem:$0x3FA2] =	sst s8  }
0x11: {  	[smem:$0x3FA3] =	sst s9;
	s0 =	simm.s32 @!p0 $0x0  }
0x12: {  	s1 =	sld [smem:$0x3F89];
	s0 =	simm.s32 @p0 $0x1  }
0x13: {  	[smem:$0x3FA4] =	sst s0;
	s0 =	simm.s32 @!p1 $0x0  }
0x14: {  	s2 =	sld [smem:$0x3F88];
	s0 =	simm.s32 @p1 $0x1  }
0x15: {  	[smem:$0x3FA5] =	sst s0;
	s0 =	simm.s32 @!p2 $0x0  }
0x16: {  	s3 =	sld [smem:$0x3FDB];
	s0 =	simm.s32 @p2 $0x1  }
0x17: {  	s4 =	simm.s32 $0x1BF5;
	[smem:$0x3FA7] =	sst s0  }
0x18: {  	s0 =	sld [smem:$0x3F8A];
	_ =	swait.ge [sflag:s4], $0x0  }
0x19: {  	s7 =	sld [smem:$0x3F8B]  }
0x1a: {  	s8 =	sadd.s32 $0xFFFFE003, lr  }
0x1b: {  	s9 =	sadd.s32 $0xFFFFFEF7, lr;
	s5 =	simm.s32 $0xFFFFFFFF;
	p2 =	slt.u32 s8, $0xFFFFF086  }
0x1c: {  	p1 =	slt.u32 s9, $0xF7A;
	s5 =	simm.s32 @!p2 $0x0  }
0x1d: {  	s5 =	simm.s32 @p1 $0x1;
	p0 =	seq.s32 s7, s2  }
0x1e: {  	s7 =	smul.u32 @!p0 $0xF7A, s2;
	p2 =	seq.s32 @!p0 s5, $0x0  }
0x1f: {  	s9 =	smul.u32 $0xF7A, s1;
	s8 =	simm.s32 @!p0 $0x1BF5;
	p2 =	por !p2, p0  }
0x20: {  	[sflag:s8] =	ssyncset.s32 @!p0 $0xFFFFF086;
	s6 =	sadd.s32 @!p0 s3, s7;
	s7 =	simm.s32 @!p0 $0x108  }
0x21: {  	s3 =	sadd.s32 s3, s9;
	s6 =	sadd.s32 @!p0 $0x88, s6;
	s7 =	simm.s32 @p2 $0x1082  }
0x22: {  	[simem:s7], [sflag:s8] =	dma.local @!p0 [hbm:s6], $0xF7A  }
0x23: {  	s9 =	sor.u32 $0xD0000000, s2;
	s6 =	simm.s32 $0x108;
	_ =	swait.ge @!p0 [sflag:s8], $0x0  }
0x24: {  	s3 =	sadd.s32 $0x88, s3;
	s6 =	simm.s32 @!p1 $0x1082;
	[sflag:s4] =	ssyncset.s32 $0xFFFFF086  }
0x25: {  	[simem:s6], [sflag:s4] =	dma.local [hbm:s3], $0xF7A  }
0x26: {  	[smem:$0x3F8B] =	sst s1;
	(tag) =	ssettag s2;
	_ =	strace s9  }
0x27: {  	s1 =	sld [smem:$0x3F9B]  }
0x28: {  	s2 =	sld [smem:$0x3F9C]  }
0x29: {  	s4 =	sld [smem:$0x3F9E]  }
0x2a: {  	p0 =	seq.s32 s5, $0x0;
	s5 =	sld [smem:$0x3F9F]  }
0x2b: {  	s6 =	sld [smem:$0x3FA0]  }
0x2c: {  	s7 =	sld [smem:$0x3FA1]  }
0x2d: {  	s3 =	simm.s32 $0x108;
	s8 =	sld [smem:$0x3FA2]  }
0x2e: {  	s3 =	simm.s32 @!p0 $0x1082;
	s9 =	sld [smem:$0x3FA3]  }
0x2f: {  	lr =	sadd.s32 s0, s3;
	s0 =	sld [smem:$0x3F9A]  }
0x30: {  	s3 =	sld [smem:$0x3F9D]  }
0x31: {  	[smem:$0x3FA6] =	sst s10  }
0x32: {  	s10 =	sld [smem:$0x3FA4];
	_ =	sdelay $0x3  }
0x33: {  	p0 =	seq.s32 s10, $0x1;
	s10 =	sld [smem:$0x3FA6];
	_ =	sdelay $0x3  }
0x34: {  	[smem:$0x3FA6] =	sst s10  }
0x35: {  	s10 =	sld [smem:$0x3FA5];
	_ =	sdelay $0x3  }
0x36: {  	p1 =	seq.s32 s10, $0x1;
	s10 =	sld [smem:$0x3FA6];
	_ =	sdelay $0x3  }
0x37: {  	[smem:$0x3FA6] =	sst s10  }
0x38: {  	s10 =	sld [smem:$0x3FA7]  }
0x39: {  	_ = 	snop;
	(pc) =	sbr.ind lr, $3  }
0x3a: {  	_ = 	snop  }
0x3b: {  	_ = 	snop  }
0x3c: {  	p2 =	seq.s32 s10, $0x1;
	s10 =	sld [smem:$0x3FA6]  }
0x3d: {  	_ =	shalt  }
0x3e: {  	_ =	shalt  }
0x3f: {  	_ =	shalt  }
0x40: {  	_ =	shalt  }
0x41: {  	_ =	shalt  }
0x42: {  	_ =	shalt  }
0x43: {  	_ =	shalt  }
0x44: {  	_ =	shalt  }
0x45: {  	_ =	shalt  }
0x46: {  	_ =	shalt  }
0x47: {  	_ =	shalt  }
0x48: {  	_ =	shalt  }
0x49: {  	_ =	shalt  }
0x4a: {  	_ =	shalt  }
0x4b: {  	_ =	shalt  }
0x4c: {  	_ =	shalt  }
0x4d: {  	_ =	shalt  }
0x4e: {  	_ =	shalt  }
0x4f: {  	_ =	shalt  }
0x50: {  	_ =	shalt  }
0x51: {  	_ =	shalt  }
0x52: {  	_ =	shalt  }
0x53: {  	_ =	shalt  }
0x54: {  	_ =	shalt  }
0x55: {  	_ =	shalt  }
0x56: {  	_ =	shalt  }
0x57: {  	_ =	shalt  }
0x58: {  	_ =	shalt  }
0x59: {  	_ =	shalt  }
0x5a: {  	_ =	shalt  }
0x5b: {  	_ =	shalt  }
0x5c: {  	_ =	shalt  }
0x5d: {  	_ =	shalt  }
0x5e: {  	_ =	shalt  }
0x5f: {  	_ =	shalt  }
0x60: {  	_ =	shalt  }
0x61: {  	_ =	shalt  }
0x62: {  	_ =	shalt  }
0x63: {  	_ =	shalt  }
0x64: {  	_ =	shalt  }
0x65: {  	_ =	shalt  }
0x66: {  	_ =	shalt  }
0x67: {  	_ =	shalt  }
0x68: {  	_ =	shalt  }
0x69: {  	_ =	shalt  }
0x6a: {  	_ =	shalt  }
0x6b: {  	_ =	shalt  }
0x6c: {  	_ =	shalt  }
0x6d: {  	_ =	shalt  }
0x6e: {  	_ =	shalt  }
0x6f: {  	_ =	shalt  }
0x70: {  	_ =	shalt  }
0x71: {  	_ =	shalt  }
0x72: {  	_ =	shalt  }
0x73: {  	_ =	shalt  }
0x74: {  	_ =	shalt  }
0x75: {  	_ =	shalt  }
0x76: {  	_ =	shalt  }
0x77: {  	_ =	shalt  }
0x78: {  	_ =	shalt  }
0x79: {  	_ =	shalt  }
0x7a: {  	_ =	shalt  }
0x7b: {  	_ =	shalt  }
0x7c: {  	_ =	shalt  }
0x7d: {  	_ =	shalt  }
0x7e: {  	_ =	shalt  }
0x7f: {  	_ =	shalt  }
0x80: {  	_ =	shalt  }
0x81: {  	_ =	shalt  }
0x82: {  	_ =	shalt  }
0x83: {  	_ =	shalt  }
0x84: {  	_ =	shalt  }
0x85: {  	_ =	shalt  }
0x86: {  	_ =	shalt  }
0x87: {  	_ =	shalt  }
.Lfunc_end0:
.L_simem_size_0:
called_computation.4_lowered:
.L_overlay_start_0:
0x88: {  	s2 =	sld [smem:$0x3FD9]  }
0x89: {  	s3 =	sld [smem:$0x3FFE];
	_ =	sdelay $0x1  }
0x8a: {  	s1 =	srdreg.scid  }
0x8b: {  	s0 =	sand.u32 $0x1, s1  }
0x8c: {  	s14 =	sshll.u32 s0, $0xA;
	s2 =	sadd.s32 s3, s2  }
0x8d: {  	s2 =	sadd.s32 s2, s14  }
0x8e: {  	[smem:$0x3FB2] =	sst s2  }
0x8f: {  	_ = 	snop  }
0x90: {  	s2 =	sld [smem:$0x3FD0];
	_ =	sdelay $0x2  }
0x91: {  	s15 =	simm.s32 $0xB;
	s4 =	simm.s32 $0x10  }
0x92: {  	[smem:s4], [sflag:s15] =	dma.local [hbm:s2], $0x1  }
0x93: {  	_ =	swait.eq [sflag:s15], $0x1  }
0x94: {  	[sflag:s15] =	ssyncset.done $0x0  }
0x95: {  	[sflag:s15] =	ssyncadd.s32 $0xFFFFFFFF  }
0x96: {  	s16 =	sld [smem:$0x10];
	(tm) =	ssettm $0x1  }
0x97: {  	s17 =	sld [smem:$0x3FFB];
	_ =	sdelay $0x3  }
0x98: {  	_ =	strace s17  }
0x99: {  	s3 =	sld [smem:$0x3FFC];
	_ =	sdelay $0x3  }
0x9a: {  	_ =	strace s3  }
0x9b: {  	s3 =	sld [smem:$0x3FFD];
	_ =	sdelay $0x3  }
0x9c: {  	_ =	strace s3  }
0x9d: {  	_ =	strace $0x8FFFFFFF  }
0x9e: {  	s18 =	sld [smem:$0x3FDB];
	_ =	sdelay $0x1  }
0x9f: {  	s19 =	simm.s32 $_scs_section_size  }
0xa0: {  	s5 =	simm.s32 $_size__tile_overlayer_lowered;
	s6 =	simm.s32 $_tile_overlayer_lowered  }
0xa1: {  	s22 =	simm.s32 $0x1BFF;
	s21 =	sshll.u32 s6, $0x1;
	s3 =	sadd.s32 s19, s18  }
0xa2: {  	s7 =	simm.s32 $0x0;
	s20 =	sshll.u32 s5, $0x1;
	s5 =	sadd.s32 s21, s3  }
0xa3: {  	[timem:s7], [sflag:s22] =	dma.local [hbm:s5], s20  }
0xa4: {  	_ =	swait.ge [sflag:s22], s20  }
0xa5: {  	s4 =	ssub.s32 $0x0, s20;
	[sflag:s22] =	ssyncset.done $0x0  }
0xa6: {  	[sflag:s22] =	ssyncadd.s32 s4;
	_ =	sdelay $0x1  }
0xa7: {  	s23 =	simm.s32 $0x1B8B  }
0xa8: {  	_ =	swait.ge [sflag:s23], $0x1  }
0xa9: {  	[sflag:s23] =	ssyncset.done $0x0  }
0xaa: {  	s25 =	simm.s32 $0x1B8E;
	s24 =	sld [smem:$0x3FFE];
	[sflag:s23] =	ssyncadd.s32 $0xFFFFFFFF  }
0xab: {  	s26 =	simm.s32 $execute0_lowered;
	[smem:$0x3FD2] =	sst s25  }
0xac: {  	s5 =	sshll.u32 s26, $0x1;
	_ =	strace $0x80000052;
	[dreg:$0x1] =	wrdreg $0xFFFFFFFF  }
0xad: {  	s28 =	simm.s32 $_size_execute0_lowered;
	s3 =	sadd.s32 s3, s5;
	[dreg:$0x0] =	wrdreg $0x0  }
0xae: {  	s5 =	sshll.u32 s28, $0x1;
	[dreg:$0x2] =	wrdreg s3  }
0xaf: {  	[dreg:$0x3] =	wrdreg s5  }
0xb0: {  	[dreg:$0x4] =	wrdreg $0xC0  }
0xb1: {  	_ =	task [dreg:s7], $0x5FFFF  }
0xb2: {  	[dreg:$0x1] =	wrdreg $0xFFFFFFFF  }
0xb3: {  	[dreg:$0x0] =	wrdreg $0x60  }
0xb4: {  	[dreg:$0x2] =	wrdreg s24  }
0xb5: {  	[dreg:$0x3] =	wrdreg s16  }
0xb6: {  	[dreg:$0x4] =	wrdreg $0x67200  }
0xb7: {  	[dreg:$0x5] =	wrdreg $0x9  }
0xb8: {  	_ =	task.clear_ibuf [dreg:s7], $0x6FFFF;
	_ =	strace $0x90000052  }
0xb9: {  	s29 =	simm.s32 $0x9;
	_ =	strace $0x80000054  }
0xba: {  	_ =	swait.ge [sflag:s29], $0x1  }
0xbb: {  	[sflag:s29] =	ssyncadd.s32 $0xFFFFFFFF  }
0xbc: {  	_ =	strace $0x90000054  }
0xbd: {  	_ =	sfence  }
0xbe: {  	s30 =	sld [smem:$0x0];
	_ =	sdelay $0x2  }
0xbf: {  	s31 =	sshll.u32 s1, $0xD;
	s1 =	sshrl.u32 s1, $0x2  }
0xc0: {  	s3 =	sand.u32 $0x4000, s31;
	s1 =	sadd.s32 s1, s30  }
0xc1: {  	s0 =	sor.u32 s3, s0;
	s1 =	sshll.u32 s1, $0x11  }
0xc2: {  	s0 =	sor.u32 s1, s0  }
0xc3: {  	s0 =	sadd.s32 $0x8F2B, s0  }
0xc4: {  	[sflag:s0] =	ssyncadd.remote.s32 $0x1  }
0xc5: {  	_ =	sfence.sel $0xFFFF  }
0xc6: {  	[dreg:$0x0] =	wrdreg $0xFFFFFFFF;
	(pc) =	sbr.abs _section_cstart, $3  }
0xc7: {  	[dreg:$0x1] =	wrdreg $0xFFFFFFFF  }
0xc8: {  	_ =	task.clear_ibuf [dreg:s7], $0x2FFFF;
	_ =	strace $0x9FFFFFFF  }
0xc9: {  	(tm) =	ssettm $0x7FFFFFFF  }
tec
execute0_lowered:
.L_overlay_start_1:
0x0: {  	(tag) =	ssettag $0x1  }
0x1: {  	s6 =	rddreg [dreg:$0x0]  }
0x2: {  	s2 =	rddreg [dreg:$0x1]  }
0x3: {  	s3 =	rddreg [dreg:$0x2]  }
0x4: {  	s5 =	srdreg.scid;
	s1 =	stileid.u32;
	s4 =	simm.s32 $0x0  }
0x5: {  	s15 =	simm.s32 $0x20;
	s16 =	simm.s32 $0x40;
	s17 =	simm.s32 $0x320  }
0x6: {  	s18 =	simm.s32 $0x190;
	s19 =	simm.s32 $0x1;
	s8 =	smul.u32 $0x18700, s1  }
0x7: {  	s20 =	simm.s32 $0x3;
	s21 =	simm.s32 $0x0;
	s13 =	smul.u32 $0x30D400, s1  }
0x8: {  	s7 =	sand.u32 $0x1, s5;
	[smem:$0x7FF] =	sst s4;
	s26 =	smul.u32 $0xC350, s1  }
0x9: {  	s5 =	sadd.s32 $0x408000, s6;
	s10 =	sadd.s32 $0x1E600, s6;
	s31 =	smul.u32 $0x186A, s1  }
0xa: {  	s29 =	sshll.u32 s1, $0x6;
	s9 =	smul.u32 $0x187000, s7;
	s11 =	ssub.s32 $0x2, s7  }
0xb: {  	_ =	strace $0x80000053;
	s25 =	sshll.u32 s7, $0x5;
	s12 =	sshrl.u32 s11, $0x1  }
0xc: {  	s14 =	sadd.s32 s8, s3;
	s28 =	sor.u32 s25, s13;
	s13 =	sadd.s32 s31, s10  }
0xd: {  	s9 =	sadd.s32 s8, s9;
	s11 =	ssub.s32 s11, s12;
	s30 =	sshrl.u32 s28, $0x3  }
0xe: {  	s8 =	sshrl.u32 s26, $0x3;
	s12 =	sadd.s32 $0x6400, s28;
	s9 =	sshrl.u32 s9, $0x3  }
0xf: {  	s7 =	sadd.s32 s5, s30;
	s8 =	sadd.s32 s10, s8;
	s10 =	smax.u32 s11, $0x1  }
0x10: {  	s11 =	sadd.s32 $0x32, s13;
	s13 =	sshrl.u32 s14, $0x3;
	s9 =	sadd.s32 s9, s6  }
0x11: {  	s14 =	simm.s32 $0x5;
	s6 =	sor.u32 $0x1C05, s29;
	s9 =	sadd.s32 $0x36E00, s9  }
.LBB2_1:
0x12: {  	[spmem:s13], [sflag:s6] =	dma.local [hbm:s2], $0x30E0  }
0x13: {  	_ =	swait.ge [sflag:s14], $0x30E0  }
0x14: {  	[sflag:s14] =	ssyncset.done $0x0  }
0x15: {  	s22 =	sand.u32 $0x1, s19;
	[sflag:s14] =	ssyncadd.s32 $0xFFFFCF20  }
0x16: {  	s25 =	simm.s32 $0x0;
	s23 =	smul.u32 $0xC800, s22;
	[bflag:$0x0] =	sbarrier.arrive $0xFFFF  }
0x17: {  	[tilespmem:s17], [sflag:$0x1] =	stream.strided.gather [hbm4b:s7+s15], $0x3200, s16, s15, $0x38;
	[tilespmem:$0x1EE20] =	vst v63  }
0x18: {  	s26 =	sshrl.u32 s12, $0x3;
	s24 =	sadd.s32 $0x1, s22;
	s23 =	sshrl.u32 s23, $0x2  }
0x19: {  	[tilespmem:s4], [sflag:$0x3] =	stream.linear.gather [hbm4b:s8+s4], $0x190, $0x38;
	[tilespmem:$0x1EE20] =	vst v63  }
0x1a: {  	s28 =	smul.u32 $0x640, s22;
	s26 =	sadd.s32 s5, s26;
	s23 =	sadd.s32 $0x320, s23  }
0x1b: {  	[tilespmem:s23], [sflag:s24] =	stream.strided.gather [hbm4b:s26+s15], $0x3200, s16, s15, $0x38;
	[tilespmem:$0x1EE20] =	vst v63  }
0x1c: {  	s0 =	simm.s32 $0x2;
	s22 =	sadd.s32 $0x3, s22;
	s23 =	sand.u32 $0x1, s25  }
0x1d: {  	s25 =	sshrl.u32 s28, $0x2;
	s26 =	sadd.s32 $0x1, s23;
	s31 =	smul.u32 $0xC800, s23  }
0x1e: {  	[tilespmem:s25], [sflag:s22] =	stream.linear.gather [hbm4b:s11+s4], $0x190, $0x38;
	[tilespmem:$0x1EE20] =	vst v63  }
0x1f: {  	s24 =	sand.u32 $0x1, s0;
	s28 =	smul.u32 $0x640, s23;
	_ =	swait.ge [sflag:s26], $0x3200  }
0x20: {  	s30 =	smul.u32 $0xC800, s24;
	[sflag:s26] =	ssyncset.done $0x0  }
0x21: {  	s23 =	sadd.s32 $0x3, s23;
	s29 =	smul.u32 $0x640, s24;
	[sflag:s26] =	ssyncadd.s32 $0xFFFFCE00  }
0x22: {  	s25 =	simm.s32 $0x3;
	s22 =	sadd.s32 $0x32, s11;
	_ =	swait.ge [sflag:s23], $0x190  }
0x23: {  	s28 =	sshrl.u32 s28, $0x2;
	s26 =	sshrl.u32 s31, $0x2;
	[sflag:s23] =	ssyncset.done $0x0  }
0x24: {  	s26 =	sadd.s32 $0x320, s26;
	[sflag:s23] =	ssyncadd.s32 $0xFFFFFE70;
	s23 =	sadd.s32 $0x6400, s12  }
0x25: {  	[spmem:s3] =	stream.indirect.scatter.add.f32 [tilespmem:s26], [sflag:$0x5], $0x20, s28, s18, $0xb8;
	[tilespmem:$0x1EE20] =	vst v63  }
0x26: {  	s26 =	sadd.s32 $0x1, s24;
	s28 =	simm.s32 $0x1;
	_ =	swait.ge [sflag:s14], $0x3200  }
.LBB2_2:
0x27: {  	s30 =	sshrl.u32 s30, $0x2;
	s31 =	sshrl.u32 s23, $0x3  }
0x28: {  	[sflag:s14] =	ssyncset.done $0x0;
	s0 =	smov.u32 s25;
	s24 =	sadd.s32 $0x3, s24  }
0x29: {  	s30 =	sadd.s32 $0x320, s30;
	s31 =	sadd.s32 s5, s31;
	[sflag:s14] =	ssyncadd.s32 $0xFFFFCE00  }
0x2a: {  	[tilespmem:s30], [sflag:s26] =	stream.strided.gather [hbm4b:s31+s15], $0x3200, s16, s15, $0x38;
	[tilespmem:$0x1EE20] =	vst v63  }
0x2b: {  	p0 =	sne.s32 s25, $0x7C;
	s26 =	sand.u32 $0x1, s28;
	s28 =	sshrl.u32 s29, $0x2  }
0x2c: {  	[tilespmem:s28], [sflag:s24] =	stream.linear.gather [hbm4b:s22+s4], $0x190, $0x38;
	[tilespmem:$0x1EE20] =	vst v63  }
0x2d: {  	s31 =	sadd.s32 $0x1, s25;
	s24 =	sadd.s32 $0x1, s26;
	s28 =	smul.u32 $0xC800, s26  }
0x2e: {  	s23 =	sadd.s32 $0x6400, s23;
	s25 =	smul.u32 $0x640, s26;
	_ =	swait.ge [sflag:s24], $0x3200  }
0x2f: {  	s29 =	sadd.s32 $0x3, s26;
	s28 =	sshrl.u32 s28, $0x2;
	[sflag:s24] =	ssyncset.done $0x0  }
0x30: {  	s22 =	sadd.s32 $0x32, s22;
	s25 =	sshrl.u32 s25, $0x2;
	[sflag:s24] =	ssyncadd.s32 $0xFFFFCE00  }
.Ltmp0:
0x31: {  	s24 =	sand.u32 $0x1, s0;
	_ =	swait.ge [sflag:s29], $0x190;
	(pc) =	sbr.rel @p0 .LBB2_2-.Ltmp0, $4  }
0x32: {  	s28 =	sadd.s32 $0x320, s28;
	s30 =	smul.u32 $0xC800, s24;
	[sflag:s29] =	ssyncset.done $0x0  }
0x33: {  	s26 =	sadd.s32 $0x1, s24;
	[sflag:s29] =	ssyncadd.s32 $0xFFFFFE70;
	s29 =	smul.u32 $0x640, s24  }
0x34: {  	[spmem:s3] =	stream.indirect.scatter.add.f32 [tilespmem:s28], [sflag:$0x5], $0x20, s25, s18, $0xb8;
	[tilespmem:$0x1EE20] =	vst v63  }
0x35: {  	s28 =	sadd.s32 $0xFFFFFFFF, s0;
	s25 =	smov.u32 s31;
	_ =	swait.ge [sflag:s14], $0x3200  }
0x36: {  	s0 =	sshrl.u32 s30, $0x2  }
0x37: {  	s23 =	sshrl.u32 s23, $0x3;
	[sflag:s14] =	ssyncset.done $0x0;
	s25 =	sand.u32 $0x1, s28  }
0x38: {  	s0 =	sadd.s32 $0x320, s0;
	s23 =	sadd.s32 s5, s23;
	[sflag:s14] =	ssyncadd.s32 $0xFFFFCE00  }
0x39: {  	[tilespmem:s0], [sflag:s26] =	stream.strided.gather [hbm4b:s23+s15], $0x3200, s16, s15, $0x38;
	[tilespmem:$0x1EE20] =	vst v63  }
0x3a: {  	s24 =	sadd.s32 $0x3, s24;
	s28 =	sadd.s32 $0x1, s25;
	s26 =	sshrl.u32 s29, $0x2  }
0x3b: {  	[tilespmem:s26], [sflag:s24] =	stream.linear.gather [hbm4b:s22+s4], $0x190, $0x38;
	[tilespmem:$0x1EE20] =	vst v63  }
0x3c: {  	_ =	swait.ge [sflag:s28], $0x3200  }
0x3d: {  	[sflag:s28] =	ssyncset.done $0x0  }
0x3e: {  	s30 =	sadd.s32 $0x3, s25;
	s29 =	smul.u32 $0xC800, s25;
	[sflag:s28] =	ssyncadd.s32 $0xFFFFCE00  }
0x3f: {  	s0 =	smul.u32 $0x640, s25;
	_ =	swait.ge [sflag:s30], $0x190  }
0x40: {  	s31 =	sshrl.u32 s29, $0x2;
	[sflag:s30] =	ssyncset.done $0x0  }
0x41: {  	s0 =	sshrl.u32 s0, $0x2;
	s22 =	sadd.s32 $0x320, s31;
	[sflag:s30] =	ssyncadd.s32 $0xFFFFFE70  }
0x42: {  	[spmem:s3] =	stream.indirect.scatter.add.f32 [tilespmem:s22], [sflag:$0x5], $0x20, s0, s18, $0xb8;
	[tilespmem:$0x1EE20] =	vst v63  }
0x43: {  	_ =	swait.ge [sflag:s14], $0x3200  }
0x44: {  	[sflag:s14] =	ssyncset.done $0x0  }
0x45: {  	[sflag:s14] =	ssyncadd.s32 $0xFFFFCE00  }
0x46: {  	_ =	swait.ge [sflag:s19], $0x3200  }
0x47: {  	[sflag:s19] =	ssyncset.done $0x0  }
0x48: {  	[sflag:s19] =	ssyncadd.s32 $0xFFFFCE00  }
0x49: {  	_ =	swait.ge [sflag:s20], $0x190  }
0x4a: {  	[sflag:s20] =	ssyncset.done $0x0  }
0x4b: {  	[sflag:s20] =	ssyncadd.s32 $0xFFFFFE70  }
0x4c: {  	[spmem:s3] =	stream.indirect.scatter.add.f32 [tilespmem:s17], [sflag:$0x5], $0x20, s4, s18, $0xb8;
	[tilespmem:$0x1EE20] =	vst v63  }
0x4d: {  	_ =	swait.ge [sflag:s14], $0x3200  }
0x4e: {  	s21 =	sadd.s32 $0x1, s21;
	[sflag:s14] =	ssyncset.done $0x0  }
0x4f: {  	p0 =	sne.s32 s21, s10;
	[sflag:s14] =	ssyncadd.s32 $0xFFFFCE00  }
.Ltmp1:
0x50: {  	[bflag:$0x0] =	sbarrier.arrive $0xFFFF;
	(pc) =	sbr.rel @p0 .LBB2_1-.Ltmp1, $4  }
0x51: {  	[hbm:s9], [sflag:s6] =	dma.local [spmem:s13], $0x30E0  }
0x52: {  	_ =	swait.ge [sflag:s14], $0x30E0  }
0x53: {  	[sflag:s14] =	ssyncset.done $0x0  }
0x54: {  	[sflag:s14] =	ssyncadd.s32 $0xFFFFCF20  }
0x55: {  	_ =	sfence.sel $0x180000  }
0x56: {  	[bflag:$0x0] =	sbarrier.arrive $0xFFFF  }
0x57: {  	_ =	strace $0x90000053  }
0x58: {  	[bflag:$0x2] =	sbarrier.arrive $0xFFFF  }
0x59: {  	p0 =	sne.s32 s1, $0x0;
	s0 =	rddreg [dreg:$0x3]  }
0x5a: {  	s0 =	sadd.s32 @!p0 $0x100000, s0  }
0x5b: {  	[sflag:s0] =	ssyncadd.tile.s32 @!p0 $0x1;
	_ =	shalt  }
.Lfunc_end2:
_tile_overlayer_lowered:
.L_overlay_start_2:
0x5c: {  	(tag) =	ssettag $0x2  }
0x5d: {  	s0 =	rddreg [dreg:$0x0];
	s2 =	stileid.u32  }
0x5e: {  	s1 =	rddreg [dreg:$0x1];
	p0 =	sne.s32 s2, $0x0  }
0x5f: {  	s3 =	rddreg [dreg:$0x2];
	[bflag:$0x3] =	sbarrier.arrive $0xFFFF;
	s2 =	simm.s32 @!p0 $0x1C05  }
0x60: {  	[timem:s3], [sflag:s2] =	dma.local @!p0 [hbm:s0], s1  }
0x61: {  	s0 =	simm.s32 @!p0 $0x5  }
0x62: {  	_ =	swait.ge @!p0 [sflag:s0], s1  }
0x63: {  	s1 =	ssub.s32 @!p0 $0x0, s1;
	[sflag:s0] =	ssyncset.done @!p0 $0x0  }
0x64: {  	[sflag:s0] =	ssyncadd.s32 @!p0 s1  }
0x65: {  	[bflag:$0x3] =	sbarrier.arrive $0xFFFF  }
0x66: {  	_ =	shalt  }

// kernel: kernel.34.cloned.1.call-start
scs
__scs_entry_jumppad:
0x0: {  	(pc) =	sbr.rel $0x88, $3  }
0x1: {  	(tag) =	ssettag $0x0;
	lr =	simm.s32 $0x1  }
0x2: {  	[smem:$0x3F8B] =	sst lr;
	_ =	strace $0xD0000000  }
0x3: {  	_ = 	snop  }
0x4: {  	_ = 	snop  }
0x5: {  	_ = 	snop  }
0x6: {  	_ = 	snop  }
0x7: {  	_ = 	snop  }
__scs_overlays_trampoline_lowered:
0x8: {  	[smem:$0x3F9A] =	sst s0  }
0x9: {  	[smem:$0x3F9B] =	sst s1  }
0xa: {  	[smem:$0x3F9C] =	sst s2  }
0xb: {  	[smem:$0x3F9D] =	sst s3  }
0xc: {  	[smem:$0x3F9E] =	sst s4  }
0xd: {  	[smem:$0x3F9F] =	sst s5  }
0xe: {  	[smem:$0x3FA0] =	sst s6  }
0xf: {  	[smem:$0x3FA1] =	sst s7  }
0x10: {  	[smem:$0x3FA2] =	sst s8  }
0x11: {  	[smem:$0x3FA3] =	sst s9;
	s0 =	simm.s32 @!p0 $0x0  }
0x12: {  	s1 =	sld [smem:$0x3F89];
	s0 =	simm.s32 @p0 $0x1  }
0x13: {  	[smem:$0x3FA4] =	sst s0;
	s0 =	simm.s32 @!p1 $0x0  }
0x14: {  	s2 =	sld [smem:$0x3F88];
	s0 =	simm.s32 @p1 $0x1  }
0x15: {  	[smem:$0x3FA5] =	sst s0;
	s0 =	simm.s32 @!p2 $0x0  }
0x16: {  	s3 =	sld [smem:$0x3FDB];
	s0 =	simm.s32 @p2 $0x1  }
0x17: {  	s4 =	simm.s32 $0x1BF5;
	[smem:$0x3FA7] =	sst s0  }
0x18: {  	s0 =	sld [smem:$0x3F8A];
	_ =	swait.ge [sflag:s4], $0x0  }
0x19: {  	s7 =	sld [smem:$0x3F8B]  }
0x1a: {  	s8 =	sadd.s32 $0xFFFFE003, lr  }
0x1b: {  	s9 =	sadd.s32 $0xFFFFFEF7, lr;
	s5 =	simm.s32 $0xFFFFFFFF;
	p2 =	slt.u32 s8, $0xFFFFF086  }
0x1c: {  	p1 =	slt.u32 s9, $0xF7A;
	s5 =	simm.s32 @!p2 $0x0  }
0x1d: {  	s5 =	simm.s32 @p1 $0x1;
	p0 =	seq.s32 s7, s2  }
0x1e: {  	s7 =	smul.u32 @!p0 $0xF7A, s2;
	p2 =	seq.s32 @!p0 s5, $0x0  }
0x1f: {  	s9 =	smul.u32 $0xF7A, s1;
	s8 =	simm.s32 @!p0 $0x1BF5;
	p2 =	por !p2, p0  }
0x20: {  	[sflag:s8] =	ssyncset.s32 @!p0 $0xFFFFF086;
	s6 =	sadd.s32 @!p0 s3, s7;
	s7 =	simm.s32 @!p0 $0x108  }
0x21: {  	s3 =	sadd.s32 s3, s9;
	s6 =	sadd.s32 @!p0 $0x88, s6;
	s7 =	simm.s32 @p2 $0x1082  }
0x22: {  	[simem:s7], [sflag:s8] =	dma.local @!p0 [hbm:s6], $0xF7A  }
0x23: {  	s9 =	sor.u32 $0xD0000000, s2;
	s6 =	simm.s32 $0x108;
	_ =	swait.ge @!p0 [sflag:s8], $0x0  }
0x24: {  	s3 =	sadd.s32 $0x88, s3;
	s6 =	simm.s32 @!p1 $0x1082;
	[sflag:s4] =	ssyncset.s32 $0xFFFFF086  }
0x25: {  	[simem:s6], [sflag:s4] =	dma.local [hbm:s3], $0xF7A  }
0x26: {  	[smem:$0x3F8B] =	sst s1;
	(tag) =	ssettag s2;
	_ =	strace s9  }
0x27: {  	s1 =	sld [smem:$0x3F9B]  }
0x28: {  	s2 =	sld [smem:$0x3F9C]  }
0x29: {  	s4 =	sld [smem:$0x3F9E]  }
0x2a: {  	p0 =	seq.s32 s5, $0x0;
	s5 =	sld [smem:$0x3F9F]  }
0x2b: {  	s6 =	sld [smem:$0x3FA0]  }
0x2c: {  	s7 =	sld [smem:$0x3FA1]  }
0x2d: {  	s3 =	simm.s32 $0x108;
	s8 =	sld [smem:$0x3FA2]  }
0x2e: {  	s3 =	simm.s32 @!p0 $0x1082;
	s9 =	sld [smem:$0x3FA3]  }
0x2f: {  	lr =	sadd.s32 s0, s3;
	s0 =	sld [smem:$0x3F9A]  }
0x30: {  	s3 =	sld [smem:$0x3F9D]  }
0x31: {  	[smem:$0x3FA6] =	sst s10  }
0x32: {  	s10 =	sld [smem:$0x3FA4];
	_ =	sdelay $0x3  }
0x33: {  	p0 =	seq.s32 s10, $0x1;
	s10 =	sld [smem:$0x3FA6];
	_ =	sdelay $0x3  }
0x34: {  	[smem:$0x3FA6] =	sst s10  }
0x35: {  	s10 =	sld [smem:$0x3FA5];
	_ =	sdelay $0x3  }
0x36: {  	p1 =	seq.s32 s10, $0x1;
	s10 =	sld [smem:$0x3FA6];
	_ =	sdelay $0x3  }
0x37: {  	[smem:$0x3FA6] =	sst s10  }
0x38: {  	s10 =	sld [smem:$0x3FA7]  }
0x39: {  	_ = 	snop;
	(pc) =	sbr.ind lr, $3  }
0x3a: {  	_ = 	snop  }
0x3b: {  	_ = 	snop  }
0x3c: {  	p2 =	seq.s32 s10, $0x1;
	s10 =	sld [smem:$0x3FA6]  }
0x3d: {  	_ =	shalt  }
0x3e: {  	_ =	shalt  }
0x3f: {  	_ =	shalt  }
0x40: {  	_ =	shalt  }
0x41: {  	_ =	shalt  }
0x42: {  	_ =	shalt  }
0x43: {  	_ =	shalt  }
0x44: {  	_ =	shalt  }
0x45: {  	_ =	shalt  }
0x46: {  	_ =	shalt  }
0x47: {  	_ =	shalt  }
0x48: {  	_ =	shalt  }
0x49: {  	_ =	shalt  }
0x4a: {  	_ =	shalt  }
0x4b: {  	_ =	shalt  }
0x4c: {  	_ =	shalt  }
0x4d: {  	_ =	shalt  }
0x4e: {  	_ =	shalt  }
0x4f: {  	_ =	shalt  }
0x50: {  	_ =	shalt  }
0x51: {  	_ =	shalt  }
0x52: {  	_ =	shalt  }
0x53: {  	_ =	shalt  }
0x54: {  	_ =	shalt  }
0x55: {  	_ =	shalt  }
0x56: {  	_ =	shalt  }
0x57: {  	_ =	shalt  }
0x58: {  	_ =	shalt  }
0x59: {  	_ =	shalt  }
0x5a: {  	_ =	shalt  }
0x5b: {  	_ =	shalt  }
0x5c: {  	_ =	shalt  }
0x5d: {  	_ =	shalt  }
0x5e: {  	_ =	shalt  }
0x5f: {  	_ =	shalt  }
0x60: {  	_ =	shalt  }
0x61: {  	_ =	shalt  }
0x62: {  	_ =	shalt  }
0x63: {  	_ =	shalt  }
0x64: {  	_ =	shalt  }
0x65: {  	_ =	shalt  }
0x66: {  	_ =	shalt  }
0x67: {  	_ =	shalt  }
0x68: {  	_ =	shalt  }
0x69: {  	_ =	shalt  }
0x6a: {  	_ =	shalt  }
0x6b: {  	_ =	shalt  }
0x6c: {  	_ =	shalt  }
0x6d: {  	_ =	shalt  }
0x6e: {  	_ =	shalt  }
0x6f: {  	_ =	shalt  }
0x70: {  	_ =	shalt  }
0x71: {  	_ =	shalt  }
0x72: {  	_ =	shalt  }
0x73: {  	_ =	shalt  }
0x74: {  	_ =	shalt  }
0x75: {  	_ =	shalt  }
0x76: {  	_ =	shalt  }
0x77: {  	_ =	shalt  }
0x78: {  	_ =	shalt  }
0x79: {  	_ =	shalt  }
0x7a: {  	_ =	shalt  }
0x7b: {  	_ =	shalt  }
0x7c: {  	_ =	shalt  }
0x7d: {  	_ =	shalt  }
0x7e: {  	_ =	shalt  }
0x7f: {  	_ =	shalt  }
0x80: {  	_ =	shalt  }
0x81: {  	_ =	shalt  }
0x82: {  	_ =	shalt  }
0x83: {  	_ =	shalt  }
0x84: {  	_ =	shalt  }
0x85: {  	_ =	shalt  }
0x86: {  	_ =	shalt  }
0x87: {  	_ =	shalt  }
.Lfunc_end0:
.L_simem_size_0:
called_computation.5_lowered:
.L_overlay_start_0:
0x88: {  	s2 =	sld [smem:$0x3FD9]  }
0x89: {  	s3 =	sld [smem:$0x3FFE];
	_ =	sdelay $0x1  }
0x8a: {  	s1 =	srdreg.scid  }
0x8b: {  	s0 =	sand.u32 $0x1, s1  }
0x8c: {  	s16 =	sshll.u32 s0, $0xA;
	s2 =	sadd.s32 s3, s2  }
0x8d: {  	s2 =	sadd.s32 s2, s16  }
0x8e: {  	[smem:$0x3FB2] =	sst s2  }
0x8f: {  	_ = 	snop  }
0x90: {  	(tm) =	ssettm $0x1  }
0x91: {  	s17 =	sld [smem:$0x3FFB];
	_ =	sdelay $0x3  }
0x92: {  	_ =	strace s17  }
0x93: {  	s2 =	sld [smem:$0x3FFC];
	_ =	sdelay $0x3  }
0x94: {  	_ =	strace s2  }
0x95: {  	s2 =	sld [smem:$0x3FFD];
	_ =	sdelay $0x3  }
0x96: {  	_ =	strace s2  }
0x97: {  	_ =	strace $0x8FFFFFFF  }
0x98: {  	s18 =	sld [smem:$0x3FDB];
	_ =	sdelay $0x1  }
0x99: {  	s19 =	simm.s32 $_scs_section_size  }
0x9a: {  	s4 =	simm.s32 $_size__tile_overlayer_lowered;
	s5 =	simm.s32 $_tile_overlayer_lowered  }
0x9b: {  	s22 =	simm.s32 $0x1BFF;
	s21 =	sshll.u32 s5, $0x1;
	s2 =	sadd.s32 s19, s18  }
0x9c: {  	s6 =	simm.s32 $0x0;
	s20 =	sshll.u32 s4, $0x1;
	s4 =	sadd.s32 s21, s2  }
0x9d: {  	[timem:s6], [sflag:s22] =	dma.local [hbm:s4], s20  }
0x9e: {  	_ =	swait.ge [sflag:s22], s20  }
0x9f: {  	s3 =	ssub.s32 $0x0, s20;
	[sflag:s22] =	ssyncset.done $0x0  }
0xa0: {  	[sflag:s22] =	ssyncadd.s32 s3;
	_ =	sdelay $0x1  }
0xa1: {  	s23 =	simm.s32 $0x1B8B  }
0xa2: {  	_ =	swait.ge [sflag:s23], $0x1  }
0xa3: {  	[sflag:s23] =	ssyncset.done $0x0  }
0xa4: {  	s25 =	simm.s32 $0x1B8E;
	s24 =	sld [smem:$0x3FFE];
	[sflag:s23] =	ssyncadd.s32 $0xFFFFFFFF  }
0xa5: {  	s26 =	simm.s32 $execute0_lowered;
	[smem:$0x3FD2] =	sst s25  }
0xa6: {  	s4 =	sshll.u32 s26, $0x1;
	_ =	strace $0x80000055;
	[dreg:$0x1] =	wrdreg $0xFFFFFFFF  }
0xa7: {  	s28 =	simm.s32 $_size_execute0_lowered;
	s2 =	sadd.s32 s2, s4;
	[dreg:$0x0] =	wrdreg $0x0  }
0xa8: {  	s4 =	sshll.u32 s28, $0x1;
	[dreg:$0x2] =	wrdreg s2  }
0xa9: {  	[dreg:$0x3] =	wrdreg s4  }
0xaa: {  	[dreg:$0x4] =	wrdreg $0xC0  }
0xab: {  	_ =	task [dreg:s6], $0x5FFFF  }
0xac: {  	[dreg:$0x1] =	wrdreg $0xFFFFFFFF  }
0xad: {  	[dreg:$0x0] =	wrdreg $0x60  }
0xae: {  	[dreg:$0x2] =	wrdreg s24  }
0xaf: {  	[dreg:$0x3] =	wrdreg $0x9  }
0xb0: {  	_ =	task.clear_ibuf [dreg:s6], $0x4FFFF;
	_ =	strace $0x90000055  }
0xb1: {  	s29 =	simm.s32 $0x9;
	_ =	strace $0x80000057  }
0xb2: {  	_ =	swait.ge [sflag:s29], $0x1  }
0xb3: {  	[sflag:s29] =	ssyncadd.s32 $0xFFFFFFFF  }
0xb4: {  	_ =	strace $0x90000057  }
0xb5: {  	_ =	sfence  }
0xb6: {  	s30 =	sld [smem:$0x0];
	_ =	sdelay $0x2  }
0xb7: {  	s31 =	sshll.u32 s1, $0xD;
	s1 =	sshrl.u32 s1, $0x2  }
0xb8: {  	s3 =	sand.u32 $0x4000, s31;
	s1 =	sadd.s32 s1, s30  }
0xb9: {  	s0 =	sor.u32 s3, s0;
	s1 =	sshll.u32 s1, $0x11  }
0xba: {  	s0 =	sor.u32 s1, s0  }
0xbb: {  	s0 =	sadd.s32 $0x8F2B, s0  }
0xbc: {  	[sflag:s0] =	ssyncadd.remote.s32 $0x1  }
0xbd: {  	_ =	sfence.sel $0xFFFF  }
0xbe: {  	[dreg:$0x0] =	wrdreg $0xFFFFFFFF;
	(pc) =	sbr.abs _section_cstart, $3  }
0xbf: {  	[dreg:$0x1] =	wrdreg $0xFFFFFFFF  }
0xc0: {  	_ =	task.clear_ibuf [dreg:s6], $0x2FFFF;
	_ =	strace $0x9FFFFFFF  }
0xc1: {  	(tm) =	ssettm $0x7FFFFFFF  }
tec
execute0_lowered:
.L_overlay_start_1:
0x0: {  	(tag) =	ssettag $0x1  }
0x1: {  	s4 =	rddreg [dreg:$0x0]  }
0x2: {  	s0 =	rddreg [dreg:$0x1]  }
0x3: {  	s2 =	simm.s32 $0x0;
	s3 =	srdreg.scid;
	s1 =	stileid.u32  }
0x4: {  	s15 =	simm.s32 $0x3390;
	s16 =	simm.s32 $0x3;
	s17 =	simm.s32 $0x0  }
0x5: {  	[smem:$0x7FF] =	sst s2;
	s8 =	sand.u32 $0x1, s3;
	s12 =	smul.u32 $0xC350, s1  }
0x6: {  	s5 =	sshll.u32 s1, $0x1;
	s3 =	sadd.s32 $0x36E00, s4;
	s14 =	smul.u32 $0x61A80, s1  }
0x7: {  	s10 =	sadd.s32 $0x5E00, s4;
	s9 =	sadd.s32 $0x2E3600, s4;
	s13 =	smul.u32 $0x61A8, s8  }
0x8: {  	s5 =	sor.u32 s8, s5;
	s6 =	ssub.s32 $0x2, s8;
	s30 =	smul.u32 $0x30D40, s8  }
0x9: {  	_ =	strace $0x80000056;
	s7 =	smul.u32 $0x61A8, s5;
	s25 =	sshrl.u32 s6, $0x1  }
0xa: {  	s11 =	smul.u32 $0x30D40, s5;
	s6 =	ssub.s32 s6, s25;
	s12 =	sadd.s32 s13, s12  }
0xb: {  	s13 =	simm.s32 $0x5;
	s26 =	sadd.s32 $0xC8, s7;
	s28 =	sshrl.u32 s7, $0x3  }
0xc: {  	s6 =	smax.u32 s6, $0x1;
	s11 =	sadd.s32 s9, s11;
	s12 =	sadd.s32 $0x190, s12  }
0xd: {  	s9 =	sadd.s32 s14, s9;
	s14 =	simm.s32 $0x4;
	s29 =	sshrl.u32 s26, $0x3  }
0xe: {  	s4 =	sadd.s32 s10, s28;
	s7 =	sadd.s32 $0x30700, s11;
	s8 =	sadd.s32 $0x300C0, s11  }
0xf: {  	s31 =	sshrl.u32 s12, $0x3;
	s9 =	sadd.s32 s30, s9;
	s11 =	simm.s32 $0xC8  }
0x10: {  	s12 =	simm.s32 $0x190;
	s5 =	sadd.s32 s10, s29;
	s10 =	sadd.s32 s31, s10  }
.LBB2_1:
0x11: {  	[tilespmem:s2], [sflag:$0x1] =	stream.linear.gather [hbm4b:s4+s2], $0xC8, $0x38;
	[tilespmem:$0x6590] =	vst v63  }
0x12: {  	s18 =	simm.s32 $0x1  }
0x13: {  	_ =	swait.ge [sflag:s18], $0xC8  }
0x14: {  	s19 =	simm.s32 $0x0;
	[sflag:s18] =	ssyncset.done $0x0  }
0x15: {  	s19 =	sand.u32 $0x1, s19;
	[sflag:s18] =	ssyncadd.s32 $0xFFFFFF38  }
0x16: {  	[tilespmem:s12], [sflag:$0x3] =	stream.indirect.gather [hbm4b:s3+s11], $0x40, s2, s11, $0xb8;
	[tilespmem:$0x6590] =	vst v63  }
0x17: {  	s20 =	sadd.s32 $0x3, s19  }
0x18: {  	[tilespmem:s11], [sflag:$0x2] =	stream.linear.gather [hbm4b:s5+s2], $0xC8, $0x38;
	[tilespmem:$0x6590] =	vst v63  }
0x19: {  	s21 =	smul.u32 $0x320, s19;
	_ =	swait.ge [sflag:s20], $0x3200  }
0x1a: {  	s22 =	smul.u32 $0xC800, s19;
	s18 =	sand.u32 $0x1, s18;
	[sflag:s20] =	ssyncset.done $0x0  }
0x1b: {  	s28 =	sadd.s32 $0x1, s18;
	s23 =	smul.u32 $0xC800, s18;
	[sflag:s20] =	ssyncadd.s32 $0xFFFFCE00  }
0x1c: {  	s24 =	smul.u32 $0x320, s18;
	_ =	swait.ge [sflag:s28], $0xC8  }
0x1d: {  	s18 =	sadd.s32 $0x3, s18;
	s23 =	sshrl.u32 s23, $0x2;
	[sflag:s28] =	ssyncset.done $0x0  }
0x1e: {  	s24 =	sshrl.u32 s24, $0x2;
	s29 =	sor.u32 $0x190, s23;
	[sflag:s28] =	ssyncadd.s32 $0xFFFFFF38  }
0x1f: {  	[tilespmem:s29], [sflag:s18] =	stream.indirect.gather [hbm4b:s3+s11], $0x40, s24, s11, $0xb8;
	[tilespmem:$0x6590] =	vst v63  }
0x20: {  	s19 =	sadd.s32 $0x1, s19;
	s30 =	sshrl.u32 s22, $0x2;
	s31 =	sshrl.u32 s21, $0x2  }
0x21: {  	[tilespmem:s31], [sflag:s19] =	stream.linear.gather [hbm4b:s10+s2], $0xC8, $0x38;
	[tilespmem:$0x6590] =	vst v63  }
0x22: {  	s21 =	simm.s32 $0x3;
	s18 =	sor.u32 $0x190, s30  }
0x23: {  	[hbm4b:s9+s2] =	stream.linear.scatter [tilespmem:s18], [sflag:$0x5], $0x3200, $0x38;
	[tilespmem:$0x6590] =	vst v63  }
0x24: {  	s22 =	simm.s32 $0x1;
	s20 =	simm.s32 $0x2;
	_ =	swait.ge [sflag:s13], $0x3200  }
0x25: {  	s19 =	sadd.s32 $0x640, s9;
	s18 =	sadd.s32 $0x19, s10;
	[sflag:s13] =	ssyncset.done $0x0  }
.LBB2_2:
0x26: {  	s22 =	sand.u32 $0x1, s22  }
0x27: {  	[sflag:s13] =	ssyncadd.s32 $0xFFFFCE00;
	s23 =	smov.u32 s21;
	s24 =	sadd.s32 $0x1, s21  }
0x28: {  	p0 =	sne.s32 s21, $0x7B;
	s21 =	sadd.s32 $0x3, s22;
	s25 =	smul.u32 $0x320, s22  }
0x29: {  	s26 =	smul.u32 $0xC800, s22;
	_ =	swait.ge [sflag:s21], $0x3200  }
0x2a: {  	s28 =	sand.u32 $0x1, s20;
	s20 =	smov.u32 s23;
	[sflag:s21] =	ssyncset.done $0x0  }
0x2b: {  	s23 =	smul.u32 $0xC800, s28;
	[sflag:s21] =	ssyncadd.s32 $0xFFFFCE00;
	s21 =	sadd.s32 $0x1, s28  }
0x2c: {  	s29 =	smul.u32 $0x320, s28;
	_ =	swait.ge [sflag:s21], $0xC8  }
0x2d: {  	s23 =	sshrl.u32 s23, $0x2;
	s28 =	sadd.s32 $0x3, s28;
	[sflag:s21] =	ssyncset.done $0x0  }
0x2e: {  	s29 =	sshrl.u32 s29, $0x2;
	[sflag:s21] =	ssyncadd.s32 $0xFFFFFF38;
	s21 =	sor.u32 $0x190, s23  }
0x2f: {  	[tilespmem:s21], [sflag:s28] =	stream.indirect.gather [hbm4b:s3+s11], $0x40, s29, s11, $0xb8;
	[tilespmem:$0x6590] =	vst v63  }
0x30: {  	s22 =	sadd.s32 $0x1, s22;
	s23 =	sshrl.u32 s25, $0x2;
	s21 =	sshrl.u32 s26, $0x2  }
0x31: {  	[tilespmem:s23], [sflag:s22] =	stream.linear.gather [hbm4b:s18+s2], $0xC8, $0x38;
	[tilespmem:$0x6590] =	vst v63  }
.Ltmp0:
0x32: {  	_ = 	snop;
	(pc) =	sbr.rel @p0 .LBB2_2-.Ltmp0, $4  }
0x33: {  	s21 =	sor.u32 $0x190, s21  }
0x34: {  	[hbm4b:s19+s2] =	stream.linear.scatter [tilespmem:s21], [sflag:$0x5], $0x3200, $0x38;
	[tilespmem:$0x6590] =	vst v63  }
0x35: {  	s18 =	sadd.s32 $0x19, s18;
	s22 =	sadd.s32 $0xFFFFFFFF, s20;
	_ =	swait.ge [sflag:s13], $0x3200  }
0x36: {  	s19 =	sadd.s32 $0x640, s19;
	s21 =	smov.u32 s24;
	[sflag:s13] =	ssyncset.done $0x0  }
0x37: {  	s21 =	sand.u32 $0x1, s22  }
0x38: {  	[sflag:s13] =	ssyncadd.s32 $0xFFFFCE00;
	s22 =	sadd.s32 $0x3, s21  }
0x39: {  	s23 =	smul.u32 $0x320, s21;
	_ =	swait.ge [sflag:s22], $0x3200  }
0x3a: {  	s20 =	sand.u32 $0x1, s20;
	s24 =	smul.u32 $0xC800, s21;
	[sflag:s22] =	ssyncset.done $0x0  }
0x3b: {  	s25 =	sadd.s32 $0x1, s20;
	s26 =	smul.u32 $0xC800, s20;
	[sflag:s22] =	ssyncadd.s32 $0xFFFFCE00  }
0x3c: {  	s28 =	smul.u32 $0x320, s20;
	_ =	swait.ge [sflag:s25], $0xC8  }
0x3d: {  	s20 =	sadd.s32 $0x3, s20;
	s26 =	sshrl.u32 s26, $0x2;
	[sflag:s25] =	ssyncset.done $0x0  }
0x3e: {  	s28 =	sshrl.u32 s28, $0x2;
	s29 =	sor.u32 $0x190, s26;
	[sflag:s25] =	ssyncadd.s32 $0xFFFFFF38  }
0x3f: {  	[tilespmem:s29], [sflag:s20] =	stream.indirect.gather [hbm4b:s3+s11], $0x40, s28, s11, $0xb8;
	[tilespmem:$0x6590] =	vst v63  }
0x40: {  	s21 =	sadd.s32 $0x1, s21;
	s30 =	sshrl.u32 s24, $0x2;
	s23 =	sshrl.u32 s23, $0x2  }
0x41: {  	[tilespmem:s23], [sflag:s21] =	stream.linear.gather [hbm4b:s18+s2], $0xC8, $0x38;
	[tilespmem:$0x6590] =	vst v63  }
0x42: {  	s31 =	sor.u32 $0x190, s30  }
0x43: {  	[hbm4b:s19+s2] =	stream.linear.scatter [tilespmem:s31], [sflag:$0x5], $0x3200, $0x38;
	[tilespmem:$0x6590] =	vst v63  }
0x44: {  	_ =	swait.ge [sflag:s13], $0x3200  }
0x45: {  	[sflag:s13] =	ssyncset.done $0x0  }
0x46: {  	[sflag:s13] =	ssyncadd.s32 $0xFFFFCE00  }
0x47: {  	_ =	swait.ge [sflag:s14], $0x3200  }
0x48: {  	[sflag:s14] =	ssyncset.done $0x0  }
0x49: {  	[sflag:s14] =	ssyncadd.s32 $0xFFFFCE00  }
0x4a: {  	_ =	swait.ge [sflag:s21], $0xC8  }
0x4b: {  	[sflag:s21] =	ssyncset.done $0x0  }
0x4c: {  	[sflag:s21] =	ssyncadd.s32 $0xFFFFFF38  }
0x4d: {  	[tilespmem:s31], [sflag:s22] =	stream.indirect.gather [hbm4b:s3+s11], $0x40, s23, s11, $0xb8;
	[tilespmem:$0x6590] =	vst v63  }
0x4e: {  	_ = 	snop  }
0x4f: {  	[hbm4b:s8+s2] =	stream.linear.scatter [tilespmem:s15], [sflag:$0x5], $0x3200, $0x38;
	[tilespmem:$0x6590] =	vst v63  }
0x50: {  	_ =	swait.ge [sflag:s13], $0x3200  }
0x51: {  	[sflag:s13] =	ssyncset.done $0x0  }
0x52: {  	[sflag:s13] =	ssyncadd.s32 $0xFFFFCE00  }
0x53: {  	s17 =	sadd.s32 $0x1, s17;
	_ =	swait.ge [sflag:s16], $0x3200  }
0x54: {  	p0 =	sne.s32 s17, s6;
	[sflag:s16] =	ssyncset.done $0x0  }
.Ltmp1:
0x55: {  	[sflag:s16] =	ssyncadd.s32 $0xFFFFCE00;
	(pc) =	sbr.rel @p0 .LBB2_1-.Ltmp1, $4  }
0x56: {  	[hbm4b:s7+s2] =	stream.linear.scatter [tilespmem:s12], [sflag:$0x5], $0x3200, $0x38;
	[tilespmem:$0x6590] =	vst v63  }
0x57: {  	_ =	swait.ge [sflag:s13], $0x3200  }
0x58: {  	[sflag:s13] =	ssyncset.done $0x0  }
0x59: {  	[sflag:s13] =	ssyncadd.s32 $0xFFFFCE00  }
0x5a: {  	_ =	sfence.sel $0x180000  }
0x5b: {  	[bflag:$0x0] =	sbarrier.arrive $0xFFFF  }
0x5c: {  	p0 =	sne.s32 s1, $0x0;
	_ =	strace $0x90000056  }
0x5d: {  	s0 =	sadd.s32 @!p0 $0x100000, s0;
	[bflag:$0x2] =	sbarrier.arrive $0xFFFF  }
0x5e: {  	[sflag:s0] =	ssyncadd.tile.s32 @!p0 $0x1;
	_ =	shalt  }
.Lfunc_end2:
_tile_overlayer_lowered:
.L_overlay_start_2:
0x5f: {  	(tag) =	ssettag $0x2  }
0x60: {  	s0 =	rddreg [dreg:$0x0];
	s2 =	stileid.u32  }
0x61: {  	s1 =	rddreg [dreg:$0x1];
	p0 =	sne.s32 s2, $0x0  }
0x62: {  	s3 =	rddreg [dreg:$0x2];
	[bflag:$0x3] =	sbarrier.arrive $0xFFFF;
	s2 =	simm.s32 @!p0 $0x1C05  }
0x63: {  	[timem:s3], [sflag:s2] =	dma.local @!p0 [hbm:s0], s1  }
0x64: {  	s0 =	simm.s32 @!p0 $0x5  }
0x65: {  	_ =	swait.ge @!p0 [sflag:s0], s1  }
0x66: {  	s1 =	ssub.s32 @!p0 $0x0, s1;
	[sflag:s0] =	ssyncset.done @!p0 $0x0  }
0x67: {  	[sflag:s0] =	ssyncadd.s32 @!p0 s1  }
0x68: {  	[bflag:$0x3] =	sbarrier.arrive $0xFFFF  }
0x69: {  	_ =	shalt  }

// kernel: kernel.37.cloned.1.call-start
scs
__scs_entry_jumppad:
0x0: {  	(pc) =	sbr.rel $0x88, $3  }
0x1: {  	(tag) =	ssettag $0x0;
	lr =	simm.s32 $0x1  }
0x2: {  	[smem:$0x3F8B] =	sst lr;
	_ =	strace $0xD0000000  }
0x3: {  	_ = 	snop  }
0x4: {  	_ = 	snop  }
0x5: {  	_ = 	snop  }
0x6: {  	_ = 	snop  }
0x7: {  	_ = 	snop  }
__scs_overlays_trampoline_lowered:
0x8: {  	[smem:$0x3F9A] =	sst s0  }
0x9: {  	[smem:$0x3F9B] =	sst s1  }
0xa: {  	[smem:$0x3F9C] =	sst s2  }
0xb: {  	[smem:$0x3F9D] =	sst s3  }
0xc: {  	[smem:$0x3F9E] =	sst s4  }
0xd: {  	[smem:$0x3F9F] =	sst s5  }
0xe: {  	[smem:$0x3FA0] =	sst s6  }
0xf: {  	[smem:$0x3FA1] =	sst s7  }
0x10: {  	[smem:$0x3FA2] =	sst s8  }
0x11: {  	[smem:$0x3FA3] =	sst s9;
	s0 =	simm.s32 @!p0 $0x0  }
0x12: {  	s1 =	sld [smem:$0x3F89];
	s0 =	simm.s32 @p0 $0x1  }
0x13: {  	[smem:$0x3FA4] =	sst s0;
	s0 =	simm.s32 @!p1 $0x0  }
0x14: {  	s2 =	sld [smem:$0x3F88];
	s0 =	simm.s32 @p1 $0x1  }
0x15: {  	[smem:$0x3FA5] =	sst s0;
	s0 =	simm.s32 @!p2 $0x0  }
0x16: {  	s3 =	sld [smem:$0x3FDB];
	s0 =	simm.s32 @p2 $0x1  }
0x17: {  	s4 =	simm.s32 $0x1BF5;
	[smem:$0x3FA7] =	sst s0  }
0x18: {  	s0 =	sld [smem:$0x3F8A];
	_ =	swait.ge [sflag:s4], $0x0  }
0x19: {  	s7 =	sld [smem:$0x3F8B]  }
0x1a: {  	s8 =	sadd.s32 $0xFFFFE003, lr  }
0x1b: {  	s9 =	sadd.s32 $0xFFFFFEF7, lr;
	s5 =	simm.s32 $0xFFFFFFFF;
	p2 =	slt.u32 s8, $0xFFFFF086  }
0x1c: {  	p1 =	slt.u32 s9, $0xF7A;
	s5 =	simm.s32 @!p2 $0x0  }
0x1d: {  	s5 =	simm.s32 @p1 $0x1;
	p0 =	seq.s32 s7, s2  }
0x1e: {  	s7 =	smul.u32 @!p0 $0xF7A, s2;
	p2 =	seq.s32 @!p0 s5, $0x0  }
0x1f: {  	s9 =	smul.u32 $0xF7A, s1;
	s8 =	simm.s32 @!p0 $0x1BF5;
	p2 =	por !p2, p0  }
0x20: {  	[sflag:s8] =	ssyncset.s32 @!p0 $0xFFFFF086;
	s6 =	sadd.s32 @!p0 s3, s7;
	s7 =	simm.s32 @!p0 $0x108  }
0x21: {  	s3 =	sadd.s32 s3, s9;
	s6 =	sadd.s32 @!p0 $0x88, s6;
	s7 =	simm.s32 @p2 $0x1082  }
0x22: {  	[simem:s7], [sflag:s8] =	dma.local @!p0 [hbm:s6], $0xF7A  }
0x23: {  	s9 =	sor.u32 $0xD0000000, s2;
	s6 =	simm.s32 $0x108;
	_ =	swait.ge @!p0 [sflag:s8], $0x0  }
0x24: {  	s3 =	sadd.s32 $0x88, s3;
	s6 =	simm.s32 @!p1 $0x1082;
	[sflag:s4] =	ssyncset.s32 $0xFFFFF086  }
0x25: {  	[simem:s6], [sflag:s4] =	dma.local [hbm:s3], $0xF7A  }
0x26: {  	[smem:$0x3F8B] =	sst s1;
	(tag) =	ssettag s2;
	_ =	strace s9  }
0x27: {  	s1 =	sld [smem:$0x3F9B]  }
0x28: {  	s2 =	sld [smem:$0x3F9C]  }
0x29: {  	s4 =	sld [smem:$0x3F9E]  }
0x2a: {  	p0 =	seq.s32 s5, $0x0;
	s5 =	sld [smem:$0x3F9F]  }
0x2b: {  	s6 =	sld [smem:$0x3FA0]  }
0x2c: {  	s7 =	sld [smem:$0x3FA1]  }
0x2d: {  	s3 =	simm.s32 $0x108;
	s8 =	sld [smem:$0x3FA2]  }
0x2e: {  	s3 =	simm.s32 @!p0 $0x1082;
	s9 =	sld [smem:$0x3FA3]  }
0x2f: {  	lr =	sadd.s32 s0, s3;
	s0 =	sld [smem:$0x3F9A]  }
0x30: {  	s3 =	sld [smem:$0x3F9D]  }
0x31: {  	[smem:$0x3FA6] =	sst s10  }
0x32: {  	s10 =	sld [smem:$0x3FA4];
	_ =	sdelay $0x3  }
0x33: {  	p0 =	seq.s32 s10, $0x1;
	s10 =	sld [smem:$0x3FA6];
	_ =	sdelay $0x3  }
0x34: {  	[smem:$0x3FA6] =	sst s10  }
0x35: {  	s10 =	sld [smem:$0x3FA5];
	_ =	sdelay $0x3  }
0x36: {  	p1 =	seq.s32 s10, $0x1;
	s10 =	sld [smem:$0x3FA6];
	_ =	sdelay $0x3  }
0x37: {  	[smem:$0x3FA6] =	sst s10  }
0x38: {  	s10 =	sld [smem:$0x3FA7]  }
0x39: {  	_ = 	snop;
	(pc) =	sbr.ind lr, $3  }
0x3a: {  	_ = 	snop  }
0x3b: {  	_ = 	snop  }
0x3c: {  	p2 =	seq.s32 s10, $0x1;
	s10 =	sld [smem:$0x3FA6]  }
0x3d: {  	_ =	shalt  }
0x3e: {  	_ =	shalt  }
0x3f: {  	_ =	shalt  }
0x40: {  	_ =	shalt  }
0x41: {  	_ =	shalt  }
0x42: {  	_ =	shalt  }
0x43: {  	_ =	shalt  }
0x44: {  	_ =	shalt  }
0x45: {  	_ =	shalt  }
0x46: {  	_ =	shalt  }
0x47: {  	_ =	shalt  }
0x48: {  	_ =	shalt  }
0x49: {  	_ =	shalt  }
0x4a: {  	_ =	shalt  }
0x4b: {  	_ =	shalt  }
0x4c: {  	_ =	shalt  }
0x4d: {  	_ =	shalt  }
0x4e: {  	_ =	shalt  }
0x4f: {  	_ =	shalt  }
0x50: {  	_ =	shalt  }
0x51: {  	_ =	shalt  }
0x52: {  	_ =	shalt  }
0x53: {  	_ =	shalt  }
0x54: {  	_ =	shalt  }
0x55: {  	_ =	shalt  }
0x56: {  	_ =	shalt  }
0x57: {  	_ =	shalt  }
0x58: {  	_ =	shalt  }
0x59: {  	_ =	shalt  }
0x5a: {  	_ =	shalt  }
0x5b: {  	_ =	shalt  }
0x5c: {  	_ =	shalt  }
0x5d: {  	_ =	shalt  }
0x5e: {  	_ =	shalt  }
0x5f: {  	_ =	shalt  }
0x60: {  	_ =	shalt  }
0x61: {  	_ =	shalt  }
0x62: {  	_ =	shalt  }
0x63: {  	_ =	shalt  }
0x64: {  	_ =	shalt  }
0x65: {  	_ =	shalt  }
0x66: {  	_ =	shalt  }
0x67: {  	_ =	shalt  }
0x68: {  	_ =	shalt  }
0x69: {  	_ =	shalt  }
0x6a: {  	_ =	shalt  }
0x6b: {  	_ =	shalt  }
0x6c: {  	_ =	shalt  }
0x6d: {  	_ =	shalt  }
0x6e: {  	_ =	shalt  }
0x6f: {  	_ =	shalt  }
0x70: {  	_ =	shalt  }
0x71: {  	_ =	shalt  }
0x72: {  	_ =	shalt  }
0x73: {  	_ =	shalt  }
0x74: {  	_ =	shalt  }
0x75: {  	_ =	shalt  }
0x76: {  	_ =	shalt  }
0x77: {  	_ =	shalt  }
0x78: {  	_ =	shalt  }
0x79: {  	_ =	shalt  }
0x7a: {  	_ =	shalt  }
0x7b: {  	_ =	shalt  }
0x7c: {  	_ =	shalt  }
0x7d: {  	_ =	shalt  }
0x7e: {  	_ =	shalt  }
0x7f: {  	_ =	shalt  }
0x80: {  	_ =	shalt  }
0x81: {  	_ =	shalt  }
0x82: {  	_ =	shalt  }
0x83: {  	_ =	shalt  }
0x84: {  	_ =	shalt  }
0x85: {  	_ =	shalt  }
0x86: {  	_ =	shalt  }
0x87: {  	_ =	shalt  }
.Lfunc_end0:
.L_simem_size_0:
called_computation.6_lowered:
.L_overlay_start_0:
0x88: {  	s2 =	sld [smem:$0x3FD9]  }
0x89: {  	s3 =	sld [smem:$0x3FFE];
	_ =	sdelay $0x1  }
0x8a: {  	s1 =	srdreg.scid  }
0x8b: {  	s0 =	sand.u32 $0x1, s1  }
0x8c: {  	s14 =	sshll.u32 s0, $0xA;
	s2 =	sadd.s32 s3, s2  }
0x8d: {  	s2 =	sadd.s32 s2, s14  }
0x8e: {  	[smem:$0x3FB2] =	sst s2  }
0x8f: {  	_ = 	snop  }
0x90: {  	s2 =	sld [smem:$0x3FD0];
	_ =	sdelay $0x2  }
0x91: {  	s15 =	simm.s32 $0xB;
	s4 =	simm.s32 $0x10  }
0x92: {  	[smem:s4], [sflag:s15] =	dma.local [hbm:s2], $0x1  }
0x93: {  	_ =	swait.eq [sflag:s15], $0x1  }
0x94: {  	[sflag:s15] =	ssyncset.done $0x0  }
0x95: {  	[sflag:s15] =	ssyncadd.s32 $0xFFFFFFFF  }
0x96: {  	s16 =	sld [smem:$0x10];
	(tm) =	ssettm $0x1  }
0x97: {  	s17 =	sld [smem:$0x3FFB];
	_ =	sdelay $0x3  }
0x98: {  	_ =	strace s17  }
0x99: {  	s3 =	sld [smem:$0x3FFC];
	_ =	sdelay $0x3  }
0x9a: {  	_ =	strace s3  }
0x9b: {  	s3 =	sld [smem:$0x3FFD];
	_ =	sdelay $0x3  }
0x9c: {  	_ =	strace s3  }
0x9d: {  	_ =	strace $0x8FFFFFFF  }
0x9e: {  	s18 =	sld [smem:$0x3FDB];
	_ =	sdelay $0x1  }
0x9f: {  	s19 =	simm.s32 $_scs_section_size  }
0xa0: {  	s5 =	simm.s32 $_size__tile_overlayer_lowered;
	s6 =	simm.s32 $_tile_overlayer_lowered  }
0xa1: {  	s22 =	simm.s32 $0x1BFF;
	s21 =	sshll.u32 s6, $0x1;
	s3 =	sadd.s32 s19, s18  }
0xa2: {  	s7 =	simm.s32 $0x0;
	s20 =	sshll.u32 s5, $0x1;
	s5 =	sadd.s32 s21, s3  }
0xa3: {  	[timem:s7], [sflag:s22] =	dma.local [hbm:s5], s20  }
0xa4: {  	_ =	swait.ge [sflag:s22], s20  }
0xa5: {  	s4 =	ssub.s32 $0x0, s20;
	[sflag:s22] =	ssyncset.done $0x0  }
0xa6: {  	[sflag:s22] =	ssyncadd.s32 s4;
	_ =	sdelay $0x1  }
0xa7: {  	s23 =	simm.s32 $0x1B8B  }
0xa8: {  	_ =	swait.ge [sflag:s23], $0x1  }
0xa9: {  	[sflag:s23] =	ssyncset.done $0x0  }
0xaa: {  	s25 =	simm.s32 $0x1B8E;
	s24 =	sld [smem:$0x3FFE];
	[sflag:s23] =	ssyncadd.s32 $0xFFFFFFFF  }
0xab: {  	s26 =	simm.s32 $execute0_lowered;
	[smem:$0x3FD2] =	sst s25  }
0xac: {  	s5 =	sshll.u32 s26, $0x1;
	_ =	strace $0x80000058;
	[dreg:$0x1] =	wrdreg $0xFFFFFFFF  }
0xad: {  	s28 =	simm.s32 $_size_execute0_lowered;
	s3 =	sadd.s32 s3, s5;
	[dreg:$0x0] =	wrdreg $0x0  }
0xae: {  	s5 =	sshll.u32 s28, $0x1;
	[dreg:$0x2] =	wrdreg s3  }
0xaf: {  	[dreg:$0x3] =	wrdreg s5  }
0xb0: {  	[dreg:$0x4] =	wrdreg $0xC0  }
0xb1: {  	_ =	task [dreg:s7], $0x5FFFF  }
0xb2: {  	[dreg:$0x1] =	wrdreg $0xFFFFFFFF  }
0xb3: {  	[dreg:$0x0] =	wrdreg $0x60  }
0xb4: {  	[dreg:$0x2] =	wrdreg s24  }
0xb5: {  	[dreg:$0x3] =	wrdreg s16  }
0xb6: {  	[dreg:$0x4] =	wrdreg $0x67200  }
0xb7: {  	[dreg:$0x5] =	wrdreg $0x9  }
0xb8: {  	_ =	task.clear_ibuf [dreg:s7], $0x6FFFF;
	_ =	strace $0x90000058  }
0xb9: {  	s29 =	simm.s32 $0x9;
	_ =	strace $0x8000005A  }
0xba: {  	_ =	swait.ge [sflag:s29], $0x1  }
0xbb: {  	[sflag:s29] =	ssyncadd.s32 $0xFFFFFFFF  }
0xbc: {  	_ =	strace $0x9000005A  }
0xbd: {  	_ =	sfence  }
0xbe: {  	s30 =	sld [smem:$0x0];
	_ =	sdelay $0x2  }
0xbf: {  	s31 =	sshll.u32 s1, $0xD;
	s1 =	sshrl.u32 s1, $0x2  }
0xc0: {  	s3 =	sand.u32 $0x4000, s31;
	s1 =	sadd.s32 s1, s30  }
0xc1: {  	s0 =	sor.u32 s3, s0;
	s1 =	sshll.u32 s1, $0x11  }
0xc2: {  	s0 =	sor.u32 s1, s0  }
0xc3: {  	s0 =	sadd.s32 $0x8F2B, s0  }
0xc4: {  	[sflag:s0] =	ssyncadd.remote.s32 $0x1  }
0xc5: {  	_ =	sfence.sel $0xFFFF  }
0xc6: {  	[dreg:$0x0] =	wrdreg $0xFFFFFFFF;
	(pc) =	sbr.abs _section_cstart, $3  }
0xc7: {  	[dreg:$0x1] =	wrdreg $0xFFFFFFFF  }
0xc8: {  	_ =	task.clear_ibuf [dreg:s7], $0x2FFFF;
	_ =	strace $0x9FFFFFFF  }
0xc9: {  	(tm) =	ssettm $0x7FFFFFFF  }
tec
execute0_lowered:
.L_overlay_start_1:
0x0: {  	(tag) =	ssettag $0x1  }
0x1: {  	s6 =	rddreg [dreg:$0x0]  }
0x2: {  	s2 =	rddreg [dreg:$0x1]  }
0x3: {  	s3 =	rddreg [dreg:$0x2]  }
0x4: {  	s5 =	srdreg.scid;
	s1 =	stileid.u32;
	s4 =	simm.s32 $0x0  }
0x5: {  	s15 =	simm.s32 $0x20;
	s16 =	simm.s32 $0x40;
	s17 =	simm.s32 $0x320  }
0x6: {  	s18 =	simm.s32 $0x190;
	s19 =	simm.s32 $0x1;
	s8 =	smul.u32 $0x18700, s1  }
0x7: {  	s20 =	simm.s32 $0x3;
	s21 =	simm.s32 $0x0;
	s13 =	smul.u32 $0x30D400, s1  }
0x8: {  	s7 =	sand.u32 $0x1, s5;
	[smem:$0x7FF] =	sst s4;
	s26 =	smul.u32 $0xC350, s1  }
0x9: {  	s5 =	sadd.s32 $0x2E3600, s6;
	s10 =	sadd.s32 $0x1E600, s6;
	s31 =	smul.u32 $0x186A, s1  }
0xa: {  	s29 =	sshll.u32 s1, $0x6;
	s9 =	smul.u32 $0x187000, s7;
	s11 =	ssub.s32 $0x2, s7  }
0xb: {  	_ =	strace $0x80000059;
	s25 =	sshll.u32 s7, $0x5;
	s12 =	sshrl.u32 s11, $0x1  }
0xc: {  	s14 =	sadd.s32 s8, s3;
	s28 =	sor.u32 s25, s13;
	s13 =	sadd.s32 s31, s10  }
0xd: {  	s9 =	sadd.s32 s8, s9;
	s11 =	ssub.s32 s11, s12;
	s30 =	sshrl.u32 s28, $0x3  }
0xe: {  	s8 =	sshrl.u32 s26, $0x3;
	s12 =	sadd.s32 $0x6400, s28;
	s9 =	sshrl.u32 s9, $0x3  }
0xf: {  	s7 =	sadd.s32 s5, s30;
	s8 =	sadd.s32 s10, s8;
	s10 =	smax.u32 s11, $0x1  }
0x10: {  	s11 =	sadd.s32 $0x32, s13;
	s13 =	sshrl.u32 s14, $0x3;
	s9 =	sadd.s32 s9, s6  }
0x11: {  	s14 =	simm.s32 $0x5;
	s6 =	sor.u32 $0x1C05, s29;
	s9 =	sadd.s32 $0x36E00, s9  }
.LBB2_1:
0x12: {  	[spmem:s13], [sflag:s6] =	dma.local [hbm:s2], $0x30E0  }
0x13: {  	_ =	swait.ge [sflag:s14], $0x30E0  }
0x14: {  	[sflag:s14] =	ssyncset.done $0x0  }
0x15: {  	s22 =	sand.u32 $0x1, s19;
	[sflag:s14] =	ssyncadd.s32 $0xFFFFCF20  }
0x16: {  	s25 =	simm.s32 $0x0;
	s23 =	smul.u32 $0xC800, s22;
	[bflag:$0x0] =	sbarrier.arrive $0xFFFF  }
0x17: {  	[tilespmem:s17], [sflag:$0x1] =	stream.strided.gather [hbm4b:s7+s15], $0x3200, s16, s15, $0x38;
	[tilespmem:$0x1EE20] =	vst v63  }
0x18: {  	s26 =	sshrl.u32 s12, $0x3;
	s24 =	sadd.s32 $0x1, s22;
	s23 =	sshrl.u32 s23, $0x2  }
0x19: {  	[tilespmem:s4], [sflag:$0x3] =	stream.linear.gather [hbm4b:s8+s4], $0x190, $0x38;
	[tilespmem:$0x1EE20] =	vst v63  }
0x1a: {  	s28 =	smul.u32 $0x640, s22;
	s26 =	sadd.s32 s5, s26;
	s23 =	sadd.s32 $0x320, s23  }
0x1b: {  	[tilespmem:s23], [sflag:s24] =	stream.strided.gather [hbm4b:s26+s15], $0x3200, s16, s15, $0x38;
	[tilespmem:$0x1EE20] =	vst v63  }
0x1c: {  	s0 =	simm.s32 $0x2;
	s22 =	sadd.s32 $0x3, s22;
	s23 =	sand.u32 $0x1, s25  }
0x1d: {  	s25 =	sshrl.u32 s28, $0x2;
	s26 =	sadd.s32 $0x1, s23;
	s31 =	smul.u32 $0xC800, s23  }
0x1e: {  	[tilespmem:s25], [sflag:s22] =	stream.linear.gather [hbm4b:s11+s4], $0x190, $0x38;
	[tilespmem:$0x1EE20] =	vst v63  }
0x1f: {  	s24 =	sand.u32 $0x1, s0;
	s28 =	smul.u32 $0x640, s23;
	_ =	swait.ge [sflag:s26], $0x3200  }
0x20: {  	s30 =	smul.u32 $0xC800, s24;
	[sflag:s26] =	ssyncset.done $0x0  }
0x21: {  	s23 =	sadd.s32 $0x3, s23;
	s29 =	smul.u32 $0x640, s24;
	[sflag:s26] =	ssyncadd.s32 $0xFFFFCE00  }
0x22: {  	s25 =	simm.s32 $0x3;
	s22 =	sadd.s32 $0x32, s11;
	_ =	swait.ge [sflag:s23], $0x190  }
0x23: {  	s28 =	sshrl.u32 s28, $0x2;
	s26 =	sshrl.u32 s31, $0x2;
	[sflag:s23] =	ssyncset.done $0x0  }
0x24: {  	s26 =	sadd.s32 $0x320, s26;
	[sflag:s23] =	ssyncadd.s32 $0xFFFFFE70;
	s23 =	sadd.s32 $0x6400, s12  }
0x25: {  	[spmem:s3] =	stream.indirect.scatter.add.f32 [tilespmem:s26], [sflag:$0x5], $0x20, s28, s18, $0xb8;
	[tilespmem:$0x1EE20] =	vst v63  }
0x26: {  	s26 =	sadd.s32 $0x1, s24;
	s28 =	simm.s32 $0x1;
	_ =	swait.ge [sflag:s14], $0x3200  }
.LBB2_2:
0x27: {  	s30 =	sshrl.u32 s30, $0x2;
	s31 =	sshrl.u32 s23, $0x3  }
0x28: {  	[sflag:s14] =	ssyncset.done $0x0;
	s0 =	smov.u32 s25;
	s24 =	sadd.s32 $0x3, s24  }
0x29: {  	s30 =	sadd.s32 $0x320, s30;
	s31 =	sadd.s32 s5, s31;
	[sflag:s14] =	ssyncadd.s32 $0xFFFFCE00  }
0x2a: {  	[tilespmem:s30], [sflag:s26] =	stream.strided.gather [hbm4b:s31+s15], $0x3200, s16, s15, $0x38;
	[tilespmem:$0x1EE20] =	vst v63  }
0x2b: {  	p0 =	sne.s32 s25, $0x7C;
	s26 =	sand.u32 $0x1, s28;
	s28 =	sshrl.u32 s29, $0x2  }
0x2c: {  	[tilespmem:s28], [sflag:s24] =	stream.linear.gather [hbm4b:s22+s4], $0x190, $0x38;
	[tilespmem:$0x1EE20] =	vst v63  }
0x2d: {  	s31 =	sadd.s32 $0x1, s25;
	s24 =	sadd.s32 $0x1, s26;
	s28 =	smul.u32 $0xC800, s26  }
0x2e: {  	s23 =	sadd.s32 $0x6400, s23;
	s25 =	smul.u32 $0x640, s26;
	_ =	swait.ge [sflag:s24], $0x3200  }
0x2f: {  	s29 =	sadd.s32 $0x3, s26;
	s28 =	sshrl.u32 s28, $0x2;
	[sflag:s24] =	ssyncset.done $0x0  }
0x30: {  	s22 =	sadd.s32 $0x32, s22;
	s25 =	sshrl.u32 s25, $0x2;
	[sflag:s24] =	ssyncadd.s32 $0xFFFFCE00  }
.Ltmp0:
0x31: {  	s24 =	sand.u32 $0x1, s0;
	_ =	swait.ge [sflag:s29], $0x190;
	(pc) =	sbr.rel @p0 .LBB2_2-.Ltmp0, $4  }
0x32: {  	s28 =	sadd.s32 $0x320, s28;
	s30 =	smul.u32 $0xC800, s24;
	[sflag:s29] =	ssyncset.done $0x0  }
0x33: {  	s26 =	sadd.s32 $0x1, s24;
	[sflag:s29] =	ssyncadd.s32 $0xFFFFFE70;
	s29 =	smul.u32 $0x640, s24  }
0x34: {  	[spmem:s3] =	stream.indirect.scatter.add.f32 [tilespmem:s28], [sflag:$0x5], $0x20, s25, s18, $0xb8;
	[tilespmem:$0x1EE20] =	vst v63  }
0x35: {  	s28 =	sadd.s32 $0xFFFFFFFF, s0;
	s25 =	smov.u32 s31;
	_ =	swait.ge [sflag:s14], $0x3200  }
0x36: {  	s0 =	sshrl.u32 s30, $0x2  }
0x37: {  	s23 =	sshrl.u32 s23, $0x3;
	[sflag:s14] =	ssyncset.done $0x0;
	s25 =	sand.u32 $0x1, s28  }
0x38: {  	s0 =	sadd.s32 $0x320, s0;
	s23 =	sadd.s32 s5, s23;
	[sflag:s14] =	ssyncadd.s32 $0xFFFFCE00  }
0x39: {  	[tilespmem:s0], [sflag:s26] =	stream.strided.gather [hbm4b:s23+s15], $0x3200, s16, s15, $0x38;
	[tilespmem:$0x1EE20] =	vst v63  }
0x3a: {  	s24 =	sadd.s32 $0x3, s24;
	s28 =	sadd.s32 $0x1, s25;
	s26 =	sshrl.u32 s29, $0x2  }
0x3b: {  	[tilespmem:s26], [sflag:s24] =	stream.linear.gather [hbm4b:s22+s4], $0x190, $0x38;
	[tilespmem:$0x1EE20] =	vst v63  }
0x3c: {  	_ =	swait.ge [sflag:s28], $0x3200  }
0x3d: {  	[sflag:s28] =	ssyncset.done $0x0  }
0x3e: {  	s30 =	sadd.s32 $0x3, s25;
	s29 =	smul.u32 $0xC800, s25;
	[sflag:s28] =	ssyncadd.s32 $0xFFFFCE00  }
0x3f: {  	s0 =	smul.u32 $0x640, s25;
	_ =	swait.ge [sflag:s30], $0x190  }
0x40: {  	s31 =	sshrl.u32 s29, $0x2;
	[sflag:s30] =	ssyncset.done $0x0  }
0x41: {  	s0 =	sshrl.u32 s0, $0x2;
	s22 =	sadd.s32 $0x320, s31;
	[sflag:s30] =	ssyncadd.s32 $0xFFFFFE70  }
0x42: {  	[spmem:s3] =	stream.indirect.scatter.add.f32 [tilespmem:s22], [sflag:$0x5], $0x20, s0, s18, $0xb8;
	[tilespmem:$0x1EE20] =	vst v63  }
0x43: {  	_ =	swait.ge [sflag:s14], $0x3200  }
0x44: {  	[sflag:s14] =	ssyncset.done $0x0  }
0x45: {  	[sflag:s14] =	ssyncadd.s32 $0xFFFFCE00  }
0x46: {  	_ =	swait.ge [sflag:s19], $0x3200  }
0x47: {  	[sflag:s19] =	ssyncset.done $0x0  }
0x48: {  	[sflag:s19] =	ssyncadd.s32 $0xFFFFCE00  }
0x49: {  	_ =	swait.ge [sflag:s20], $0x190  }
0x4a: {  	[sflag:s20] =	ssyncset.done $0x0  }
0x4b: {  	[sflag:s20] =	ssyncadd.s32 $0xFFFFFE70  }
0x4c: {  	[spmem:s3] =	stream.indirect.scatter.add.f32 [tilespmem:s17], [sflag:$0x5], $0x20, s4, s18, $0xb8;
	[tilespmem:$0x1EE20] =	vst v63  }
0x4d: {  	_ =	swait.ge [sflag:s14], $0x3200  }
0x4e: {  	s21 =	sadd.s32 $0x1, s21;
	[sflag:s14] =	ssyncset.done $0x0  }
0x4f: {  	p0 =	sne.s32 s21, s10;
	[sflag:s14] =	ssyncadd.s32 $0xFFFFCE00  }
.Ltmp1:
0x50: {  	[bflag:$0x0] =	sbarrier.arrive $0xFFFF;
	(pc) =	sbr.rel @p0 .LBB2_1-.Ltmp1, $4  }
0x51: {  	[hbm:s9], [sflag:s6] =	dma.local [spmem:s13], $0x30E0  }
0x52: {  	_ =	swait.ge [sflag:s14], $0x30E0  }
0x53: {  	[sflag:s14] =	ssyncset.done $0x0  }
0x54: {  	[sflag:s14] =	ssyncadd.s32 $0xFFFFCF20  }
0x55: {  	_ =	sfence.sel $0x180000  }
0x56: {  	[bflag:$0x0] =	sbarrier.arrive $0xFFFF  }
0x57: {  	_ =	strace $0x90000059  }
0x58: {  	[bflag:$0x2] =	sbarrier.arrive $0xFFFF  }
0x59: {  	p0 =	sne.s32 s1, $0x0;
	s0 =	rddreg [dreg:$0x3]  }
0x5a: {  	s0 =	sadd.s32 @!p0 $0x100000, s0  }
0x5b: {  	[sflag:s0] =	ssyncadd.tile.s32 @!p0 $0x1;
	_ =	shalt  }
.Lfunc_end2:
_tile_overlayer_lowered:
.L_overlay_start_2:
0x5c: {  	(tag) =	ssettag $0x2  }
0x5d: {  	s0 =	rddreg [dreg:$0x0];
	s2 =	stileid.u32  }
0x5e: {  	s1 =	rddreg [dreg:$0x1];
	p0 =	sne.s32 s2, $0x0  }
0x5f: {  	s3 =	rddreg [dreg:$0x2];
	[bflag:$0x3] =	sbarrier.arrive $0xFFFF;
	s2 =	simm.s32 @!p0 $0x1C05  }
0x60: {  	[timem:s3], [sflag:s2] =	dma.local @!p0 [hbm:s0], s1  }
0x61: {  	s0 =	simm.s32 @!p0 $0x5  }
0x62: {  	_ =	swait.ge @!p0 [sflag:s0], s1  }
0x63: {  	s1 =	ssub.s32 @!p0 $0x0, s1;
	[sflag:s0] =	ssyncset.done @!p0 $0x0  }
0x64: {  	[sflag:s0] =	ssyncadd.s32 @!p0 s1  }
0x65: {  	[bflag:$0x3] =	sbarrier.arrive $0xFFFF  }
0x66: {  	_ =	shalt  }

// kernel: kernel.40.cloned.1.call-start
scs
__scs_entry_jumppad:
0x0: {  	(pc) =	sbr.rel $0x88, $3  }
0x1: {  	(tag) =	ssettag $0x0;
	lr =	simm.s32 $0x1  }
0x2: {  	[smem:$0x3F8B] =	sst lr;
	_ =	strace $0xD0000000  }
0x3: {  	_ = 	snop  }
0x4: {  	_ = 	snop  }
0x5: {  	_ = 	snop  }
0x6: {  	_ = 	snop  }
0x7: {  	_ = 	snop  }
__scs_overlays_trampoline_lowered:
0x8: {  	[smem:$0x3F9A] =	sst s0  }
0x9: {  	[smem:$0x3F9B] =	sst s1  }
0xa: {  	[smem:$0x3F9C] =	sst s2  }
0xb: {  	[smem:$0x3F9D] =	sst s3  }
0xc: {  	[smem:$0x3F9E] =	sst s4  }
0xd: {  	[smem:$0x3F9F] =	sst s5  }
0xe: {  	[smem:$0x3FA0] =	sst s6  }
0xf: {  	[smem:$0x3FA1] =	sst s7  }
0x10: {  	[smem:$0x3FA2] =	sst s8  }
0x11: {  	[smem:$0x3FA3] =	sst s9;
	s0 =	simm.s32 @!p0 $0x0  }
0x12: {  	s1 =	sld [smem:$0x3F89];
	s0 =	simm.s32 @p0 $0x1  }
0x13: {  	[smem:$0x3FA4] =	sst s0;
	s0 =	simm.s32 @!p1 $0x0  }
0x14: {  	s2 =	sld [smem:$0x3F88];
	s0 =	simm.s32 @p1 $0x1  }
0x15: {  	[smem:$0x3FA5] =	sst s0;
	s0 =	simm.s32 @!p2 $0x0  }
0x16: {  	s3 =	sld [smem:$0x3FDB];
	s0 =	simm.s32 @p2 $0x1  }
0x17: {  	s4 =	simm.s32 $0x1BF5;
	[smem:$0x3FA7] =	sst s0  }
0x18: {  	s0 =	sld [smem:$0x3F8A];
	_ =	swait.ge [sflag:s4], $0x0  }
0x19: {  	s7 =	sld [smem:$0x3F8B]  }
0x1a: {  	s8 =	sadd.s32 $0xFFFFE003, lr  }
0x1b: {  	s9 =	sadd.s32 $0xFFFFFEF7, lr;
	s5 =	simm.s32 $0xFFFFFFFF;
	p2 =	slt.u32 s8, $0xFFFFF086  }
0x1c: {  	p1 =	slt.u32 s9, $0xF7A;
	s5 =	simm.s32 @!p2 $0x0  }
0x1d: {  	s5 =	simm.s32 @p1 $0x1;
	p0 =	seq.s32 s7, s2  }
0x1e: {  	s7 =	smul.u32 @!p0 $0xF7A, s2;
	p2 =	seq.s32 @!p0 s5, $0x0  }
0x1f: {  	s9 =	smul.u32 $0xF7A, s1;
	s8 =	simm.s32 @!p0 $0x1BF5;
	p2 =	por !p2, p0  }
0x20: {  	[sflag:s8] =	ssyncset.s32 @!p0 $0xFFFFF086;
	s6 =	sadd.s32 @!p0 s3, s7;
	s7 =	simm.s32 @!p0 $0x108  }
0x21: {  	s3 =	sadd.s32 s3, s9;
	s6 =	sadd.s32 @!p0 $0x88, s6;
	s7 =	simm.s32 @p2 $0x1082  }
0x22: {  	[simem:s7], [sflag:s8] =	dma.local @!p0 [hbm:s6], $0xF7A  }
0x23: {  	s9 =	sor.u32 $0xD0000000, s2;
	s6 =	simm.s32 $0x108;
	_ =	swait.ge @!p0 [sflag:s8], $0x0  }
0x24: {  	s3 =	sadd.s32 $0x88, s3;
	s6 =	simm.s32 @!p1 $0x1082;
	[sflag:s4] =	ssyncset.s32 $0xFFFFF086  }
0x25: {  	[simem:s6], [sflag:s4] =	dma.local [hbm:s3], $0xF7A  }
0x26: {  	[smem:$0x3F8B] =	sst s1;
	(tag) =	ssettag s2;
	_ =	strace s9  }
0x27: {  	s1 =	sld [smem:$0x3F9B]  }
0x28: {  	s2 =	sld [smem:$0x3F9C]  }
0x29: {  	s4 =	sld [smem:$0x3F9E]  }
0x2a: {  	p0 =	seq.s32 s5, $0x0;
	s5 =	sld [smem:$0x3F9F]  }
0x2b: {  	s6 =	sld [smem:$0x3FA0]  }
0x2c: {  	s7 =	sld [smem:$0x3FA1]  }
0x2d: {  	s3 =	simm.s32 $0x108;
	s8 =	sld [smem:$0x3FA2]  }
0x2e: {  	s3 =	simm.s32 @!p0 $0x1082;
	s9 =	sld [smem:$0x3FA3]  }
0x2f: {  	lr =	sadd.s32 s0, s3;
	s0 =	sld [smem:$0x3F9A]  }
0x30: {  	s3 =	sld [smem:$0x3F9D]  }
0x31: {  	[smem:$0x3FA6] =	sst s10  }
0x32: {  	s10 =	sld [smem:$0x3FA4];
	_ =	sdelay $0x3  }
0x33: {  	p0 =	seq.s32 s10, $0x1;
	s10 =	sld [smem:$0x3FA6];
	_ =	sdelay $0x3  }
0x34: {  	[smem:$0x3FA6] =	sst s10  }
0x35: {  	s10 =	sld [smem:$0x3FA5];
	_ =	sdelay $0x3  }
0x36: {  	p1 =	seq.s32 s10, $0x1;
	s10 =	sld [smem:$0x3FA6];
	_ =	sdelay $0x3  }
0x37: {  	[smem:$0x3FA6] =	sst s10  }
0x38: {  	s10 =	sld [smem:$0x3FA7]  }
0x39: {  	_ = 	snop;
	(pc) =	sbr.ind lr, $3  }
0x3a: {  	_ = 	snop  }
0x3b: {  	_ = 	snop  }
0x3c: {  	p2 =	seq.s32 s10, $0x1;
	s10 =	sld [smem:$0x3FA6]  }
0x3d: {  	_ =	shalt  }
0x3e: {  	_ =	shalt  }
0x3f: {  	_ =	shalt  }
0x40: {  	_ =	shalt  }
0x41: {  	_ =	shalt  }
0x42: {  	_ =	shalt  }
0x43: {  	_ =	shalt  }
0x44: {  	_ =	shalt  }
0x45: {  	_ =	shalt  }
0x46: {  	_ =	shalt  }
0x47: {  	_ =	shalt  }
0x48: {  	_ =	shalt  }
0x49: {  	_ =	shalt  }
0x4a: {  	_ =	shalt  }
0x4b: {  	_ =	shalt  }
0x4c: {  	_ =	shalt  }
0x4d: {  	_ =	shalt  }
0x4e: {  	_ =	shalt  }
0x4f: {  	_ =	shalt  }
0x50: {  	_ =	shalt  }
0x51: {  	_ =	shalt  }
0x52: {  	_ =	shalt  }
0x53: {  	_ =	shalt  }
0x54: {  	_ =	shalt  }
0x55: {  	_ =	shalt  }
0x56: {  	_ =	shalt  }
0x57: {  	_ =	shalt  }
0x58: {  	_ =	shalt  }
0x59: {  	_ =	shalt  }
0x5a: {  	_ =	shalt  }
0x5b: {  	_ =	shalt  }
0x5c: {  	_ =	shalt  }
0x5d: {  	_ =	shalt  }
0x5e: {  	_ =	shalt  }
0x5f: {  	_ =	shalt  }
0x60: {  	_ =	shalt  }
0x61: {  	_ =	shalt  }
0x62: {  	_ =	shalt  }
0x63: {  	_ =	shalt  }
0x64: {  	_ =	shalt  }
0x65: {  	_ =	shalt  }
0x66: {  	_ =	shalt  }
0x67: {  	_ =	shalt  }
0x68: {  	_ =	shalt  }
0x69: {  	_ =	shalt  }
0x6a: {  	_ =	shalt  }
0x6b: {  	_ =	shalt  }
0x6c: {  	_ =	shalt  }
0x6d: {  	_ =	shalt  }
0x6e: {  	_ =	shalt  }
0x6f: {  	_ =	shalt  }
0x70: {  	_ =	shalt  }
0x71: {  	_ =	shalt  }
0x72: {  	_ =	shalt  }
0x73: {  	_ =	shalt  }
0x74: {  	_ =	shalt  }
0x75: {  	_ =	shalt  }
0x76: {  	_ =	shalt  }
0x77: {  	_ =	shalt  }
0x78: {  	_ =	shalt  }
0x79: {  	_ =	shalt  }
0x7a: {  	_ =	shalt  }
0x7b: {  	_ =	shalt  }
0x7c: {  	_ =	shalt  }
0x7d: {  	_ =	shalt  }
0x7e: {  	_ =	shalt  }
0x7f: {  	_ =	shalt  }
0x80: {  	_ =	shalt  }
0x81: {  	_ =	shalt  }
0x82: {  	_ =	shalt  }
0x83: {  	_ =	shalt  }
0x84: {  	_ =	shalt  }
0x85: {  	_ =	shalt  }
0x86: {  	_ =	shalt  }
0x87: {  	_ =	shalt  }
.Lfunc_end0:
.L_simem_size_0:
called_computation.7_lowered:
.L_overlay_start_0:
0x88: {  	s2 =	sld [smem:$0x3FD9]  }
0x89: {  	s3 =	sld [smem:$0x3FFE];
	_ =	sdelay $0x1  }
0x8a: {  	s1 =	srdreg.scid  }
0x8b: {  	s0 =	sand.u32 $0x1, s1  }
0x8c: {  	s14 =	sshll.u32 s0, $0xA;
	s2 =	sadd.s32 s3, s2  }
0x8d: {  	s2 =	sadd.s32 s2, s14  }
0x8e: {  	[smem:$0x3FB2] =	sst s2  }
0x8f: {  	_ = 	snop  }
0x90: {  	s2 =	sld [smem:$0x3FD0];
	_ =	sdelay $0x2  }
0x91: {  	s15 =	simm.s32 $0xB;
	s4 =	simm.s32 $0x10  }
0x92: {  	[smem:s4], [sflag:s15] =	dma.local [hbm:s2], $0x1  }
0x93: {  	_ =	swait.eq [sflag:s15], $0x1  }
0x94: {  	[sflag:s15] =	ssyncset.done $0x0  }
0x95: {  	s16 =	sld [smem:$0x10];
	[sflag:s15] =	ssyncadd.s32 $0xFFFFFFFF  }
0x96: {  	s17 =	sld [smem:$0x11];
	(tm) =	ssettm $0x1  }
0x97: {  	s18 =	sld [smem:$0x3FFB];
	_ =	sdelay $0x3  }
0x98: {  	_ =	strace s18  }
0x99: {  	s4 =	sld [smem:$0x3FFC];
	_ =	sdelay $0x3  }
0x9a: {  	_ =	strace s4  }
0x9b: {  	s4 =	sld [smem:$0x3FFD];
	_ =	sdelay $0x3  }
0x9c: {  	_ =	strace s4  }
0x9d: {  	_ =	strace $0x8FFFFFFF  }
0x9e: {  	s19 =	sld [smem:$0x3FDB];
	_ =	sdelay $0x1  }
0x9f: {  	s5 =	simm.s32 $_scs_section_size  }
0xa0: {  	s6 =	simm.s32 $_size__tile_overlayer_lowered;
	s7 =	simm.s32 $_tile_overlayer_lowered  }
0xa1: {  	s22 =	simm.s32 $0x1BFF;
	s21 =	sshll.u32 s7, $0x1;
	s4 =	sadd.s32 s5, s19  }
0xa2: {  	s8 =	simm.s32 $0x0;
	s20 =	sshll.u32 s6, $0x1;
	s6 =	sadd.s32 s21, s4  }
0xa3: {  	[timem:s8], [sflag:s22] =	dma.local [hbm:s6], s20  }
0xa4: {  	_ =	swait.ge [sflag:s22], s20  }
0xa5: {  	s5 =	ssub.s32 $0x0, s20;
	[sflag:s22] =	ssyncset.done $0x0  }
0xa6: {  	[sflag:s22] =	ssyncadd.s32 s5;
	_ =	sdelay $0x1  }
0xa7: {  	s23 =	simm.s32 $0x1B8B  }
0xa8: {  	_ =	swait.ge [sflag:s23], $0x1  }
0xa9: {  	[sflag:s23] =	ssyncset.done $0x0  }
0xaa: {  	s25 =	simm.s32 $0x1B8E;
	s24 =	sld [smem:$0x3FFE];
	[sflag:s23] =	ssyncadd.s32 $0xFFFFFFFF  }
0xab: {  	s26 =	simm.s32 $execute0_lowered;
	[smem:$0x3FD2] =	sst s25  }
0xac: {  	s6 =	sshll.u32 s26, $0x1;
	_ =	strace $0x8000005B;
	[dreg:$0x1] =	wrdreg $0xFFFFFFFF  }
0xad: {  	s28 =	simm.s32 $_size_execute0_lowered;
	s4 =	sadd.s32 s4, s6;
	[dreg:$0x0] =	wrdreg $0x0  }
0xae: {  	s6 =	sshll.u32 s28, $0x1;
	[dreg:$0x2] =	wrdreg s4  }
0xaf: {  	[dreg:$0x3] =	wrdreg s6  }
0xb0: {  	[dreg:$0x4] =	wrdreg $0xC0  }
0xb1: {  	_ =	task [dreg:s8], $0x5FFFF  }
0xb2: {  	[dreg:$0x1] =	wrdreg $0xFFFFFFFF  }
0xb3: {  	[dreg:$0x0] =	wrdreg $0x60  }
0xb4: {  	[dreg:$0x2] =	wrdreg s24  }
0xb5: {  	[dreg:$0x3] =	wrdreg s16  }
0xb6: {  	[dreg:$0x4] =	wrdreg s17  }
0xb7: {  	[dreg:$0x5] =	wrdreg $0x65100  }
0xb8: {  	[dreg:$0x6] =	wrdreg $0x9  }
0xb9: {  	_ =	task.clear_ibuf [dreg:s8], $0x7FFFF;
	_ =	strace $0x9000005B  }
0xba: {  	s29 =	simm.s32 $0x9;
	_ =	strace $0x8000005D  }
0xbb: {  	_ =	swait.ge [sflag:s29], $0x1  }
0xbc: {  	[sflag:s29] =	ssyncadd.s32 $0xFFFFFFFF  }
0xbd: {  	_ =	strace $0x9000005D  }
0xbe: {  	_ =	sfence  }
0xbf: {  	s30 =	sld [smem:$0x0];
	_ =	sdelay $0x2  }
0xc0: {  	s31 =	sshll.u32 s1, $0xD;
	s1 =	sshrl.u32 s1, $0x2  }
0xc1: {  	s3 =	sand.u32 $0x4000, s31;
	s1 =	sadd.s32 s1, s30  }
0xc2: {  	s0 =	sor.u32 s3, s0;
	s1 =	sshll.u32 s1, $0x11  }
0xc3: {  	s0 =	sor.u32 s1, s0  }
0xc4: {  	s0 =	sadd.s32 $0x8F2B, s0  }
0xc5: {  	[sflag:s0] =	ssyncadd.remote.s32 $0x1  }
0xc6: {  	_ =	sfence.sel $0xFFFF  }
0xc7: {  	[dreg:$0x0] =	wrdreg $0xFFFFFFFF;
	(pc) =	sbr.abs _section_cstart, $3  }
0xc8: {  	[dreg:$0x1] =	wrdreg $0xFFFFFFFF  }
0xc9: {  	_ =	task.clear_ibuf [dreg:s8], $0x2FFFF;
	_ =	strace $0x9FFFFFFF  }
0xca: {  	(tm) =	ssettm $0x7FFFFFFF  }
0xcb: {  	_ =	shalt  }
tec
execute0_lowered:
.L_overlay_start_1:
0x0: {  	(tag) =	ssettag $0x1  }
0x1: {  	s1 =	rddreg [dreg:$0x0]  }
0x2: {  	s0 =	rddreg [dreg:$0x1]  }
0x3: {  	s5 =	rddreg [dreg:$0x2]  }
0x4: {  	s2 =	rddreg [dreg:$0x3]  }
0x5: {  	s3 =	simm.s32 $0x0;
	s24 =	srdreg.scid;
	[dreg:$0x5] =	wrdreg s0  }
0x6: {  	s11 =	stileid.u32;
	p0 =	por $0x0, $0x0;
	[smem:$0x7FF] =	sst s3  }
0x7: {  	s8 =	sand.u32 $0x1, s24;
	s4 =	smul.u32 $0x31000, s11;
	s0 =	sadd.s32 $0x7800, s1  }
0x8: {  	s6 =	sadd.s32 $0x5E00, s1;
	s26 =	sshll.u32 s11, $0xA;
	s10 =	sshll.u32 s11, $0x6  }
0x9: {  	s11 =	smul.u32 $0xC40, s11;
	_ =	strace $0x8000005C;
	s9 =	ssub.s32 $0x2, s8  }
0xa: {  	s7 =	sshll.u32 s8, $0x5;
	s14 =	sadd.s32 s26, s2;
	s8 =	sshll.u32 s8, $0xE  }
0xb: {  	s25 =	sshrl.u32 s9, $0x1;
	s4 =	sor.u32 s7, s4;
	s13 =	sshrl.u32 s11, $0x3  }
0xc: {  	s15 =	sadd.s32 $0x188, s11;
	s8 =	sor.u32 s26, s8;
	s18 =	sadd.s32 $0x310, s11  }
0xd: {  	s21 =	sadd.s32 $0x498, s11;
	s24 =	sadd.s32 $0x620, s11;
	s1 =	ssub.s32 s9, s25  }
0xe: {  	s4 =	sshrl.u32 s4, $0x3;
	s16 =	sshll.u32 s15, $0x6;
	s8 =	sshrl.u32 s8, $0x3  }
0xf: {  	s19 =	sshll.u32 s18, $0x6;
	s20 =	sshrl.u32 s15, $0x3;
	s22 =	sshll.u32 s21, $0x6  }
0x10: {  	s12 =	sadd.s32 s0, s4;
	s4 =	sor.u32 $0x1C05, s10;
	s10 =	sadd.s32 s6, s13  }
0x11: {  	s9 =	sor.u32 s7, s16;
	s5 =	sadd.s32 s5, s8;
	s1 =	smax.u32 s1, $0x1  }
0x12: {  	s8 =	sor.u32 s7, s19;
	s31 =	sadd.s32 s6, s20;
	s23 =	sor.u32 s7, s22  }
0x13: {  	s13 =	sshll.u32 s24, $0x6;
	s16 =	sshrl.u32 s21, $0x3;
	[dreg:$0x6] =	wrdreg s12  }
0x14: {  	s19 =	sshrl.u32 s24, $0x3;
	s20 =	sadd.s32 $0x930, s11;
	[dreg:$0x7] =	wrdreg s10  }
0x15: {  	s17 =	sshrl.u32 s9, $0x3;
	s8 =	sshrl.u32 s8, $0x3;
	s9 =	sshrl.u32 s18, $0x3  }
0x16: {  	s15 =	sor.u32 s7, s13;
	s26 =	sadd.s32 s6, s16;
	s24 =	sadd.s32 s6, s19  }
0x17: {  	s13 =	sshll.u32 s20, $0x6;
	s16 =	sadd.s32 $0xAB8, s11;
	s20 =	sshrl.u32 s20, $0x3  }
0x18: {  	s10 =	simm.s32 $0x310;
	p1 =	sne.s32 s1, $0x1;
	s29 =	sadd.s32 s0, s17  }
0x19: {  	s28 =	sadd.s32 s0, s8;
	s8 =	sshrl.u32 s23, $0x3;
	s30 =	sadd.s32 s6, s9  }
0x1a: {  	s17 =	sadd.s32 $0x7A8, s11;
	s19 =	sshll.u32 s16, $0x6;
	s9 =	sshrl.u32 s16, $0x3  }
0x1b: {  	s20 =	sadd.s32 s6, s20;
	s16 =	simm.s32 $0x40;
	s11 =	simm.s32 $0x4  }
0x1c: {  	s25 =	sadd.s32 s0, s8;
	s8 =	sshrl.u32 s15, $0x3;
	s18 =	sshll.u32 s17, $0x6  }
0x1d: {  	s15 =	sor.u32 s7, s13;
	s13 =	sadd.s32 s6, s9;
	s9 =	simm.s32 $0x188  }
0x1e: {  	s22 =	sadd.s32 s0, s8;
	s8 =	sor.u32 s7, s18;
	s18 =	sshrl.u32 s17, $0x3  }
0x1f: {  	s7 =	sor.u32 s7, s19;
	s19 =	simm.s32 $0x1;
	s8 =	sshrl.u32 s8, $0x3  }
.Ltmp0:
0x20: {  	s23 =	sadd.s32 s6, s18;
	s7 =	sshrl.u32 s7, $0x3;
	(pc) =	sbr.rel @!p1 .LBB2_3-.Ltmp0, $4  }
0x21: {  	s6 =	simm.s32 $0x5;
	s18 =	simm.s32 $0x3;
	s21 =	sadd.s32 s0, s8  }
0x22: {  	s8 =	sshrl.u32 s15, $0x3;
	s12 =	sadd.s32 s0, s7;
	s7 =	sshrl.u32 s14, $0x3  }
0x23: {  	s15 =	simm.s32 $0x20;
	s14 =	simm.s32 $0x2;
	s17 =	sadd.s32 s0, s8  }
0x24: {  	s0 =	sadd.s32 $0xFFFFFFFF, s1;
	s8 =	simm.s32 $0x3410;
	s1 =	rddreg [dreg:$0x5]  }
0x25: {  	[spmem:s7], [sflag:s4] =	dma.local [hbm:s1], $0x80  }
0x26: {  	_ =	swait.ge [sflag:s6], $0x80  }
0x27: {  	[sflag:s6] =	ssyncset.done $0x0  }
0x28: {  	[sflag:s6] =	ssyncadd.s32 $0xFFFFFF80  }
0x29: {  	[bflag:$0x0] =	sbarrier.arrive $0xFFFF  }
0x2a: {  	s1 =	rddreg [dreg:$0x6]  }
0x2b: {  	[dreg:$0x8] =	wrdreg s0  }
0x2c: {  	[tilespmem:s10], [sflag:$0x1] =	stream.strided.gather [hbm4b:s1+s15], $0x3100, s16, s15, $0x38;
	[tilespmem:$0x6910] =	vst v63  }
0x2d: {  	s0 =	rddreg [dreg:$0x7]  }
0x2e: {  	[tilespmem:s3], [sflag:$0x3] =	stream.linear.gather [hbm4b:s0+s3], $0x188, $0x38;
	[tilespmem:$0x6910] =	vst v63  }
0x2f: {  	_ = 	snop  }
0x30: {  	[tilespmem:s8], [sflag:$0x2] =	stream.strided.gather [hbm4b:s29+s15], $0x3100, s16, s15, $0x38;
	[tilespmem:$0x6910] =	vst v63  }
0x31: {  	_ = 	snop  }
0x32: {  	[tilespmem:s9], [sflag:$0x4] =	stream.linear.gather [hbm4b:s31+s3], $0x188, $0x38;
	[tilespmem:$0x6910] =	vst v63  }
0x33: {  	_ =	swait.ge [sflag:s19], $0x3100  }
0x34: {  	[sflag:s19] =	ssyncset.done $0x0  }
0x35: {  	[sflag:s19] =	ssyncadd.s32 $0xFFFFCF00  }
0x36: {  	_ =	swait.ge [sflag:s18], $0x188  }
0x37: {  	[sflag:s18] =	ssyncset.done $0x0  }
0x38: {  	[sflag:s18] =	ssyncadd.s32 $0xFFFFFE78  }
0x39: {  	[spmem:s2] =	stream.indirect.scatter.add.f32 [tilespmem:s10], [sflag:$0x5], $0x20, s3, s9, $0xb8;
	[tilespmem:$0x6910] =	vst v63  }
0x3a: {  	_ =	swait.ge [sflag:s6], $0x3100  }
0x3b: {  	[sflag:s6] =	ssyncset.done $0x0  }
0x3c: {  	[sflag:s6] =	ssyncadd.s32 $0xFFFFCF00  }
0x3d: {  	[tilespmem:s10], [sflag:$0x1] =	stream.strided.gather [hbm4b:s28+s15], $0x3100, s16, s15, $0x38;
	[tilespmem:$0x6910] =	vst v63  }
0x3e: {  	_ = 	snop  }
0x3f: {  	[tilespmem:s3], [sflag:$0x3] =	stream.linear.gather [hbm4b:s30+s3], $0x188, $0x38;
	[tilespmem:$0x6910] =	vst v63  }
0x40: {  	_ =	swait.ge [sflag:s14], $0x3100  }
0x41: {  	[sflag:s14] =	ssyncset.done $0x0  }
0x42: {  	[sflag:s14] =	ssyncadd.s32 $0xFFFFCF00  }
0x43: {  	_ =	swait.ge [sflag:s11], $0x188  }
0x44: {  	[sflag:s11] =	ssyncset.done $0x0  }
0x45: {  	[sflag:s11] =	ssyncadd.s32 $0xFFFFFE78  }
0x46: {  	[spmem:s2] =	stream.indirect.scatter.add.f32 [tilespmem:s8], [sflag:$0x5], $0x20, s9, s9, $0xb8;
	[tilespmem:$0x6910] =	vst v63  }
0x47: {  	_ =	swait.ge [sflag:s6], $0x3100  }
0x48: {  	[sflag:s6] =	ssyncset.done $0x0  }
0x49: {  	[sflag:s6] =	ssyncadd.s32 $0xFFFFCF00  }
0x4a: {  	[tilespmem:s8], [sflag:$0x2] =	stream.strided.gather [hbm4b:s25+s15], $0x3100, s16, s15, $0x38;
	[tilespmem:$0x6910] =	vst v63  }
0x4b: {  	_ = 	snop  }
0x4c: {  	[tilespmem:s9], [sflag:$0x4] =	stream.linear.gather [hbm4b:s26+s3], $0x188, $0x38;
	[tilespmem:$0x6910] =	vst v63  }
0x4d: {  	_ =	swait.ge [sflag:s19], $0x3100  }
0x4e: {  	[sflag:s19] =	ssyncset.done $0x0  }
0x4f: {  	[sflag:s19] =	ssyncadd.s32 $0xFFFFCF00  }
0x50: {  	_ =	swait.ge [sflag:s18], $0x188  }
0x51: {  	[sflag:s18] =	ssyncset.done $0x0  }
0x52: {  	[sflag:s18] =	ssyncadd.s32 $0xFFFFFE78  }
0x53: {  	[spmem:s2] =	stream.indirect.scatter.add.f32 [tilespmem:s10], [sflag:$0x5], $0x20, s3, s9, $0xb8;
	[tilespmem:$0x6910] =	vst v63  }
0x54: {  	_ =	swait.ge [sflag:s6], $0x3100  }
0x55: {  	[sflag:s6] =	ssyncset.done $0x0  }
0x56: {  	[sflag:s6] =	ssyncadd.s32 $0xFFFFCF00  }
0x57: {  	[tilespmem:s10], [sflag:$0x1] =	stream.strided.gather [hbm4b:s22+s15], $0x3100, s16, s15, $0x38;
	[tilespmem:$0x6910] =	vst v63  }
0x58: {  	_ = 	snop  }
0x59: {  	[tilespmem:s3], [sflag:$0x3] =	stream.linear.gather [hbm4b:s24+s3], $0x188, $0x38;
	[tilespmem:$0x6910] =	vst v63  }
0x5a: {  	_ =	swait.ge [sflag:s14], $0x3100  }
0x5b: {  	[sflag:s14] =	ssyncset.done $0x0  }
0x5c: {  	[sflag:s14] =	ssyncadd.s32 $0xFFFFCF00  }
0x5d: {  	_ =	swait.ge [sflag:s11], $0x188  }
0x5e: {  	[sflag:s11] =	ssyncset.done $0x0  }
0x5f: {  	[sflag:s11] =	ssyncadd.s32 $0xFFFFFE78  }
0x60: {  	[spmem:s2] =	stream.indirect.scatter.add.f32 [tilespmem:s8], [sflag:$0x5], $0x20, s9, s9, $0xb8;
	[tilespmem:$0x6910] =	vst v63  }
0x61: {  	_ =	swait.ge [sflag:s6], $0x3100  }
0x62: {  	[sflag:s6] =	ssyncset.done $0x0  }
0x63: {  	[sflag:s6] =	ssyncadd.s32 $0xFFFFCF00  }
0x64: {  	[tilespmem:s8], [sflag:$0x2] =	stream.strided.gather [hbm4b:s21+s15], $0x3100, s16, s15, $0x38;
	[tilespmem:$0x6910] =	vst v63  }
0x65: {  	_ = 	snop  }
0x66: {  	[tilespmem:s9], [sflag:$0x4] =	stream.linear.gather [hbm4b:s23+s3], $0x188, $0x38;
	[tilespmem:$0x6910] =	vst v63  }
0x67: {  	_ =	swait.ge [sflag:s19], $0x3100  }
0x68: {  	[sflag:s19] =	ssyncset.done $0x0  }
0x69: {  	[sflag:s19] =	ssyncadd.s32 $0xFFFFCF00  }
0x6a: {  	_ =	swait.ge [sflag:s18], $0x188  }
0x6b: {  	[sflag:s18] =	ssyncset.done $0x0  }
0x6c: {  	[sflag:s18] =	ssyncadd.s32 $0xFFFFFE78  }
0x6d: {  	[spmem:s2] =	stream.indirect.scatter.add.f32 [tilespmem:s10], [sflag:$0x5], $0x20, s3, s9, $0xb8;
	[tilespmem:$0x6910] =	vst v63  }
0x6e: {  	_ =	swait.ge [sflag:s6], $0x3100  }
0x6f: {  	[sflag:s6] =	ssyncset.done $0x0  }
0x70: {  	[sflag:s6] =	ssyncadd.s32 $0xFFFFCF00  }
0x71: {  	[tilespmem:s10], [sflag:$0x1] =	stream.strided.gather [hbm4b:s17+s15], $0x3100, s16, s15, $0x38;
	[tilespmem:$0x6910] =	vst v63  }
0x72: {  	_ = 	snop  }
0x73: {  	[tilespmem:s3], [sflag:$0x3] =	stream.linear.gather [hbm4b:s20+s3], $0x188, $0x38;
	[tilespmem:$0x6910] =	vst v63  }
0x74: {  	_ =	swait.ge [sflag:s14], $0x3100  }
0x75: {  	[sflag:s14] =	ssyncset.done $0x0  }
0x76: {  	[sflag:s14] =	ssyncadd.s32 $0xFFFFCF00  }
0x77: {  	_ =	swait.ge [sflag:s11], $0x188  }
0x78: {  	[sflag:s11] =	ssyncset.done $0x0  }
0x79: {  	[sflag:s11] =	ssyncadd.s32 $0xFFFFFE78  }
0x7a: {  	[spmem:s2] =	stream.indirect.scatter.add.f32 [tilespmem:s8], [sflag:$0x5], $0x20, s9, s9, $0xb8;
	[tilespmem:$0x6910] =	vst v63  }
0x7b: {  	_ =	swait.ge [sflag:s6], $0x3100  }
0x7c: {  	[sflag:s6] =	ssyncset.done $0x0  }
0x7d: {  	[sflag:s6] =	ssyncadd.s32 $0xFFFFCF00  }
0x7e: {  	[tilespmem:s8], [sflag:$0x2] =	stream.strided.gather [hbm4b:s12+s15], $0x3100, s16, s15, $0x38;
	[tilespmem:$0x6910] =	vst v63  }
0x7f: {  	_ = 	snop  }
0x80: {  	[tilespmem:s9], [sflag:$0x4] =	stream.linear.gather [hbm4b:s13+s3], $0x188, $0x38;
	[tilespmem:$0x6910] =	vst v63  }
0x81: {  	_ =	swait.ge [sflag:s19], $0x3100  }
0x82: {  	[sflag:s19] =	ssyncset.done $0x0  }
0x83: {  	[sflag:s19] =	ssyncadd.s32 $0xFFFFCF00  }
0x84: {  	_ =	swait.ge [sflag:s18], $0x188  }
0x85: {  	[sflag:s18] =	ssyncset.done $0x0  }
0x86: {  	[sflag:s18] =	ssyncadd.s32 $0xFFFFFE78  }
0x87: {  	[spmem:s2] =	stream.indirect.scatter.add.f32 [tilespmem:s10], [sflag:$0x5], $0x20, s3, s9, $0xb8;
	[tilespmem:$0x6910] =	vst v63  }
0x88: {  	_ =	swait.ge [sflag:s6], $0x3100  }
0x89: {  	[sflag:s6] =	ssyncset.done $0x0  }
0x8a: {  	[sflag:s6] =	ssyncadd.s32 $0xFFFFCF00  }
0x8b: {  	_ =	swait.ge [sflag:s14], $0x3100  }
0x8c: {  	[sflag:s14] =	ssyncset.done $0x0  }
0x8d: {  	[sflag:s14] =	ssyncadd.s32 $0xFFFFCF00  }
0x8e: {  	_ =	swait.ge [sflag:s11], $0x188  }
0x8f: {  	[sflag:s11] =	ssyncset.done $0x0  }
0x90: {  	[sflag:s11] =	ssyncadd.s32 $0xFFFFFE78  }
0x91: {  	[spmem:s2] =	stream.indirect.scatter.add.f32 [tilespmem:s8], [sflag:$0x5], $0x20, s9, s9, $0xb8;
	[tilespmem:$0x6910] =	vst v63  }
0x92: {  	_ =	swait.ge [sflag:s6], $0x3100  }
0x93: {  	[sflag:s6] =	ssyncset.done $0x0  }
0x94: {  	[sflag:s6] =	ssyncadd.s32 $0xFFFFCF00  }
0x95: {  	[bflag:$0x0] =	sbarrier.arrive $0xFFFF  }
0x96: {  	[hbm:s5], [sflag:s4] =	dma.local [spmem:s7], $0x80  }
0x97: {  	s1 =	rddreg [dreg:$0x8]  }
0x98: {  	p1 =	sne.s32 s1, $0x1  }
.Ltmp1:
0x99: {  	_ = 	snop;
	(pc) =	sbr.rel @!p1 .LBB2_3-.Ltmp1, $3  }
0x9a: {  	_ =	sdelay $0x1  }
0x9b: {  	p0 =	por $0x1, $0x1;
	_ =	swait.ge [sflag:s6], $0x80  }
0x9c: {  	s0 =	sadd.s32 $0xFFFFFFFF, s1;
	s1 =	rddreg [dreg:$0x5];
	[sflag:s6] =	ssyncset.done $0x0  }
.LBB2_2:
0x9d: {  	[sflag:s6] =	ssyncadd.s32 $0xFFFFFF80  }
0x9e: {  	[spmem:s7], [sflag:s4] =	dma.local [hbm:s1], $0x80  }
0x9f: {  	s8 =	smov.u32 s2;
	s2 =	smov.u32 s7;
	s7 =	smov.u32 s4  }
0xa0: {  	s4 =	smov.u32 s31;
	s31 =	smov.u32 s30;
	s30 =	smov.u32 s29  }
0xa1: {  	s29 =	smov.u32 s28;
	s28 =	smov.u32 s26;
	_ =	swait.ge [sflag:s6], $0x80  }
0xa2: {  	s26 =	smov.u32 s25;
	s25 =	smov.u32 s24;
	[sflag:s6] =	ssyncset.done $0x0  }
0xa3: {  	s24 =	smov.u32 s23;
	s23 =	smov.u32 s22;
	[sflag:s6] =	ssyncadd.s32 $0xFFFFFF80  }
0xa4: {  	s22 =	smov.u32 s21;
	s21 =	smov.u32 s20;
	[bflag:$0x0] =	sbarrier.arrive $0xFFFF  }
0xa5: {  	s20 =	smov.u32 s17;
	s17 =	smov.u32 s13;
	s1 =	rddreg [dreg:$0x6]  }
0xa6: {  	[tilespmem:s10], [sflag:$0x1] =	stream.strided.gather [hbm4b:s1+s15], $0x3100, s16, s15, $0x38;
	[tilespmem:$0x6910] =	vst v63  }
0xa7: {  	s13 =	smov.u32 s12;
	s12 =	smov.u32 s5;
	s5 =	rddreg [dreg:$0x7]  }
0xa8: {  	[tilespmem:s3], [sflag:$0x3] =	stream.linear.gather [hbm4b:s5+s3], $0x188, $0x38;
	[tilespmem:$0x6910] =	vst v63  }
0xa9: {  	s5 =	smov.u32 s12  }
0xaa: {  	s12 =	smov.u32 s13;
	s13 =	smov.u32 s17;
	s17 =	smov.u32 s20  }
0xab: {  	s20 =	smov.u32 s21;
	s21 =	smov.u32 s22;
	s22 =	smov.u32 s23  }
0xac: {  	s23 =	smov.u32 s24;
	s24 =	smov.u32 s25;
	s25 =	smov.u32 s26  }
0xad: {  	s26 =	smov.u32 s28;
	s28 =	smov.u32 s29;
	s29 =	smov.u32 s30  }
0xae: {  	s30 =	smov.u32 s31;
	s31 =	smov.u32 s4;
	s4 =	smov.u32 s7  }
0xaf: {  	s7 =	smov.u32 s2;
	s2 =	smov.u32 s8;
	s8 =	simm.s32 $0x3410  }
0xb0: {  	[tilespmem:s8], [sflag:$0x2] =	stream.strided.gather [hbm4b:s29+s15], $0x3100, s16, s15, $0x38;
	[tilespmem:$0x6910] =	vst v63  }
0xb1: {  	_ = 	snop  }
0xb2: {  	[tilespmem:s9], [sflag:$0x4] =	stream.linear.gather [hbm4b:s31+s3], $0x188, $0x38;
	[tilespmem:$0x6910] =	vst v63  }
0xb3: {  	_ =	swait.ge [sflag:s19], $0x3100  }
0xb4: {  	[sflag:s19] =	ssyncset.done $0x0  }
0xb5: {  	[sflag:s19] =	ssyncadd.s32 $0xFFFFCF00  }
0xb6: {  	_ =	swait.ge [sflag:s18], $0x188  }
0xb7: {  	[sflag:s18] =	ssyncset.done $0x0  }
0xb8: {  	[sflag:s18] =	ssyncadd.s32 $0xFFFFFE78  }
0xb9: {  	[spmem:s2] =	stream.indirect.scatter.add.f32 [tilespmem:s10], [sflag:$0x5], $0x20, s3, s9, $0xb8;
	[tilespmem:$0x6910] =	vst v63  }
0xba: {  	_ =	swait.ge [sflag:s6], $0x3100  }
0xbb: {  	[sflag:s6] =	ssyncset.done $0x0  }
0xbc: {  	[sflag:s6] =	ssyncadd.s32 $0xFFFFCF00  }
0xbd: {  	[tilespmem:s10], [sflag:$0x1] =	stream.strided.gather [hbm4b:s28+s15], $0x3100, s16, s15, $0x38;
	[tilespmem:$0x6910] =	vst v63  }
0xbe: {  	_ = 	snop  }
0xbf: {  	[tilespmem:s3], [sflag:$0x3] =	stream.linear.gather [hbm4b:s30+s3], $0x188, $0x38;
	[tilespmem:$0x6910] =	vst v63  }
0xc0: {  	_ =	swait.ge [sflag:s14], $0x3100  }
0xc1: {  	[sflag:s14] =	ssyncset.done $0x0  }
0xc2: {  	[sflag:s14] =	ssyncadd.s32 $0xFFFFCF00  }
0xc3: {  	_ =	swait.ge [sflag:s11], $0x188  }
0xc4: {  	[sflag:s11] =	ssyncset.done $0x0  }
0xc5: {  	[sflag:s11] =	ssyncadd.s32 $0xFFFFFE78  }
0xc6: {  	[spmem:s2] =	stream.indirect.scatter.add.f32 [tilespmem:s8], [sflag:$0x5], $0x20, s9, s9, $0xb8;
	[tilespmem:$0x6910] =	vst v63  }
0xc7: {  	_ =	swait.ge [sflag:s6], $0x3100  }
0xc8: {  	[sflag:s6] =	ssyncset.done $0x0  }
0xc9: {  	[sflag:s6] =	ssyncadd.s32 $0xFFFFCF00  }
0xca: {  	[tilespmem:s8], [sflag:$0x2] =	stream.strided.gather [hbm4b:s25+s15], $0x3100, s16, s15, $0x38;
	[tilespmem:$0x6910] =	vst v63  }
0xcb: {  	_ = 	snop  }
0xcc: {  	[tilespmem:s9], [sflag:$0x4] =	stream.linear.gather [hbm4b:s26+s3], $0x188, $0x38;
	[tilespmem:$0x6910] =	vst v63  }
0xcd: {  	_ =	swait.ge [sflag:s19], $0x3100  }
0xce: {  	[sflag:s19] =	ssyncset.done $0x0  }
0xcf: {  	[sflag:s19] =	ssyncadd.s32 $0xFFFFCF00  }
0xd0: {  	_ =	swait.ge [sflag:s18], $0x188  }
0xd1: {  	[sflag:s18] =	ssyncset.done $0x0  }
0xd2: {  	[sflag:s18] =	ssyncadd.s32 $0xFFFFFE78  }
0xd3: {  	[spmem:s2] =	stream.indirect.scatter.add.f32 [tilespmem:s10], [sflag:$0x5], $0x20, s3, s9, $0xb8;
	[tilespmem:$0x6910] =	vst v63  }
0xd4: {  	_ =	swait.ge [sflag:s6], $0x3100  }
0xd5: {  	[sflag:s6] =	ssyncset.done $0x0  }
0xd6: {  	[sflag:s6] =	ssyncadd.s32 $0xFFFFCF00  }
0xd7: {  	[tilespmem:s10], [sflag:$0x1] =	stream.strided.gather [hbm4b:s22+s15], $0x3100, s16, s15, $0x38;
	[tilespmem:$0x6910] =	vst v63  }
0xd8: {  	_ = 	snop  }
0xd9: {  	[tilespmem:s3], [sflag:$0x3] =	stream.linear.gather [hbm4b:s24+s3], $0x188, $0x38;
	[tilespmem:$0x6910] =	vst v63  }
0xda: {  	_ =	swait.ge [sflag:s14], $0x3100  }
0xdb: {  	[sflag:s14] =	ssyncset.done $0x0  }
0xdc: {  	[sflag:s14] =	ssyncadd.s32 $0xFFFFCF00  }
0xdd: {  	_ =	swait.ge [sflag:s11], $0x188  }
0xde: {  	[sflag:s11] =	ssyncset.done $0x0  }
0xdf: {  	[sflag:s11] =	ssyncadd.s32 $0xFFFFFE78  }
0xe0: {  	[spmem:s2] =	stream.indirect.scatter.add.f32 [tilespmem:s8], [sflag:$0x5], $0x20, s9, s9, $0xb8;
	[tilespmem:$0x6910] =	vst v63  }
0xe1: {  	_ =	swait.ge [sflag:s6], $0x3100  }
0xe2: {  	[sflag:s6] =	ssyncset.done $0x0  }
0xe3: {  	[sflag:s6] =	ssyncadd.s32 $0xFFFFCF00  }
0xe4: {  	[tilespmem:s8], [sflag:$0x2] =	stream.strided.gather [hbm4b:s21+s15], $0x3100, s16, s15, $0x38;
	[tilespmem:$0x6910] =	vst v63  }
0xe5: {  	_ = 	snop  }
0xe6: {  	[tilespmem:s9], [sflag:$0x4] =	stream.linear.gather [hbm4b:s23+s3], $0x188, $0x38;
	[tilespmem:$0x6910] =	vst v63  }
0xe7: {  	_ =	swait.ge [sflag:s19], $0x3100  }
0xe8: {  	[sflag:s19] =	ssyncset.done $0x0  }
0xe9: {  	[sflag:s19] =	ssyncadd.s32 $0xFFFFCF00  }
0xea: {  	_ =	swait.ge [sflag:s18], $0x188  }
0xeb: {  	[sflag:s18] =	ssyncset.done $0x0  }
0xec: {  	[sflag:s18] =	ssyncadd.s32 $0xFFFFFE78  }
0xed: {  	[spmem:s2] =	stream.indirect.scatter.add.f32 [tilespmem:s10], [sflag:$0x5], $0x20, s3, s9, $0xb8;
	[tilespmem:$0x6910] =	vst v63  }
0xee: {  	_ =	swait.ge [sflag:s6], $0x3100  }
0xef: {  	[sflag:s6] =	ssyncset.done $0x0  }
0xf0: {  	[sflag:s6] =	ssyncadd.s32 $0xFFFFCF00  }
0xf1: {  	[tilespmem:s10], [sflag:$0x1] =	stream.strided.gather [hbm4b:s17+s15], $0x3100, s16, s15, $0x38;
	[tilespmem:$0x6910] =	vst v63  }
0xf2: {  	_ = 	snop  }
0xf3: {  	[tilespmem:s3], [sflag:$0x3] =	stream.linear.gather [hbm4b:s20+s3], $0x188, $0x38;
	[tilespmem:$0x6910] =	vst v63  }
0xf4: {  	_ =	swait.ge [sflag:s14], $0x3100  }
0xf5: {  	[sflag:s14] =	ssyncset.done $0x0  }
0xf6: {  	[sflag:s14] =	ssyncadd.s32 $0xFFFFCF00  }
0xf7: {  	_ =	swait.ge [sflag:s11], $0x188  }
0xf8: {  	[sflag:s11] =	ssyncset.done $0x0  }
0xf9: {  	[sflag:s11] =	ssyncadd.s32 $0xFFFFFE78  }
0xfa: {  	[spmem:s2] =	stream.indirect.scatter.add.f32 [tilespmem:s8], [sflag:$0x5], $0x20, s9, s9, $0xb8;
	[tilespmem:$0x6910] =	vst v63  }
0xfb: {  	_ =	swait.ge [sflag:s6], $0x3100  }
0xfc: {  	[sflag:s6] =	ssyncset.done $0x0  }
0xfd: {  	[sflag:s6] =	ssyncadd.s32 $0xFFFFCF00  }
0xfe: {  	[tilespmem:s8], [sflag:$0x2] =	stream.strided.gather [hbm4b:s12+s15], $0x3100, s16, s15, $0x38;
	[tilespmem:$0x6910] =	vst v63  }
0xff: {  	_ = 	snop  }
0x100: {  	[tilespmem:s9], [sflag:$0x4] =	stream.linear.gather [hbm4b:s13+s3], $0x188, $0x38;
	[tilespmem:$0x6910] =	vst v63  }
0x101: {  	_ =	swait.ge [sflag:s19], $0x3100  }
0x102: {  	[sflag:s19] =	ssyncset.done $0x0  }
0x103: {  	[sflag:s19] =	ssyncadd.s32 $0xFFFFCF00  }
0x104: {  	_ =	swait.ge [sflag:s18], $0x188  }
0x105: {  	[sflag:s18] =	ssyncset.done $0x0  }
0x106: {  	[sflag:s18] =	ssyncadd.s32 $0xFFFFFE78  }
0x107: {  	[spmem:s2] =	stream.indirect.scatter.add.f32 [tilespmem:s10], [sflag:$0x5], $0x20, s3, s9, $0xb8;
	[tilespmem:$0x6910] =	vst v63  }
0x108: {  	_ =	swait.ge [sflag:s6], $0x3100  }
0x109: {  	[sflag:s6] =	ssyncset.done $0x0  }
0x10a: {  	[sflag:s6] =	ssyncadd.s32 $0xFFFFCF00  }
0x10b: {  	_ =	swait.ge [sflag:s14], $0x3100  }
0x10c: {  	[sflag:s14] =	ssyncset.done $0x0  }
0x10d: {  	[sflag:s14] =	ssyncadd.s32 $0xFFFFCF00  }
0x10e: {  	_ =	swait.ge [sflag:s11], $0x188  }
0x10f: {  	[sflag:s11] =	ssyncset.done $0x0  }
0x110: {  	[sflag:s11] =	ssyncadd.s32 $0xFFFFFE78  }
0x111: {  	[spmem:s2] =	stream.indirect.scatter.add.f32 [tilespmem:s8], [sflag:$0x5], $0x20, s9, s9, $0xb8;
	[tilespmem:$0x6910] =	vst v63  }
0x112: {  	_ =	swait.ge [sflag:s6], $0x3100  }
0x113: {  	p1 =	sne.s32 s0, $0x1;
	[sflag:s6] =	ssyncset.done $0x0  }
.Ltmp2:
0x114: {  	[sflag:s6] =	ssyncadd.s32 $0xFFFFCF00;
	(pc) =	sbr.rel @p1 .LBB2_2-.Ltmp2, $4  }
0x115: {  	[bflag:$0x0] =	sbarrier.arrive $0xFFFF  }
0x116: {  	[hbm:s5], [sflag:s4] =	dma.local [spmem:s7], $0x80  }
0x117: {  	_ =	swait.ge [sflag:s6], $0x80  }
0x118: {  	s0 =	sadd.s32 $0xFFFFFFFF, s0;
	s1 =	rddreg [dreg:$0x5];
	[sflag:s6] =	ssyncset.done $0x0  }
.LBB2_3:
0x119: {  	[sflag:s6] =	ssyncadd.s32 @p0 $0xFFFFFF80  }
0x11a: {  	[spmem:s7], [sflag:s4] =	dma.local [hbm:s1], $0x80  }
0x11b: {  	_ =	swait.ge [sflag:s6], $0x80  }
0x11c: {  	[sflag:s6] =	ssyncset.done $0x0  }
0x11d: {  	[sflag:s6] =	ssyncadd.s32 $0xFFFFFF80  }
0x11e: {  	[bflag:$0x0] =	sbarrier.arrive $0xFFFF  }
0x11f: {  	s0 =	rddreg [dreg:$0x6]  }
0x120: {  	[tilespmem:s10], [sflag:$0x1] =	stream.strided.gather [hbm4b:s0+s15], $0x3100, s16, s15, $0x38;
	[tilespmem:$0x6910] =	vst v63  }
0x121: {  	s1 =	rddreg [dreg:$0x7]  }
0x122: {  	[tilespmem:s3], [sflag:$0x3] =	stream.linear.gather [hbm4b:s1+s3], $0x188, $0x38;
	[tilespmem:$0x6910] =	vst v63  }
0x123: {  	_ = 	snop  }
0x124: {  	[tilespmem:s8], [sflag:$0x2] =	stream.strided.gather [hbm4b:s29+s15], $0x3100, s16, s15, $0x38;
	[tilespmem:$0x6910] =	vst v63  }
0x125: {  	_ = 	snop  }
0x126: {  	[tilespmem:s9], [sflag:$0x4] =	stream.linear.gather [hbm4b:s31+s3], $0x188, $0x38;
	[tilespmem:$0x6910] =	vst v63  }
0x127: {  	_ =	swait.ge [sflag:s19], $0x3100  }
0x128: {  	[sflag:s19] =	ssyncset.done $0x0  }
0x129: {  	[sflag:s19] =	ssyncadd.s32 $0xFFFFCF00  }
0x12a: {  	_ =	swait.ge [sflag:s18], $0x188  }
0x12b: {  	[sflag:s18] =	ssyncset.done $0x0  }
0x12c: {  	[sflag:s18] =	ssyncadd.s32 $0xFFFFFE78  }
0x12d: {  	[spmem:s2] =	stream.indirect.scatter.add.f32 [tilespmem:s10], [sflag:$0x5], $0x20, s3, s9, $0xb8;
	[tilespmem:$0x6910] =	vst v63  }
0x12e: {  	_ =	swait.ge [sflag:s6], $0x3100  }
0x12f: {  	[sflag:s6] =	ssyncset.done $0x0  }
0x130: {  	[sflag:s6] =	ssyncadd.s32 $0xFFFFCF00  }
0x131: {  	[tilespmem:s10], [sflag:$0x1] =	stream.strided.gather [hbm4b:s28+s15], $0x3100, s16, s15, $0x38;
	[tilespmem:$0x6910] =	vst v63  }
0x132: {  	_ = 	snop  }
0x133: {  	[tilespmem:s3], [sflag:$0x3] =	stream.linear.gather [hbm4b:s30+s3], $0x188, $0x38;
	[tilespmem:$0x6910] =	vst v63  }
0x134: {  	_ =	swait.ge [sflag:s14], $0x3100  }
0x135: {  	[sflag:s14] =	ssyncset.done $0x0  }
0x136: {  	[sflag:s14] =	ssyncadd.s32 $0xFFFFCF00  }
0x137: {  	_ =	swait.ge [sflag:s11], $0x188  }
0x138: {  	[sflag:s11] =	ssyncset.done $0x0  }
0x139: {  	[sflag:s11] =	ssyncadd.s32 $0xFFFFFE78  }
0x13a: {  	[spmem:s2] =	stream.indirect.scatter.add.f32 [tilespmem:s8], [sflag:$0x5], $0x20, s9, s9, $0xb8;
	[tilespmem:$0x6910] =	vst v63  }
0x13b: {  	_ =	swait.ge [sflag:s6], $0x3100  }
0x13c: {  	[sflag:s6] =	ssyncset.done $0x0  }
0x13d: {  	[sflag:s6] =	ssyncadd.s32 $0xFFFFCF00  }
0x13e: {  	[tilespmem:s8], [sflag:$0x2] =	stream.strided.gather [hbm4b:s25+s15], $0x3100, s16, s15, $0x38;
	[tilespmem:$0x6910] =	vst v63  }
0x13f: {  	_ = 	snop  }
0x140: {  	[tilespmem:s9], [sflag:$0x4] =	stream.linear.gather [hbm4b:s26+s3], $0x188, $0x38;
	[tilespmem:$0x6910] =	vst v63  }
0x141: {  	_ =	swait.ge [sflag:s19], $0x3100  }
0x142: {  	[sflag:s19] =	ssyncset.done $0x0  }
0x143: {  	[sflag:s19] =	ssyncadd.s32 $0xFFFFCF00  }
0x144: {  	_ =	swait.ge [sflag:s18], $0x188  }
0x145: {  	[sflag:s18] =	ssyncset.done $0x0  }
0x146: {  	[sflag:s18] =	ssyncadd.s32 $0xFFFFFE78  }
0x147: {  	[spmem:s2] =	stream.indirect.scatter.add.f32 [tilespmem:s10], [sflag:$0x5], $0x20, s3, s9, $0xb8;
	[tilespmem:$0x6910] =	vst v63  }
0x148: {  	_ =	swait.ge [sflag:s6], $0x3100  }
0x149: {  	[sflag:s6] =	ssyncset.done $0x0  }
0x14a: {  	[sflag:s6] =	ssyncadd.s32 $0xFFFFCF00  }
0x14b: {  	[tilespmem:s10], [sflag:$0x1] =	stream.strided.gather [hbm4b:s22+s15], $0x3100, s16, s15, $0x38;
	[tilespmem:$0x6910] =	vst v63  }
0x14c: {  	_ = 	snop  }
0x14d: {  	[tilespmem:s3], [sflag:$0x3] =	stream.linear.gather [hbm4b:s24+s3], $0x188, $0x38;
	[tilespmem:$0x6910] =	vst v63  }
0x14e: {  	_ =	swait.ge [sflag:s14], $0x3100  }
0x14f: {  	[sflag:s14] =	ssyncset.done $0x0  }
0x150: {  	[sflag:s14] =	ssyncadd.s32 $0xFFFFCF00  }
0x151: {  	_ =	swait.ge [sflag:s11], $0x188  }
0x152: {  	[sflag:s11] =	ssyncset.done $0x0  }
0x153: {  	[sflag:s11] =	ssyncadd.s32 $0xFFFFFE78  }
0x154: {  	[spmem:s2] =	stream.indirect.scatter.add.f32 [tilespmem:s8], [sflag:$0x5], $0x20, s9, s9, $0xb8;
	[tilespmem:$0x6910] =	vst v63  }
0x155: {  	_ =	swait.ge [sflag:s6], $0x3100  }
0x156: {  	[sflag:s6] =	ssyncset.done $0x0  }
0x157: {  	[sflag:s6] =	ssyncadd.s32 $0xFFFFCF00  }
0x158: {  	[tilespmem:s8], [sflag:$0x2] =	stream.strided.gather [hbm4b:s21+s15], $0x3100, s16, s15, $0x38;
	[tilespmem:$0x6910] =	vst v63  }
0x159: {  	_ = 	snop  }
0x15a: {  	[tilespmem:s9], [sflag:$0x4] =	stream.linear.gather [hbm4b:s23+s3], $0x188, $0x38;
	[tilespmem:$0x6910] =	vst v63  }
0x15b: {  	_ =	swait.ge [sflag:s19], $0x3100  }
0x15c: {  	[sflag:s19] =	ssyncset.done $0x0  }
0x15d: {  	[sflag:s19] =	ssyncadd.s32 $0xFFFFCF00  }
0x15e: {  	_ =	swait.ge [sflag:s18], $0x188  }
0x15f: {  	[sflag:s18] =	ssyncset.done $0x0  }
0x160: {  	[sflag:s18] =	ssyncadd.s32 $0xFFFFFE78  }
0x161: {  	[spmem:s2] =	stream.indirect.scatter.add.f32 [tilespmem:s10], [sflag:$0x5], $0x20, s3, s9, $0xb8;
	[tilespmem:$0x6910] =	vst v63  }
0x162: {  	_ =	swait.ge [sflag:s6], $0x3100  }
0x163: {  	[sflag:s6] =	ssyncset.done $0x0  }
0x164: {  	[sflag:s6] =	ssyncadd.s32 $0xFFFFCF00  }
0x165: {  	[tilespmem:s10], [sflag:$0x1] =	stream.strided.gather [hbm4b:s17+s15], $0x3100, s16, s15, $0x38;
	[tilespmem:$0x6910] =	vst v63  }
0x166: {  	_ = 	snop  }
0x167: {  	[tilespmem:s3], [sflag:$0x3] =	stream.linear.gather [hbm4b:s20+s3], $0x188, $0x38;
	[tilespmem:$0x6910] =	vst v63  }
0x168: {  	_ =	swait.ge [sflag:s14], $0x3100  }
0x169: {  	[sflag:s14] =	ssyncset.done $0x0  }
0x16a: {  	[sflag:s14] =	ssyncadd.s32 $0xFFFFCF00  }
0x16b: {  	_ =	swait.ge [sflag:s11], $0x188  }
0x16c: {  	[sflag:s11] =	ssyncset.done $0x0  }
0x16d: {  	[sflag:s11] =	ssyncadd.s32 $0xFFFFFE78  }
0x16e: {  	[spmem:s2] =	stream.indirect.scatter.add.f32 [tilespmem:s8], [sflag:$0x5], $0x20, s9, s9, $0xb8;
	[tilespmem:$0x6910] =	vst v63  }
0x16f: {  	_ =	swait.ge [sflag:s6], $0x3100  }
0x170: {  	[sflag:s6] =	ssyncset.done $0x0  }
0x171: {  	[sflag:s6] =	ssyncadd.s32 $0xFFFFCF00  }
0x172: {  	[tilespmem:s8], [sflag:$0x2] =	stream.strided.gather [hbm4b:s12+s15], $0x3100, s16, s15, $0x38;
	[tilespmem:$0x6910] =	vst v63  }
0x173: {  	_ = 	snop  }
0x174: {  	[tilespmem:s9], [sflag:$0x4] =	stream.linear.gather [hbm4b:s13+s3], $0x188, $0x38;
	[tilespmem:$0x6910] =	vst v63  }
0x175: {  	_ =	swait.ge [sflag:s19], $0x3100  }
0x176: {  	[sflag:s19] =	ssyncset.done $0x0  }
0x177: {  	[sflag:s19] =	ssyncadd.s32 $0xFFFFCF00  }
0x178: {  	_ =	swait.ge [sflag:s18], $0x188  }
0x179: {  	[sflag:s18] =	ssyncset.done $0x0  }
0x17a: {  	[sflag:s18] =	ssyncadd.s32 $0xFFFFFE78  }
0x17b: {  	[spmem:s2] =	stream.indirect.scatter.add.f32 [tilespmem:s10], [sflag:$0x5], $0x20, s3, s9, $0xb8;
	[tilespmem:$0x6910] =	vst v63  }
0x17c: {  	_ =	swait.ge [sflag:s6], $0x3100  }
0x17d: {  	[sflag:s6] =	ssyncset.done $0x0  }
0x17e: {  	[sflag:s6] =	ssyncadd.s32 $0xFFFFCF00  }
0x17f: {  	_ =	swait.ge [sflag:s14], $0x3100  }
0x180: {  	[sflag:s14] =	ssyncset.done $0x0  }
0x181: {  	[sflag:s14] =	ssyncadd.s32 $0xFFFFCF00  }
0x182: {  	_ =	swait.ge [sflag:s11], $0x188  }
0x183: {  	[sflag:s11] =	ssyncset.done $0x0  }
0x184: {  	[sflag:s11] =	ssyncadd.s32 $0xFFFFFE78  }
0x185: {  	[spmem:s2] =	stream.indirect.scatter.add.f32 [tilespmem:s8], [sflag:$0x5], $0x20, s9, s9, $0xb8;
	[tilespmem:$0x6910] =	vst v63  }
0x186: {  	_ =	swait.ge [sflag:s6], $0x3100  }
0x187: {  	[sflag:s6] =	ssyncset.done $0x0  }
0x188: {  	[sflag:s6] =	ssyncadd.s32 $0xFFFFCF00  }
0x189: {  	[bflag:$0x0] =	sbarrier.arrive $0xFFFF  }
0x18a: {  	[hbm:s5], [sflag:s4] =	dma.local [spmem:s7], $0x80  }
0x18b: {  	_ =	swait.ge [sflag:s6], $0x80  }
0x18c: {  	[sflag:s6] =	ssyncset.done $0x0  }
0x18d: {  	[sflag:s6] =	ssyncadd.s32 $0xFFFFFF80  }
0x18e: {  	_ =	sfence.sel $0x180000  }
0x18f: {  	[bflag:$0x0] =	sbarrier.arrive $0xFFFF  }
0x190: {  	_ =	strace $0x9000005C  }
0x191: {  	s31 =	stileid.u32;
	[bflag:$0x2] =	sbarrier.arrive $0xFFFF  }
0x192: {  	p0 =	sne.s32 s31, $0x0;
	s0 =	rddreg [dreg:$0x4]  }
0x193: {  	s0 =	sadd.s32 @!p0 $0x100000, s0  }
0x194: {  	[sflag:s0] =	ssyncadd.tile.s32 @!p0 $0x1;
	_ =	shalt  }
.Lfunc_end2:
_tile_overlayer_lowered:
.L_overlay_start_2:
0x195: {  	(tag) =	ssettag $0x2  }
0x196: {  	s0 =	rddreg [dreg:$0x0];
	s2 =	stileid.u32  }
0x197: {  	s1 =	rddreg [dreg:$0x1];
	p0 =	sne.s32 s2, $0x0  }
0x198: {  	s3 =	rddreg [dreg:$0x2];
	[bflag:$0x3] =	sbarrier.arrive $0xFFFF;
	s2 =	simm.s32 @!p0 $0x1C05  }
0x199: {  	[timem:s3], [sflag:s2] =	dma.local @!p0 [hbm:s0], s1  }
0x19a: {  	s0 =	simm.s32 @!p0 $0x5  }
0x19b: {  	_ =	swait.ge @!p0 [sflag:s0], s1  }
0x19c: {  	s1 =	ssub.s32 @!p0 $0x0, s1;
	[sflag:s0] =	ssyncset.done @!p0 $0x0  }
0x19d: {  	[sflag:s0] =	ssyncadd.s32 @!p0 s1  }
0x19e: {  	[bflag:$0x3] =	sbarrier.arrive $0xFFFF  }
0x19f: {  	_ =	shalt  }

</sc_bundles>
